<compile_context>
chip_gen: v7x
topology: tpu7x:2x2x1
jax: 0.10.2.dev20260603
libtpu: 0.0.44.dev20260713+nightly
codegen_flags: <defaults>
</compile_context>

<pallas_src>
import functools

import jax
import jax.numpy as jnp
from jax import lax
from jax.experimental import pallas as pl
from jax.experimental.pallas import tpu as pltpu
from jax.experimental.pallas import tpu_sc as plsc

_B = 16384
_DIM = 128
_N = _B - 1
_SO = 4096
_NC = 2
_NS = 16
_NW = _NC * _NS
_RPW = _SO // _NW
_L = 16
_G = _DIM // _L
_SCH = _RPW
_SCR = _SCH + 8

_TCH = 1024
_NCH = (_B - _SO) // _TCH

_MESH = plsc.VectorSubcoreMesh(
    core_axis_name="c", subcore_axis_name="s", num_cores=_NC, num_subcores=_NS
)


@functools.partial(
    pl.kernel,
    out_type=[jax.ShapeDtypeStruct((_SO,), jnp.float32)] * 2,
    mesh=_MESH,
    compiler_params=pltpu.CompilerParams(needs_layout_passes=False),
    scratch_types=[
        pltpu.VMEM((_SCR, _DIM), jnp.int32),
        pltpu.VMEM((_SCR, _DIM), jnp.int32),
        pltpu.VMEM((8, _DIM), jnp.float32),
        pltpu.VMEM((_RPW,), jnp.float32),
        pltpu.VMEM((_RPW,), jnp.float32),
        pltpu.SemaphoreType.DMA,
        pltpu.SemaphoreType.DMA,
    ],
)
def _transe_sc(pos_hbm, neg_hbm, rel_hbm, pos_o, neg_o,
               buf_a, buf_b, r0_v, pos_v, neg_v, sem_a, sem_b):
    wid = lax.axis_index("c") * _NS + lax.axis_index("s")
    base = wid * _RPW

    pltpu.sync_copy(rel_hbm.at[pl.ds(0, 8)], r0_v)
    r0 = [r0_v[0, pl.ds(g * _L, _L)] for g in range(_G)]

    lanes = lax.iota(jnp.int32, _L)
    masks = [lanes == r for r in range(_L)]

    bufs = (buf_a, buf_b)
    sems = (sem_a, sem_b)
    descs = ((pos_hbm, 0, False), (neg_hbm, 0, True))

    def issue(idx):
        src, c, _ = descs[idx]
        return pltpu.async_copy(
            src.at[pl.ds(base + c * _SCH, _SCR)], bufs[idx % 2],
            sems[idx % 2])

    def compute(idx):
        buf = bufs[idx % 2]
        _, c, swap = descs[idx]
        out_v = neg_v if swap else pos_v

        def load_row(k):
            return [buf[k, pl.ds(g * _L, _L)] for g in range(_G)]

        def grp(gi, prev):
            rb = gi * _L
            s_vec = jnp.zeros((_L,), jnp.float32)
            for r in range(_L):
                new = load_row(rb + r + 1)
                acc = None
                for g in range(_G):
                    dint = new[g] - prev[g] if swap else prev[g] - new[g]
                    d = dint.astype(jnp.float32) + r0[g]
                    acc = jnp.abs(d) if acc is None else acc + jnp.abs(d)
                s_vec = jnp.where(masks[r], jnp.sum(acc), s_vec)
                prev = new
            out_v[pl.ds(c * _SCH + rb, _L)] = s_vec
            return tuple(prev)

        lax.fori_loop(0, _SCH // _L, grp, tuple(load_row(0)))

    cps = [issue(0), issue(1)]
    for idx in range(2):
        cps[idx].wait()
        compute(idx)

    pltpu.sync_copy(pos_v, pos_o.at[pl.ds(base, _RPW)])
    pltpu.sync_copy(neg_v, neg_o.at[pl.ds(base, _RPW)])


_NBUF = 10


def _transe_tc_body(pos_hbm, neg_hbm, rel_hbm, pos_o, neg_o, *rest):
    bufs = rest[:_NBUF]
    r0_v, rs_a, rs_b = rest[_NBUF:_NBUF + 3]
    sems = rest[_NBUF + 3:2 * _NBUF + 3]
    sem_o = rest[2 * _NBUF + 3]
    cp_r = pltpu.make_async_copy(rel_hbm.at[pl.ds(0, 8)], r0_v, sem_o)
    cp_r.start()
    cp_r.wait()
    r0row = r0_v[0:1, :]

    ones_row = jnp.ones((1, _DIM), jnp.float32)

    def issue(idx):
        c = idx % _NCH
        start = _SO + c * _TCH
        rows = _TCH + 8 if c < _NCH - 1 else _TCH
        return pltpu.make_async_copy(
            (pos_hbm if idx < _NCH else neg_hbm).at[pl.ds(start, rows)],
            bufs[idx % _NBUF].at[pl.ds(0, rows)], sems[idx % _NBUF])

    rss = (rs_a, rs_b)

    def compute(idx):
        c = idx % _NCH
        buf = bufs[idx % _NBUF]
        swap = idx >= _NCH
        cur = buf[pl.ds(0, _TCH), :]
        nxt = buf[pl.ds(1, _TCH), :]
        dint = nxt - cur if swap else cur - nxt
        a = jnp.abs(dint.astype(jnp.float32) + r0row)
        rs = lax.dot_general(ones_row, a, (((1,), (1,)), ((), ())),
                             preferred_element_type=jnp.float32)
        rss[idx % 2][...] = rs
        cp = pltpu.make_async_copy(
            rss[idx % 2].at[0],
            (pos_o if idx < _NCH else neg_o).at[pl.ds(c * _TCH, _TCH)], sem_o)
        cp.start()
        return cp

    n_total = 2 * _NCH
    cps = [issue(i) for i in range(_NBUF)]
    for cp in cps:
        cp.start()
    cps_out = []
    for idx in range(n_total):
        cps[idx].wait()
        if idx >= 2:
            cps_out[idx - 2].wait()
        cps_out.append(compute(idx))
        if idx + _NBUF < n_total:
            cp = issue(idx + _NBUF)
            cp.start()
            cps.append(cp)
    cps_out[-2].wait()
    cps_out[-1].wait()


_transe_tc = pl.pallas_call(
    _transe_tc_body,
    out_shape=[jax.ShapeDtypeStruct((_B - _SO,), jnp.float32)] * 2,
    in_specs=[pl.BlockSpec(memory_space=pltpu.MemorySpace.HBM)] * 3,
    out_specs=[pl.BlockSpec(memory_space=pltpu.MemorySpace.HBM)] * 2,
    scratch_shapes=(
        [pltpu.VMEM((_TCH + 8, _DIM), jnp.int32)] * _NBUF
        + [pltpu.VMEM((8, _DIM), jnp.float32),
           pltpu.VMEM((1, _TCH), jnp.float32),
           pltpu.VMEM((1, _TCH), jnp.float32)]
        + [pltpu.SemaphoreType.DMA] * (_NBUF + 1)
    ),
)


def _assemble_body(pos_sc, neg_sc, pos_tc, neg_tc, loss_o, pos_o, neg_o,
                   pv4, nv4, ps, ns, ls, sem):
    cps = []
    for src, dst, off, ln in (
        (pos_sc, pv4, 0, _SO), (neg_sc, nv4, 0, _SO),
        (pos_tc, pv4, _SO, _B - _SO), (neg_tc, nv4, _SO, _B - _SO),
    ):
        cp = pltpu.make_async_copy(src, dst.at[pl.ds(off, ln)], sem)
        cp.start()
        cps.append(cp)
    for cp in cps:
        cp.wait()
    p = lax.slice(pv4[...], (0,), (_N,))
    n = lax.slice(nv4[...], (0,), (_N,))
    ps[...] = p
    ns[...] = n
    ls[...] = jnp.maximum(p - n + 1.0, 0.0)
    cps = []
    for src, dst in ((ls, loss_o), (ps, pos_o), (ns, neg_o)):
        cp = pltpu.make_async_copy(src, dst, sem)
        cp.start()
        cps.append(cp)
    for cp in cps:
        cp.wait()


_assemble = pl.pallas_call(
    _assemble_body,
    out_shape=[jax.ShapeDtypeStruct((_N,), jnp.float32)] * 3,
    in_specs=[pl.BlockSpec(memory_space=pltpu.MemorySpace.HBM)] * 4,
    out_specs=[pl.BlockSpec(memory_space=pltpu.MemorySpace.HBM)] * 3,
    scratch_shapes=[
        pltpu.VMEM((_B,), jnp.float32),
        pltpu.VMEM((_B,), jnp.float32),
        pltpu.VMEM((_N,), jnp.float32),
        pltpu.VMEM((_N,), jnp.float32),
        pltpu.VMEM((_N,), jnp.float32),
        pltpu.SemaphoreType.DMA,
    ],
)


def kernel(positive_triplets, negative_triplets, rel_weight):
    sc_pos, sc_neg = _transe_sc(positive_triplets, negative_triplets,
                                rel_weight)
    tc_pos, tc_neg = _transe_tc(positive_triplets, negative_triplets,
                                rel_weight)
    return _assemble(sc_pos, sc_neg, tc_pos, tc_neg)

# --- scband reference (transcript-rebuilt; emitter-appended) ---
"""Pipeline reference for scband-trans-e-82523501625590 (READ-ONLY COPY).

The authoritative reference and input builder live on the scoring server;
editing this copy changes nothing except your own understanding.
"""

import jax, jax.numpy as jnp
import numpy as np

B = 16384
DIM = 128
RELATION_COUNT = 1000
MARGIN = 1.0


def setup_inputs(seed: int = 0) -> dict:
    key = jax.random.key(seed)
    k1 = jax.random.fold_in(key, 1)
    k2 = jax.random.fold_in(key, 2)
    positive_triplets = jax.random.randint(k1, (B, DIM), 0, 1000, dtype=jnp.int32)
    negative_triplets = jax.random.randint(k2, (B, DIM), 0, 1000, dtype=jnp.int32)
    # relations_emb weight: init.constant_(w, 1) -> all ones, shape [relation_count+1, dim]
    rel_weight = jnp.ones((RELATION_COUNT + 1, DIM), dtype=jnp.float32)
    return {
        "positive_triplets": positive_triplets,
        "negative_triplets": negative_triplets,
        "rel_weight": rel_weight,
    }


def _distance(triplets, rel_weight, flag):
    # NOTE: original code treats rows of `triplets` as DIM-wide vectors and
    # takes consecutive-row differences, adding embedding of relation id 0.
    n = triplets.shape[0] - 1
    if flag == 0:
        heads = triplets[:-1, :]
        tails = triplets[1:, :]
    else:
        heads = triplets[1:, :]
        tails = triplets[:-1, :]
    relations = jnp.zeros((n,), dtype=jnp.int32)
    rel_emb = jnp.take(rel_weight, relations, axis=0)
    d = heads.astype(jnp.float32) + rel_emb - tails.astype(jnp.float32)
    # p=1 norm over dim=1
    return jnp.sum(jnp.abs(d), axis=1)


def reference(positive_triplets, negative_triplets, rel_weight):
    pos = _distance(positive_triplets, rel_weight, 0)
    neg = _distance(negative_triplets, rel_weight, 1)
    # MarginRankingLoss(margin=1.0, reduction='none') with target=-1:
    # loss = max(0, -target*(pos-neg) + margin) = max(0, (pos-neg) + margin)
    loss = jnp.maximum(0.0, (pos - neg) + MARGIN)
    return loss, pos, neg

if __name__ == "__main__":
    import jax
    _d = setup_inputs()
    print(jax.jit(kernel)(*tuple(_d.values())))

</pallas_src>

<mosaic_0001>
#map = affine_map<(d0, d1) -> (0, 0)>
#map1 = affine_map<(d0, d1) -> (0)>
module attributes {stable_mosaic.version = 14 : i64} {
  func.func @_transe_sc(%arg0: i32, %arg1: i32, %arg2: memref<16384x128xi32, #tpu.memory_space<hbm>>, %arg3: memref<16384x128xi32, #tpu.memory_space<hbm>>, %arg4: memref<1001x128xf32, #tpu.memory_space<hbm>>, %arg5: memref<4096xf32, #tpu.memory_space<hbm>>, %arg6: memref<4096xf32, #tpu.memory_space<hbm>>, %arg7: memref<136x128xi32, #tpu.memory_space<vmem>>, %arg8: memref<136x128xi32, #tpu.memory_space<vmem>>, %arg9: memref<8x128xf32, #tpu.memory_space<vmem>>, %arg10: memref<128xf32, #tpu.memory_space<vmem>>, %arg11: memref<128xf32, #tpu.memory_space<vmem>>, %arg12: memref<!tpu.dma_semaphore, #tpu.memory_space<semaphore_mem>>, %arg13: memref<!tpu.dma_semaphore, #tpu.memory_space<semaphore_mem>>) attributes {dimension_semantics = [#tpu.dimension_semantics<core_parallel>, #tpu.dimension_semantics<subcore_parallel>], iteration_bounds = array<i64: 2, 16>, scalar_prefetch = 0 : i64, scratch_operands = 7 : i64, tpu.core_type = #tpu.core_type<sc_vector_subcore>, window_params = [{transform_indices = #map}, {transform_indices = #map}, {transform_indices = #map}, {transform_indices = #map1}, {transform_indices = #map1}]} {
    %mul3A = arith.constant 16 : i32
    %mul3A_0 = arith.muli %arg0, %mul3A : i32
    %add3A = arith.addi %mul3A_0, %arg1 : i32
    %mul3A_1 = arith.constant 128 : i32
    %mul3A_2 = arith.muli %add3A, %mul3A_1 : i32
    "tpu.region"() ({
      %run_scoped3A = tpu.sem_alloc : memref<!tpu.dma_semaphore, #tpu.memory_space<semaphore_mem>>
      %dma_start3A_174 = arith.constant 0 : i32
      %dma_start3A_175 = arith.constant 0 : i32
      %dma_start3A_176 = tpu.memref_slice %arg4[%dma_start3A_174, %dma_start3A_175] : memref<1001x128xf32, #tpu.memory_space<hbm>> -> memref<8x128xf32, #tpu.memory_space<hbm>>
      %dma_start3A_177 = arith.constant 0 : i32
      %dma_start3A_178 = arith.constant 0 : i32
      %dma_start3A_179 = tpu.memref_slice %arg4[%dma_start3A_177, %dma_start3A_178] : memref<1001x128xf32, #tpu.memory_space<hbm>> -> memref<8x128xf32, #tpu.memory_space<hbm>>
      tpu.enqueue_dma source(%dma_start3A_179 : memref<8x128xf32, #tpu.memory_space<hbm>>) target(%arg9 : memref<8x128xf32, #tpu.memory_space<vmem>>) target_semaphore(%run_scoped3A : memref<!tpu.dma_semaphore, #tpu.memory_space<semaphore_mem>>)
      %dma_wait3A_180 = arith.constant 0 : i32
      %dma_wait3A_181 = arith.constant 0 : i32
      %dma_wait3A_182 = tpu.memref_slice %arg4[%dma_wait3A_180, %dma_wait3A_181] : memref<1001x128xf32, #tpu.memory_space<hbm>> -> memref<8x128xf32, #tpu.memory_space<hbm>>
      %dma_wait3A_183 = arith.constant 0 : i32
      %dma_wait3A_184 = arith.constant 0 : i32
      %dma_wait3A_185 = tpu.memref_slice %arg4[%dma_wait3A_183, %dma_wait3A_184] : memref<1001x128xf32, #tpu.memory_space<hbm>> -> memref<8x128xf32, #tpu.memory_space<hbm>>
      tpu.wait_dma2 semaphore(%run_scoped3A : memref<!tpu.dma_semaphore, #tpu.memory_space<semaphore_mem>>) src(%dma_wait3A_185 : memref<8x128xf32, #tpu.memory_space<hbm>>) dst(%arg9 : memref<8x128xf32, #tpu.memory_space<vmem>>)
      tpu.yield
    }) : () -> ()
    %get3A = arith.constant 0 : i32
    %get3A_3 = arith.index_cast %get3A : i32 to index
    %get3A_4 = arith.constant 0 : index
    %get3A_5 = tpu.vector_load %arg9[%get3A_3, %get3A_4] {strides = array<i32>} : memref<8x128xf32, #tpu.memory_space<vmem>>, vector<16xf32>,
    %get3A_6 = arith.constant 0 : i32
    %get3A_7 = arith.index_cast %get3A_6 : i32 to index
    %get3A_8 = arith.constant 16 : index
    %get3A_9 = tpu.vector_load %arg9[%get3A_7, %get3A_8] {strides = array<i32>} : memref<8x128xf32, #tpu.memory_space<vmem>>, vector<16xf32>,
    %get3A_10 = arith.constant 0 : i32
    %get3A_11 = arith.index_cast %get3A_10 : i32 to index
    %get3A_12 = arith.constant 32 : index
    %get3A_13 = tpu.vector_load %arg9[%get3A_11, %get3A_12] {strides = array<i32>} : memref<8x128xf32, #tpu.memory_space<vmem>>, vector<16xf32>,
    %get3A_14 = arith.constant 0 : i32
    %get3A_15 = arith.index_cast %get3A_14 : i32 to index
    %get3A_16 = arith.constant 48 : index
    %get3A_17 = tpu.vector_load %arg9[%get3A_15, %get3A_16] {strides = array<i32>} : memref<8x128xf32, #tpu.memory_space<vmem>>, vector<16xf32>,
    %get3A_18 = arith.constant 0 : i32
    %get3A_19 = arith.index_cast %get3A_18 : i32 to index
    %get3A_20 = arith.constant 64 : index
    %get3A_21 = tpu.vector_load %arg9[%get3A_19, %get3A_20] {strides = array<i32>} : memref<8x128xf32, #tpu.memory_space<vmem>>, vector<16xf32>,
    %get3A_22 = arith.constant 0 : i32
    %get3A_23 = arith.index_cast %get3A_22 : i32 to index
    %get3A_24 = arith.constant 80 : index
    %get3A_25 = tpu.vector_load %arg9[%get3A_23, %get3A_24] {strides = array<i32>} : memref<8x128xf32, #tpu.memory_space<vmem>>, vector<16xf32>,
    %get3A_26 = arith.constant 0 : i32
    %get3A_27 = arith.index_cast %get3A_26 : i32 to index
    %get3A_28 = arith.constant 96 : index
    %get3A_29 = tpu.vector_load %arg9[%get3A_27, %get3A_28] {strides = array<i32>} : memref<8x128xf32, #tpu.memory_space<vmem>>, vector<16xf32>,
    %get3A_30 = arith.constant 0 : i32
    %get3A_31 = arith.index_cast %get3A_30 : i32 to index
    %get3A_32 = arith.constant 112 : index
    %get3A_33 = tpu.vector_load %arg9[%get3A_31, %get3A_32] {strides = array<i32>} : memref<8x128xf32, #tpu.memory_space<vmem>>, vector<16xf32>,
    %iota3A = tpu.iota {dimensions = array<i32: 0>} : vector<16xi32>
    %eq3A = arith.constant 0 : i32
    %eq3A_34 = vector.broadcast %eq3A : i32 to vector<16xi32>
    %eq3A_35 = arith.cmpi eq, %iota3A, %eq3A_34 : vector<16xi32>
    %eq3A_36 = arith.constant 1 : i32
    %eq3A_37 = vector.broadcast %eq3A_36 : i32 to vector<16xi32>
    %eq3A_38 = arith.cmpi eq, %iota3A, %eq3A_37 : vector<16xi32>
    %eq3A_39 = arith.constant 2 : i32
    %eq3A_40 = vector.broadcast %eq3A_39 : i32 to vector<16xi32>
    %eq3A_41 = arith.cmpi eq, %iota3A, %eq3A_40 : vector<16xi32>
    %eq3A_42 = arith.constant 3 : i32
    %eq3A_43 = vector.broadcast %eq3A_42 : i32 to vector<16xi32>
    %eq3A_44 = arith.cmpi eq, %iota3A, %eq3A_43 : vector<16xi32>
    %eq3A_45 = arith.constant 4 : i32
    %eq3A_46 = vector.broadcast %eq3A_45 : i32 to vector<16xi32>
    %eq3A_47 = arith.cmpi eq, %iota3A, %eq3A_46 : vector<16xi32>
    %eq3A_48 = arith.constant 5 : i32
    %eq3A_49 = vector.broadcast %eq3A_48 : i32 to vector<16xi32>
    %eq3A_50 = arith.cmpi eq, %iota3A, %eq3A_49 : vector<16xi32>
    %eq3A_51 = arith.constant 6 : i32
    %eq3A_52 = vector.broadcast %eq3A_51 : i32 to vector<16xi32>
    %eq3A_53 = arith.cmpi eq, %iota3A, %eq3A_52 : vector<16xi32>
    %eq3A_54 = arith.constant 7 : i32
    %eq3A_55 = vector.broadcast %eq3A_54 : i32 to vector<16xi32>
    %eq3A_56 = arith.cmpi eq, %iota3A, %eq3A_55 : vector<16xi32>
    %eq3A_57 = arith.constant 8 : i32
    %eq3A_58 = vector.broadcast %eq3A_57 : i32 to vector<16xi32>
    %eq3A_59 = arith.cmpi eq, %iota3A, %eq3A_58 : vector<16xi32>
    %eq3A_60 = arith.constant 9 : i32
    %eq3A_61 = vector.broadcast %eq3A_60 : i32 to vector<16xi32>
    %eq3A_62 = arith.cmpi eq, %iota3A, %eq3A_61 : vector<16xi32>
    %eq3A_63 = arith.constant 10 : i32
    %eq3A_64 = vector.broadcast %eq3A_63 : i32 to vector<16xi32>
    %eq3A_65 = arith.cmpi eq, %iota3A, %eq3A_64 : vector<16xi32>
    %eq3A_66 = arith.constant 11 : i32
    %eq3A_67 = vector.broadcast %eq3A_66 : i32 to vector<16xi32>
    %eq3A_68 = arith.cmpi eq, %iota3A, %eq3A_67 : vector<16xi32>
    %eq3A_69 = arith.constant 12 : i32
    %eq3A_70 = vector.broadcast %eq3A_69 : i32 to vector<16xi32>
    %eq3A_71 = arith.cmpi eq, %iota3A, %eq3A_70 : vector<16xi32>
    %eq3A_72 = arith.constant 13 : i32
    %eq3A_73 = vector.broadcast %eq3A_72 : i32 to vector<16xi32>
    %eq3A_74 = arith.cmpi eq, %iota3A, %eq3A_73 : vector<16xi32>
    %eq3A_75 = arith.constant 14 : i32
    %eq3A_76 = vector.broadcast %eq3A_75 : i32 to vector<16xi32>
    %eq3A_77 = arith.cmpi eq, %iota3A, %eq3A_76 : vector<16xi32>
    %eq3A_78 = arith.constant 15 : i32
    %eq3A_79 = vector.broadcast %eq3A_78 : i32 to vector<16xi32>
    %eq3A_80 = arith.cmpi eq, %iota3A, %eq3A_79 : vector<16xi32>
    %add3A_81 = arith.constant 0 : i32
    %add3A_82 = arith.addi %mul3A_2, %add3A_81 : i32
    %dma_start3A = arith.constant 0 : i32
    %dma_start3A_83 = tpu.memref_slice %arg2[%add3A_82, %dma_start3A] : memref<16384x128xi32, #tpu.memory_space<hbm>> -> memref<136x128xi32, #tpu.memory_space<hbm>>
    %dma_start3A_84 = arith.constant 0 : i32
    %dma_start3A_85 = tpu.memref_slice %arg2[%add3A_82, %dma_start3A_84] : memref<16384x128xi32, #tpu.memory_space<hbm>> -> memref<136x128xi32, #tpu.memory_space<hbm>>
    tpu.enqueue_dma source(%dma_start3A_85 : memref<136x128xi32, #tpu.memory_space<hbm>>) target(%arg7 : memref<136x128xi32, #tpu.memory_space<vmem>>) target_semaphore(%arg12 : memref<!tpu.dma_semaphore, #tpu.memory_space<semaphore_mem>>)
    %add3A_86 = arith.constant 0 : i32
    %add3A_87 = arith.addi %mul3A_2, %add3A_86 : i32
    %dma_start3A_88 = arith.constant 0 : i32
    %dma_start3A_89 = tpu.memref_slice %arg3[%add3A_87, %dma_start3A_88] : memref<16384x128xi32, #tpu.memory_space<hbm>> -> memref<136x128xi32, #tpu.memory_space<hbm>>
    %dma_start3A_90 = arith.constant 0 : i32
    %dma_start3A_91 = tpu.memref_slice %arg3[%add3A_87, %dma_start3A_90] : memref<16384x128xi32, #tpu.memory_space<hbm>> -> memref<136x128xi32, #tpu.memory_space<hbm>>
    tpu.enqueue_dma source(%dma_start3A_91 : memref<136x128xi32, #tpu.memory_space<hbm>>) target(%arg8 : memref<136x128xi32, #tpu.memory_space<vmem>>) target_semaphore(%arg13 : memref<!tpu.dma_semaphore, #tpu.memory_space<semaphore_mem>>)
    %dma_wait3A = arith.constant 0 : i32
    %dma_wait3A_92 = tpu.memref_slice %arg2[%add3A_82, %dma_wait3A] : memref<16384x128xi32, #tpu.memory_space<hbm>> -> memref<136x128xi32, #tpu.memory_space<hbm>>
    %dma_wait3A_93 = arith.constant 0 : i32
    %dma_wait3A_94 = tpu.memref_slice %arg2[%add3A_82, %dma_wait3A_93] : memref<16384x128xi32, #tpu.memory_space<hbm>> -> memref<136x128xi32, #tpu.memory_space<hbm>>
    tpu.wait_dma2 semaphore(%arg12 : memref<!tpu.dma_semaphore, #tpu.memory_space<semaphore_mem>>) src(%dma_wait3A_94 : memref<136x128xi32, #tpu.memory_space<hbm>>) dst(%arg7 : memref<136x128xi32, #tpu.memory_space<vmem>>)
    %get3A_95 = arith.constant 0 : i32
    %get3A_96 = arith.index_cast %get3A_95 : i32 to index
    %get3A_97 = arith.constant 0 : index
    %get3A_98 = tpu.vector_load %arg7[%get3A_96, %get3A_97] {strides = array<i32>} : memref<136x128xi32, #tpu.memory_space<vmem>>, vector<16xi32>,
    %get3A_99 = arith.constant 0 : i32
    %get3A_100 = arith.index_cast %get3A_99 : i32 to index
    %get3A_101 = arith.constant 16 : index
    %get3A_102 = tpu.vector_load %arg7[%get3A_100, %get3A_101] {strides = array<i32>} : memref<136x128xi32, #tpu.memory_space<vmem>>, vector<16xi32>,
    %get3A_103 = arith.constant 0 : i32
    %get3A_104 = arith.index_cast %get3A_103 : i32 to index
    %get3A_105 = arith.constant 32 : index
    %get3A_106 = tpu.vector_load %arg7[%get3A_104, %get3A_105] {strides = array<i32>} : memref<136x128xi32, #tpu.memory_space<vmem>>, vector<16xi32>,
    %get3A_107 = arith.constant 0 : i32
    %get3A_108 = arith.index_cast %get3A_107 : i32 to index
    %get3A_109 = arith.constant 48 : index
    %get3A_110 = tpu.vector_load %arg7[%get3A_108, %get3A_109] {strides = array<i32>} : memref<136x128xi32, #tpu.memory_space<vmem>>, vector<16xi32>,
    %get3A_111 = arith.constant 0 : i32
    %get3A_112 = arith.index_cast %get3A_111 : i32 to index
    %get3A_113 = arith.constant 64 : index
    %get3A_114 = tpu.vector_load %arg7[%get3A_112, %get3A_113] {strides = array<i32>} : memref<136x128xi32, #tpu.memory_space<vmem>>, vector<16xi32>,
    %get3A_115 = arith.constant 0 : i32
    %get3A_116 = arith.index_cast %get3A_115 : i32 to index
    %get3A_117 = arith.constant 80 : index
    %get3A_118 = tpu.vector_load %arg7[%get3A_116, %get3A_117] {strides = array<i32>} : memref<136x128xi32, #tpu.memory_space<vmem>>, vector<16xi32>,
    %get3A_119 = arith.constant 0 : i32
    %get3A_120 = arith.index_cast %get3A_119 : i32 to index
    %get3A_121 = arith.constant 96 : index
    %get3A_122 = tpu.vector_load %arg7[%get3A_120, %get3A_121] {strides = array<i32>} : memref<136x128xi32, #tpu.memory_space<vmem>>, vector<16xi32>,
    %get3A_123 = arith.constant 0 : i32
    %get3A_124 = arith.index_cast %get3A_123 : i32 to index
    %get3A_125 = arith.constant 112 : index
    %get3A_126 = tpu.vector_load %arg7[%get3A_124, %get3A_125] {strides = array<i32>} : memref<136x128xi32, #tpu.memory_space<vmem>>, vector<16xi32>,
    %scan3A = arith.constant 0 : i32
    %scan3A_127 = arith.constant 8 : i32
    %scan3A_128 = arith.addi %scan3A, %scan3A_127 : i32
    %scan3A_129 = arith.constant 1 : i32
    %scan3A_130:8 = scf.for %scan3A_174 = %scan3A to %scan3A_128 step %scan3A_129 iter_args(%scan3A_175 = %get3A_98, %scan3A_176 = %get3A_102, %scan3A_177 = %get3A_106, %scan3A_178 = %get3A_110, %scan3A_179 = %get3A_114, %scan3A_180 = %get3A_118, %scan3A_181 = %get3A_122, %scan3A_182 = %get3A_126) -> (vector<16xi32>, vector<16xi32>, vector<16xi32>, vector<16xi32>, vector<16xi32>, vector<16xi32>, vector<16xi32>, vector<16xi32>)  : i32 {
      %mul3A_183 = arith.constant 16 : i32
      %mul3A_184 = arith.muli %scan3A_174, %mul3A_183 : i32
      %broadcast_in_dim3A = arith.constant 0.000000e+00 : f32
      %broadcast_in_dim3A_185 = vector.broadcast %broadcast_in_dim3A : f32 to vector<16xf32>
      %add3A_186 = arith.constant 0 : i32
      %add3A_187 = arith.addi %mul3A_184, %add3A_186 : i32
      %add3A_188 = arith.constant 1 : i32
      %add3A_189 = arith.addi %add3A_187, %add3A_188 : i32
      %get3A_190 = arith.index_cast %add3A_189 : i32 to index
      %get3A_191 = arith.constant 0 : index
      %get3A_192 = tpu.vector_load %arg7[%get3A_190, %get3A_191] {strides = array<i32>} : memref<136x128xi32, #tpu.memory_space<vmem>>, vector<16xi32>,
      %get3A_193 = arith.index_cast %add3A_189 : i32 to index
      %get3A_194 = arith.constant 16 : index
      %get3A_195 = tpu.vector_load %arg7[%get3A_193, %get3A_194] {strides = array<i32>} : memref<136x128xi32, #tpu.memory_space<vmem>>, vector<16xi32>,
      %get3A_196 = arith.index_cast %add3A_189 : i32 to index
      %get3A_197 = arith.constant 32 : index
      %get3A_198 = tpu.vector_load %arg7[%get3A_196, %get3A_197] {strides = array<i32>} : memref<136x128xi32, #tpu.memory_space<vmem>>, vector<16xi32>,
      %get3A_199 = arith.index_cast %add3A_189 : i32 to index
      %get3A_200 = arith.constant 48 : index
      %get3A_201 = tpu.vector_load %arg7[%get3A_199, %get3A_200] {strides = array<i32>} : memref<136x128xi32, #tpu.memory_space<vmem>>, vector<16xi32>,
      %get3A_202 = arith.index_cast %add3A_189 : i32 to index
      %get3A_203 = arith.constant 64 : index
      %get3A_204 = tpu.vector_load %arg7[%get3A_202, %get3A_203] {strides = array<i32>} : memref<136x128xi32, #tpu.memory_space<vmem>>, vector<16xi32>,
      %get3A_205 = arith.index_cast %add3A_189 : i32 to index
      %get3A_206 = arith.constant 80 : index
      %get3A_207 = tpu.vector_load %arg7[%get3A_205, %get3A_206] {strides = array<i32>} : memref<136x128xi32, #tpu.memory_space<vmem>>, vector<16xi32>,
      %get3A_208 = arith.index_cast %add3A_189 : i32 to index
      %get3A_209 = arith.constant 96 : index
      %get3A_210 = tpu.vector_load %arg7[%get3A_208, %get3A_209] {strides = array<i32>} : memref<136x128xi32, #tpu.memory_space<vmem>>, vector<16xi32>,
      %get3A_211 = arith.index_cast %add3A_189 : i32 to index
      %get3A_212 = arith.constant 112 : index
      %get3A_213 = tpu.vector_load %arg7[%get3A_211, %get3A_212] {strides = array<i32>} : memref<136x128xi32, #tpu.memory_space<vmem>>, vector<16xi32>,
      %sub3A = arith.subi %scan3A_175, %get3A_192 : vector<16xi32>
      %convert_element_type3A = arith.sitofp %sub3A : vector<16xi32> to vector<16xf32>
      %add3A_214 = arith.addf %convert_element_type3A, %get3A_5 : vector<16xf32>
      %abs3A = math.absf %add3A_214 : vector<16xf32>
      %sub3A_215 = arith.subi %scan3A_176, %get3A_195 : vector<16xi32>
      %convert_element_type3A_216 = arith.sitofp %sub3A_215 : vector<16xi32> to vector<16xf32>
      %add3A_217 = arith.addf %convert_element_type3A_216, %get3A_9 : vector<16xf32>
      %abs3A_218 = math.absf %add3A_217 : vector<16xf32>
      %add3A_219 = arith.addf %abs3A, %abs3A_218 : vector<16xf32>
      %sub3A_220 = arith.subi %scan3A_177, %get3A_198 : vector<16xi32>
      %convert_element_type3A_221 = arith.sitofp %sub3A_220 : vector<16xi32> to vector<16xf32>
      %add3A_222 = arith.addf %convert_element_type3A_221, %get3A_13 : vector<16xf32>
      %abs3A_223 = math.absf %add3A_222 : vector<16xf32>
      %add3A_224 = arith.addf %add3A_219, %abs3A_223 : vector<16xf32>
      %sub3A_225 = arith.subi %scan3A_178, %get3A_201 : vector<16xi32>
      %convert_element_type3A_226 = arith.sitofp %sub3A_225 : vector<16xi32> to vector<16xf32>
      %add3A_227 = arith.addf %convert_element_type3A_226, %get3A_17 : vector<16xf32>
      %abs3A_228 = math.absf %add3A_227 : vector<16xf32>
      %add3A_229 = arith.addf %add3A_224, %abs3A_228 : vector<16xf32>
      %sub3A_230 = arith.subi %scan3A_179, %get3A_204 : vector<16xi32>
      %convert_element_type3A_231 = arith.sitofp %sub3A_230 : vector<16xi32> to vector<16xf32>
      %add3A_232 = arith.addf %convert_element_type3A_231, %get3A_21 : vector<16xf32>
      %abs3A_233 = math.absf %add3A_232 : vector<16xf32>
      %add3A_234 = arith.addf %add3A_229, %abs3A_233 : vector<16xf32>
      %sub3A_235 = arith.subi %scan3A_180, %get3A_207 : vector<16xi32>
      %convert_element_type3A_236 = arith.sitofp %sub3A_235 : vector<16xi32> to vector<16xf32>
      %add3A_237 = arith.addf %convert_element_type3A_236, %get3A_25 : vector<16xf32>
      %abs3A_238 = math.absf %add3A_237 : vector<16xf32>
      %add3A_239 = arith.addf %add3A_234, %abs3A_238 : vector<16xf32>
      %sub3A_240 = arith.subi %scan3A_181, %get3A_210 : vector<16xi32>
      %convert_element_type3A_241 = arith.sitofp %sub3A_240 : vector<16xi32> to vector<16xf32>
      %add3A_242 = arith.addf %convert_element_type3A_241, %get3A_29 : vector<16xf32>
      %abs3A_243 = math.absf %add3A_242 : vector<16xf32>
      %add3A_244 = arith.addf %add3A_239, %abs3A_243 : vector<16xf32>
      %sub3A_245 = arith.subi %scan3A_182, %get3A_213 : vector<16xi32>
      %convert_element_type3A_246 = arith.sitofp %sub3A_245 : vector<16xi32> to vector<16xf32>
      %add3A_247 = arith.addf %convert_element_type3A_246, %get3A_33 : vector<16xf32>
      %abs3A_248 = math.absf %add3A_247 : vector<16xf32>
      %add3A_249 = arith.addf %add3A_244, %abs3A_248 : vector<16xf32>
      %reduce_sum3A = arith.constant true
      %reduce_sum3A_250 = vector.broadcast %reduce_sum3A : i1 to vector<16xi1>
      %reduce_sum3A_251 = tpu.scan <sum>, %add3A_249 masked %reduce_sum3A_250 : vector<16xf32>, vector<16xi1> -> vector<16xf32>
      %reduce_sum3A_252 = vector.extract %reduce_sum3A_251[15] : f32 from vector<16xf32>
      %broadcast_in_dim3A_253 = vector.broadcast %reduce_sum3A_252 : f32 to vector<16xf32>
      %select_n3A = arith.select %eq3A_35, %broadcast_in_dim3A_253, %broadcast_in_dim3A_185 : vector<16xi1>, vector<16xf32>
      %add3A_254 = arith.constant 1 : i32
      %add3A_255 = arith.addi %mul3A_184, %add3A_254 : i32
      %add3A_256 = arith.constant 1 : i32
      %add3A_257 = arith.addi %add3A_255, %add3A_256 : i32
      %get3A_258 = arith.index_cast %add3A_257 : i32 to index
      %get3A_259 = arith.constant 0 : index
      %get3A_260 = tpu.vector_load %arg7[%get3A_258, %get3A_259] {strides = array<i32>} : memref<136x128xi32, #tpu.memory_space<vmem>>, vector<16xi32>,
      %get3A_261 = arith.index_cast %add3A_257 : i32 to index
      %get3A_262 = arith.constant 16 : index
      %get3A_263 = tpu.vector_load %arg7[%get3A_261, %get3A_262] {strides = array<i32>} : memref<136x128xi32, #tpu.memory_space<vmem>>, vector<16xi32>,
      %get3A_264 = arith.index_cast %add3A_257 : i32 to index
      %get3A_265 = arith.constant 32 : index
      %get3A_266 = tpu.vector_load %arg7[%get3A_264, %get3A_265] {strides = array<i32>} : memref<136x128xi32, #tpu.memory_space<vmem>>, vector<16xi32>,
      %get3A_267 = arith.index_cast %add3A_257 : i32 to index
      %get3A_268 = arith.constant 48 : index
      %get3A_269 = tpu.vector_load %arg7[%get3A_267, %get3A_268] {strides = array<i32>} : memref<136x128xi32, #tpu.memory_space<vmem>>, vector<16xi32>,
      %get3A_270 = arith.index_cast %add3A_257 : i32 to index
      %get3A_271 = arith.constant 64 : index
      %get3A_272 = tpu.vector_load %arg7[%get3A_270, %get3A_271] {strides = array<i32>} : memref<136x128xi32, #tpu.memory_space<vmem>>, vector<16xi32>,
      %get3A_273 = arith.index_cast %add3A_257 : i32 to index
      %get3A_274 = arith.constant 80 : index
      %get3A_275 = tpu.vector_load %arg7[%get3A_273, %get3A_274] {strides = array<i32>} : memref<136x128xi32, #tpu.memory_space<vmem>>, vector<16xi32>,
      %get3A_276 = arith.index_cast %add3A_257 : i32 to index
      %get3A_277 = arith.constant 96 : index
      %get3A_278 = tpu.vector_load %arg7[%get3A_276, %get3A_277] {strides = array<i32>} : memref<136x128xi32, #tpu.memory_space<vmem>>, vector<16xi32>,
      %get3A_279 = arith.index_cast %add3A_257 : i32 to index
      %get3A_280 = arith.constant 112 : index
      %get3A_281 = tpu.vector_load %arg7[%get3A_279, %get3A_280] {strides = array<i32>} : memref<136x128xi32, #tpu.memory_space<vmem>>, vector<16xi32>,
      %sub3A_282 = arith.subi %get3A_192, %get3A_260 : vector<16xi32>
      %convert_element_type3A_283 = arith.sitofp %sub3A_282 : vector<16xi32> to vector<16xf32>
      %add3A_284 = arith.addf %convert_element_type3A_283, %get3A_5 : vector<16xf32>
      %abs3A_285 = math.absf %add3A_284 : vector<16xf32>
      %sub3A_286 = arith.subi %get3A_195, %get3A_263 : vector<16xi32>
      %convert_element_type3A_287 = arith.sitofp %sub3A_286 : vector<16xi32> to vector<16xf32>
      %add3A_288 = arith.addf %convert_element_type3A_287, %get3A_9 : vector<16xf32>
      %abs3A_289 = math.absf %add3A_288 : vector<16xf32>
      %add3A_290 = arith.addf %abs3A_285, %abs3A_289 : vector<16xf32>
      %sub3A_291 = arith.subi %get3A_198, %get3A_266 : vector<16xi32>
      %convert_element_type3A_292 = arith.sitofp %sub3A_291 : vector<16xi32> to vector<16xf32>
      %add3A_293 = arith.addf %convert_element_type3A_292, %get3A_13 : vector<16xf32>
      %abs3A_294 = math.absf %add3A_293 : vector<16xf32>
      %add3A_295 = arith.addf %add3A_290, %abs3A_294 : vector<16xf32>
      %sub3A_296 = arith.subi %get3A_201, %get3A_269 : vector<16xi32>
      %convert_element_type3A_297 = arith.sitofp %sub3A_296 : vector<16xi32> to vector<16xf32>
      %add3A_298 = arith.addf %convert_element_type3A_297, %get3A_17 : vector<16xf32>
      %abs3A_299 = math.absf %add3A_298 : vector<16xf32>
      %add3A_300 = arith.addf %add3A_295, %abs3A_299 : vector<16xf32>
      %sub3A_301 = arith.subi %get3A_204, %get3A_272 : vector<16xi32>
      %convert_element_type3A_302 = arith.sitofp %sub3A_301 : vector<16xi32> to vector<16xf32>
      %add3A_303 = arith.addf %convert_element_type3A_302, %get3A_21 : vector<16xf32>
      %abs3A_304 = math.absf %add3A_303 : vector<16xf32>
      %add3A_305 = arith.addf %add3A_300, %abs3A_304 : vector<16xf32>
      %sub3A_306 = arith.subi %get3A_207, %get3A_275 : vector<16xi32>
      %convert_element_type3A_307 = arith.sitofp %sub3A_306 : vector<16xi32> to vector<16xf32>
      %add3A_308 = arith.addf %convert_element_type3A_307, %get3A_25 : vector<16xf32>
      %abs3A_309 = math.absf %add3A_308 : vector<16xf32>
      %add3A_310 = arith.addf %add3A_305, %abs3A_309 : vector<16xf32>
      %sub3A_311 = arith.subi %get3A_210, %get3A_278 : vector<16xi32>
      %convert_element_type3A_312 = arith.sitofp %sub3A_311 : vector<16xi32> to vector<16xf32>
      %add3A_313 = arith.addf %convert_element_type3A_312, %get3A_29 : vector<16xf32>
      %abs3A_314 = math.absf %add3A_313 : vector<16xf32>
      %add3A_315 = arith.addf %add3A_310, %abs3A_314 : vector<16xf32>
      %sub3A_316 = arith.subi %get3A_213, %get3A_281 : vector<16xi32>
      %convert_element_type3A_317 = arith.sitofp %sub3A_316 : vector<16xi32> to vector<16xf32>
      %add3A_318 = arith.addf %convert_element_type3A_317, %get3A_33 : vector<16xf32>
      %abs3A_319 = math.absf %add3A_318 : vector<16xf32>
      %add3A_320 = arith.addf %add3A_315, %abs3A_319 : vector<16xf32>
      %reduce_sum3A_321 = arith.constant true
      %reduce_sum3A_322 = vector.broadcast %reduce_sum3A_321 : i1 to vector<16xi1>
      %reduce_sum3A_323 = tpu.scan <sum>, %add3A_320 masked %reduce_sum3A_322 : vector<16xf32>, vector<16xi1> -> vector<16xf32>
      %reduce_sum3A_324 = vector.extract %reduce_sum3A_323[15] : f32 from vector<16xf32>
      %broadcast_in_dim3A_325 = vector.broadcast %reduce_sum3A_324 : f32 to vector<16xf32>
      %select_n3A_326 = arith.select %eq3A_38, %broadcast_in_dim3A_325, %select_n3A : vector<16xi1>, vector<16xf32>
      %add3A_327 = arith.constant 2 : i32
      %add3A_328 = arith.addi %mul3A_184, %add3A_327 : i32
      %add3A_329 = arith.constant 1 : i32
      %add3A_330 = arith.addi %add3A_328, %add3A_329 : i32
      %get3A_331 = arith.index_cast %add3A_330 : i32 to index
      %get3A_332 = arith.constant 0 : index
      %get3A_333 = tpu.vector_load %arg7[%get3A_331, %get3A_332] {strides = array<i32>} : memref<136x128xi32, #tpu.memory_space<vmem>>, vector<16xi32>,
      %get3A_334 = arith.index_cast %add3A_330 : i32 to index
      %get3A_335 = arith.constant 16 : index
      %get3A_336 = tpu.vector_load %arg7[%get3A_334, %get3A_335] {strides = array<i32>} : memref<136x128xi32, #tpu.memory_space<vmem>>, vector<16xi32>,
      %get3A_337 = arith.index_cast %add3A_330 : i32 to index
      %get3A_338 = arith.constant 32 : index
      %get3A_339 = tpu.vector_load %arg7[%get3A_337, %get3A_338] {strides = array<i32>} : memref<136x128xi32, #tpu.memory_space<vmem>>, vector<16xi32>,
      %get3A_340 = arith.index_cast %add3A_330 : i32 to index
      %get3A_341 = arith.constant 48 : index
      %get3A_342 = tpu.vector_load %arg7[%get3A_340, %get3A_341] {strides = array<i32>} : memref<136x128xi32, #tpu.memory_space<vmem>>, vector<16xi32>,
      %get3A_343 = arith.index_cast %add3A_330 : i32 to index
      %get3A_344 = arith.constant 64 : index
      %get3A_345 = tpu.vector_load %arg7[%get3A_343, %get3A_344] {strides = array<i32>} : memref<136x128xi32, #tpu.memory_space<vmem>>, vector<16xi32>,
      %get3A_346 = arith.index_cast %add3A_330 : i32 to index
      %get3A_347 = arith.constant 80 : index
      %get3A_348 = tpu.vector_load %arg7[%get3A_346, %get3A_347] {strides = array<i32>} : memref<136x128xi32, #tpu.memory_space<vmem>>, vector<16xi32>,
      %get3A_349 = arith.index_cast %add3A_330 : i32 to index
      %get3A_350 = arith.constant 96 : index
      %get3A_351 = tpu.vector_load %arg7[%get3A_349, %get3A_350] {strides = array<i32>} : memref<136x128xi32, #tpu.memory_space<vmem>>, vector<16xi32>,
      %get3A_352 = arith.index_cast %add3A_330 : i32 to index
      %get3A_353 = arith.constant 112 : index
      %get3A_354 = tpu.vector_load %arg7[%get3A_352, %get3A_353] {strides = array<i32>} : memref<136x128xi32, #tpu.memory_space<vmem>>, vector<16xi32>,
      %sub3A_355 = arith.subi %get3A_260, %get3A_333 : vector<16xi32>
      %convert_element_type3A_356 = arith.sitofp %sub3A_355 : vector<16xi32> to vector<16xf32>
      %add3A_357 = arith.addf %convert_element_type3A_356, %get3A_5 : vector<16xf32>
      %abs3A_358 = math.absf %add3A_357 : vector<16xf32>
      %sub3A_359 = arith.subi %get3A_263, %get3A_336 : vector<16xi32>
      %convert_element_type3A_360 = arith.sitofp %sub3A_359 : vector<16xi32> to vector<16xf32>
      %add3A_361 = arith.addf %convert_element_type3A_360, %get3A_9 : vector<16xf32>
      %abs3A_362 = math.absf %add3A_361 : vector<16xf32>
      %add3A_363 = arith.addf %abs3A_358, %abs3A_362 : vector<16xf32>
      %sub3A_364 = arith.subi %get3A_266, %get3A_339 : vector<16xi32>
      %convert_element_type3A_365 = arith.sitofp %sub3A_364 : vector<16xi32> to vector<16xf32>
      %add3A_366 = arith.addf %convert_element_type3A_365, %get3A_13 : vector<16xf32>
      %abs3A_367 = math.absf %add3A_366 : vector<16xf32>
      %add3A_368 = arith.addf %add3A_363, %abs3A_367 : vector<16xf32>
      %sub3A_369 = arith.subi %get3A_269, %get3A_342 : vector<16xi32>
      %convert_element_type3A_370 = arith.sitofp %sub3A_369 : vector<16xi32> to vector<16xf32>
      %add3A_371 = arith.addf %convert_element_type3A_370, %get3A_17 : vector<16xf32>
      %abs3A_372 = math.absf %add3A_371 : vector<16xf32>
      %add3A_373 = arith.addf %add3A_368, %abs3A_372 : vector<16xf32>
      %sub3A_374 = arith.subi %get3A_272, %get3A_345 : vector<16xi32>
      %convert_element_type3A_375 = arith.sitofp %sub3A_374 : vector<16xi32> to vector<16xf32>
      %add3A_376 = arith.addf %convert_element_type3A_375, %get3A_21 : vector<16xf32>
      %abs3A_377 = math.absf %add3A_376 : vector<16xf32>
      %add3A_378 = arith.addf %add3A_373, %abs3A_377 : vector<16xf32>
      %sub3A_379 = arith.subi %get3A_275, %get3A_348 : vector<16xi32>
      %convert_element_type3A_380 = arith.sitofp %sub3A_379 : vector<16xi32> to vector<16xf32>
      %add3A_381 = arith.addf %convert_element_type3A_380, %get3A_25 : vector<16xf32>
      %abs3A_382 = math.absf %add3A_381 : vector<16xf32>
      %add3A_383 = arith.addf %add3A_378, %abs3A_382 : vector<16xf32>
      %sub3A_384 = arith.subi %get3A_278, %get3A_351 : vector<16xi32>
      %convert_element_type3A_385 = arith.sitofp %sub3A_384 : vector<16xi32> to vector<16xf32>
      %add3A_386 = arith.addf %convert_element_type3A_385, %get3A_29 : vector<16xf32>
      %abs3A_387 = math.absf %add3A_386 : vector<16xf32>
      %add3A_388 = arith.addf %add3A_383, %abs3A_387 : vector<16xf32>
      %sub3A_389 = arith.subi %get3A_281, %get3A_354 : vector<16xi32>
      %convert_element_type3A_390 = arith.sitofp %sub3A_389 : vector<16xi32> to vector<16xf32>
      %add3A_391 = arith.addf %convert_element_type3A_390, %get3A_33 : vector<16xf32>
      %abs3A_392 = math.absf %add3A_391 : vector<16xf32>
      %add3A_393 = arith.addf %add3A_388, %abs3A_392 : vector<16xf32>
      %reduce_sum3A_394 = arith.constant true
      %reduce_sum3A_395 = vector.broadcast %reduce_sum3A_394 : i1 to vector<16xi1>
      %reduce_sum3A_396 = tpu.scan <sum>, %add3A_393 masked %reduce_sum3A_395 : vector<16xf32>, vector<16xi1> -> vector<16xf32>
      %reduce_sum3A_397 = vector.extract %reduce_sum3A_396[15] : f32 from vector<16xf32>
      %broadcast_in_dim3A_398 = vector.broadcast %reduce_sum3A_397 : f32 to vector<16xf32>
      %select_n3A_399 = arith.select %eq3A_41, %broadcast_in_dim3A_398, %select_n3A_326 : vector<16xi1>, vector<16xf32>
      %add3A_400 = arith.constant 3 : i32
      %add3A_401 = arith.addi %mul3A_184, %add3A_400 : i32
      %add3A_402 = arith.constant 1 : i32
      %add3A_403 = arith.addi %add3A_401, %add3A_402 : i32
      %get3A_404 = arith.index_cast %add3A_403 : i32 to index
      %get3A_405 = arith.constant 0 : index
      %get3A_406 = tpu.vector_load %arg7[%get3A_404, %get3A_405] {strides = array<i32>} : memref<136x128xi32, #tpu.memory_space<vmem>>, vector<16xi32>,
      %get3A_407 = arith.index_cast %add3A_403 : i32 to index
      %get3A_408 = arith.constant 16 : index
      %get3A_409 = tpu.vector_load %arg7[%get3A_407, %get3A_408] {strides = array<i32>} : memref<136x128xi32, #tpu.memory_space<vmem>>, vector<16xi32>,
      %get3A_410 = arith.index_cast %add3A_403 : i32 to index
      %get3A_411 = arith.constant 32 : index
      %get3A_412 = tpu.vector_load %arg7[%get3A_410, %get3A_411] {strides = array<i32>} : memref<136x128xi32, #tpu.memory_space<vmem>>, vector<16xi32>,
      %get3A_413 = arith.index_cast %add3A_403 : i32 to index
      %get3A_414 = arith.constant 48 : index
      %get3A_415 = tpu.vector_load %arg7[%get3A_413, %get3A_414] {strides = array<i32>} : memref<136x128xi32, #tpu.memory_space<vmem>>, vector<16xi32>,
      %get3A_416 = arith.index_cast %add3A_403 : i32 to index
      %get3A_417 = arith.constant 64 : index
      %get3A_418 = tpu.vector_load %arg7[%get3A_416, %get3A_417] {strides = array<i32>} : memref<136x128xi32, #tpu.memory_space<vmem>>, vector<16xi32>,
      %get3A_419 = arith.index_cast %add3A_403 : i32 to index
      %get3A_420 = arith.constant 80 : index
      %get3A_421 = tpu.vector_load %arg7[%get3A_419, %get3A_420] {strides = array<i32>} : memref<136x128xi32, #tpu.memory_space<vmem>>, vector<16xi32>,
      %get3A_422 = arith.index_cast %add3A_403 : i32 to index
      %get3A_423 = arith.constant 96 : index
      %get3A_424 = tpu.vector_load %arg7[%get3A_422, %get3A_423] {strides = array<i32>} : memref<136x128xi32, #tpu.memory_space<vmem>>, vector<16xi32>,
      %get3A_425 = arith.index_cast %add3A_403 : i32 to index
      %get3A_426 = arith.constant 112 : index
      %get3A_427 = tpu.vector_load %arg7[%get3A_425, %get3A_426] {strides = array<i32>} : memref<136x128xi32, #tpu.memory_space<vmem>>, vector<16xi32>,
      %sub3A_428 = arith.subi %get3A_333, %get3A_406 : vector<16xi32>
      %convert_element_type3A_429 = arith.sitofp %sub3A_428 : vector<16xi32> to vector<16xf32>
      %add3A_430 = arith.addf %convert_element_type3A_429, %get3A_5 : vector<16xf32>
      %abs3A_431 = math.absf %add3A_430 : vector<16xf32>
      %sub3A_432 = arith.subi %get3A_336, %get3A_409 : vector<16xi32>
      %convert_element_type3A_433 = arith.sitofp %sub3A_432 : vector<16xi32> to vector<16xf32>
      %add3A_434 = arith.addf %convert_element_type3A_433, %get3A_9 : vector<16xf32>
      %abs3A_435 = math.absf %add3A_434 : vector<16xf32>
      %add3A_436 = arith.addf %abs3A_431, %abs3A_435 : vector<16xf32>
      %sub3A_437 = arith.subi %get3A_339, %get3A_412 : vector<16xi32>
      %convert_element_type3A_438 = arith.sitofp %sub3A_437 : vector<16xi32> to vector<16xf32>
      %add3A_439 = arith.addf %convert_element_type3A_438, %get3A_13 : vector<16xf32>
      %abs3A_440 = math.absf %add3A_439 : vector<16xf32>
      %add3A_441 = arith.addf %add3A_436, %abs3A_440 : vector<16xf32>
      %sub3A_442 = arith.subi %get3A_342, %get3A_415 : vector<16xi32>
      %convert_element_type3A_443 = arith.sitofp %sub3A_442 : vector<16xi32> to vector<16xf32>
      %add3A_444 = arith.addf %convert_element_type3A_443, %get3A_17 : vector<16xf32>
      %abs3A_445 = math.absf %add3A_444 : vector<16xf32>
      %add3A_446 = arith.addf %add3A_441, %abs3A_445 : vector<16xf32>
      %sub3A_447 = arith.subi %get3A_345, %get3A_418 : vector<16xi32>
      %convert_element_type3A_448 = arith.sitofp %sub3A_447 : vector<16xi32> to vector<16xf32>
      %add3A_449 = arith.addf %convert_element_type3A_448, %get3A_21 : vector<16xf32>
      %abs3A_450 = math.absf %add3A_449 : vector<16xf32>
      %add3A_451 = arith.addf %add3A_446, %abs3A_450 : vector<16xf32>
      %sub3A_452 = arith.subi %get3A_348, %get3A_421 : vector<16xi32>
      %convert_element_type3A_453 = arith.sitofp %sub3A_452 : vector<16xi32> to vector<16xf32>
      %add3A_454 = arith.addf %convert_element_type3A_453, %get3A_25 : vector<16xf32>
      %abs3A_455 = math.absf %add3A_454 : vector<16xf32>
      %add3A_456 = arith.addf %add3A_451, %abs3A_455 : vector<16xf32>
      %sub3A_457 = arith.subi %get3A_351, %get3A_424 : vector<16xi32>
      %convert_element_type3A_458 = arith.sitofp %sub3A_457 : vector<16xi32> to vector<16xf32>
      %add3A_459 = arith.addf %convert_element_type3A_458, %get3A_29 : vector<16xf32>
      %abs3A_460 = math.absf %add3A_459 : vector<16xf32>
      %add3A_461 = arith.addf %add3A_456, %abs3A_460 : vector<16xf32>
      %sub3A_462 = arith.subi %get3A_354, %get3A_427 : vector<16xi32>
      %convert_element_type3A_463 = arith.sitofp %sub3A_462 : vector<16xi32> to vector<16xf32>
      %add3A_464 = arith.addf %convert_element_type3A_463, %get3A_33 : vector<16xf32>
      %abs3A_465 = math.absf %add3A_464 : vector<16xf32>
      %add3A_466 = arith.addf %add3A_461, %abs3A_465 : vector<16xf32>
      %reduce_sum3A_467 = arith.constant true
      %reduce_sum3A_468 = vector.broadcast %reduce_sum3A_467 : i1 to vector<16xi1>
      %reduce_sum3A_469 = tpu.scan <sum>, %add3A_466 masked %reduce_sum3A_468 : vector<16xf32>, vector<16xi1> -> vector<16xf32>
      %reduce_sum3A_470 = vector.extract %reduce_sum3A_469[15] : f32 from vector<16xf32>
      %broadcast_in_dim3A_471 = vector.broadcast %reduce_sum3A_470 : f32 to vector<16xf32>
      %select_n3A_472 = arith.select %eq3A_44, %broadcast_in_dim3A_471, %select_n3A_399 : vector<16xi1>, vector<16xf32>
      %add3A_473 = arith.constant 4 : i32
      %add3A_474 = arith.addi %mul3A_184, %add3A_473 : i32
      %add3A_475 = arith.constant 1 : i32
      %add3A_476 = arith.addi %add3A_474, %add3A_475 : i32
      %get3A_477 = arith.index_cast %add3A_476 : i32 to index
      %get3A_478 = arith.constant 0 : index
      %get3A_479 = tpu.vector_load %arg7[%get3A_477, %get3A_478] {strides = array<i32>} : memref<136x128xi32, #tpu.memory_space<vmem>>, vector<16xi32>,
      %get3A_480 = arith.index_cast %add3A_476 : i32 to index
      %get3A_481 = arith.constant 16 : index
      %get3A_482 = tpu.vector_load %arg7[%get3A_480, %get3A_481] {strides = array<i32>} : memref<136x128xi32, #tpu.memory_space<vmem>>, vector<16xi32>,
      %get3A_483 = arith.index_cast %add3A_476 : i32 to index
      %get3A_484 = arith.constant 32 : index
      %get3A_485 = tpu.vector_load %arg7[%get3A_483, %get3A_484] {strides = array<i32>} : memref<136x128xi32, #tpu.memory_space<vmem>>, vector<16xi32>,
      %get3A_486 = arith.index_cast %add3A_476 : i32 to index
      %get3A_487 = arith.constant 48 : index
      %get3A_488 = tpu.vector_load %arg7[%get3A_486, %get3A_487] {strides = array<i32>} : memref<136x128xi32, #tpu.memory_space<vmem>>, vector<16xi32>,
      %get3A_489 = arith.index_cast %add3A_476 : i32 to index
      %get3A_490 = arith.constant 64 : index
      %get3A_491 = tpu.vector_load %arg7[%get3A_489, %get3A_490] {strides = array<i32>} : memref<136x128xi32, #tpu.memory_space<vmem>>, vector<16xi32>,
      %get3A_492 = arith.index_cast %add3A_476 : i32 to index
      %get3A_493 = arith.constant 80 : index
      %get3A_494 = tpu.vector_load %arg7[%get3A_492, %get3A_493] {strides = array<i32>} : memref<136x128xi32, #tpu.memory_space<vmem>>, vector<16xi32>,
      %get3A_495 = arith.index_cast %add3A_476 : i32 to index
      %get3A_496 = arith.constant 96 : index
      %get3A_497 = tpu.vector_load %arg7[%get3A_495, %get3A_496] {strides = array<i32>} : memref<136x128xi32, #tpu.memory_space<vmem>>, vector<16xi32>,
      %get3A_498 = arith.index_cast %add3A_476 : i32 to index
      %get3A_499 = arith.constant 112 : index
      %get3A_500 = tpu.vector_load %arg7[%get3A_498, %get3A_499] {strides = array<i32>} : memref<136x128xi32, #tpu.memory_space<vmem>>, vector<16xi32>,
      %sub3A_501 = arith.subi %get3A_406, %get3A_479 : vector<16xi32>
      %convert_element_type3A_502 = arith.sitofp %sub3A_501 : vector<16xi32> to vector<16xf32>
      %add3A_503 = arith.addf %convert_element_type3A_502, %get3A_5 : vector<16xf32>
      %abs3A_504 = math.absf %add3A_503 : vector<16xf32>
      %sub3A_505 = arith.subi %get3A_409, %get3A_482 : vector<16xi32>
      %convert_element_type3A_506 = arith.sitofp %sub3A_505 : vector<16xi32> to vector<16xf32>
      %add3A_507 = arith.addf %convert_element_type3A_506, %get3A_9 : vector<16xf32>
      %abs3A_508 = math.absf %add3A_507 : vector<16xf32>
      %add3A_509 = arith.addf %abs3A_504, %abs3A_508 : vector<16xf32>
      %sub3A_510 = arith.subi %get3A_412, %get3A_485 : vector<16xi32>
      %convert_element_type3A_511 = arith.sitofp %sub3A_510 : vector<16xi32> to vector<16xf32>
      %add3A_512 = arith.addf %convert_element_type3A_511, %get3A_13 : vector<16xf32>
      %abs3A_513 = math.absf %add3A_512 : vector<16xf32>
      %add3A_514 = arith.addf %add3A_509, %abs3A_513 : vector<16xf32>
      %sub3A_515 = arith.subi %get3A_415, %get3A_488 : vector<16xi32>
      %convert_element_type3A_516 = arith.sitofp %sub3A_515 : vector<16xi32> to vector<16xf32>
      %add3A_517 = arith.addf %convert_element_type3A_516, %get3A_17 : vector<16xf32>
      %abs3A_518 = math.absf %add3A_517 : vector<16xf32>
      %add3A_519 = arith.addf %add3A_514, %abs3A_518 : vector<16xf32>
      %sub3A_520 = arith.subi %get3A_418, %get3A_491 : vector<16xi32>
      %convert_element_type3A_521 = arith.sitofp %sub3A_520 : vector<16xi32> to vector<16xf32>
      %add3A_522 = arith.addf %convert_element_type3A_521, %get3A_21 : vector<16xf32>
      %abs3A_523 = math.absf %add3A_522 : vector<16xf32>
      %add3A_524 = arith.addf %add3A_519, %abs3A_523 : vector<16xf32>
      %sub3A_525 = arith.subi %get3A_421, %get3A_494 : vector<16xi32>
      %convert_element_type3A_526 = arith.sitofp %sub3A_525 : vector<16xi32> to vector<16xf32>
      %add3A_527 = arith.addf %convert_element_type3A_526, %get3A_25 : vector<16xf32>
      %abs3A_528 = math.absf %add3A_527 : vector<16xf32>
      %add3A_529 = arith.addf %add3A_524, %abs3A_528 : vector<16xf32>
      %sub3A_530 = arith.subi %get3A_424, %get3A_497 : vector<16xi32>
      %convert_element_type3A_531 = arith.sitofp %sub3A_530 : vector<16xi32> to vector<16xf32>
      %add3A_532 = arith.addf %convert_element_type3A_531, %get3A_29 : vector<16xf32>
      %abs3A_533 = math.absf %add3A_532 : vector<16xf32>
      %add3A_534 = arith.addf %add3A_529, %abs3A_533 : vector<16xf32>
      %sub3A_535 = arith.subi %get3A_427, %get3A_500 : vector<16xi32>
      %convert_element_type3A_536 = arith.sitofp %sub3A_535 : vector<16xi32> to vector<16xf32>
      %add3A_537 = arith.addf %convert_element_type3A_536, %get3A_33 : vector<16xf32>
      %abs3A_538 = math.absf %add3A_537 : vector<16xf32>
      %add3A_539 = arith.addf %add3A_534, %abs3A_538 : vector<16xf32>
      %reduce_sum3A_540 = arith.constant true
      %reduce_sum3A_541 = vector.broadcast %reduce_sum3A_540 : i1 to vector<16xi1>
      %reduce_sum3A_542 = tpu.scan <sum>, %add3A_539 masked %reduce_sum3A_541 : vector<16xf32>, vector<16xi1> -> vector<16xf32>
      %reduce_sum3A_543 = vector.extract %reduce_sum3A_542[15] : f32 from vector<16xf32>
      %broadcast_in_dim3A_544 = vector.broadcast %reduce_sum3A_543 : f32 to vector<16xf32>
      %select_n3A_545 = arith.select %eq3A_47, %broadcast_in_dim3A_544, %select_n3A_472 : vector<16xi1>, vector<16xf32>
      %add3A_546 = arith.constant 5 : i32
      %add3A_547 = arith.addi %mul3A_184, %add3A_546 : i32
      %add3A_548 = arith.constant 1 : i32
      %add3A_549 = arith.addi %add3A_547, %add3A_548 : i32
      %get3A_550 = arith.index_cast %add3A_549 : i32 to index
      %get3A_551 = arith.constant 0 : index
      %get3A_552 = tpu.vector_load %arg7[%get3A_550, %get3A_551] {strides = array<i32>} : memref<136x128xi32, #tpu.memory_space<vmem>>, vector<16xi32>,
      %get3A_553 = arith.index_cast %add3A_549 : i32 to index
      %get3A_554 = arith.constant 16 : index
      %get3A_555 = tpu.vector_load %arg7[%get3A_553, %get3A_554] {strides = array<i32>} : memref<136x128xi32, #tpu.memory_space<vmem>>, vector<16xi32>,
      %get3A_556 = arith.index_cast %add3A_549 : i32 to index
      %get3A_557 = arith.constant 32 : index
      %get3A_558 = tpu.vector_load %arg7[%get3A_556, %get3A_557] {strides = array<i32>} : memref<136x128xi32, #tpu.memory_space<vmem>>, vector<16xi32>,
      %get3A_559 = arith.index_cast %add3A_549 : i32 to index
      %get3A_560 = arith.constant 48 : index
      %get3A_561 = tpu.vector_load %arg7[%get3A_559, %get3A_560] {strides = array<i32>} : memref<136x128xi32, #tpu.memory_space<vmem>>, vector<16xi32>,
      %get3A_562 = arith.index_cast %add3A_549 : i32 to index
      %get3A_563 = arith.constant 64 : index
      %get3A_564 = tpu.vector_load %arg7[%get3A_562, %get3A_563] {strides = array<i32>} : memref<136x128xi32, #tpu.memory_space<vmem>>, vector<16xi32>,
      %get3A_565 = arith.index_cast %add3A_549 : i32 to index
      %get3A_566 = arith.constant 80 : index
      %get3A_567 = tpu.vector_load %arg7[%get3A_565, %get3A_566] {strides = array<i32>} : memref<136x128xi32, #tpu.memory_space<vmem>>, vector<16xi32>,
      %get3A_568 = arith.index_cast %add3A_549 : i32 to index
      %get3A_569 = arith.constant 96 : index
      %get3A_570 = tpu.vector_load %arg7[%get3A_568, %get3A_569] {strides = array<i32>} : memref<136x128xi32, #tpu.memory_space<vmem>>, vector<16xi32>,
      %get3A_571 = arith.index_cast %add3A_549 : i32 to index
      %get3A_572 = arith.constant 112 : index
      %get3A_573 = tpu.vector_load %arg7[%get3A_571, %get3A_572] {strides = array<i32>} : memref<136x128xi32, #tpu.memory_space<vmem>>, vector<16xi32>,
      %sub3A_574 = arith.subi %get3A_479, %get3A_552 : vector<16xi32>
      %convert_element_type3A_575 = arith.sitofp %sub3A_574 : vector<16xi32> to vector<16xf32>
      %add3A_576 = arith.addf %convert_element_type3A_575, %get3A_5 : vector<16xf32>
      %abs3A_577 = math.absf %add3A_576 : vector<16xf32>
      %sub3A_578 = arith.subi %get3A_482, %get3A_555 : vector<16xi32>
      %convert_element_type3A_579 = arith.sitofp %sub3A_578 : vector<16xi32> to vector<16xf32>
      %add3A_580 = arith.addf %convert_element_type3A_579, %get3A_9 : vector<16xf32>
      %abs3A_581 = math.absf %add3A_580 : vector<16xf32>
      %add3A_582 = arith.addf %abs3A_577, %abs3A_581 : vector<16xf32>
      %sub3A_583 = arith.subi %get3A_485, %get3A_558 : vector<16xi32>
      %convert_element_type3A_584 = arith.sitofp %sub3A_583 : vector<16xi32> to vector<16xf32>
      %add3A_585 = arith.addf %convert_element_type3A_584, %get3A_13 : vector<16xf32>
      %abs3A_586 = math.absf %add3A_585 : vector<16xf32>
      %add3A_587 = arith.addf %add3A_582, %abs3A_586 : vector<16xf32>
      %sub3A_588 = arith.subi %get3A_488, %get3A_561 : vector<16xi32>
      %convert_element_type3A_589 = arith.sitofp %sub3A_588 : vector<16xi32> to vector<16xf32>
      %add3A_590 = arith.addf %convert_element_type3A_589, %get3A_17 : vector<16xf32>
      %abs3A_591 = math.absf %add3A_590 : vector<16xf32>
      %add3A_592 = arith.addf %add3A_587, %abs3A_591 : vector<16xf32>
      %sub3A_593 = arith.subi %get3A_491, %get3A_564 : vector<16xi32>
      %convert_element_type3A_594 = arith.sitofp %sub3A_593 : vector<16xi32> to vector<16xf32>
      %add3A_595 = arith.addf %convert_element_type3A_594, %get3A_21 : vector<16xf32>
      %abs3A_596 = math.absf %add3A_595 : vector<16xf32>
      %add3A_597 = arith.addf %add3A_592, %abs3A_596 : vector<16xf32>
      %sub3A_598 = arith.subi %get3A_494, %get3A_567 : vector<16xi32>
      %convert_element_type3A_599 = arith.sitofp %sub3A_598 : vector<16xi32> to vector<16xf32>
      %add3A_600 = arith.addf %convert_element_type3A_599, %get3A_25 : vector<16xf32>
      %abs3A_601 = math.absf %add3A_600 : vector<16xf32>
      %add3A_602 = arith.addf %add3A_597, %abs3A_601 : vector<16xf32>
      %sub3A_603 = arith.subi %get3A_497, %get3A_570 : vector<16xi32>
      %convert_element_type3A_604 = arith.sitofp %sub3A_603 : vector<16xi32> to vector<16xf32>
      %add3A_605 = arith.addf %convert_element_type3A_604, %get3A_29 : vector<16xf32>
      %abs3A_606 = math.absf %add3A_605 : vector<16xf32>
      %add3A_607 = arith.addf %add3A_602, %abs3A_606 : vector<16xf32>
      %sub3A_608 = arith.subi %get3A_500, %get3A_573 : vector<16xi32>
      %convert_element_type3A_609 = arith.sitofp %sub3A_608 : vector<16xi32> to vector<16xf32>
      %add3A_610 = arith.addf %convert_element_type3A_609, %get3A_33 : vector<16xf32>
      %abs3A_611 = math.absf %add3A_610 : vector<16xf32>
      %add3A_612 = arith.addf %add3A_607, %abs3A_611 : vector<16xf32>
      %reduce_sum3A_613 = arith.constant true
      %reduce_sum3A_614 = vector.broadcast %reduce_sum3A_613 : i1 to vector<16xi1>
      %reduce_sum3A_615 = tpu.scan <sum>, %add3A_612 masked %reduce_sum3A_614 : vector<16xf32>, vector<16xi1> -> vector<16xf32>
      %reduce_sum3A_616 = vector.extract %reduce_sum3A_615[15] : f32 from vector<16xf32>
      %broadcast_in_dim3A_617 = vector.broadcast %reduce_sum3A_616 : f32 to vector<16xf32>
      %select_n3A_618 = arith.select %eq3A_50, %broadcast_in_dim3A_617, %select_n3A_545 : vector<16xi1>, vector<16xf32>
      %add3A_619 = arith.constant 6 : i32
      %add3A_620 = arith.addi %mul3A_184, %add3A_619 : i32
      %add3A_621 = arith.constant 1 : i32
      %add3A_622 = arith.addi %add3A_620, %add3A_621 : i32
      %get3A_623 = arith.index_cast %add3A_622 : i32 to index
      %get3A_624 = arith.constant 0 : index
      %get3A_625 = tpu.vector_load %arg7[%get3A_623, %get3A_624] {strides = array<i32>} : memref<136x128xi32, #tpu.memory_space<vmem>>, vector<16xi32>,
      %get3A_626 = arith.index_cast %add3A_622 : i32 to index
      %get3A_627 = arith.constant 16 : index
      %get3A_628 = tpu.vector_load %arg7[%get3A_626, %get3A_627] {strides = array<i32>} : memref<136x128xi32, #tpu.memory_space<vmem>>, vector<16xi32>,
      %get3A_629 = arith.index_cast %add3A_622 : i32 to index
      %get3A_630 = arith.constant 32 : index
      %get3A_631 = tpu.vector_load %arg7[%get3A_629, %get3A_630] {strides = array<i32>} : memref<136x128xi32, #tpu.memory_space<vmem>>, vector<16xi32>,
      %get3A_632 = arith.index_cast %add3A_622 : i32 to index
      %get3A_633 = arith.constant 48 : index
      %get3A_634 = tpu.vector_load %arg7[%get3A_632, %get3A_633] {strides = array<i32>} : memref<136x128xi32, #tpu.memory_space<vmem>>, vector<16xi32>,
      %get3A_635 = arith.index_cast %add3A_622 : i32 to index
      %get3A_636 = arith.constant 64 : index
      %get3A_637 = tpu.vector_load %arg7[%get3A_635, %get3A_636] {strides = array<i32>} : memref<136x128xi32, #tpu.memory_space<vmem>>, vector<16xi32>,
      %get3A_638 = arith.index_cast %add3A_622 : i32 to index
      %get3A_639 = arith.constant 80 : index
      %get3A_640 = tpu.vector_load %arg7[%get3A_638, %get3A_639] {strides = array<i32>} : memref<136x128xi32, #tpu.memory_space<vmem>>, vector<16xi32>,
      %get3A_641 = arith.index_cast %add3A_622 : i32 to index
      %get3A_642 = arith.constant 96 : index
      %get3A_643 = tpu.vector_load %arg7[%get3A_641, %get3A_642] {strides = array<i32>} : memref<136x128xi32, #tpu.memory_space<vmem>>, vector<16xi32>,
      %get3A_644 = arith.index_cast %add3A_622 : i32 to index
      %get3A_645 = arith.constant 112 : index
      %get3A_646 = tpu.vector_load %arg7[%get3A_644, %get3A_645] {strides = array<i32>} : memref<136x128xi32, #tpu.memory_space<vmem>>, vector<16xi32>,
      %sub3A_647 = arith.subi %get3A_552, %get3A_625 : vector<16xi32>
      %convert_element_type3A_648 = arith.sitofp %sub3A_647 : vector<16xi32> to vector<16xf32>
      %add3A_649 = arith.addf %convert_element_type3A_648, %get3A_5 : vector<16xf32>
      %abs3A_650 = math.absf %add3A_649 : vector<16xf32>
      %sub3A_651 = arith.subi %get3A_555, %get3A_628 : vector<16xi32>
      %convert_element_type3A_652 = arith.sitofp %sub3A_651 : vector<16xi32> to vector<16xf32>
      %add3A_653 = arith.addf %convert_element_type3A_652, %get3A_9 : vector<16xf32>
      %abs3A_654 = math.absf %add3A_653 : vector<16xf32>
      %add3A_655 = arith.addf %abs3A_650, %abs3A_654 : vector<16xf32>
      %sub3A_656 = arith.subi %get3A_558, %get3A_631 : vector<16xi32>
      %convert_element_type3A_657 = arith.sitofp %sub3A_656 : vector<16xi32> to vector<16xf32>
      %add3A_658 = arith.addf %convert_element_type3A_657, %get3A_13 : vector<16xf32>
      %abs3A_659 = math.absf %add3A_658 : vector<16xf32>
      %add3A_660 = arith.addf %add3A_655, %abs3A_659 : vector<16xf32>
      %sub3A_661 = arith.subi %get3A_561, %get3A_634 : vector<16xi32>
      %convert_element_type3A_662 = arith.sitofp %sub3A_661 : vector<16xi32> to vector<16xf32>
      %add3A_663 = arith.addf %convert_element_type3A_662, %get3A_17 : vector<16xf32>
      %abs3A_664 = math.absf %add3A_663 : vector<16xf32>
      %add3A_665 = arith.addf %add3A_660, %abs3A_664 : vector<16xf32>
      %sub3A_666 = arith.subi %get3A_564, %get3A_637 : vector<16xi32>
      %convert_element_type3A_667 = arith.sitofp %sub3A_666 : vector<16xi32> to vector<16xf32>
      %add3A_668 = arith.addf %convert_element_type3A_667, %get3A_21 : vector<16xf32>
      %abs3A_669 = math.absf %add3A_668 : vector<16xf32>
      %add3A_670 = arith.addf %add3A_665, %abs3A_669 : vector<16xf32>
      %sub3A_671 = arith.subi %get3A_567, %get3A_640 : vector<16xi32>
      %convert_element_type3A_672 = arith.sitofp %sub3A_671 : vector<16xi32> to vector<16xf32>
      %add3A_673 = arith.addf %convert_element_type3A_672, %get3A_25 : vector<16xf32>
      %abs3A_674 = math.absf %add3A_673 : vector<16xf32>
      %add3A_675 = arith.addf %add3A_670, %abs3A_674 : vector<16xf32>
      %sub3A_676 = arith.subi %get3A_570, %get3A_643 : vector<16xi32>
      %convert_element_type3A_677 = arith.sitofp %sub3A_676 : vector<16xi32> to vector<16xf32>
      %add3A_678 = arith.addf %convert_element_type3A_677, %get3A_29 : vector<16xf32>
      %abs3A_679 = math.absf %add3A_678 : vector<16xf32>
      %add3A_680 = arith.addf %add3A_675, %abs3A_679 : vector<16xf32>
      %sub3A_681 = arith.subi %get3A_573, %get3A_646 : vector<16xi32>
      %convert_element_type3A_682 = arith.sitofp %sub3A_681 : vector<16xi32> to vector<16xf32>
      %add3A_683 = arith.addf %convert_element_type3A_682, %get3A_33 : vector<16xf32>
      %abs3A_684 = math.absf %add3A_683 : vector<16xf32>
      %add3A_685 = arith.addf %add3A_680, %abs3A_684 : vector<16xf32>
      %reduce_sum3A_686 = arith.constant true
      %reduce_sum3A_687 = vector.broadcast %reduce_sum3A_686 : i1 to vector<16xi1>
      %reduce_sum3A_688 = tpu.scan <sum>, %add3A_685 masked %reduce_sum3A_687 : vector<16xf32>, vector<16xi1> -> vector<16xf32>
      %reduce_sum3A_689 = vector.extract %reduce_sum3A_688[15] : f32 from vector<16xf32>
      %broadcast_in_dim3A_690 = vector.broadcast %reduce_sum3A_689 : f32 to vector<16xf32>
      %select_n3A_691 = arith.select %eq3A_53, %broadcast_in_dim3A_690, %select_n3A_618 : vector<16xi1>, vector<16xf32>
      %add3A_692 = arith.constant 7 : i32
      %add3A_693 = arith.addi %mul3A_184, %add3A_692 : i32
      %add3A_694 = arith.constant 1 : i32
      %add3A_695 = arith.addi %add3A_693, %add3A_694 : i32
      %get3A_696 = arith.index_cast %add3A_695 : i32 to index
      %get3A_697 = arith.constant 0 : index
      %get3A_698 = tpu.vector_load %arg7[%get3A_696, %get3A_697] {strides = array<i32>} : memref<136x128xi32, #tpu.memory_space<vmem>>, vector<16xi32>,
      %get3A_699 = arith.index_cast %add3A_695 : i32 to index
      %get3A_700 = arith.constant 16 : index
      %get3A_701 = tpu.vector_load %arg7[%get3A_699, %get3A_700] {strides = array<i32>} : memref<136x128xi32, #tpu.memory_space<vmem>>, vector<16xi32>,
      %get3A_702 = arith.index_cast %add3A_695 : i32 to index
      %get3A_703 = arith.constant 32 : index
      %get3A_704 = tpu.vector_load %arg7[%get3A_702, %get3A_703] {strides = array<i32>} : memref<136x128xi32, #tpu.memory_space<vmem>>, vector<16xi32>,
      %get3A_705 = arith.index_cast %add3A_695 : i32 to index
      %get3A_706 = arith.constant 48 : index
      %get3A_707 = tpu.vector_load %arg7[%get3A_705, %get3A_706] {strides = array<i32>} : memref<136x128xi32, #tpu.memory_space<vmem>>, vector<16xi32>,
      %get3A_708 = arith.index_cast %add3A_695 : i32 to index
      %get3A_709 = arith.constant 64 : index
      %get3A_710 = tpu.vector_load %arg7[%get3A_708, %get3A_709] {strides = array<i32>} : memref<136x128xi32, #tpu.memory_space<vmem>>, vector<16xi32>,
      %get3A_711 = arith.index_cast %add3A_695 : i32 to index
      %get3A_712 = arith.constant 80 : index
      %get3A_713 = tpu.vector_load %arg7[%get3A_711, %get3A_712] {strides = array<i32>} : memref<136x128xi32, #tpu.memory_space<vmem>>, vector<16xi32>,
      %get3A_714 = arith.index_cast %add3A_695 : i32 to index
      %get3A_715 = arith.constant 96 : index
      %get3A_716 = tpu.vector_load %arg7[%get3A_714, %get3A_715] {strides = array<i32>} : memref<136x128xi32, #tpu.memory_space<vmem>>, vector<16xi32>,
      %get3A_717 = arith.index_cast %add3A_695 : i32 to index
      %get3A_718 = arith.constant 112 : index
      %get3A_719 = tpu.vector_load %arg7[%get3A_717, %get3A_718] {strides = array<i32>} : memref<136x128xi32, #tpu.memory_space<vmem>>, vector<16xi32>,
      %sub3A_720 = arith.subi %get3A_625, %get3A_698 : vector<16xi32>
      %convert_element_type3A_721 = arith.sitofp %sub3A_720 : vector<16xi32> to vector<16xf32>
      %add3A_722 = arith.addf %convert_element_type3A_721, %get3A_5 : vector<16xf32>
      %abs3A_723 = math.absf %add3A_722 : vector<16xf32>
      %sub3A_724 = arith.subi %get3A_628, %get3A_701 : vector<16xi32>
      %convert_element_type3A_725 = arith.sitofp %sub3A_724 : vector<16xi32> to vector<16xf32>
      %add3A_726 = arith.addf %convert_element_type3A_725, %get3A_9 : vector<16xf32>
      %abs3A_727 = math.absf %add3A_726 : vector<16xf32>
      %add3A_728 = arith.addf %abs3A_723, %abs3A_727 : vector<16xf32>
      %sub3A_729 = arith.subi %get3A_631, %get3A_704 : vector<16xi32>
      %convert_element_type3A_730 = arith.sitofp %sub3A_729 : vector<16xi32> to vector<16xf32>
      %add3A_731 = arith.addf %convert_element_type3A_730, %get3A_13 : vector<16xf32>
      %abs3A_732 = math.absf %add3A_731 : vector<16xf32>
      %add3A_733 = arith.addf %add3A_728, %abs3A_732 : vector<16xf32>
      %sub3A_734 = arith.subi %get3A_634, %get3A_707 : vector<16xi32>
      %convert_element_type3A_735 = arith.sitofp %sub3A_734 : vector<16xi32> to vector<16xf32>
      %add3A_736 = arith.addf %convert_element_type3A_735, %get3A_17 : vector<16xf32>
      %abs3A_737 = math.absf %add3A_736 : vector<16xf32>
      %add3A_738 = arith.addf %add3A_733, %abs3A_737 : vector<16xf32>
      %sub3A_739 = arith.subi %get3A_637, %get3A_710 : vector<16xi32>
      %convert_element_type3A_740 = arith.sitofp %sub3A_739 : vector<16xi32> to vector<16xf32>
      %add3A_741 = arith.addf %convert_element_type3A_740, %get3A_21 : vector<16xf32>
      %abs3A_742 = math.absf %add3A_741 : vector<16xf32>
      %add3A_743 = arith.addf %add3A_738, %abs3A_742 : vector<16xf32>
      %sub3A_744 = arith.subi %get3A_640, %get3A_713 : vector<16xi32>
      %convert_element_type3A_745 = arith.sitofp %sub3A_744 : vector<16xi32> to vector<16xf32>
      %add3A_746 = arith.addf %convert_element_type3A_745, %get3A_25 : vector<16xf32>
      %abs3A_747 = math.absf %add3A_746 : vector<16xf32>
      %add3A_748 = arith.addf %add3A_743, %abs3A_747 : vector<16xf32>
      %sub3A_749 = arith.subi %get3A_643, %get3A_716 : vector<16xi32>
      %convert_element_type3A_750 = arith.sitofp %sub3A_749 : vector<16xi32> to vector<16xf32>
      %add3A_751 = arith.addf %convert_element_type3A_750, %get3A_29 : vector<16xf32>
      %abs3A_752 = math.absf %add3A_751 : vector<16xf32>
      %add3A_753 = arith.addf %add3A_748, %abs3A_752 : vector<16xf32>
      %sub3A_754 = arith.subi %get3A_646, %get3A_719 : vector<16xi32>
      %convert_element_type3A_755 = arith.sitofp %sub3A_754 : vector<16xi32> to vector<16xf32>
      %add3A_756 = arith.addf %convert_element_type3A_755, %get3A_33 : vector<16xf32>
      %abs3A_757 = math.absf %add3A_756 : vector<16xf32>
      %add3A_758 = arith.addf %add3A_753, %abs3A_757 : vector<16xf32>
      %reduce_sum3A_759 = arith.constant true
      %reduce_sum3A_760 = vector.broadcast %reduce_sum3A_759 : i1 to vector<16xi1>
      %reduce_sum3A_761 = tpu.scan <sum>, %add3A_758 masked %reduce_sum3A_760 : vector<16xf32>, vector<16xi1> -> vector<16xf32>
      %reduce_sum3A_762 = vector.extract %reduce_sum3A_761[15] : f32 from vector<16xf32>
      %broadcast_in_dim3A_763 = vector.broadcast %reduce_sum3A_762 : f32 to vector<16xf32>
      %select_n3A_764 = arith.select %eq3A_56, %broadcast_in_dim3A_763, %select_n3A_691 : vector<16xi1>, vector<16xf32>
      %add3A_765 = arith.constant 8 : i32
      %add3A_766 = arith.addi %mul3A_184, %add3A_765 : i32
      %add3A_767 = arith.constant 1 : i32
      %add3A_768 = arith.addi %add3A_766, %add3A_767 : i32
      %get3A_769 = arith.index_cast %add3A_768 : i32 to index
      %get3A_770 = arith.constant 0 : index
      %get3A_771 = tpu.vector_load %arg7[%get3A_769, %get3A_770] {strides = array<i32>} : memref<136x128xi32, #tpu.memory_space<vmem>>, vector<16xi32>,
      %get3A_772 = arith.index_cast %add3A_768 : i32 to index
      %get3A_773 = arith.constant 16 : index
      %get3A_774 = tpu.vector_load %arg7[%get3A_772, %get3A_773] {strides = array<i32>} : memref<136x128xi32, #tpu.memory_space<vmem>>, vector<16xi32>,
      %get3A_775 = arith.index_cast %add3A_768 : i32 to index
      %get3A_776 = arith.constant 32 : index
      %get3A_777 = tpu.vector_load %arg7[%get3A_775, %get3A_776] {strides = array<i32>} : memref<136x128xi32, #tpu.memory_space<vmem>>, vector<16xi32>,
      %get3A_778 = arith.index_cast %add3A_768 : i32 to index
      %get3A_779 = arith.constant 48 : index
      %get3A_780 = tpu.vector_load %arg7[%get3A_778, %get3A_779] {strides = array<i32>} : memref<136x128xi32, #tpu.memory_space<vmem>>, vector<16xi32>,
      %get3A_781 = arith.index_cast %add3A_768 : i32 to index
      %get3A_782 = arith.constant 64 : index
      %get3A_783 = tpu.vector_load %arg7[%get3A_781, %get3A_782] {strides = array<i32>} : memref<136x128xi32, #tpu.memory_space<vmem>>, vector<16xi32>,
      %get3A_784 = arith.index_cast %add3A_768 : i32 to index
      %get3A_785 = arith.constant 80 : index
      %get3A_786 = tpu.vector_load %arg7[%get3A_784, %get3A_785] {strides = array<i32>} : memref<136x128xi32, #tpu.memory_space<vmem>>, vector<16xi32>,
      %get3A_787 = arith.index_cast %add3A_768 : i32 to index
      %get3A_788 = arith.constant 96 : index
      %get3A_789 = tpu.vector_load %arg7[%get3A_787, %get3A_788] {strides = array<i32>} : memref<136x128xi32, #tpu.memory_space<vmem>>, vector<16xi32>,
      %get3A_790 = arith.index_cast %add3A_768 : i32 to index
      %get3A_791 = arith.constant 112 : index
      %get3A_792 = tpu.vector_load %arg7[%get3A_790, %get3A_791] {strides = array<i32>} : memref<136x128xi32, #tpu.memory_space<vmem>>, vector<16xi32>,
      %sub3A_793 = arith.subi %get3A_698, %get3A_771 : vector<16xi32>
      %convert_element_type3A_794 = arith.sitofp %sub3A_793 : vector<16xi32> to vector<16xf32>
      %add3A_795 = arith.addf %convert_element_type3A_794, %get3A_5 : vector<16xf32>
      %abs3A_796 = math.absf %add3A_795 : vector<16xf32>
      %sub3A_797 = arith.subi %get3A_701, %get3A_774 : vector<16xi32>
      %convert_element_type3A_798 = arith.sitofp %sub3A_797 : vector<16xi32> to vector<16xf32>
      %add3A_799 = arith.addf %convert_element_type3A_798, %get3A_9 : vector<16xf32>
      %abs3A_800 = math.absf %add3A_799 : vector<16xf32>
      %add3A_801 = arith.addf %abs3A_796, %abs3A_800 : vector<16xf32>
      %sub3A_802 = arith.subi %get3A_704, %get3A_777 : vector<16xi32>
      %convert_element_type3A_803 = arith.sitofp %sub3A_802 : vector<16xi32> to vector<16xf32>
      %add3A_804 = arith.addf %convert_element_type3A_803, %get3A_13 : vector<16xf32>
      %abs3A_805 = math.absf %add3A_804 : vector<16xf32>
      %add3A_806 = arith.addf %add3A_801, %abs3A_805 : vector<16xf32>
      %sub3A_807 = arith.subi %get3A_707, %get3A_780 : vector<16xi32>
      %convert_element_type3A_808 = arith.sitofp %sub3A_807 : vector<16xi32> to vector<16xf32>
      %add3A_809 = arith.addf %convert_element_type3A_808, %get3A_17 : vector<16xf32>
      %abs3A_810 = math.absf %add3A_809 : vector<16xf32>
      %add3A_811 = arith.addf %add3A_806, %abs3A_810 : vector<16xf32>
      %sub3A_812 = arith.subi %get3A_710, %get3A_783 : vector<16xi32>
      %convert_element_type3A_813 = arith.sitofp %sub3A_812 : vector<16xi32> to vector<16xf32>
      %add3A_814 = arith.addf %convert_element_type3A_813, %get3A_21 : vector<16xf32>
      %abs3A_815 = math.absf %add3A_814 : vector<16xf32>
      %add3A_816 = arith.addf %add3A_811, %abs3A_815 : vector<16xf32>
      %sub3A_817 = arith.subi %get3A_713, %get3A_786 : vector<16xi32>
      %convert_element_type3A_818 = arith.sitofp %sub3A_817 : vector<16xi32> to vector<16xf32>
      %add3A_819 = arith.addf %convert_element_type3A_818, %get3A_25 : vector<16xf32>
      %abs3A_820 = math.absf %add3A_819 : vector<16xf32>
      %add3A_821 = arith.addf %add3A_816, %abs3A_820 : vector<16xf32>
      %sub3A_822 = arith.subi %get3A_716, %get3A_789 : vector<16xi32>
      %convert_element_type3A_823 = arith.sitofp %sub3A_822 : vector<16xi32> to vector<16xf32>
      %add3A_824 = arith.addf %convert_element_type3A_823, %get3A_29 : vector<16xf32>
      %abs3A_825 = math.absf %add3A_824 : vector<16xf32>
      %add3A_826 = arith.addf %add3A_821, %abs3A_825 : vector<16xf32>
      %sub3A_827 = arith.subi %get3A_719, %get3A_792 : vector<16xi32>
      %convert_element_type3A_828 = arith.sitofp %sub3A_827 : vector<16xi32> to vector<16xf32>
      %add3A_829 = arith.addf %convert_element_type3A_828, %get3A_33 : vector<16xf32>
      %abs3A_830 = math.absf %add3A_829 : vector<16xf32>
      %add3A_831 = arith.addf %add3A_826, %abs3A_830 : vector<16xf32>
      %reduce_sum3A_832 = arith.constant true
      %reduce_sum3A_833 = vector.broadcast %reduce_sum3A_832 : i1 to vector<16xi1>
      %reduce_sum3A_834 = tpu.scan <sum>, %add3A_831 masked %reduce_sum3A_833 : vector<16xf32>, vector<16xi1> -> vector<16xf32>
      %reduce_sum3A_835 = vector.extract %reduce_sum3A_834[15] : f32 from vector<16xf32>
      %broadcast_in_dim3A_836 = vector.broadcast %reduce_sum3A_835 : f32 to vector<16xf32>
      %select_n3A_837 = arith.select %eq3A_59, %broadcast_in_dim3A_836, %select_n3A_764 : vector<16xi1>, vector<16xf32>
      %add3A_838 = arith.constant 9 : i32
      %add3A_839 = arith.addi %mul3A_184, %add3A_838 : i32
      %add3A_840 = arith.constant 1 : i32
      %add3A_841 = arith.addi %add3A_839, %add3A_840 : i32
      %get3A_842 = arith.index_cast %add3A_841 : i32 to index
      %get3A_843 = arith.constant 0 : index
      %get3A_844 = tpu.vector_load %arg7[%get3A_842, %get3A_843] {strides = array<i32>} : memref<136x128xi32, #tpu.memory_space<vmem>>, vector<16xi32>,
      %get3A_845 = arith.index_cast %add3A_841 : i32 to index
      %get3A_846 = arith.constant 16 : index
      %get3A_847 = tpu.vector_load %arg7[%get3A_845, %get3A_846] {strides = array<i32>} : memref<136x128xi32, #tpu.memory_space<vmem>>, vector<16xi32>,
      %get3A_848 = arith.index_cast %add3A_841 : i32 to index
      %get3A_849 = arith.constant 32 : index
      %get3A_850 = tpu.vector_load %arg7[%get3A_848, %get3A_849] {strides = array<i32>} : memref<136x128xi32, #tpu.memory_space<vmem>>, vector<16xi32>,
      %get3A_851 = arith.index_cast %add3A_841 : i32 to index
      %get3A_852 = arith.constant 48 : index
      %get3A_853 = tpu.vector_load %arg7[%get3A_851, %get3A_852] {strides = array<i32>} : memref<136x128xi32, #tpu.memory_space<vmem>>, vector<16xi32>,
      %get3A_854 = arith.index_cast %add3A_841 : i32 to index
      %get3A_855 = arith.constant 64 : index
      %get3A_856 = tpu.vector_load %arg7[%get3A_854, %get3A_855] {strides = array<i32>} : memref<136x128xi32, #tpu.memory_space<vmem>>, vector<16xi32>,
      %get3A_857 = arith.index_cast %add3A_841 : i32 to index
      %get3A_858 = arith.constant 80 : index
      %get3A_859 = tpu.vector_load %arg7[%get3A_857, %get3A_858] {strides = array<i32>} : memref<136x128xi32, #tpu.memory_space<vmem>>, vector<16xi32>,
      %get3A_860 = arith.index_cast %add3A_841 : i32 to index
      %get3A_861 = arith.constant 96 : index
      %get3A_862 = tpu.vector_load %arg7[%get3A_860, %get3A_861] {strides = array<i32>} : memref<136x128xi32, #tpu.memory_space<vmem>>, vector<16xi32>,
      %get3A_863 = arith.index_cast %add3A_841 : i32 to index
      %get3A_864 = arith.constant 112 : index
      %get3A_865 = tpu.vector_load %arg7[%get3A_863, %get3A_864] {strides = array<i32>} : memref<136x128xi32, #tpu.memory_space<vmem>>, vector<16xi32>,
      %sub3A_866 = arith.subi %get3A_771, %get3A_844 : vector<16xi32>
      %convert_element_type3A_867 = arith.sitofp %sub3A_866 : vector<16xi32> to vector<16xf32>
      %add3A_868 = arith.addf %convert_element_type3A_867, %get3A_5 : vector<16xf32>
      %abs3A_869 = math.absf %add3A_868 : vector<16xf32>
      %sub3A_870 = arith.subi %get3A_774, %get3A_847 : vector<16xi32>
      %convert_element_type3A_871 = arith.sitofp %sub3A_870 : vector<16xi32> to vector<16xf32>
      %add3A_872 = arith.addf %convert_element_type3A_871, %get3A_9 : vector<16xf32>
      %abs3A_873 = math.absf %add3A_872 : vector<16xf32>
      %add3A_874 = arith.addf %abs3A_869, %abs3A_873 : vector<16xf32>
      %sub3A_875 = arith.subi %get3A_777, %get3A_850 : vector<16xi32>
      %convert_element_type3A_876 = arith.sitofp %sub3A_875 : vector<16xi32> to vector<16xf32>
      %add3A_877 = arith.addf %convert_element_type3A_876, %get3A_13 : vector<16xf32>
      %abs3A_878 = math.absf %add3A_877 : vector<16xf32>
      %add3A_879 = arith.addf %add3A_874, %abs3A_878 : vector<16xf32>
      %sub3A_880 = arith.subi %get3A_780, %get3A_853 : vector<16xi32>
      %convert_element_type3A_881 = arith.sitofp %sub3A_880 : vector<16xi32> to vector<16xf32>
      %add3A_882 = arith.addf %convert_element_type3A_881, %get3A_17 : vector<16xf32>
      %abs3A_883 = math.absf %add3A_882 : vector<16xf32>
      %add3A_884 = arith.addf %add3A_879, %abs3A_883 : vector<16xf32>
      %sub3A_885 = arith.subi %get3A_783, %get3A_856 : vector<16xi32>
      %convert_element_type3A_886 = arith.sitofp %sub3A_885 : vector<16xi32> to vector<16xf32>
      %add3A_887 = arith.addf %convert_element_type3A_886, %get3A_21 : vector<16xf32>
      %abs3A_888 = math.absf %add3A_887 : vector<16xf32>
      %add3A_889 = arith.addf %add3A_884, %abs3A_888 : vector<16xf32>
      %sub3A_890 = arith.subi %get3A_786, %get3A_859 : vector<16xi32>
      %convert_element_type3A_891 = arith.sitofp %sub3A_890 : vector<16xi32> to vector<16xf32>
      %add3A_892 = arith.addf %convert_element_type3A_891, %get3A_25 : vector<16xf32>
      %abs3A_893 = math.absf %add3A_892 : vector<16xf32>
      %add3A_894 = arith.addf %add3A_889, %abs3A_893 : vector<16xf32>
      %sub3A_895 = arith.subi %get3A_789, %get3A_862 : vector<16xi32>
      %convert_element_type3A_896 = arith.sitofp %sub3A_895 : vector<16xi32> to vector<16xf32>
      %add3A_897 = arith.addf %convert_element_type3A_896, %get3A_29 : vector<16xf32>
      %abs3A_898 = math.absf %add3A_897 : vector<16xf32>
      %add3A_899 = arith.addf %add3A_894, %abs3A_898 : vector<16xf32>
      %sub3A_900 = arith.subi %get3A_792, %get3A_865 : vector<16xi32>
      %convert_element_type3A_901 = arith.sitofp %sub3A_900 : vector<16xi32> to vector<16xf32>
      %add3A_902 = arith.addf %convert_element_type3A_901, %get3A_33 : vector<16xf32>
      %abs3A_903 = math.absf %add3A_902 : vector<16xf32>
      %add3A_904 = arith.addf %add3A_899, %abs3A_903 : vector<16xf32>
      %reduce_sum3A_905 = arith.constant true
      %reduce_sum3A_906 = vector.broadcast %reduce_sum3A_905 : i1 to vector<16xi1>
      %reduce_sum3A_907 = tpu.scan <sum>, %add3A_904 masked %reduce_sum3A_906 : vector<16xf32>, vector<16xi1> -> vector<16xf32>
      %reduce_sum3A_908 = vector.extract %reduce_sum3A_907[15] : f32 from vector<16xf32>
      %broadcast_in_dim3A_909 = vector.broadcast %reduce_sum3A_908 : f32 to vector<16xf32>
      %select_n3A_910 = arith.select %eq3A_62, %broadcast_in_dim3A_909, %select_n3A_837 : vector<16xi1>, vector<16xf32>
      %add3A_911 = arith.constant 10 : i32
      %add3A_912 = arith.addi %mul3A_184, %add3A_911 : i32
      %add3A_913 = arith.constant 1 : i32
      %add3A_914 = arith.addi %add3A_912, %add3A_913 : i32
      %get3A_915 = arith.index_cast %add3A_914 : i32 to index
      %get3A_916 = arith.constant 0 : index
      %get3A_917 = tpu.vector_load %arg7[%get3A_915, %get3A_916] {strides = array<i32>} : memref<136x128xi32, #tpu.memory_space<vmem>>, vector<16xi32>,
      %get3A_918 = arith.index_cast %add3A_914 : i32 to index
      %get3A_919 = arith.constant 16 : index
      %get3A_920 = tpu.vector_load %arg7[%get3A_918, %get3A_919] {strides = array<i32>} : memref<136x128xi32, #tpu.memory_space<vmem>>, vector<16xi32>,
      %get3A_921 = arith.index_cast %add3A_914 : i32 to index
      %get3A_922 = arith.constant 32 : index
      %get3A_923 = tpu.vector_load %arg7[%get3A_921, %get3A_922] {strides = array<i32>} : memref<136x128xi32, #tpu.memory_space<vmem>>, vector<16xi32>,
      %get3A_924 = arith.index_cast %add3A_914 : i32 to index
      %get3A_925 = arith.constant 48 : index
      %get3A_926 = tpu.vector_load %arg7[%get3A_924, %get3A_925] {strides = array<i32>} : memref<136x128xi32, #tpu.memory_space<vmem>>, vector<16xi32>,
      %get3A_927 = arith.index_cast %add3A_914 : i32 to index
      %get3A_928 = arith.constant 64 : index
      %get3A_929 = tpu.vector_load %arg7[%get3A_927, %get3A_928] {strides = array<i32>} : memref<136x128xi32, #tpu.memory_space<vmem>>, vector<16xi32>,
      %get3A_930 = arith.index_cast %add3A_914 : i32 to index
      %get3A_931 = arith.constant 80 : index
      %get3A_932 = tpu.vector_load %arg7[%get3A_930, %get3A_931] {strides = array<i32>} : memref<136x128xi32, #tpu.memory_space<vmem>>, vector<16xi32>,
      %get3A_933 = arith.index_cast %add3A_914 : i32 to index
      %get3A_934 = arith.constant 96 : index
      %get3A_935 = tpu.vector_load %arg7[%get3A_933, %get3A_934] {strides = array<i32>} : memref<136x128xi32, #tpu.memory_space<vmem>>, vector<16xi32>,
      %get3A_936 = arith.index_cast %add3A_914 : i32 to index
      %get3A_937 = arith.constant 112 : index
      %get3A_938 = tpu.vector_load %arg7[%get3A_936, %get3A_937] {strides = array<i32>} : memref<136x128xi32, #tpu.memory_space<vmem>>, vector<16xi32>,
      %sub3A_939 = arith.subi %get3A_844, %get3A_917 : vector<16xi32>
      %convert_element_type3A_940 = arith.sitofp %sub3A_939 : vector<16xi32> to vector<16xf32>
      %add3A_941 = arith.addf %convert_element_type3A_940, %get3A_5 : vector<16xf32>
      %abs3A_942 = math.absf %add3A_941 : vector<16xf32>
      %sub3A_943 = arith.subi %get3A_847, %get3A_920 : vector<16xi32>
      %convert_element_type3A_944 = arith.sitofp %sub3A_943 : vector<16xi32> to vector<16xf32>
      %add3A_945 = arith.addf %convert_element_type3A_944, %get3A_9 : vector<16xf32>
      %abs3A_946 = math.absf %add3A_945 : vector<16xf32>
      %add3A_947 = arith.addf %abs3A_942, %abs3A_946 : vector<16xf32>
      %sub3A_948 = arith.subi %get3A_850, %get3A_923 : vector<16xi32>
      %convert_element_type3A_949 = arith.sitofp %sub3A_948 : vector<16xi32> to vector<16xf32>
      %add3A_950 = arith.addf %convert_element_type3A_949, %get3A_13 : vector<16xf32>
      %abs3A_951 = math.absf %add3A_950 : vector<16xf32>
      %add3A_952 = arith.addf %add3A_947, %abs3A_951 : vector<16xf32>
      %sub3A_953 = arith.subi %get3A_853, %get3A_926 : vector<16xi32>
      %convert_element_type3A_954 = arith.sitofp %sub3A_953 : vector<16xi32> to vector<16xf32>
      %add3A_955 = arith.addf %convert_element_type3A_954, %get3A_17 : vector<16xf32>
      %abs3A_956 = math.absf %add3A_955 : vector<16xf32>
      %add3A_957 = arith.addf %add3A_952, %abs3A_956 : vector<16xf32>
      %sub3A_958 = arith.subi %get3A_856, %get3A_929 : vector<16xi32>
      %convert_element_type3A_959 = arith.sitofp %sub3A_958 : vector<16xi32> to vector<16xf32>
      %add3A_960 = arith.addf %convert_element_type3A_959, %get3A_21 : vector<16xf32>
      %abs3A_961 = math.absf %add3A_960 : vector<16xf32>
      %add3A_962 = arith.addf %add3A_957, %abs3A_961 : vector<16xf32>
      %sub3A_963 = arith.subi %get3A_859, %get3A_932 : vector<16xi32>
      %convert_element_type3A_964 = arith.sitofp %sub3A_963 : vector<16xi32> to vector<16xf32>
      %add3A_965 = arith.addf %convert_element_type3A_964, %get3A_25 : vector<16xf32>
      %abs3A_966 = math.absf %add3A_965 : vector<16xf32>
      %add3A_967 = arith.addf %add3A_962, %abs3A_966 : vector<16xf32>
      %sub3A_968 = arith.subi %get3A_862, %get3A_935 : vector<16xi32>
      %convert_element_type3A_969 = arith.sitofp %sub3A_968 : vector<16xi32> to vector<16xf32>
      %add3A_970 = arith.addf %convert_element_type3A_969, %get3A_29 : vector<16xf32>
      %abs3A_971 = math.absf %add3A_970 : vector<16xf32>
      %add3A_972 = arith.addf %add3A_967, %abs3A_971 : vector<16xf32>
      %sub3A_973 = arith.subi %get3A_865, %get3A_938 : vector<16xi32>
      %convert_element_type3A_974 = arith.sitofp %sub3A_973 : vector<16xi32> to vector<16xf32>
      %add3A_975 = arith.addf %convert_element_type3A_974, %get3A_33 : vector<16xf32>
      %abs3A_976 = math.absf %add3A_975 : vector<16xf32>
      %add3A_977 = arith.addf %add3A_972, %abs3A_976 : vector<16xf32>
      %reduce_sum3A_978 = arith.constant true
      %reduce_sum3A_979 = vector.broadcast %reduce_sum3A_978 : i1 to vector<16xi1>
      %reduce_sum3A_980 = tpu.scan <sum>, %add3A_977 masked %reduce_sum3A_979 : vector<16xf32>, vector<16xi1> -> vector<16xf32>
      %reduce_sum3A_981 = vector.extract %reduce_sum3A_980[15] : f32 from vector<16xf32>
      %broadcast_in_dim3A_982 = vector.broadcast %reduce_sum3A_981 : f32 to vector<16xf32>
      %select_n3A_983 = arith.select %eq3A_65, %broadcast_in_dim3A_982, %select_n3A_910 : vector<16xi1>, vector<16xf32>
      %add3A_984 = arith.constant 11 : i32
      %add3A_985 = arith.addi %mul3A_184, %add3A_984 : i32
      %add3A_986 = arith.constant 1 : i32
      %add3A_987 = arith.addi %add3A_985, %add3A_986 : i32
      %get3A_988 = arith.index_cast %add3A_987 : i32 to index
      %get3A_989 = arith.constant 0 : index
      %get3A_990 = tpu.vector_load %arg7[%get3A_988, %get3A_989] {strides = array<i32>} : memref<136x128xi32, #tpu.memory_space<vmem>>, vector<16xi32>,
      %get3A_991 = arith.index_cast %add3A_987 : i32 to index
      %get3A_992 = arith.constant 16 : index
      %get3A_993 = tpu.vector_load %arg7[%get3A_991, %get3A_992] {strides = array<i32>} : memref<136x128xi32, #tpu.memory_space<vmem>>, vector<16xi32>,
      %get3A_994 = arith.index_cast %add3A_987 : i32 to index
      %get3A_995 = arith.constant 32 : index
      %get3A_996 = tpu.vector_load %arg7[%get3A_994, %get3A_995] {strides = array<i32>} : memref<136x128xi32, #tpu.memory_space<vmem>>, vector<16xi32>,
      %get3A_997 = arith.index_cast %add3A_987 : i32 to index
      %get3A_998 = arith.constant 48 : index
      %get3A_999 = tpu.vector_load %arg7[%get3A_997, %get3A_998] {strides = array<i32>} : memref<136x128xi32, #tpu.memory_space<vmem>>, vector<16xi32>,
      %get3A_1000 = arith.index_cast %add3A_987 : i32 to index
      %get3A_1001 = arith.constant 64 : index
      %get3A_1002 = tpu.vector_load %arg7[%get3A_1000, %get3A_1001] {strides = array<i32>} : memref<136x128xi32, #tpu.memory_space<vmem>>, vector<16xi32>,
      %get3A_1003 = arith.index_cast %add3A_987 : i32 to index
      %get3A_1004 = arith.constant 80 : index
      %get3A_1005 = tpu.vector_load %arg7[%get3A_1003, %get3A_1004] {strides = array<i32>} : memref<136x128xi32, #tpu.memory_space<vmem>>, vector<16xi32>,
      %get3A_1006 = arith.index_cast %add3A_987 : i32 to index
      %get3A_1007 = arith.constant 96 : index
      %get3A_1008 = tpu.vector_load %arg7[%get3A_1006, %get3A_1007] {strides = array<i32>} : memref<136x128xi32, #tpu.memory_space<vmem>>, vector<16xi32>,
      %get3A_1009 = arith.index_cast %add3A_987 : i32 to index
      %get3A_1010 = arith.constant 112 : index
      %get3A_1011 = tpu.vector_load %arg7[%get3A_1009, %get3A_1010] {strides = array<i32>} : memref<136x128xi32, #tpu.memory_space<vmem>>, vector<16xi32>,
      %sub3A_1012 = arith.subi %get3A_917, %get3A_990 : vector<16xi32>
      %convert_element_type3A_1013 = arith.sitofp %sub3A_1012 : vector<16xi32> to vector<16xf32>
      %add3A_1014 = arith.addf %convert_element_type3A_1013, %get3A_5 : vector<16xf32>
      %abs3A_1015 = math.absf %add3A_1014 : vector<16xf32>
      %sub3A_1016 = arith.subi %get3A_920, %get3A_993 : vector<16xi32>
      %convert_element_type3A_1017 = arith.sitofp %sub3A_1016 : vector<16xi32> to vector<16xf32>
      %add3A_1018 = arith.addf %convert_element_type3A_1017, %get3A_9 : vector<16xf32>
      %abs3A_1019 = math.absf %add3A_1018 : vector<16xf32>
      %add3A_1020 = arith.addf %abs3A_1015, %abs3A_1019 : vector<16xf32>
      %sub3A_1021 = arith.subi %get3A_923, %get3A_996 : vector<16xi32>
      %convert_element_type3A_1022 = arith.sitofp %sub3A_1021 : vector<16xi32> to vector<16xf32>
      %add3A_1023 = arith.addf %convert_element_type3A_1022, %get3A_13 : vector<16xf32>
      %abs3A_1024 = math.absf %add3A_1023 : vector<16xf32>
      %add3A_1025 = arith.addf %add3A_1020, %abs3A_1024 : vector<16xf32>
      %sub3A_1026 = arith.subi %get3A_926, %get3A_999 : vector<16xi32>
      %convert_element_type3A_1027 = arith.sitofp %sub3A_1026 : vector<16xi32> to vector<16xf32>
      %add3A_1028 = arith.addf %convert_element_type3A_1027, %get3A_17 : vector<16xf32>
      %abs3A_1029 = math.absf %add3A_1028 : vector<16xf32>
      %add3A_1030 = arith.addf %add3A_1025, %abs3A_1029 : vector<16xf32>
      %sub3A_1031 = arith.subi %get3A_929, %get3A_1002 : vector<16xi32>
      %convert_element_type3A_1032 = arith.sitofp %sub3A_1031 : vector<16xi32> to vector<16xf32>
      %add3A_1033 = arith.addf %convert_element_type3A_1032, %get3A_21 : vector<16xf32>
      %abs3A_1034 = math.absf %add3A_1033 : vector<16xf32>
      %add3A_1035 = arith.addf %add3A_1030, %abs3A_1034 : vector<16xf32>
      %sub3A_1036 = arith.subi %get3A_932, %get3A_1005 : vector<16xi32>
      %convert_element_type3A_1037 = arith.sitofp %sub3A_1036 : vector<16xi32> to vector<16xf32>
      %add3A_1038 = arith.addf %convert_element_type3A_1037, %get3A_25 : vector<16xf32>
      %abs3A_1039 = math.absf %add3A_1038 : vector<16xf32>
      %add3A_1040 = arith.addf %add3A_1035, %abs3A_1039 : vector<16xf32>
      %sub3A_1041 = arith.subi %get3A_935, %get3A_1008 : vector<16xi32>
      %convert_element_type3A_1042 = arith.sitofp %sub3A_1041 : vector<16xi32> to vector<16xf32>
      %add3A_1043 = arith.addf %convert_element_type3A_1042, %get3A_29 : vector<16xf32>
      %abs3A_1044 = math.absf %add3A_1043 : vector<16xf32>
      %add3A_1045 = arith.addf %add3A_1040, %abs3A_1044 : vector<16xf32>
      %sub3A_1046 = arith.subi %get3A_938, %get3A_1011 : vector<16xi32>
      %convert_element_type3A_1047 = arith.sitofp %sub3A_1046 : vector<16xi32> to vector<16xf32>
      %add3A_1048 = arith.addf %convert_element_type3A_1047, %get3A_33 : vector<16xf32>
      %abs3A_1049 = math.absf %add3A_1048 : vector<16xf32>
      %add3A_1050 = arith.addf %add3A_1045, %abs3A_1049 : vector<16xf32>
      %reduce_sum3A_1051 = arith.constant true
      %reduce_sum3A_1052 = vector.broadcast %reduce_sum3A_1051 : i1 to vector<16xi1>
      %reduce_sum3A_1053 = tpu.scan <sum>, %add3A_1050 masked %reduce_sum3A_1052 : vector<16xf32>, vector<16xi1> -> vector<16xf32>
      %reduce_sum3A_1054 = vector.extract %reduce_sum3A_1053[15] : f32 from vector<16xf32>
      %broadcast_in_dim3A_1055 = vector.broadcast %reduce_sum3A_1054 : f32 to vector<16xf32>
      %select_n3A_1056 = arith.select %eq3A_68, %broadcast_in_dim3A_1055, %select_n3A_983 : vector<16xi1>, vector<16xf32>
      %add3A_1057 = arith.constant 12 : i32
      %add3A_1058 = arith.addi %mul3A_184, %add3A_1057 : i32
      %add3A_1059 = arith.constant 1 : i32
      %add3A_1060 = arith.addi %add3A_1058, %add3A_1059 : i32
      %get3A_1061 = arith.index_cast %add3A_1060 : i32 to index
      %get3A_1062 = arith.constant 0 : index
      %get3A_1063 = tpu.vector_load %arg7[%get3A_1061, %get3A_1062] {strides = array<i32>} : memref<136x128xi32, #tpu.memory_space<vmem>>, vector<16xi32>,
      %get3A_1064 = arith.index_cast %add3A_1060 : i32 to index
      %get3A_1065 = arith.constant 16 : index
      %get3A_1066 = tpu.vector_load %arg7[%get3A_1064, %get3A_1065] {strides = array<i32>} : memref<136x128xi32, #tpu.memory_space<vmem>>, vector<16xi32>,
      %get3A_1067 = arith.index_cast %add3A_1060 : i32 to index
      %get3A_1068 = arith.constant 32 : index
      %get3A_1069 = tpu.vector_load %arg7[%get3A_1067, %get3A_1068] {strides = array<i32>} : memref<136x128xi32, #tpu.memory_space<vmem>>, vector<16xi32>,
      %get3A_1070 = arith.index_cast %add3A_1060 : i32 to index
      %get3A_1071 = arith.constant 48 : index
      %get3A_1072 = tpu.vector_load %arg7[%get3A_1070, %get3A_1071] {strides = array<i32>} : memref<136x128xi32, #tpu.memory_space<vmem>>, vector<16xi32>,
      %get3A_1073 = arith.index_cast %add3A_1060 : i32 to index
      %get3A_1074 = arith.constant 64 : index
      %get3A_1075 = tpu.vector_load %arg7[%get3A_1073, %get3A_1074] {strides = array<i32>} : memref<136x128xi32, #tpu.memory_space<vmem>>, vector<16xi32>,
      %get3A_1076 = arith.index_cast %add3A_1060 : i32 to index
      %get3A_1077 = arith.constant 80 : index
      %get3A_1078 = tpu.vector_load %arg7[%get3A_1076, %get3A_1077] {strides = array<i32>} : memref<136x128xi32, #tpu.memory_space<vmem>>, vector<16xi32>,
      %get3A_1079 = arith.index_cast %add3A_1060 : i32 to index
      %get3A_1080 = arith.constant 96 : index
      %get3A_1081 = tpu.vector_load %arg7[%get3A_1079, %get3A_1080] {strides = array<i32>} : memref<136x128xi32, #tpu.memory_space<vmem>>, vector<16xi32>,
      %get3A_1082 = arith.index_cast %add3A_1060 : i32 to index
      %get3A_1083 = arith.constant 112 : index
      %get3A_1084 = tpu.vector_load %arg7[%get3A_1082, %get3A_1083] {strides = array<i32>} : memref<136x128xi32, #tpu.memory_space<vmem>>, vector<16xi32>,
      %sub3A_1085 = arith.subi %get3A_990, %get3A_1063 : vector<16xi32>
      %convert_element_type3A_1086 = arith.sitofp %sub3A_1085 : vector<16xi32> to vector<16xf32>
      %add3A_1087 = arith.addf %convert_element_type3A_1086, %get3A_5 : vector<16xf32>
      %abs3A_1088 = math.absf %add3A_1087 : vector<16xf32>
      %sub3A_1089 = arith.subi %get3A_993, %get3A_1066 : vector<16xi32>
      %convert_element_type3A_1090 = arith.sitofp %sub3A_1089 : vector<16xi32> to vector<16xf32>
      %add3A_1091 = arith.addf %convert_element_type3A_1090, %get3A_9 : vector<16xf32>
      %abs3A_1092 = math.absf %add3A_1091 : vector<16xf32>
      %add3A_1093 = arith.addf %abs3A_1088, %abs3A_1092 : vector<16xf32>
      %sub3A_1094 = arith.subi %get3A_996, %get3A_1069 : vector<16xi32>
      %convert_element_type3A_1095 = arith.sitofp %sub3A_1094 : vector<16xi32> to vector<16xf32>
      %add3A_1096 = arith.addf %convert_element_type3A_1095, %get3A_13 : vector<16xf32>
      %abs3A_1097 = math.absf %add3A_1096 : vector<16xf32>
      %add3A_1098 = arith.addf %add3A_1093, %abs3A_1097 : vector<16xf32>
      %sub3A_1099 = arith.subi %get3A_999, %get3A_1072 : vector<16xi32>
      %convert_element_type3A_1100 = arith.sitofp %sub3A_1099 : vector<16xi32> to vector<16xf32>
      %add3A_1101 = arith.addf %convert_element_type3A_1100, %get3A_17 : vector<16xf32>
      %abs3A_1102 = math.absf %add3A_1101 : vector<16xf32>
      %add3A_1103 = arith.addf %add3A_1098, %abs3A_1102 : vector<16xf32>
      %sub3A_1104 = arith.subi %get3A_1002, %get3A_1075 : vector<16xi32>
      %convert_element_type3A_1105 = arith.sitofp %sub3A_1104 : vector<16xi32> to vector<16xf32>
      %add3A_1106 = arith.addf %convert_element_type3A_1105, %get3A_21 : vector<16xf32>
      %abs3A_1107 = math.absf %add3A_1106 : vector<16xf32>
      %add3A_1108 = arith.addf %add3A_1103, %abs3A_1107 : vector<16xf32>
      %sub3A_1109 = arith.subi %get3A_1005, %get3A_1078 : vector<16xi32>
      %convert_element_type3A_1110 = arith.sitofp %sub3A_1109 : vector<16xi32> to vector<16xf32>
      %add3A_1111 = arith.addf %convert_element_type3A_1110, %get3A_25 : vector<16xf32>
      %abs3A_1112 = math.absf %add3A_1111 : vector<16xf32>
      %add3A_1113 = arith.addf %add3A_1108, %abs3A_1112 : vector<16xf32>
      %sub3A_1114 = arith.subi %get3A_1008, %get3A_1081 : vector<16xi32>
      %convert_element_type3A_1115 = arith.sitofp %sub3A_1114 : vector<16xi32> to vector<16xf32>
      %add3A_1116 = arith.addf %convert_element_type3A_1115, %get3A_29 : vector<16xf32>
      %abs3A_1117 = math.absf %add3A_1116 : vector<16xf32>
      %add3A_1118 = arith.addf %add3A_1113, %abs3A_1117 : vector<16xf32>
      %sub3A_1119 = arith.subi %get3A_1011, %get3A_1084 : vector<16xi32>
      %convert_element_type3A_1120 = arith.sitofp %sub3A_1119 : vector<16xi32> to vector<16xf32>
      %add3A_1121 = arith.addf %convert_element_type3A_1120, %get3A_33 : vector<16xf32>
      %abs3A_1122 = math.absf %add3A_1121 : vector<16xf32>
      %add3A_1123 = arith.addf %add3A_1118, %abs3A_1122 : vector<16xf32>
      %reduce_sum3A_1124 = arith.constant true
      %reduce_sum3A_1125 = vector.broadcast %reduce_sum3A_1124 : i1 to vector<16xi1>
      %reduce_sum3A_1126 = tpu.scan <sum>, %add3A_1123 masked %reduce_sum3A_1125 : vector<16xf32>, vector<16xi1> -> vector<16xf32>
      %reduce_sum3A_1127 = vector.extract %reduce_sum3A_1126[15] : f32 from vector<16xf32>
      %broadcast_in_dim3A_1128 = vector.broadcast %reduce_sum3A_1127 : f32 to vector<16xf32>
      %select_n3A_1129 = arith.select %eq3A_71, %broadcast_in_dim3A_1128, %select_n3A_1056 : vector<16xi1>, vector<16xf32>
      %add3A_1130 = arith.constant 13 : i32
      %add3A_1131 = arith.addi %mul3A_184, %add3A_1130 : i32
      %add3A_1132 = arith.constant 1 : i32
      %add3A_1133 = arith.addi %add3A_1131, %add3A_1132 : i32
      %get3A_1134 = arith.index_cast %add3A_1133 : i32 to index
      %get3A_1135 = arith.constant 0 : index
      %get3A_1136 = tpu.vector_load %arg7[%get3A_1134, %get3A_1135] {strides = array<i32>} : memref<136x128xi32, #tpu.memory_space<vmem>>, vector<16xi32>,
      %get3A_1137 = arith.index_cast %add3A_1133 : i32 to index
      %get3A_1138 = arith.constant 16 : index
      %get3A_1139 = tpu.vector_load %arg7[%get3A_1137, %get3A_1138] {strides = array<i32>} : memref<136x128xi32, #tpu.memory_space<vmem>>, vector<16xi32>,
      %get3A_1140 = arith.index_cast %add3A_1133 : i32 to index
      %get3A_1141 = arith.constant 32 : index
      %get3A_1142 = tpu.vector_load %arg7[%get3A_1140, %get3A_1141] {strides = array<i32>} : memref<136x128xi32, #tpu.memory_space<vmem>>, vector<16xi32>,
      %get3A_1143 = arith.index_cast %add3A_1133 : i32 to index
      %get3A_1144 = arith.constant 48 : index
      %get3A_1145 = tpu.vector_load %arg7[%get3A_1143, %get3A_1144] {strides = array<i32>} : memref<136x128xi32, #tpu.memory_space<vmem>>, vector<16xi32>,
      %get3A_1146 = arith.index_cast %add3A_1133 : i32 to index
      %get3A_1147 = arith.constant 64 : index
      %get3A_1148 = tpu.vector_load %arg7[%get3A_1146, %get3A_1147] {strides = array<i32>} : memref<136x128xi32, #tpu.memory_space<vmem>>, vector<16xi32>,
      %get3A_1149 = arith.index_cast %add3A_1133 : i32 to index
      %get3A_1150 = arith.constant 80 : index
      %get3A_1151 = tpu.vector_load %arg7[%get3A_1149, %get3A_1150] {strides = array<i32>} : memref<136x128xi32, #tpu.memory_space<vmem>>, vector<16xi32>,
      %get3A_1152 = arith.index_cast %add3A_1133 : i32 to index
      %get3A_1153 = arith.constant 96 : index
      %get3A_1154 = tpu.vector_load %arg7[%get3A_1152, %get3A_1153] {strides = array<i32>} : memref<136x128xi32, #tpu.memory_space<vmem>>, vector<16xi32>,
      %get3A_1155 = arith.index_cast %add3A_1133 : i32 to index
      %get3A_1156 = arith.constant 112 : index
      %get3A_1157 = tpu.vector_load %arg7[%get3A_1155, %get3A_1156] {strides = array<i32>} : memref<136x128xi32, #tpu.memory_space<vmem>>, vector<16xi32>,
      %sub3A_1158 = arith.subi %get3A_1063, %get3A_1136 : vector<16xi32>
      %convert_element_type3A_1159 = arith.sitofp %sub3A_1158 : vector<16xi32> to vector<16xf32>
      %add3A_1160 = arith.addf %convert_element_type3A_1159, %get3A_5 : vector<16xf32>
      %abs3A_1161 = math.absf %add3A_1160 : vector<16xf32>
      %sub3A_1162 = arith.subi %get3A_1066, %get3A_1139 : vector<16xi32>
      %convert_element_type3A_1163 = arith.sitofp %sub3A_1162 : vector<16xi32> to vector<16xf32>
      %add3A_1164 = arith.addf %convert_element_type3A_1163, %get3A_9 : vector<16xf32>
      %abs3A_1165 = math.absf %add3A_1164 : vector<16xf32>
      %add3A_1166 = arith.addf %abs3A_1161, %abs3A_1165 : vector<16xf32>
      %sub3A_1167 = arith.subi %get3A_1069, %get3A_1142 : vector<16xi32>
      %convert_element_type3A_1168 = arith.sitofp %sub3A_1167 : vector<16xi32> to vector<16xf32>
      %add3A_1169 = arith.addf %convert_element_type3A_1168, %get3A_13 : vector<16xf32>
      %abs3A_1170 = math.absf %add3A_1169 : vector<16xf32>
      %add3A_1171 = arith.addf %add3A_1166, %abs3A_1170 : vector<16xf32>
      %sub3A_1172 = arith.subi %get3A_1072, %get3A_1145 : vector<16xi32>
      %convert_element_type3A_1173 = arith.sitofp %sub3A_1172 : vector<16xi32> to vector<16xf32>
      %add3A_1174 = arith.addf %convert_element_type3A_1173, %get3A_17 : vector<16xf32>
      %abs3A_1175 = math.absf %add3A_1174 : vector<16xf32>
      %add3A_1176 = arith.addf %add3A_1171, %abs3A_1175 : vector<16xf32>
      %sub3A_1177 = arith.subi %get3A_1075, %get3A_1148 : vector<16xi32>
      %convert_element_type3A_1178 = arith.sitofp %sub3A_1177 : vector<16xi32> to vector<16xf32>
      %add3A_1179 = arith.addf %convert_element_type3A_1178, %get3A_21 : vector<16xf32>
      %abs3A_1180 = math.absf %add3A_1179 : vector<16xf32>
      %add3A_1181 = arith.addf %add3A_1176, %abs3A_1180 : vector<16xf32>
      %sub3A_1182 = arith.subi %get3A_1078, %get3A_1151 : vector<16xi32>
      %convert_element_type3A_1183 = arith.sitofp %sub3A_1182 : vector<16xi32> to vector<16xf32>
      %add3A_1184 = arith.addf %convert_element_type3A_1183, %get3A_25 : vector<16xf32>
      %abs3A_1185 = math.absf %add3A_1184 : vector<16xf32>
      %add3A_1186 = arith.addf %add3A_1181, %abs3A_1185 : vector<16xf32>
      %sub3A_1187 = arith.subi %get3A_1081, %get3A_1154 : vector<16xi32>
      %convert_element_type3A_1188 = arith.sitofp %sub3A_1187 : vector<16xi32> to vector<16xf32>
      %add3A_1189 = arith.addf %convert_element_type3A_1188, %get3A_29 : vector<16xf32>
      %abs3A_1190 = math.absf %add3A_1189 : vector<16xf32>
      %add3A_1191 = arith.addf %add3A_1186, %abs3A_1190 : vector<16xf32>
      %sub3A_1192 = arith.subi %get3A_1084, %get3A_1157 : vector<16xi32>
      %convert_element_type3A_1193 = arith.sitofp %sub3A_1192 : vector<16xi32> to vector<16xf32>
      %add3A_1194 = arith.addf %convert_element_type3A_1193, %get3A_33 : vector<16xf32>
      %abs3A_1195 = math.absf %add3A_1194 : vector<16xf32>
      %add3A_1196 = arith.addf %add3A_1191, %abs3A_1195 : vector<16xf32>
      %reduce_sum3A_1197 = arith.constant true
      %reduce_sum3A_1198 = vector.broadcast %reduce_sum3A_1197 : i1 to vector<16xi1>
      %reduce_sum3A_1199 = tpu.scan <sum>, %add3A_1196 masked %reduce_sum3A_1198 : vector<16xf32>, vector<16xi1> -> vector<16xf32>
      %reduce_sum3A_1200 = vector.extract %reduce_sum3A_1199[15] : f32 from vector<16xf32>
      %broadcast_in_dim3A_1201 = vector.broadcast %reduce_sum3A_1200 : f32 to vector<16xf32>
      %select_n3A_1202 = arith.select %eq3A_74, %broadcast_in_dim3A_1201, %select_n3A_1129 : vector<16xi1>, vector<16xf32>
      %add3A_1203 = arith.constant 14 : i32
      %add3A_1204 = arith.addi %mul3A_184, %add3A_1203 : i32
      %add3A_1205 = arith.constant 1 : i32
      %add3A_1206 = arith.addi %add3A_1204, %add3A_1205 : i32
      %get3A_1207 = arith.index_cast %add3A_1206 : i32 to index
      %get3A_1208 = arith.constant 0 : index
      %get3A_1209 = tpu.vector_load %arg7[%get3A_1207, %get3A_1208] {strides = array<i32>} : memref<136x128xi32, #tpu.memory_space<vmem>>, vector<16xi32>,
      %get3A_1210 = arith.index_cast %add3A_1206 : i32 to index
      %get3A_1211 = arith.constant 16 : index
      %get3A_1212 = tpu.vector_load %arg7[%get3A_1210, %get3A_1211] {strides = array<i32>} : memref<136x128xi32, #tpu.memory_space<vmem>>, vector<16xi32>,
      %get3A_1213 = arith.index_cast %add3A_1206 : i32 to index
      %get3A_1214 = arith.constant 32 : index
      %get3A_1215 = tpu.vector_load %arg7[%get3A_1213, %get3A_1214] {strides = array<i32>} : memref<136x128xi32, #tpu.memory_space<vmem>>, vector<16xi32>,
      %get3A_1216 = arith.index_cast %add3A_1206 : i32 to index
      %get3A_1217 = arith.constant 48 : index
      %get3A_1218 = tpu.vector_load %arg7[%get3A_1216, %get3A_1217] {strides = array<i32>} : memref<136x128xi32, #tpu.memory_space<vmem>>, vector<16xi32>,
      %get3A_1219 = arith.index_cast %add3A_1206 : i32 to index
      %get3A_1220 = arith.constant 64 : index
      %get3A_1221 = tpu.vector_load %arg7[%get3A_1219, %get3A_1220] {strides = array<i32>} : memref<136x128xi32, #tpu.memory_space<vmem>>, vector<16xi32>,
      %get3A_1222 = arith.index_cast %add3A_1206 : i32 to index
      %get3A_1223 = arith.constant 80 : index
      %get3A_1224 = tpu.vector_load %arg7[%get3A_1222, %get3A_1223] {strides = array<i32>} : memref<136x128xi32, #tpu.memory_space<vmem>>, vector<16xi32>,
      %get3A_1225 = arith.index_cast %add3A_1206 : i32 to index
      %get3A_1226 = arith.constant 96 : index
      %get3A_1227 = tpu.vector_load %arg7[%get3A_1225, %get3A_1226] {strides = array<i32>} : memref<136x128xi32, #tpu.memory_space<vmem>>, vector<16xi32>,
      %get3A_1228 = arith.index_cast %add3A_1206 : i32 to index
      %get3A_1229 = arith.constant 112 : index
      %get3A_1230 = tpu.vector_load %arg7[%get3A_1228, %get3A_1229] {strides = array<i32>} : memref<136x128xi32, #tpu.memory_space<vmem>>, vector<16xi32>,
      %sub3A_1231 = arith.subi %get3A_1136, %get3A_1209 : vector<16xi32>
      %convert_element_type3A_1232 = arith.sitofp %sub3A_1231 : vector<16xi32> to vector<16xf32>
      %add3A_1233 = arith.addf %convert_element_type3A_1232, %get3A_5 : vector<16xf32>
      %abs3A_1234 = math.absf %add3A_1233 : vector<16xf32>
      %sub3A_1235 = arith.subi %get3A_1139, %get3A_1212 : vector<16xi32>
      %convert_element_type3A_1236 = arith.sitofp %sub3A_1235 : vector<16xi32> to vector<16xf32>
      %add3A_1237 = arith.addf %convert_element_type3A_1236, %get3A_9 : vector<16xf32>
      %abs3A_1238 = math.absf %add3A_1237 : vector<16xf32>
      %add3A_1239 = arith.addf %abs3A_1234, %abs3A_1238 : vector<16xf32>
      %sub3A_1240 = arith.subi %get3A_1142, %get3A_1215 : vector<16xi32>
      %convert_element_type3A_1241 = arith.sitofp %sub3A_1240 : vector<16xi32> to vector<16xf32>
      %add3A_1242 = arith.addf %convert_element_type3A_1241, %get3A_13 : vector<16xf32>
      %abs3A_1243 = math.absf %add3A_1242 : vector<16xf32>
      %add3A_1244 = arith.addf %add3A_1239, %abs3A_1243 : vector<16xf32>
      %sub3A_1245 = arith.subi %get3A_1145, %get3A_1218 : vector<16xi32>
      %convert_element_type3A_1246 = arith.sitofp %sub3A_1245 : vector<16xi32> to vector<16xf32>
      %add3A_1247 = arith.addf %convert_element_type3A_1246, %get3A_17 : vector<16xf32>
      %abs3A_1248 = math.absf %add3A_1247 : vector<16xf32>
      %add3A_1249 = arith.addf %add3A_1244, %abs3A_1248 : vector<16xf32>
      %sub3A_1250 = arith.subi %get3A_1148, %get3A_1221 : vector<16xi32>
      %convert_element_type3A_1251 = arith.sitofp %sub3A_1250 : vector<16xi32> to vector<16xf32>
      %add3A_1252 = arith.addf %convert_element_type3A_1251, %get3A_21 : vector<16xf32>
      %abs3A_1253 = math.absf %add3A_1252 : vector<16xf32>
      %add3A_1254 = arith.addf %add3A_1249, %abs3A_1253 : vector<16xf32>
      %sub3A_1255 = arith.subi %get3A_1151, %get3A_1224 : vector<16xi32>
      %convert_element_type3A_1256 = arith.sitofp %sub3A_1255 : vector<16xi32> to vector<16xf32>
      %add3A_1257 = arith.addf %convert_element_type3A_1256, %get3A_25 : vector<16xf32>
      %abs3A_1258 = math.absf %add3A_1257 : vector<16xf32>
      %add3A_1259 = arith.addf %add3A_1254, %abs3A_1258 : vector<16xf32>
      %sub3A_1260 = arith.subi %get3A_1154, %get3A_1227 : vector<16xi32>
      %convert_element_type3A_1261 = arith.sitofp %sub3A_1260 : vector<16xi32> to vector<16xf32>
      %add3A_1262 = arith.addf %convert_element_type3A_1261, %get3A_29 : vector<16xf32>
      %abs3A_1263 = math.absf %add3A_1262 : vector<16xf32>
      %add3A_1264 = arith.addf %add3A_1259, %abs3A_1263 : vector<16xf32>
      %sub3A_1265 = arith.subi %get3A_1157, %get3A_1230 : vector<16xi32>
      %convert_element_type3A_1266 = arith.sitofp %sub3A_1265 : vector<16xi32> to vector<16xf32>
      %add3A_1267 = arith.addf %convert_element_type3A_1266, %get3A_33 : vector<16xf32>
      %abs3A_1268 = math.absf %add3A_1267 : vector<16xf32>
      %add3A_1269 = arith.addf %add3A_1264, %abs3A_1268 : vector<16xf32>
      %reduce_sum3A_1270 = arith.constant true
      %reduce_sum3A_1271 = vector.broadcast %reduce_sum3A_1270 : i1 to vector<16xi1>
      %reduce_sum3A_1272 = tpu.scan <sum>, %add3A_1269 masked %reduce_sum3A_1271 : vector<16xf32>, vector<16xi1> -> vector<16xf32>
      %reduce_sum3A_1273 = vector.extract %reduce_sum3A_1272[15] : f32 from vector<16xf32>
      %broadcast_in_dim3A_1274 = vector.broadcast %reduce_sum3A_1273 : f32 to vector<16xf32>
      %select_n3A_1275 = arith.select %eq3A_77, %broadcast_in_dim3A_1274, %select_n3A_1202 : vector<16xi1>, vector<16xf32>
      %add3A_1276 = arith.constant 15 : i32
      %add3A_1277 = arith.addi %mul3A_184, %add3A_1276 : i32
      %add3A_1278 = arith.constant 1 : i32
      %add3A_1279 = arith.addi %add3A_1277, %add3A_1278 : i32
      %get3A_1280 = arith.index_cast %add3A_1279 : i32 to index
      %get3A_1281 = arith.constant 0 : index
      %get3A_1282 = tpu.vector_load %arg7[%get3A_1280, %get3A_1281] {strides = array<i32>} : memref<136x128xi32, #tpu.memory_space<vmem>>, vector<16xi32>,
      %get3A_1283 = arith.index_cast %add3A_1279 : i32 to index
      %get3A_1284 = arith.constant 16 : index
      %get3A_1285 = tpu.vector_load %arg7[%get3A_1283, %get3A_1284] {strides = array<i32>} : memref<136x128xi32, #tpu.memory_space<vmem>>, vector<16xi32>,
      %get3A_1286 = arith.index_cast %add3A_1279 : i32 to index
      %get3A_1287 = arith.constant 32 : index
      %get3A_1288 = tpu.vector_load %arg7[%get3A_1286, %get3A_1287] {strides = array<i32>} : memref<136x128xi32, #tpu.memory_space<vmem>>, vector<16xi32>,
      %get3A_1289 = arith.index_cast %add3A_1279 : i32 to index
      %get3A_1290 = arith.constant 48 : index
      %get3A_1291 = tpu.vector_load %arg7[%get3A_1289, %get3A_1290] {strides = array<i32>} : memref<136x128xi32, #tpu.memory_space<vmem>>, vector<16xi32>,
      %get3A_1292 = arith.index_cast %add3A_1279 : i32 to index
      %get3A_1293 = arith.constant 64 : index
      %get3A_1294 = tpu.vector_load %arg7[%get3A_1292, %get3A_1293] {strides = array<i32>} : memref<136x128xi32, #tpu.memory_space<vmem>>, vector<16xi32>,
      %get3A_1295 = arith.index_cast %add3A_1279 : i32 to index
      %get3A_1296 = arith.constant 80 : index
      %get3A_1297 = tpu.vector_load %arg7[%get3A_1295, %get3A_1296] {strides = array<i32>} : memref<136x128xi32, #tpu.memory_space<vmem>>, vector<16xi32>,
      %get3A_1298 = arith.index_cast %add3A_1279 : i32 to index
      %get3A_1299 = arith.constant 96 : index
      %get3A_1300 = tpu.vector_load %arg7[%get3A_1298, %get3A_1299] {strides = array<i32>} : memref<136x128xi32, #tpu.memory_space<vmem>>, vector<16xi32>,
      %get3A_1301 = arith.index_cast %add3A_1279 : i32 to index
      %get3A_1302 = arith.constant 112 : index
      %get3A_1303 = tpu.vector_load %arg7[%get3A_1301, %get3A_1302] {strides = array<i32>} : memref<136x128xi32, #tpu.memory_space<vmem>>, vector<16xi32>,
      %sub3A_1304 = arith.subi %get3A_1209, %get3A_1282 : vector<16xi32>
      %convert_element_type3A_1305 = arith.sitofp %sub3A_1304 : vector<16xi32> to vector<16xf32>
      %add3A_1306 = arith.addf %convert_element_type3A_1305, %get3A_5 : vector<16xf32>
      %abs3A_1307 = math.absf %add3A_1306 : vector<16xf32>
      %sub3A_1308 = arith.subi %get3A_1212, %get3A_1285 : vector<16xi32>
      %convert_element_type3A_1309 = arith.sitofp %sub3A_1308 : vector<16xi32> to vector<16xf32>
      %add3A_1310 = arith.addf %convert_element_type3A_1309, %get3A_9 : vector<16xf32>
      %abs3A_1311 = math.absf %add3A_1310 : vector<16xf32>
      %add3A_1312 = arith.addf %abs3A_1307, %abs3A_1311 : vector<16xf32>
      %sub3A_1313 = arith.subi %get3A_1215, %get3A_1288 : vector<16xi32>
      %convert_element_type3A_1314 = arith.sitofp %sub3A_1313 : vector<16xi32> to vector<16xf32>
      %add3A_1315 = arith.addf %convert_element_type3A_1314, %get3A_13 : vector<16xf32>
      %abs3A_1316 = math.absf %add3A_1315 : vector<16xf32>
      %add3A_1317 = arith.addf %add3A_1312, %abs3A_1316 : vector<16xf32>
      %sub3A_1318 = arith.subi %get3A_1218, %get3A_1291 : vector<16xi32>
      %convert_element_type3A_1319 = arith.sitofp %sub3A_1318 : vector<16xi32> to vector<16xf32>
      %add3A_1320 = arith.addf %convert_element_type3A_1319, %get3A_17 : vector<16xf32>
      %abs3A_1321 = math.absf %add3A_1320 : vector<16xf32>
      %add3A_1322 = arith.addf %add3A_1317, %abs3A_1321 : vector<16xf32>
      %sub3A_1323 = arith.subi %get3A_1221, %get3A_1294 : vector<16xi32>
      %convert_element_type3A_1324 = arith.sitofp %sub3A_1323 : vector<16xi32> to vector<16xf32>
      %add3A_1325 = arith.addf %convert_element_type3A_1324, %get3A_21 : vector<16xf32>
      %abs3A_1326 = math.absf %add3A_1325 : vector<16xf32>
      %add3A_1327 = arith.addf %add3A_1322, %abs3A_1326 : vector<16xf32>
      %sub3A_1328 = arith.subi %get3A_1224, %get3A_1297 : vector<16xi32>
      %convert_element_type3A_1329 = arith.sitofp %sub3A_1328 : vector<16xi32> to vector<16xf32>
      %add3A_1330 = arith.addf %convert_element_type3A_1329, %get3A_25 : vector<16xf32>
      %abs3A_1331 = math.absf %add3A_1330 : vector<16xf32>
      %add3A_1332 = arith.addf %add3A_1327, %abs3A_1331 : vector<16xf32>
      %sub3A_1333 = arith.subi %get3A_1227, %get3A_1300 : vector<16xi32>
      %convert_element_type3A_1334 = arith.sitofp %sub3A_1333 : vector<16xi32> to vector<16xf32>
      %add3A_1335 = arith.addf %convert_element_type3A_1334, %get3A_29 : vector<16xf32>
      %abs3A_1336 = math.absf %add3A_1335 : vector<16xf32>
      %add3A_1337 = arith.addf %add3A_1332, %abs3A_1336 : vector<16xf32>
      %sub3A_1338 = arith.subi %get3A_1230, %get3A_1303 : vector<16xi32>
      %convert_element_type3A_1339 = arith.sitofp %sub3A_1338 : vector<16xi32> to vector<16xf32>
      %add3A_1340 = arith.addf %convert_element_type3A_1339, %get3A_33 : vector<16xf32>
      %abs3A_1341 = math.absf %add3A_1340 : vector<16xf32>
      %add3A_1342 = arith.addf %add3A_1337, %abs3A_1341 : vector<16xf32>
      %reduce_sum3A_1343 = arith.constant true
      %reduce_sum3A_1344 = vector.broadcast %reduce_sum3A_1343 : i1 to vector<16xi1>
      %reduce_sum3A_1345 = tpu.scan <sum>, %add3A_1342 masked %reduce_sum3A_1344 : vector<16xf32>, vector<16xi1> -> vector<16xf32>
      %reduce_sum3A_1346 = vector.extract %reduce_sum3A_1345[15] : f32 from vector<16xf32>
      %broadcast_in_dim3A_1347 = vector.broadcast %reduce_sum3A_1346 : f32 to vector<16xf32>
      %select_n3A_1348 = arith.select %eq3A_80, %broadcast_in_dim3A_1347, %select_n3A_1275 : vector<16xi1>, vector<16xf32>
      %add3A_1349 = arith.constant 0 : i32
      %add3A_1350 = arith.addi %add3A_1349, %mul3A_184 : i32
      %swap3A = arith.index_cast %add3A_1350 : i32 to index
      %swap3A_1351 = tpu.vector_load %arg10[%swap3A] {strides = array<i32>} : memref<128xf32, #tpu.memory_space<vmem>>, vector<16xf32>,
      tpu.vector_store %arg10[%swap3A], %select_n3A_1348 {strides = array<i32>} : memref<128xf32, #tpu.memory_space<vmem>>, vector<16xf32>,
      scf.yield %get3A_1282, %get3A_1285, %get3A_1288, %get3A_1291, %get3A_1294, %get3A_1297, %get3A_1300, %get3A_1303 : vector<16xi32>, vector<16xi32>, vector<16xi32>, vector<16xi32>, vector<16xi32>, vector<16xi32>, vector<16xi32>, vector<16xi32>
    }
    %scan3A_131 = arith.constant 8 : i32
    %dma_wait3A_132 = arith.constant 0 : i32
    %dma_wait3A_133 = tpu.memref_slice %arg3[%add3A_87, %dma_wait3A_132] : memref<16384x128xi32, #tpu.memory_space<hbm>> -> memref<136x128xi32, #tpu.memory_space<hbm>>
    %dma_wait3A_134 = arith.constant 0 : i32
    %dma_wait3A_135 = tpu.memref_slice %arg3[%add3A_87, %dma_wait3A_134] : memref<16384x128xi32, #tpu.memory_space<hbm>> -> memref<136x128xi32, #tpu.memory_space<hbm>>
    tpu.wait_dma2 semaphore(%arg13 : memref<!tpu.dma_semaphore, #tpu.memory_space<semaphore_mem>>) src(%dma_wait3A_135 : memref<136x128xi32, #tpu.memory_space<hbm>>) dst(%arg8 : memref<136x128xi32, #tpu.memory_space<vmem>>)
    %get3A_136 = arith.constant 0 : i32
    %get3A_137 = arith.index_cast %get3A_136 : i32 to index
    %get3A_138 = arith.constant 0 : index
    %get3A_139 = tpu.vector_load %arg8[%get3A_137, %get3A_138] {strides = array<i32>} : memref<136x128xi32, #tpu.memory_space<vmem>>, vector<16xi32>,
    %get3A_140 = arith.constant 0 : i32
    %get3A_141 = arith.index_cast %get3A_140 : i32 to index
    %get3A_142 = arith.constant 16 : index
    %get3A_143 = tpu.vector_load %arg8[%get3A_141, %get3A_142] {strides = array<i32>} : memref<136x128xi32, #tpu.memory_space<vmem>>, vector<16xi32>,
    %get3A_144 = arith.constant 0 : i32
    %get3A_145 = arith.index_cast %get3A_144 : i32 to index
    %get3A_146 = arith.constant 32 : index
    %get3A_147 = tpu.vector_load %arg8[%get3A_145, %get3A_146] {strides = array<i32>} : memref<136x128xi32, #tpu.memory_space<vmem>>, vector<16xi32>,
    %get3A_148 = arith.constant 0 : i32
    %get3A_149 = arith.index_cast %get3A_148 : i32 to index
    %get3A_150 = arith.constant 48 : index
    %get3A_151 = tpu.vector_load %arg8[%get3A_149, %get3A_150] {strides = array<i32>} : memref<136x128xi32, #tpu.memory_space<vmem>>, vector<16xi32>,
    %get3A_152 = arith.constant 0 : i32
    %get3A_153 = arith.index_cast %get3A_152 : i32 to index
    %get3A_154 = arith.constant 64 : index
    %get3A_155 = tpu.vector_load %arg8[%get3A_153, %get3A_154] {strides = array<i32>} : memref<136x128xi32, #tpu.memory_space<vmem>>, vector<16xi32>,
    %get3A_156 = arith.constant 0 : i32
    %get3A_157 = arith.index_cast %get3A_156 : i32 to index
    %get3A_158 = arith.constant 80 : index
    %get3A_159 = tpu.vector_load %arg8[%get3A_157, %get3A_158] {strides = array<i32>} : memref<136x128xi32, #tpu.memory_space<vmem>>, vector<16xi32>,
    %get3A_160 = arith.constant 0 : i32
    %get3A_161 = arith.index_cast %get3A_160 : i32 to index
    %get3A_162 = arith.constant 96 : index
    %get3A_163 = tpu.vector_load %arg8[%get3A_161, %get3A_162] {strides = array<i32>} : memref<136x128xi32, #tpu.memory_space<vmem>>, vector<16xi32>,
    %get3A_164 = arith.constant 0 : i32
    %get3A_165 = arith.index_cast %get3A_164 : i32 to index
    %get3A_166 = arith.constant 112 : index
    %get3A_167 = tpu.vector_load %arg8[%get3A_165, %get3A_166] {strides = array<i32>} : memref<136x128xi32, #tpu.memory_space<vmem>>, vector<16xi32>,
    %scan3A_168 = arith.constant 0 : i32
    %scan3A_169 = arith.constant 8 : i32
    %scan3A_170 = arith.addi %scan3A_168, %scan3A_169 : i32
    %scan3A_171 = arith.constant 1 : i32
    %scan3A_172:8 = scf.for %scan3A_174 = %scan3A_168 to %scan3A_170 step %scan3A_171 iter_args(%scan3A_175 = %get3A_139, %scan3A_176 = %get3A_143, %scan3A_177 = %get3A_147, %scan3A_178 = %get3A_151, %scan3A_179 = %get3A_155, %scan3A_180 = %get3A_159, %scan3A_181 = %get3A_163, %scan3A_182 = %get3A_167) -> (vector<16xi32>, vector<16xi32>, vector<16xi32>, vector<16xi32>, vector<16xi32>, vector<16xi32>, vector<16xi32>, vector<16xi32>)  : i32 {
      %mul3A_183 = arith.constant 16 : i32
      %mul3A_184 = arith.muli %scan3A_174, %mul3A_183 : i32
      %broadcast_in_dim3A = arith.constant 0.000000e+00 : f32
      %broadcast_in_dim3A_185 = vector.broadcast %broadcast_in_dim3A : f32 to vector<16xf32>
      %add3A_186 = arith.constant 0 : i32
      %add3A_187 = arith.addi %mul3A_184, %add3A_186 : i32
      %add3A_188 = arith.constant 1 : i32
      %add3A_189 = arith.addi %add3A_187, %add3A_188 : i32
      %get3A_190 = arith.index_cast %add3A_189 : i32 to index
      %get3A_191 = arith.constant 0 : index
      %get3A_192 = tpu.vector_load %arg8[%get3A_190, %get3A_191] {strides = array<i32>} : memref<136x128xi32, #tpu.memory_space<vmem>>, vector<16xi32>,
      %get3A_193 = arith.index_cast %add3A_189 : i32 to index
      %get3A_194 = arith.constant 16 : index
      %get3A_195 = tpu.vector_load %arg8[%get3A_193, %get3A_194] {strides = array<i32>} : memref<136x128xi32, #tpu.memory_space<vmem>>, vector<16xi32>,
      %get3A_196 = arith.index_cast %add3A_189 : i32 to index
      %get3A_197 = arith.constant 32 : index
      %get3A_198 = tpu.vector_load %arg8[%get3A_196, %get3A_197] {strides = array<i32>} : memref<136x128xi32, #tpu.memory_space<vmem>>, vector<16xi32>,
      %get3A_199 = arith.index_cast %add3A_189 : i32 to index
      %get3A_200 = arith.constant 48 : index
      %get3A_201 = tpu.vector_load %arg8[%get3A_199, %get3A_200] {strides = array<i32>} : memref<136x128xi32, #tpu.memory_space<vmem>>, vector<16xi32>,
      %get3A_202 = arith.index_cast %add3A_189 : i32 to index
      %get3A_203 = arith.constant 64 : index
      %get3A_204 = tpu.vector_load %arg8[%get3A_202, %get3A_203] {strides = array<i32>} : memref<136x128xi32, #tpu.memory_space<vmem>>, vector<16xi32>,
      %get3A_205 = arith.index_cast %add3A_189 : i32 to index
      %get3A_206 = arith.constant 80 : index
      %get3A_207 = tpu.vector_load %arg8[%get3A_205, %get3A_206] {strides = array<i32>} : memref<136x128xi32, #tpu.memory_space<vmem>>, vector<16xi32>,
      %get3A_208 = arith.index_cast %add3A_189 : i32 to index
      %get3A_209 = arith.constant 96 : index
      %get3A_210 = tpu.vector_load %arg8[%get3A_208, %get3A_209] {strides = array<i32>} : memref<136x128xi32, #tpu.memory_space<vmem>>, vector<16xi32>,
      %get3A_211 = arith.index_cast %add3A_189 : i32 to index
      %get3A_212 = arith.constant 112 : index
      %get3A_213 = tpu.vector_load %arg8[%get3A_211, %get3A_212] {strides = array<i32>} : memref<136x128xi32, #tpu.memory_space<vmem>>, vector<16xi32>,
      %sub3A = arith.subi %get3A_192, %scan3A_175 : vector<16xi32>
      %convert_element_type3A = arith.sitofp %sub3A : vector<16xi32> to vector<16xf32>
      %add3A_214 = arith.addf %convert_element_type3A, %get3A_5 : vector<16xf32>
      %abs3A = math.absf %add3A_214 : vector<16xf32>
      %sub3A_215 = arith.subi %get3A_195, %scan3A_176 : vector<16xi32>
      %convert_element_type3A_216 = arith.sitofp %sub3A_215 : vector<16xi32> to vector<16xf32>
      %add3A_217 = arith.addf %convert_element_type3A_216, %get3A_9 : vector<16xf32>
      %abs3A_218 = math.absf %add3A_217 : vector<16xf32>
      %add3A_219 = arith.addf %abs3A, %abs3A_218 : vector<16xf32>
      %sub3A_220 = arith.subi %get3A_198, %scan3A_177 : vector<16xi32>
      %convert_element_type3A_221 = arith.sitofp %sub3A_220 : vector<16xi32> to vector<16xf32>
      %add3A_222 = arith.addf %convert_element_type3A_221, %get3A_13 : vector<16xf32>
      %abs3A_223 = math.absf %add3A_222 : vector<16xf32>
      %add3A_224 = arith.addf %add3A_219, %abs3A_223 : vector<16xf32>
      %sub3A_225 = arith.subi %get3A_201, %scan3A_178 : vector<16xi32>
      %convert_element_type3A_226 = arith.sitofp %sub3A_225 : vector<16xi32> to vector<16xf32>
      %add3A_227 = arith.addf %convert_element_type3A_226, %get3A_17 : vector<16xf32>
      %abs3A_228 = math.absf %add3A_227 : vector<16xf32>
      %add3A_229 = arith.addf %add3A_224, %abs3A_228 : vector<16xf32>
      %sub3A_230 = arith.subi %get3A_204, %scan3A_179 : vector<16xi32>
      %convert_element_type3A_231 = arith.sitofp %sub3A_230 : vector<16xi32> to vector<16xf32>
      %add3A_232 = arith.addf %convert_element_type3A_231, %get3A_21 : vector<16xf32>
      %abs3A_233 = math.absf %add3A_232 : vector<16xf32>
      %add3A_234 = arith.addf %add3A_229, %abs3A_233 : vector<16xf32>
      %sub3A_235 = arith.subi %get3A_207, %scan3A_180 : vector<16xi32>
      %convert_element_type3A_236 = arith.sitofp %sub3A_235 : vector<16xi32> to vector<16xf32>
      %add3A_237 = arith.addf %convert_element_type3A_236, %get3A_25 : vector<16xf32>
      %abs3A_238 = math.absf %add3A_237 : vector<16xf32>
      %add3A_239 = arith.addf %add3A_234, %abs3A_238 : vector<16xf32>
      %sub3A_240 = arith.subi %get3A_210, %scan3A_181 : vector<16xi32>
      %convert_element_type3A_241 = arith.sitofp %sub3A_240 : vector<16xi32> to vector<16xf32>
      %add3A_242 = arith.addf %convert_element_type3A_241, %get3A_29 : vector<16xf32>
      %abs3A_243 = math.absf %add3A_242 : vector<16xf32>
      %add3A_244 = arith.addf %add3A_239, %abs3A_243 : vector<16xf32>
      %sub3A_245 = arith.subi %get3A_213, %scan3A_182 : vector<16xi32>
      %convert_element_type3A_246 = arith.sitofp %sub3A_245 : vector<16xi32> to vector<16xf32>
      %add3A_247 = arith.addf %convert_element_type3A_246, %get3A_33 : vector<16xf32>
      %abs3A_248 = math.absf %add3A_247 : vector<16xf32>
      %add3A_249 = arith.addf %add3A_244, %abs3A_248 : vector<16xf32>
      %reduce_sum3A = arith.constant true
      %reduce_sum3A_250 = vector.broadcast %reduce_sum3A : i1 to vector<16xi1>
      %reduce_sum3A_251 = tpu.scan <sum>, %add3A_249 masked %reduce_sum3A_250 : vector<16xf32>, vector<16xi1> -> vector<16xf32>
      %reduce_sum3A_252 = vector.extract %reduce_sum3A_251[15] : f32 from vector<16xf32>
      %broadcast_in_dim3A_253 = vector.broadcast %reduce_sum3A_252 : f32 to vector<16xf32>
      %select_n3A = arith.select %eq3A_35, %broadcast_in_dim3A_253, %broadcast_in_dim3A_185 : vector<16xi1>, vector<16xf32>
      %add3A_254 = arith.constant 1 : i32
      %add3A_255 = arith.addi %mul3A_184, %add3A_254 : i32
      %add3A_256 = arith.constant 1 : i32
      %add3A_257 = arith.addi %add3A_255, %add3A_256 : i32
      %get3A_258 = arith.index_cast %add3A_257 : i32 to index
      %get3A_259 = arith.constant 0 : index
      %get3A_260 = tpu.vector_load %arg8[%get3A_258, %get3A_259] {strides = array<i32>} : memref<136x128xi32, #tpu.memory_space<vmem>>, vector<16xi32>,
      %get3A_261 = arith.index_cast %add3A_257 : i32 to index
      %get3A_262 = arith.constant 16 : index
      %get3A_263 = tpu.vector_load %arg8[%get3A_261, %get3A_262] {strides = array<i32>} : memref<136x128xi32, #tpu.memory_space<vmem>>, vector<16xi32>,
      %get3A_264 = arith.index_cast %add3A_257 : i32 to index
      %get3A_265 = arith.constant 32 : index
      %get3A_266 = tpu.vector_load %arg8[%get3A_264, %get3A_265] {strides = array<i32>} : memref<136x128xi32, #tpu.memory_space<vmem>>, vector<16xi32>,
      %get3A_267 = arith.index_cast %add3A_257 : i32 to index
      %get3A_268 = arith.constant 48 : index
      %get3A_269 = tpu.vector_load %arg8[%get3A_267, %get3A_268] {strides = array<i32>} : memref<136x128xi32, #tpu.memory_space<vmem>>, vector<16xi32>,
      %get3A_270 = arith.index_cast %add3A_257 : i32 to index
      %get3A_271 = arith.constant 64 : index
      %get3A_272 = tpu.vector_load %arg8[%get3A_270, %get3A_271] {strides = array<i32>} : memref<136x128xi32, #tpu.memory_space<vmem>>, vector<16xi32>,
      %get3A_273 = arith.index_cast %add3A_257 : i32 to index
      %get3A_274 = arith.constant 80 : index
      %get3A_275 = tpu.vector_load %arg8[%get3A_273, %get3A_274] {strides = array<i32>} : memref<136x128xi32, #tpu.memory_space<vmem>>, vector<16xi32>,
      %get3A_276 = arith.index_cast %add3A_257 : i32 to index
      %get3A_277 = arith.constant 96 : index
      %get3A_278 = tpu.vector_load %arg8[%get3A_276, %get3A_277] {strides = array<i32>} : memref<136x128xi32, #tpu.memory_space<vmem>>, vector<16xi32>,
      %get3A_279 = arith.index_cast %add3A_257 : i32 to index
      %get3A_280 = arith.constant 112 : index
      %get3A_281 = tpu.vector_load %arg8[%get3A_279, %get3A_280] {strides = array<i32>} : memref<136x128xi32, #tpu.memory_space<vmem>>, vector<16xi32>,
      %sub3A_282 = arith.subi %get3A_260, %get3A_192 : vector<16xi32>
      %convert_element_type3A_283 = arith.sitofp %sub3A_282 : vector<16xi32> to vector<16xf32>
      %add3A_284 = arith.addf %convert_element_type3A_283, %get3A_5 : vector<16xf32>
      %abs3A_285 = math.absf %add3A_284 : vector<16xf32>
      %sub3A_286 = arith.subi %get3A_263, %get3A_195 : vector<16xi32>
      %convert_element_type3A_287 = arith.sitofp %sub3A_286 : vector<16xi32> to vector<16xf32>
      %add3A_288 = arith.addf %convert_element_type3A_287, %get3A_9 : vector<16xf32>
      %abs3A_289 = math.absf %add3A_288 : vector<16xf32>
      %add3A_290 = arith.addf %abs3A_285, %abs3A_289 : vector<16xf32>
      %sub3A_291 = arith.subi %get3A_266, %get3A_198 : vector<16xi32>
      %convert_element_type3A_292 = arith.sitofp %sub3A_291 : vector<16xi32> to vector<16xf32>
      %add3A_293 = arith.addf %convert_element_type3A_292, %get3A_13 : vector<16xf32>
      %abs3A_294 = math.absf %add3A_293 : vector<16xf32>
      %add3A_295 = arith.addf %add3A_290, %abs3A_294 : vector<16xf32>
      %sub3A_296 = arith.subi %get3A_269, %get3A_201 : vector<16xi32>
      %convert_element_type3A_297 = arith.sitofp %sub3A_296 : vector<16xi32> to vector<16xf32>
      %add3A_298 = arith.addf %convert_element_type3A_297, %get3A_17 : vector<16xf32>
      %abs3A_299 = math.absf %add3A_298 : vector<16xf32>
      %add3A_300 = arith.addf %add3A_295, %abs3A_299 : vector<16xf32>
      %sub3A_301 = arith.subi %get3A_272, %get3A_204 : vector<16xi32>
      %convert_element_type3A_302 = arith.sitofp %sub3A_301 : vector<16xi32> to vector<16xf32>
      %add3A_303 = arith.addf %convert_element_type3A_302, %get3A_21 : vector<16xf32>
      %abs3A_304 = math.absf %add3A_303 : vector<16xf32>
      %add3A_305 = arith.addf %add3A_300, %abs3A_304 : vector<16xf32>
      %sub3A_306 = arith.subi %get3A_275, %get3A_207 : vector<16xi32>
      %convert_element_type3A_307 = arith.sitofp %sub3A_306 : vector<16xi32> to vector<16xf32>
      %add3A_308 = arith.addf %convert_element_type3A_307, %get3A_25 : vector<16xf32>
      %abs3A_309 = math.absf %add3A_308 : vector<16xf32>
      %add3A_310 = arith.addf %add3A_305, %abs3A_309 : vector<16xf32>
      %sub3A_311 = arith.subi %get3A_278, %get3A_210 : vector<16xi32>
      %convert_element_type3A_312 = arith.sitofp %sub3A_311 : vector<16xi32> to vector<16xf32>
      %add3A_313 = arith.addf %convert_element_type3A_312, %get3A_29 : vector<16xf32>
      %abs3A_314 = math.absf %add3A_313 : vector<16xf32>
      %add3A_315 = arith.addf %add3A_310, %abs3A_314 : vector<16xf32>
      %sub3A_316 = arith.subi %get3A_281, %get3A_213 : vector<16xi32>
      %convert_element_type3A_317 = arith.sitofp %sub3A_316 : vector<16xi32> to vector<16xf32>
      %add3A_318 = arith.addf %convert_element_type3A_317, %get3A_33 : vector<16xf32>
      %abs3A_319 = math.absf %add3A_318 : vector<16xf32>
      %add3A_320 = arith.addf %add3A_315, %abs3A_319 : vector<16xf32>
      %reduce_sum3A_321 = arith.constant true
      %reduce_sum3A_322 = vector.broadcast %reduce_sum3A_321 : i1 to vector<16xi1>
      %reduce_sum3A_323 = tpu.scan <sum>, %add3A_320 masked %reduce_sum3A_322 : vector<16xf32>, vector<16xi1> -> vector<16xf32>
      %reduce_sum3A_324 = vector.extract %reduce_sum3A_323[15] : f32 from vector<16xf32>
      %broadcast_in_dim3A_325 = vector.broadcast %reduce_sum3A_324 : f32 to vector<16xf32>
      %select_n3A_326 = arith.select %eq3A_38, %broadcast_in_dim3A_325, %select_n3A : vector<16xi1>, vector<16xf32>
      %add3A_327 = arith.constant 2 : i32
      %add3A_328 = arith.addi %mul3A_184, %add3A_327 : i32
      %add3A_329 = arith.constant 1 : i32
      %add3A_330 = arith.addi %add3A_328, %add3A_329 : i32
      %get3A_331 = arith.index_cast %add3A_330 : i32 to index
      %get3A_332 = arith.constant 0 : index
      %get3A_333 = tpu.vector_load %arg8[%get3A_331, %get3A_332] {strides = array<i32>} : memref<136x128xi32, #tpu.memory_space<vmem>>, vector<16xi32>,
      %get3A_334 = arith.index_cast %add3A_330 : i32 to index
      %get3A_335 = arith.constant 16 : index
      %get3A_336 = tpu.vector_load %arg8[%get3A_334, %get3A_335] {strides = array<i32>} : memref<136x128xi32, #tpu.memory_space<vmem>>, vector<16xi32>,
      %get3A_337 = arith.index_cast %add3A_330 : i32 to index
      %get3A_338 = arith.constant 32 : index
      %get3A_339 = tpu.vector_load %arg8[%get3A_337, %get3A_338] {strides = array<i32>} : memref<136x128xi32, #tpu.memory_space<vmem>>, vector<16xi32>,
      %get3A_340 = arith.index_cast %add3A_330 : i32 to index
      %get3A_341 = arith.constant 48 : index
      %get3A_342 = tpu.vector_load %arg8[%get3A_340, %get3A_341] {strides = array<i32>} : memref<136x128xi32, #tpu.memory_space<vmem>>, vector<16xi32>,
      %get3A_343 = arith.index_cast %add3A_330 : i32 to index
      %get3A_344 = arith.constant 64 : index
      %get3A_345 = tpu.vector_load %arg8[%get3A_343, %get3A_344] {strides = array<i32>} : memref<136x128xi32, #tpu.memory_space<vmem>>, vector<16xi32>,
      %get3A_346 = arith.index_cast %add3A_330 : i32 to index
      %get3A_347 = arith.constant 80 : index
      %get3A_348 = tpu.vector_load %arg8[%get3A_346, %get3A_347] {strides = array<i32>} : memref<136x128xi32, #tpu.memory_space<vmem>>, vector<16xi32>,
      %get3A_349 = arith.index_cast %add3A_330 : i32 to index
      %get3A_350 = arith.constant 96 : index
      %get3A_351 = tpu.vector_load %arg8[%get3A_349, %get3A_350] {strides = array<i32>} : memref<136x128xi32, #tpu.memory_space<vmem>>, vector<16xi32>,
      %get3A_352 = arith.index_cast %add3A_330 : i32 to index
      %get3A_353 = arith.constant 112 : index
      %get3A_354 = tpu.vector_load %arg8[%get3A_352, %get3A_353] {strides = array<i32>} : memref<136x128xi32, #tpu.memory_space<vmem>>, vector<16xi32>,
      %sub3A_355 = arith.subi %get3A_333, %get3A_260 : vector<16xi32>
      %convert_element_type3A_356 = arith.sitofp %sub3A_355 : vector<16xi32> to vector<16xf32>
      %add3A_357 = arith.addf %convert_element_type3A_356, %get3A_5 : vector<16xf32>
      %abs3A_358 = math.absf %add3A_357 : vector<16xf32>
      %sub3A_359 = arith.subi %get3A_336, %get3A_263 : vector<16xi32>
      %convert_element_type3A_360 = arith.sitofp %sub3A_359 : vector<16xi32> to vector<16xf32>
      %add3A_361 = arith.addf %convert_element_type3A_360, %get3A_9 : vector<16xf32>
      %abs3A_362 = math.absf %add3A_361 : vector<16xf32>
      %add3A_363 = arith.addf %abs3A_358, %abs3A_362 : vector<16xf32>
      %sub3A_364 = arith.subi %get3A_339, %get3A_266 : vector<16xi32>
      %convert_element_type3A_365 = arith.sitofp %sub3A_364 : vector<16xi32> to vector<16xf32>
      %add3A_366 = arith.addf %convert_element_type3A_365, %get3A_13 : vector<16xf32>
      %abs3A_367 = math.absf %add3A_366 : vector<16xf32>
      %add3A_368 = arith.addf %add3A_363, %abs3A_367 : vector<16xf32>
      %sub3A_369 = arith.subi %get3A_342, %get3A_269 : vector<16xi32>
      %convert_element_type3A_370 = arith.sitofp %sub3A_369 : vector<16xi32> to vector<16xf32>
      %add3A_371 = arith.addf %convert_element_type3A_370, %get3A_17 : vector<16xf32>
      %abs3A_372 = math.absf %add3A_371 : vector<16xf32>
      %add3A_373 = arith.addf %add3A_368, %abs3A_372 : vector<16xf32>
      %sub3A_374 = arith.subi %get3A_345, %get3A_272 : vector<16xi32>
      %convert_element_type3A_375 = arith.sitofp %sub3A_374 : vector<16xi32> to vector<16xf32>
      %add3A_376 = arith.addf %convert_element_type3A_375, %get3A_21 : vector<16xf32>
      %abs3A_377 = math.absf %add3A_376 : vector<16xf32>
      %add3A_378 = arith.addf %add3A_373, %abs3A_377 : vector<16xf32>
      %sub3A_379 = arith.subi %get3A_348, %get3A_275 : vector<16xi32>
      %convert_element_type3A_380 = arith.sitofp %sub3A_379 : vector<16xi32> to vector<16xf32>
      %add3A_381 = arith.addf %convert_element_type3A_380, %get3A_25 : vector<16xf32>
      %abs3A_382 = math.absf %add3A_381 : vector<16xf32>
      %add3A_383 = arith.addf %add3A_378, %abs3A_382 : vector<16xf32>
      %sub3A_384 = arith.subi %get3A_351, %get3A_278 : vector<16xi32>
      %convert_element_type3A_385 = arith.sitofp %sub3A_384 : vector<16xi32> to vector<16xf32>
      %add3A_386 = arith.addf %convert_element_type3A_385, %get3A_29 : vector<16xf32>
      %abs3A_387 = math.absf %add3A_386 : vector<16xf32>
      %add3A_388 = arith.addf %add3A_383, %abs3A_387 : vector<16xf32>
      %sub3A_389 = arith.subi %get3A_354, %get3A_281 : vector<16xi32>
      %convert_element_type3A_390 = arith.sitofp %sub3A_389 : vector<16xi32> to vector<16xf32>
      %add3A_391 = arith.addf %convert_element_type3A_390, %get3A_33 : vector<16xf32>
      %abs3A_392 = math.absf %add3A_391 : vector<16xf32>
      %add3A_393 = arith.addf %add3A_388, %abs3A_392 : vector<16xf32>
      %reduce_sum3A_394 = arith.constant true
      %reduce_sum3A_395 = vector.broadcast %reduce_sum3A_394 : i1 to vector<16xi1>
      %reduce_sum3A_396 = tpu.scan <sum>, %add3A_393 masked %reduce_sum3A_395 : vector<16xf32>, vector<16xi1> -> vector<16xf32>
      %reduce_sum3A_397 = vector.extract %reduce_sum3A_396[15] : f32 from vector<16xf32>
      %broadcast_in_dim3A_398 = vector.broadcast %reduce_sum3A_397 : f32 to vector<16xf32>
      %select_n3A_399 = arith.select %eq3A_41, %broadcast_in_dim3A_398, %select_n3A_326 : vector<16xi1>, vector<16xf32>
      %add3A_400 = arith.constant 3 : i32
      %add3A_401 = arith.addi %mul3A_184, %add3A_400 : i32
      %add3A_402 = arith.constant 1 : i32
      %add3A_403 = arith.addi %add3A_401, %add3A_402 : i32
      %get3A_404 = arith.index_cast %add3A_403 : i32 to index
      %get3A_405 = arith.constant 0 : index
      %get3A_406 = tpu.vector_load %arg8[%get3A_404, %get3A_405] {strides = array<i32>} : memref<136x128xi32, #tpu.memory_space<vmem>>, vector<16xi32>,
      %get3A_407 = arith.index_cast %add3A_403 : i32 to index
      %get3A_408 = arith.constant 16 : index
      %get3A_409 = tpu.vector_load %arg8[%get3A_407, %get3A_408] {strides = array<i32>} : memref<136x128xi32, #tpu.memory_space<vmem>>, vector<16xi32>,
      %get3A_410 = arith.index_cast %add3A_403 : i32 to index
      %get3A_411 = arith.constant 32 : index
      %get3A_412 = tpu.vector_load %arg8[%get3A_410, %get3A_411] {strides = array<i32>} : memref<136x128xi32, #tpu.memory_space<vmem>>, vector<16xi32>,
      %get3A_413 = arith.index_cast %add3A_403 : i32 to index
      %get3A_414 = arith.constant 48 : index
      %get3A_415 = tpu.vector_load %arg8[%get3A_413, %get3A_414] {strides = array<i32>} : memref<136x128xi32, #tpu.memory_space<vmem>>, vector<16xi32>,
      %get3A_416 = arith.index_cast %add3A_403 : i32 to index
      %get3A_417 = arith.constant 64 : index
      %get3A_418 = tpu.vector_load %arg8[%get3A_416, %get3A_417] {strides = array<i32>} : memref<136x128xi32, #tpu.memory_space<vmem>>, vector<16xi32>,
      %get3A_419 = arith.index_cast %add3A_403 : i32 to index
      %get3A_420 = arith.constant 80 : index
      %get3A_421 = tpu.vector_load %arg8[%get3A_419, %get3A_420] {strides = array<i32>} : memref<136x128xi32, #tpu.memory_space<vmem>>, vector<16xi32>,
      %get3A_422 = arith.index_cast %add3A_403 : i32 to index
      %get3A_423 = arith.constant 96 : index
      %get3A_424 = tpu.vector_load %arg8[%get3A_422, %get3A_423] {strides = array<i32>} : memref<136x128xi32, #tpu.memory_space<vmem>>, vector<16xi32>,
      %get3A_425 = arith.index_cast %add3A_403 : i32 to index
      %get3A_426 = arith.constant 112 : index
      %get3A_427 = tpu.vector_load %arg8[%get3A_425, %get3A_426] {strides = array<i32>} : memref<136x128xi32, #tpu.memory_space<vmem>>, vector<16xi32>,
      %sub3A_428 = arith.subi %get3A_406, %get3A_333 : vector<16xi32>
      %convert_element_type3A_429 = arith.sitofp %sub3A_428 : vector<16xi32> to vector<16xf32>
      %add3A_430 = arith.addf %convert_element_type3A_429, %get3A_5 : vector<16xf32>
      %abs3A_431 = math.absf %add3A_430 : vector<16xf32>
      %sub3A_432 = arith.subi %get3A_409, %get3A_336 : vector<16xi32>
      %convert_element_type3A_433 = arith.sitofp %sub3A_432 : vector<16xi32> to vector<16xf32>
      %add3A_434 = arith.addf %convert_element_type3A_433, %get3A_9 : vector<16xf32>
      %abs3A_435 = math.absf %add3A_434 : vector<16xf32>
      %add3A_436 = arith.addf %abs3A_431, %abs3A_435 : vector<16xf32>
      %sub3A_437 = arith.subi %get3A_412, %get3A_339 : vector<16xi32>
      %convert_element_type3A_438 = arith.sitofp %sub3A_437 : vector<16xi32> to vector<16xf32>
      %add3A_439 = arith.addf %convert_element_type3A_438, %get3A_13 : vector<16xf32>
      %abs3A_440 = math.absf %add3A_439 : vector<16xf32>
      %add3A_441 = arith.addf %add3A_436, %abs3A_440 : vector<16xf32>
      %sub3A_442 = arith.subi %get3A_415, %get3A_342 : vector<16xi32>
      %convert_element_type3A_443 = arith.sitofp %sub3A_442 : vector<16xi32> to vector<16xf32>
      %add3A_444 = arith.addf %convert_element_type3A_443, %get3A_17 : vector<16xf32>
      %abs3A_445 = math.absf %add3A_444 : vector<16xf32>
      %add3A_446 = arith.addf %add3A_441, %abs3A_445 : vector<16xf32>
      %sub3A_447 = arith.subi %get3A_418, %get3A_345 : vector<16xi32>
      %convert_element_type3A_448 = arith.sitofp %sub3A_447 : vector<16xi32> to vector<16xf32>
      %add3A_449 = arith.addf %convert_element_type3A_448, %get3A_21 : vector<16xf32>
      %abs3A_450 = math.absf %add3A_449 : vector<16xf32>
      %add3A_451 = arith.addf %add3A_446, %abs3A_450 : vector<16xf32>
      %sub3A_452 = arith.subi %get3A_421, %get3A_348 : vector<16xi32>
      %convert_element_type3A_453 = arith.sitofp %sub3A_452 : vector<16xi32> to vector<16xf32>
      %add3A_454 = arith.addf %convert_element_type3A_453, %get3A_25 : vector<16xf32>
      %abs3A_455 = math.absf %add3A_454 : vector<16xf32>
      %add3A_456 = arith.addf %add3A_451, %abs3A_455 : vector<16xf32>
      %sub3A_457 = arith.subi %get3A_424, %get3A_351 : vector<16xi32>
      %convert_element_type3A_458 = arith.sitofp %sub3A_457 : vector<16xi32> to vector<16xf32>
      %add3A_459 = arith.addf %convert_element_type3A_458, %get3A_29 : vector<16xf32>
      %abs3A_460 = math.absf %add3A_459 : vector<16xf32>
      %add3A_461 = arith.addf %add3A_456, %abs3A_460 : vector<16xf32>
      %sub3A_462 = arith.subi %get3A_427, %get3A_354 : vector<16xi32>
      %convert_element_type3A_463 = arith.sitofp %sub3A_462 : vector<16xi32> to vector<16xf32>
      %add3A_464 = arith.addf %convert_element_type3A_463, %get3A_33 : vector<16xf32>
      %abs3A_465 = math.absf %add3A_464 : vector<16xf32>
      %add3A_466 = arith.addf %add3A_461, %abs3A_465 : vector<16xf32>
      %reduce_sum3A_467 = arith.constant true
      %reduce_sum3A_468 = vector.broadcast %reduce_sum3A_467 : i1 to vector<16xi1>
      %reduce_sum3A_469 = tpu.scan <sum>, %add3A_466 masked %reduce_sum3A_468 : vector<16xf32>, vector<16xi1> -> vector<16xf32>
      %reduce_sum3A_470 = vector.extract %reduce_sum3A_469[15] : f32 from vector<16xf32>
      %broadcast_in_dim3A_471 = vector.broadcast %reduce_sum3A_470 : f32 to vector<16xf32>
      %select_n3A_472 = arith.select %eq3A_44, %broadcast_in_dim3A_471, %select_n3A_399 : vector<16xi1>, vector<16xf32>
      %add3A_473 = arith.constant 4 : i32
      %add3A_474 = arith.addi %mul3A_184, %add3A_473 : i32
      %add3A_475 = arith.constant 1 : i32
      %add3A_476 = arith.addi %add3A_474, %add3A_475 : i32
      %get3A_477 = arith.index_cast %add3A_476 : i32 to index
      %get3A_478 = arith.constant 0 : index
      %get3A_479 = tpu.vector_load %arg8[%get3A_477, %get3A_478] {strides = array<i32>} : memref<136x128xi32, #tpu.memory_space<vmem>>, vector<16xi32>,
      %get3A_480 = arith.index_cast %add3A_476 : i32 to index
      %get3A_481 = arith.constant 16 : index
      %get3A_482 = tpu.vector_load %arg8[%get3A_480, %get3A_481] {strides = array<i32>} : memref<136x128xi32, #tpu.memory_space<vmem>>, vector<16xi32>,
      %get3A_483 = arith.index_cast %add3A_476 : i32 to index
      %get3A_484 = arith.constant 32 : index
      %get3A_485 = tpu.vector_load %arg8[%get3A_483, %get3A_484] {strides = array<i32>} : memref<136x128xi32, #tpu.memory_space<vmem>>, vector<16xi32>,
      %get3A_486 = arith.index_cast %add3A_476 : i32 to index
      %get3A_487 = arith.constant 48 : index
      %get3A_488 = tpu.vector_load %arg8[%get3A_486, %get3A_487] {strides = array<i32>} : memref<136x128xi32, #tpu.memory_space<vmem>>, vector<16xi32>,
      %get3A_489 = arith.index_cast %add3A_476 : i32 to index
      %get3A_490 = arith.constant 64 : index
      %get3A_491 = tpu.vector_load %arg8[%get3A_489, %get3A_490] {strides = array<i32>} : memref<136x128xi32, #tpu.memory_space<vmem>>, vector<16xi32>,
      %get3A_492 = arith.index_cast %add3A_476 : i32 to index
      %get3A_493 = arith.constant 80 : index
      %get3A_494 = tpu.vector_load %arg8[%get3A_492, %get3A_493] {strides = array<i32>} : memref<136x128xi32, #tpu.memory_space<vmem>>, vector<16xi32>,
      %get3A_495 = arith.index_cast %add3A_476 : i32 to index
      %get3A_496 = arith.constant 96 : index
      %get3A_497 = tpu.vector_load %arg8[%get3A_495, %get3A_496] {strides = array<i32>} : memref<136x128xi32, #tpu.memory_space<vmem>>, vector<16xi32>,
      %get3A_498 = arith.index_cast %add3A_476 : i32 to index
      %get3A_499 = arith.constant 112 : index
      %get3A_500 = tpu.vector_load %arg8[%get3A_498, %get3A_499] {strides = array<i32>} : memref<136x128xi32, #tpu.memory_space<vmem>>, vector<16xi32>,
      %sub3A_501 = arith.subi %get3A_479, %get3A_406 : vector<16xi32>
      %convert_element_type3A_502 = arith.sitofp %sub3A_501 : vector<16xi32> to vector<16xf32>
      %add3A_503 = arith.addf %convert_element_type3A_502, %get3A_5 : vector<16xf32>
      %abs3A_504 = math.absf %add3A_503 : vector<16xf32>
      %sub3A_505 = arith.subi %get3A_482, %get3A_409 : vector<16xi32>
      %convert_element_type3A_506 = arith.sitofp %sub3A_505 : vector<16xi32> to vector<16xf32>
      %add3A_507 = arith.addf %convert_element_type3A_506, %get3A_9 : vector<16xf32>
      %abs3A_508 = math.absf %add3A_507 : vector<16xf32>
      %add3A_509 = arith.addf %abs3A_504, %abs3A_508 : vector<16xf32>
      %sub3A_510 = arith.subi %get3A_485, %get3A_412 : vector<16xi32>
      %convert_element_type3A_511 = arith.sitofp %sub3A_510 : vector<16xi32> to vector<16xf32>
      %add3A_512 = arith.addf %convert_element_type3A_511, %get3A_13 : vector<16xf32>
      %abs3A_513 = math.absf %add3A_512 : vector<16xf32>
      %add3A_514 = arith.addf %add3A_509, %abs3A_513 : vector<16xf32>
      %sub3A_515 = arith.subi %get3A_488, %get3A_415 : vector<16xi32>
      %convert_element_type3A_516 = arith.sitofp %sub3A_515 : vector<16xi32> to vector<16xf32>
      %add3A_517 = arith.addf %convert_element_type3A_516, %get3A_17 : vector<16xf32>
      %abs3A_518 = math.absf %add3A_517 : vector<16xf32>
      %add3A_519 = arith.addf %add3A_514, %abs3A_518 : vector<16xf32>
      %sub3A_520 = arith.subi %get3A_491, %get3A_418 : vector<16xi32>
      %convert_element_type3A_521 = arith.sitofp %sub3A_520 : vector<16xi32> to vector<16xf32>
      %add3A_522 = arith.addf %convert_element_type3A_521, %get3A_21 : vector<16xf32>
      %abs3A_523 = math.absf %add3A_522 : vector<16xf32>
      %add3A_524 = arith.addf %add3A_519, %abs3A_523 : vector<16xf32>
      %sub3A_525 = arith.subi %get3A_494, %get3A_421 : vector<16xi32>
      %convert_element_type3A_526 = arith.sitofp %sub3A_525 : vector<16xi32> to vector<16xf32>
      %add3A_527 = arith.addf %convert_element_type3A_526, %get3A_25 : vector<16xf32>
      %abs3A_528 = math.absf %add3A_527 : vector<16xf32>
      %add3A_529 = arith.addf %add3A_524, %abs3A_528 : vector<16xf32>
      %sub3A_530 = arith.subi %get3A_497, %get3A_424 : vector<16xi32>
      %convert_element_type3A_531 = arith.sitofp %sub3A_530 : vector<16xi32> to vector<16xf32>
      %add3A_532 = arith.addf %convert_element_type3A_531, %get3A_29 : vector<16xf32>
      %abs3A_533 = math.absf %add3A_532 : vector<16xf32>
      %add3A_534 = arith.addf %add3A_529, %abs3A_533 : vector<16xf32>
      %sub3A_535 = arith.subi %get3A_500, %get3A_427 : vector<16xi32>
      %convert_element_type3A_536 = arith.sitofp %sub3A_535 : vector<16xi32> to vector<16xf32>
      %add3A_537 = arith.addf %convert_element_type3A_536, %get3A_33 : vector<16xf32>
      %abs3A_538 = math.absf %add3A_537 : vector<16xf32>
      %add3A_539 = arith.addf %add3A_534, %abs3A_538 : vector<16xf32>
      %reduce_sum3A_540 = arith.constant true
      %reduce_sum3A_541 = vector.broadcast %reduce_sum3A_540 : i1 to vector<16xi1>
      %reduce_sum3A_542 = tpu.scan <sum>, %add3A_539 masked %reduce_sum3A_541 : vector<16xf32>, vector<16xi1> -> vector<16xf32>
      %reduce_sum3A_543 = vector.extract %reduce_sum3A_542[15] : f32 from vector<16xf32>
      %broadcast_in_dim3A_544 = vector.broadcast %reduce_sum3A_543 : f32 to vector<16xf32>
      %select_n3A_545 = arith.select %eq3A_47, %broadcast_in_dim3A_544, %select_n3A_472 : vector<16xi1>, vector<16xf32>
      %add3A_546 = arith.constant 5 : i32
      %add3A_547 = arith.addi %mul3A_184, %add3A_546 : i32
      %add3A_548 = arith.constant 1 : i32
      %add3A_549 = arith.addi %add3A_547, %add3A_548 : i32
      %get3A_550 = arith.index_cast %add3A_549 : i32 to index
      %get3A_551 = arith.constant 0 : index
      %get3A_552 = tpu.vector_load %arg8[%get3A_550, %get3A_551] {strides = array<i32>} : memref<136x128xi32, #tpu.memory_space<vmem>>, vector<16xi32>,
      %get3A_553 = arith.index_cast %add3A_549 : i32 to index
      %get3A_554 = arith.constant 16 : index
      %get3A_555 = tpu.vector_load %arg8[%get3A_553, %get3A_554] {strides = array<i32>} : memref<136x128xi32, #tpu.memory_space<vmem>>, vector<16xi32>,
      %get3A_556 = arith.index_cast %add3A_549 : i32 to index
      %get3A_557 = arith.constant 32 : index
      %get3A_558 = tpu.vector_load %arg8[%get3A_556, %get3A_557] {strides = array<i32>} : memref<136x128xi32, #tpu.memory_space<vmem>>, vector<16xi32>,
      %get3A_559 = arith.index_cast %add3A_549 : i32 to index
      %get3A_560 = arith.constant 48 : index
      %get3A_561 = tpu.vector_load %arg8[%get3A_559, %get3A_560] {strides = array<i32>} : memref<136x128xi32, #tpu.memory_space<vmem>>, vector<16xi32>,
      %get3A_562 = arith.index_cast %add3A_549 : i32 to index
      %get3A_563 = arith.constant 64 : index
      %get3A_564 = tpu.vector_load %arg8[%get3A_562, %get3A_563] {strides = array<i32>} : memref<136x128xi32, #tpu.memory_space<vmem>>, vector<16xi32>,
      %get3A_565 = arith.index_cast %add3A_549 : i32 to index
      %get3A_566 = arith.constant 80 : index
      %get3A_567 = tpu.vector_load %arg8[%get3A_565, %get3A_566] {strides = array<i32>} : memref<136x128xi32, #tpu.memory_space<vmem>>, vector<16xi32>,
      %get3A_568 = arith.index_cast %add3A_549 : i32 to index
      %get3A_569 = arith.constant 96 : index
      %get3A_570 = tpu.vector_load %arg8[%get3A_568, %get3A_569] {strides = array<i32>} : memref<136x128xi32, #tpu.memory_space<vmem>>, vector<16xi32>,
      %get3A_571 = arith.index_cast %add3A_549 : i32 to index
      %get3A_572 = arith.constant 112 : index
      %get3A_573 = tpu.vector_load %arg8[%get3A_571, %get3A_572] {strides = array<i32>} : memref<136x128xi32, #tpu.memory_space<vmem>>, vector<16xi32>,
      %sub3A_574 = arith.subi %get3A_552, %get3A_479 : vector<16xi32>
      %convert_element_type3A_575 = arith.sitofp %sub3A_574 : vector<16xi32> to vector<16xf32>
      %add3A_576 = arith.addf %convert_element_type3A_575, %get3A_5 : vector<16xf32>
      %abs3A_577 = math.absf %add3A_576 : vector<16xf32>
      %sub3A_578 = arith.subi %get3A_555, %get3A_482 : vector<16xi32>
      %convert_element_type3A_579 = arith.sitofp %sub3A_578 : vector<16xi32> to vector<16xf32>
      %add3A_580 = arith.addf %convert_element_type3A_579, %get3A_9 : vector<16xf32>
      %abs3A_581 = math.absf %add3A_580 : vector<16xf32>
      %add3A_582 = arith.addf %abs3A_577, %abs3A_581 : vector<16xf32>
      %sub3A_583 = arith.subi %get3A_558, %get3A_485 : vector<16xi32>
      %convert_element_type3A_584 = arith.sitofp %sub3A_583 : vector<16xi32> to vector<16xf32>
      %add3A_585 = arith.addf %convert_element_type3A_584, %get3A_13 : vector<16xf32>
      %abs3A_586 = math.absf %add3A_585 : vector<16xf32>
      %add3A_587 = arith.addf %add3A_582, %abs3A_586 : vector<16xf32>
      %sub3A_588 = arith.subi %get3A_561, %get3A_488 : vector<16xi32>
      %convert_element_type3A_589 = arith.sitofp %sub3A_588 : vector<16xi32> to vector<16xf32>
      %add3A_590 = arith.addf %convert_element_type3A_589, %get3A_17 : vector<16xf32>
      %abs3A_591 = math.absf %add3A_590 : vector<16xf32>
      %add3A_592 = arith.addf %add3A_587, %abs3A_591 : vector<16xf32>
      %sub3A_593 = arith.subi %get3A_564, %get3A_491 : vector<16xi32>
      %convert_element_type3A_594 = arith.sitofp %sub3A_593 : vector<16xi32> to vector<16xf32>
      %add3A_595 = arith.addf %convert_element_type3A_594, %get3A_21 : vector<16xf32>
      %abs3A_596 = math.absf %add3A_595 : vector<16xf32>
      %add3A_597 = arith.addf %add3A_592, %abs3A_596 : vector<16xf32>
      %sub3A_598 = arith.subi %get3A_567, %get3A_494 : vector<16xi32>
      %convert_element_type3A_599 = arith.sitofp %sub3A_598 : vector<16xi32> to vector<16xf32>
      %add3A_600 = arith.addf %convert_element_type3A_599, %get3A_25 : vector<16xf32>
      %abs3A_601 = math.absf %add3A_600 : vector<16xf32>
      %add3A_602 = arith.addf %add3A_597, %abs3A_601 : vector<16xf32>
      %sub3A_603 = arith.subi %get3A_570, %get3A_497 : vector<16xi32>
      %convert_element_type3A_604 = arith.sitofp %sub3A_603 : vector<16xi32> to vector<16xf32>
      %add3A_605 = arith.addf %convert_element_type3A_604, %get3A_29 : vector<16xf32>
      %abs3A_606 = math.absf %add3A_605 : vector<16xf32>
      %add3A_607 = arith.addf %add3A_602, %abs3A_606 : vector<16xf32>
      %sub3A_608 = arith.subi %get3A_573, %get3A_500 : vector<16xi32>
      %convert_element_type3A_609 = arith.sitofp %sub3A_608 : vector<16xi32> to vector<16xf32>
      %add3A_610 = arith.addf %convert_element_type3A_609, %get3A_33 : vector<16xf32>
      %abs3A_611 = math.absf %add3A_610 : vector<16xf32>
      %add3A_612 = arith.addf %add3A_607, %abs3A_611 : vector<16xf32>
      %reduce_sum3A_613 = arith.constant true
      %reduce_sum3A_614 = vector.broadcast %reduce_sum3A_613 : i1 to vector<16xi1>
      %reduce_sum3A_615 = tpu.scan <sum>, %add3A_612 masked %reduce_sum3A_614 : vector<16xf32>, vector<16xi1> -> vector<16xf32>
      %reduce_sum3A_616 = vector.extract %reduce_sum3A_615[15] : f32 from vector<16xf32>
      %broadcast_in_dim3A_617 = vector.broadcast %reduce_sum3A_616 : f32 to vector<16xf32>
      %select_n3A_618 = arith.select %eq3A_50, %broadcast_in_dim3A_617, %select_n3A_545 : vector<16xi1>, vector<16xf32>
      %add3A_619 = arith.constant 6 : i32
      %add3A_620 = arith.addi %mul3A_184, %add3A_619 : i32
      %add3A_621 = arith.constant 1 : i32
      %add3A_622 = arith.addi %add3A_620, %add3A_621 : i32
      %get3A_623 = arith.index_cast %add3A_622 : i32 to index
      %get3A_624 = arith.constant 0 : index
      %get3A_625 = tpu.vector_load %arg8[%get3A_623, %get3A_624] {strides = array<i32>} : memref<136x128xi32, #tpu.memory_space<vmem>>, vector<16xi32>,
      %get3A_626 = arith.index_cast %add3A_622 : i32 to index
      %get3A_627 = arith.constant 16 : index
      %get3A_628 = tpu.vector_load %arg8[%get3A_626, %get3A_627] {strides = array<i32>} : memref<136x128xi32, #tpu.memory_space<vmem>>, vector<16xi32>,
      %get3A_629 = arith.index_cast %add3A_622 : i32 to index
      %get3A_630 = arith.constant 32 : index
      %get3A_631 = tpu.vector_load %arg8[%get3A_629, %get3A_630] {strides = array<i32>} : memref<136x128xi32, #tpu.memory_space<vmem>>, vector<16xi32>,
      %get3A_632 = arith.index_cast %add3A_622 : i32 to index
      %get3A_633 = arith.constant 48 : index
      %get3A_634 = tpu.vector_load %arg8[%get3A_632, %get3A_633] {strides = array<i32>} : memref<136x128xi32, #tpu.memory_space<vmem>>, vector<16xi32>,
      %get3A_635 = arith.index_cast %add3A_622 : i32 to index
      %get3A_636 = arith.constant 64 : index
      %get3A_637 = tpu.vector_load %arg8[%get3A_635, %get3A_636] {strides = array<i32>} : memref<136x128xi32, #tpu.memory_space<vmem>>, vector<16xi32>,
      %get3A_638 = arith.index_cast %add3A_622 : i32 to index
      %get3A_639 = arith.constant 80 : index
      %get3A_640 = tpu.vector_load %arg8[%get3A_638, %get3A_639] {strides = array<i32>} : memref<136x128xi32, #tpu.memory_space<vmem>>, vector<16xi32>,
      %get3A_641 = arith.index_cast %add3A_622 : i32 to index
      %get3A_642 = arith.constant 96 : index
      %get3A_643 = tpu.vector_load %arg8[%get3A_641, %get3A_642] {strides = array<i32>} : memref<136x128xi32, #tpu.memory_space<vmem>>, vector<16xi32>,
      %get3A_644 = arith.index_cast %add3A_622 : i32 to index
      %get3A_645 = arith.constant 112 : index
      %get3A_646 = tpu.vector_load %arg8[%get3A_644, %get3A_645] {strides = array<i32>} : memref<136x128xi32, #tpu.memory_space<vmem>>, vector<16xi32>,
      %sub3A_647 = arith.subi %get3A_625, %get3A_552 : vector<16xi32>
      %convert_element_type3A_648 = arith.sitofp %sub3A_647 : vector<16xi32> to vector<16xf32>
      %add3A_649 = arith.addf %convert_element_type3A_648, %get3A_5 : vector<16xf32>
      %abs3A_650 = math.absf %add3A_649 : vector<16xf32>
      %sub3A_651 = arith.subi %get3A_628, %get3A_555 : vector<16xi32>
      %convert_element_type3A_652 = arith.sitofp %sub3A_651 : vector<16xi32> to vector<16xf32>
      %add3A_653 = arith.addf %convert_element_type3A_652, %get3A_9 : vector<16xf32>
      %abs3A_654 = math.absf %add3A_653 : vector<16xf32>
      %add3A_655 = arith.addf %abs3A_650, %abs3A_654 : vector<16xf32>
      %sub3A_656 = arith.subi %get3A_631, %get3A_558 : vector<16xi32>
      %convert_element_type3A_657 = arith.sitofp %sub3A_656 : vector<16xi32> to vector<16xf32>
      %add3A_658 = arith.addf %convert_element_type3A_657, %get3A_13 : vector<16xf32>
      %abs3A_659 = math.absf %add3A_658 : vector<16xf32>
      %add3A_660 = arith.addf %add3A_655, %abs3A_659 : vector<16xf32>
      %sub3A_661 = arith.subi %get3A_634, %get3A_561 : vector<16xi32>
      %convert_element_type3A_662 = arith.sitofp %sub3A_661 : vector<16xi32> to vector<16xf32>
      %add3A_663 = arith.addf %convert_element_type3A_662, %get3A_17 : vector<16xf32>
      %abs3A_664 = math.absf %add3A_663 : vector<16xf32>
      %add3A_665 = arith.addf %add3A_660, %abs3A_664 : vector<16xf32>
      %sub3A_666 = arith.subi %get3A_637, %get3A_564 : vector<16xi32>
      %convert_element_type3A_667 = arith.sitofp %sub3A_666 : vector<16xi32> to vector<16xf32>
      %add3A_668 = arith.addf %convert_element_type3A_667, %get3A_21 : vector<16xf32>
      %abs3A_669 = math.absf %add3A_668 : vector<16xf32>
      %add3A_670 = arith.addf %add3A_665, %abs3A_669 : vector<16xf32>
      %sub3A_671 = arith.subi %get3A_640, %get3A_567 : vector<16xi32>
      %convert_element_type3A_672 = arith.sitofp %sub3A_671 : vector<16xi32> to vector<16xf32>
      %add3A_673 = arith.addf %convert_element_type3A_672, %get3A_25 : vector<16xf32>
      %abs3A_674 = math.absf %add3A_673 : vector<16xf32>
      %add3A_675 = arith.addf %add3A_670, %abs3A_674 : vector<16xf32>
      %sub3A_676 = arith.subi %get3A_643, %get3A_570 : vector<16xi32>
      %convert_element_type3A_677 = arith.sitofp %sub3A_676 : vector<16xi32> to vector<16xf32>
      %add3A_678 = arith.addf %convert_element_type3A_677, %get3A_29 : vector<16xf32>
      %abs3A_679 = math.absf %add3A_678 : vector<16xf32>
      %add3A_680 = arith.addf %add3A_675, %abs3A_679 : vector<16xf32>
      %sub3A_681 = arith.subi %get3A_646, %get3A_573 : vector<16xi32>
      %convert_element_type3A_682 = arith.sitofp %sub3A_681 : vector<16xi32> to vector<16xf32>
      %add3A_683 = arith.addf %convert_element_type3A_682, %get3A_33 : vector<16xf32>
      %abs3A_684 = math.absf %add3A_683 : vector<16xf32>
      %add3A_685 = arith.addf %add3A_680, %abs3A_684 : vector<16xf32>
      %reduce_sum3A_686 = arith.constant true
      %reduce_sum3A_687 = vector.broadcast %reduce_sum3A_686 : i1 to vector<16xi1>
      %reduce_sum3A_688 = tpu.scan <sum>, %add3A_685 masked %reduce_sum3A_687 : vector<16xf32>, vector<16xi1> -> vector<16xf32>
      %reduce_sum3A_689 = vector.extract %reduce_sum3A_688[15] : f32 from vector<16xf32>
      %broadcast_in_dim3A_690 = vector.broadcast %reduce_sum3A_689 : f32 to vector<16xf32>
      %select_n3A_691 = arith.select %eq3A_53, %broadcast_in_dim3A_690, %select_n3A_618 : vector<16xi1>, vector<16xf32>
      %add3A_692 = arith.constant 7 : i32
      %add3A_693 = arith.addi %mul3A_184, %add3A_692 : i32
      %add3A_694 = arith.constant 1 : i32
      %add3A_695 = arith.addi %add3A_693, %add3A_694 : i32
      %get3A_696 = arith.index_cast %add3A_695 : i32 to index
      %get3A_697 = arith.constant 0 : index
      %get3A_698 = tpu.vector_load %arg8[%get3A_696, %get3A_697] {strides = array<i32>} : memref<136x128xi32, #tpu.memory_space<vmem>>, vector<16xi32>,
      %get3A_699 = arith.index_cast %add3A_695 : i32 to index
      %get3A_700 = arith.constant 16 : index
      %get3A_701 = tpu.vector_load %arg8[%get3A_699, %get3A_700] {strides = array<i32>} : memref<136x128xi32, #tpu.memory_space<vmem>>, vector<16xi32>,
      %get3A_702 = arith.index_cast %add3A_695 : i32 to index
      %get3A_703 = arith.constant 32 : index
      %get3A_704 = tpu.vector_load %arg8[%get3A_702, %get3A_703] {strides = array<i32>} : memref<136x128xi32, #tpu.memory_space<vmem>>, vector<16xi32>,
      %get3A_705 = arith.index_cast %add3A_695 : i32 to index
      %get3A_706 = arith.constant 48 : index
      %get3A_707 = tpu.vector_load %arg8[%get3A_705, %get3A_706] {strides = array<i32>} : memref<136x128xi32, #tpu.memory_space<vmem>>, vector<16xi32>,
      %get3A_708 = arith.index_cast %add3A_695 : i32 to index
      %get3A_709 = arith.constant 64 : index
      %get3A_710 = tpu.vector_load %arg8[%get3A_708, %get3A_709] {strides = array<i32>} : memref<136x128xi32, #tpu.memory_space<vmem>>, vector<16xi32>,
      %get3A_711 = arith.index_cast %add3A_695 : i32 to index
      %get3A_712 = arith.constant 80 : index
      %get3A_713 = tpu.vector_load %arg8[%get3A_711, %get3A_712] {strides = array<i32>} : memref<136x128xi32, #tpu.memory_space<vmem>>, vector<16xi32>,
      %get3A_714 = arith.index_cast %add3A_695 : i32 to index
      %get3A_715 = arith.constant 96 : index
      %get3A_716 = tpu.vector_load %arg8[%get3A_714, %get3A_715] {strides = array<i32>} : memref<136x128xi32, #tpu.memory_space<vmem>>, vector<16xi32>,
      %get3A_717 = arith.index_cast %add3A_695 : i32 to index
      %get3A_718 = arith.constant 112 : index
      %get3A_719 = tpu.vector_load %arg8[%get3A_717, %get3A_718] {strides = array<i32>} : memref<136x128xi32, #tpu.memory_space<vmem>>, vector<16xi32>,
      %sub3A_720 = arith.subi %get3A_698, %get3A_625 : vector<16xi32>
      %convert_element_type3A_721 = arith.sitofp %sub3A_720 : vector<16xi32> to vector<16xf32>
      %add3A_722 = arith.addf %convert_element_type3A_721, %get3A_5 : vector<16xf32>
      %abs3A_723 = math.absf %add3A_722 : vector<16xf32>
      %sub3A_724 = arith.subi %get3A_701, %get3A_628 : vector<16xi32>
      %convert_element_type3A_725 = arith.sitofp %sub3A_724 : vector<16xi32> to vector<16xf32>
      %add3A_726 = arith.addf %convert_element_type3A_725, %get3A_9 : vector<16xf32>
      %abs3A_727 = math.absf %add3A_726 : vector<16xf32>
      %add3A_728 = arith.addf %abs3A_723, %abs3A_727 : vector<16xf32>
      %sub3A_729 = arith.subi %get3A_704, %get3A_631 : vector<16xi32>
      %convert_element_type3A_730 = arith.sitofp %sub3A_729 : vector<16xi32> to vector<16xf32>
      %add3A_731 = arith.addf %convert_element_type3A_730, %get3A_13 : vector<16xf32>
      %abs3A_732 = math.absf %add3A_731 : vector<16xf32>
      %add3A_733 = arith.addf %add3A_728, %abs3A_732 : vector<16xf32>
      %sub3A_734 = arith.subi %get3A_707, %get3A_634 : vector<16xi32>
      %convert_element_type3A_735 = arith.sitofp %sub3A_734 : vector<16xi32> to vector<16xf32>
      %add3A_736 = arith.addf %convert_element_type3A_735, %get3A_17 : vector<16xf32>
      %abs3A_737 = math.absf %add3A_736 : vector<16xf32>
      %add3A_738 = arith.addf %add3A_733, %abs3A_737 : vector<16xf32>
      %sub3A_739 = arith.subi %get3A_710, %get3A_637 : vector<16xi32>
      %convert_element_type3A_740 = arith.sitofp %sub3A_739 : vector<16xi32> to vector<16xf32>
      %add3A_741 = arith.addf %convert_element_type3A_740, %get3A_21 : vector<16xf32>
      %abs3A_742 = math.absf %add3A_741 : vector<16xf32>
      %add3A_743 = arith.addf %add3A_738, %abs3A_742 : vector<16xf32>
      %sub3A_744 = arith.subi %get3A_713, %get3A_640 : vector<16xi32>
      %convert_element_type3A_745 = arith.sitofp %sub3A_744 : vector<16xi32> to vector<16xf32>
      %add3A_746 = arith.addf %convert_element_type3A_745, %get3A_25 : vector<16xf32>
      %abs3A_747 = math.absf %add3A_746 : vector<16xf32>
      %add3A_748 = arith.addf %add3A_743, %abs3A_747 : vector<16xf32>
      %sub3A_749 = arith.subi %get3A_716, %get3A_643 : vector<16xi32>
      %convert_element_type3A_750 = arith.sitofp %sub3A_749 : vector<16xi32> to vector<16xf32>
      %add3A_751 = arith.addf %convert_element_type3A_750, %get3A_29 : vector<16xf32>
      %abs3A_752 = math.absf %add3A_751 : vector<16xf32>
      %add3A_753 = arith.addf %add3A_748, %abs3A_752 : vector<16xf32>
      %sub3A_754 = arith.subi %get3A_719, %get3A_646 : vector<16xi32>
      %convert_element_type3A_755 = arith.sitofp %sub3A_754 : vector<16xi32> to vector<16xf32>
      %add3A_756 = arith.addf %convert_element_type3A_755, %get3A_33 : vector<16xf32>
      %abs3A_757 = math.absf %add3A_756 : vector<16xf32>
      %add3A_758 = arith.addf %add3A_753, %abs3A_757 : vector<16xf32>
      %reduce_sum3A_759 = arith.constant true
      %reduce_sum3A_760 = vector.broadcast %reduce_sum3A_759 : i1 to vector<16xi1>
      %reduce_sum3A_761 = tpu.scan <sum>, %add3A_758 masked %reduce_sum3A_760 : vector<16xf32>, vector<16xi1> -> vector<16xf32>
      %reduce_sum3A_762 = vector.extract %reduce_sum3A_761[15] : f32 from vector<16xf32>
      %broadcast_in_dim3A_763 = vector.broadcast %reduce_sum3A_762 : f32 to vector<16xf32>
      %select_n3A_764 = arith.select %eq3A_56, %broadcast_in_dim3A_763, %select_n3A_691 : vector<16xi1>, vector<16xf32>
      %add3A_765 = arith.constant 8 : i32
      %add3A_766 = arith.addi %mul3A_184, %add3A_765 : i32
      %add3A_767 = arith.constant 1 : i32
      %add3A_768 = arith.addi %add3A_766, %add3A_767 : i32
      %get3A_769 = arith.index_cast %add3A_768 : i32 to index
      %get3A_770 = arith.constant 0 : index
      %get3A_771 = tpu.vector_load %arg8[%get3A_769, %get3A_770] {strides = array<i32>} : memref<136x128xi32, #tpu.memory_space<vmem>>, vector<16xi32>,
      %get3A_772 = arith.index_cast %add3A_768 : i32 to index
      %get3A_773 = arith.constant 16 : index
      %get3A_774 = tpu.vector_load %arg8[%get3A_772, %get3A_773] {strides = array<i32>} : memref<136x128xi32, #tpu.memory_space<vmem>>, vector<16xi32>,
      %get3A_775 = arith.index_cast %add3A_768 : i32 to index
      %get3A_776 = arith.constant 32 : index
      %get3A_777 = tpu.vector_load %arg8[%get3A_775, %get3A_776] {strides = array<i32>} : memref<136x128xi32, #tpu.memory_space<vmem>>, vector<16xi32>,
      %get3A_778 = arith.index_cast %add3A_768 : i32 to index
      %get3A_779 = arith.constant 48 : index
      %get3A_780 = tpu.vector_load %arg8[%get3A_778, %get3A_779] {strides = array<i32>} : memref<136x128xi32, #tpu.memory_space<vmem>>, vector<16xi32>,
      %get3A_781 = arith.index_cast %add3A_768 : i32 to index
      %get3A_782 = arith.constant 64 : index
      %get3A_783 = tpu.vector_load %arg8[%get3A_781, %get3A_782] {strides = array<i32>} : memref<136x128xi32, #tpu.memory_space<vmem>>, vector<16xi32>,
      %get3A_784 = arith.index_cast %add3A_768 : i32 to index
      %get3A_785 = arith.constant 80 : index
      %get3A_786 = tpu.vector_load %arg8[%get3A_784, %get3A_785] {strides = array<i32>} : memref<136x128xi32, #tpu.memory_space<vmem>>, vector<16xi32>,
      %get3A_787 = arith.index_cast %add3A_768 : i32 to index
      %get3A_788 = arith.constant 96 : index
      %get3A_789 = tpu.vector_load %arg8[%get3A_787, %get3A_788] {strides = array<i32>} : memref<136x128xi32, #tpu.memory_space<vmem>>, vector<16xi32>,
      %get3A_790 = arith.index_cast %add3A_768 : i32 to index
      %get3A_791 = arith.constant 112 : index
      %get3A_792 = tpu.vector_load %arg8[%get3A_790, %get3A_791] {strides = array<i32>} : memref<136x128xi32, #tpu.memory_space<vmem>>, vector<16xi32>,
      %sub3A_793 = arith.subi %get3A_771, %get3A_698 : vector<16xi32>
      %convert_element_type3A_794 = arith.sitofp %sub3A_793 : vector<16xi32> to vector<16xf32>
      %add3A_795 = arith.addf %convert_element_type3A_794, %get3A_5 : vector<16xf32>
      %abs3A_796 = math.absf %add3A_795 : vector<16xf32>
      %sub3A_797 = arith.subi %get3A_774, %get3A_701 : vector<16xi32>
      %convert_element_type3A_798 = arith.sitofp %sub3A_797 : vector<16xi32> to vector<16xf32>
      %add3A_799 = arith.addf %convert_element_type3A_798, %get3A_9 : vector<16xf32>
      %abs3A_800 = math.absf %add3A_799 : vector<16xf32>
      %add3A_801 = arith.addf %abs3A_796, %abs3A_800 : vector<16xf32>
      %sub3A_802 = arith.subi %get3A_777, %get3A_704 : vector<16xi32>
      %convert_element_type3A_803 = arith.sitofp %sub3A_802 : vector<16xi32> to vector<16xf32>
      %add3A_804 = arith.addf %convert_element_type3A_803, %get3A_13 : vector<16xf32>
      %abs3A_805 = math.absf %add3A_804 : vector<16xf32>
      %add3A_806 = arith.addf %add3A_801, %abs3A_805 : vector<16xf32>
      %sub3A_807 = arith.subi %get3A_780, %get3A_707 : vector<16xi32>
      %convert_element_type3A_808 = arith.sitofp %sub3A_807 : vector<16xi32> to vector<16xf32>
      %add3A_809 = arith.addf %convert_element_type3A_808, %get3A_17 : vector<16xf32>
      %abs3A_810 = math.absf %add3A_809 : vector<16xf32>
      %add3A_811 = arith.addf %add3A_806, %abs3A_810 : vector<16xf32>
      %sub3A_812 = arith.subi %get3A_783, %get3A_710 : vector<16xi32>
      %convert_element_type3A_813 = arith.sitofp %sub3A_812 : vector<16xi32> to vector<16xf32>
      %add3A_814 = arith.addf %convert_element_type3A_813, %get3A_21 : vector<16xf32>
      %abs3A_815 = math.absf %add3A_814 : vector<16xf32>
      %add3A_816 = arith.addf %add3A_811, %abs3A_815 : vector<16xf32>
      %sub3A_817 = arith.subi %get3A_786, %get3A_713 : vector<16xi32>
      %convert_element_type3A_818 = arith.sitofp %sub3A_817 : vector<16xi32> to vector<16xf32>
      %add3A_819 = arith.addf %convert_element_type3A_818, %get3A_25 : vector<16xf32>
      %abs3A_820 = math.absf %add3A_819 : vector<16xf32>
      %add3A_821 = arith.addf %add3A_816, %abs3A_820 : vector<16xf32>
      %sub3A_822 = arith.subi %get3A_789, %get3A_716 : vector<16xi32>
      %convert_element_type3A_823 = arith.sitofp %sub3A_822 : vector<16xi32> to vector<16xf32>
      %add3A_824 = arith.addf %convert_element_type3A_823, %get3A_29 : vector<16xf32>
      %abs3A_825 = math.absf %add3A_824 : vector<16xf32>
      %add3A_826 = arith.addf %add3A_821, %abs3A_825 : vector<16xf32>
      %sub3A_827 = arith.subi %get3A_792, %get3A_719 : vector<16xi32>
      %convert_element_type3A_828 = arith.sitofp %sub3A_827 : vector<16xi32> to vector<16xf32>
      %add3A_829 = arith.addf %convert_element_type3A_828, %get3A_33 : vector<16xf32>
      %abs3A_830 = math.absf %add3A_829 : vector<16xf32>
      %add3A_831 = arith.addf %add3A_826, %abs3A_830 : vector<16xf32>
      %reduce_sum3A_832 = arith.constant true
      %reduce_sum3A_833 = vector.broadcast %reduce_sum3A_832 : i1 to vector<16xi1>
      %reduce_sum3A_834 = tpu.scan <sum>, %add3A_831 masked %reduce_sum3A_833 : vector<16xf32>, vector<16xi1> -> vector<16xf32>
      %reduce_sum3A_835 = vector.extract %reduce_sum3A_834[15] : f32 from vector<16xf32>
      %broadcast_in_dim3A_836 = vector.broadcast %reduce_sum3A_835 : f32 to vector<16xf32>
      %select_n3A_837 = arith.select %eq3A_59, %broadcast_in_dim3A_836, %select_n3A_764 : vector<16xi1>, vector<16xf32>
      %add3A_838 = arith.constant 9 : i32
      %add3A_839 = arith.addi %mul3A_184, %add3A_838 : i32
      %add3A_840 = arith.constant 1 : i32
      %add3A_841 = arith.addi %add3A_839, %add3A_840 : i32
      %get3A_842 = arith.index_cast %add3A_841 : i32 to index
      %get3A_843 = arith.constant 0 : index
      %get3A_844 = tpu.vector_load %arg8[%get3A_842, %get3A_843] {strides = array<i32>} : memref<136x128xi32, #tpu.memory_space<vmem>>, vector<16xi32>,
      %get3A_845 = arith.index_cast %add3A_841 : i32 to index
      %get3A_846 = arith.constant 16 : index
      %get3A_847 = tpu.vector_load %arg8[%get3A_845, %get3A_846] {strides = array<i32>} : memref<136x128xi32, #tpu.memory_space<vmem>>, vector<16xi32>,
      %get3A_848 = arith.index_cast %add3A_841 : i32 to index
      %get3A_849 = arith.constant 32 : index
      %get3A_850 = tpu.vector_load %arg8[%get3A_848, %get3A_849] {strides = array<i32>} : memref<136x128xi32, #tpu.memory_space<vmem>>, vector<16xi32>,
      %get3A_851 = arith.index_cast %add3A_841 : i32 to index
      %get3A_852 = arith.constant 48 : index
      %get3A_853 = tpu.vector_load %arg8[%get3A_851, %get3A_852] {strides = array<i32>} : memref<136x128xi32, #tpu.memory_space<vmem>>, vector<16xi32>,
      %get3A_854 = arith.index_cast %add3A_841 : i32 to index
      %get3A_855 = arith.constant 64 : index
      %get3A_856 = tpu.vector_load %arg8[%get3A_854, %get3A_855] {strides = array<i32>} : memref<136x128xi32, #tpu.memory_space<vmem>>, vector<16xi32>,
      %get3A_857 = arith.index_cast %add3A_841 : i32 to index
      %get3A_858 = arith.constant 80 : index
      %get3A_859 = tpu.vector_load %arg8[%get3A_857, %get3A_858] {strides = array<i32>} : memref<136x128xi32, #tpu.memory_space<vmem>>, vector<16xi32>,
      %get3A_860 = arith.index_cast %add3A_841 : i32 to index
      %get3A_861 = arith.constant 96 : index
      %get3A_862 = tpu.vector_load %arg8[%get3A_860, %get3A_861] {strides = array<i32>} : memref<136x128xi32, #tpu.memory_space<vmem>>, vector<16xi32>,
      %get3A_863 = arith.index_cast %add3A_841 : i32 to index
      %get3A_864 = arith.constant 112 : index
      %get3A_865 = tpu.vector_load %arg8[%get3A_863, %get3A_864] {strides = array<i32>} : memref<136x128xi32, #tpu.memory_space<vmem>>, vector<16xi32>,
      %sub3A_866 = arith.subi %get3A_844, %get3A_771 : vector<16xi32>
      %convert_element_type3A_867 = arith.sitofp %sub3A_866 : vector<16xi32> to vector<16xf32>
      %add3A_868 = arith.addf %convert_element_type3A_867, %get3A_5 : vector<16xf32>
      %abs3A_869 = math.absf %add3A_868 : vector<16xf32>
      %sub3A_870 = arith.subi %get3A_847, %get3A_774 : vector<16xi32>
      %convert_element_type3A_871 = arith.sitofp %sub3A_870 : vector<16xi32> to vector<16xf32>
      %add3A_872 = arith.addf %convert_element_type3A_871, %get3A_9 : vector<16xf32>
      %abs3A_873 = math.absf %add3A_872 : vector<16xf32>
      %add3A_874 = arith.addf %abs3A_869, %abs3A_873 : vector<16xf32>
      %sub3A_875 = arith.subi %get3A_850, %get3A_777 : vector<16xi32>
      %convert_element_type3A_876 = arith.sitofp %sub3A_875 : vector<16xi32> to vector<16xf32>
      %add3A_877 = arith.addf %convert_element_type3A_876, %get3A_13 : vector<16xf32>
      %abs3A_878 = math.absf %add3A_877 : vector<16xf32>
      %add3A_879 = arith.addf %add3A_874, %abs3A_878 : vector<16xf32>
      %sub3A_880 = arith.subi %get3A_853, %get3A_780 : vector<16xi32>
      %convert_element_type3A_881 = arith.sitofp %sub3A_880 : vector<16xi32> to vector<16xf32>
      %add3A_882 = arith.addf %convert_element_type3A_881, %get3A_17 : vector<16xf32>
      %abs3A_883 = math.absf %add3A_882 : vector<16xf32>
      %add3A_884 = arith.addf %add3A_879, %abs3A_883 : vector<16xf32>
      %sub3A_885 = arith.subi %get3A_856, %get3A_783 : vector<16xi32>
      %convert_element_type3A_886 = arith.sitofp %sub3A_885 : vector<16xi32> to vector<16xf32>
      %add3A_887 = arith.addf %convert_element_type3A_886, %get3A_21 : vector<16xf32>
      %abs3A_888 = math.absf %add3A_887 : vector<16xf32>
      %add3A_889 = arith.addf %add3A_884, %abs3A_888 : vector<16xf32>
      %sub3A_890 = arith.subi %get3A_859, %get3A_786 : vector<16xi32>
      %convert_element_type3A_891 = arith.sitofp %sub3A_890 : vector<16xi32> to vector<16xf32>
      %add3A_892 = arith.addf %convert_element_type3A_891, %get3A_25 : vector<16xf32>
      %abs3A_893 = math.absf %add3A_892 : vector<16xf32>
      %add3A_894 = arith.addf %add3A_889, %abs3A_893 : vector<16xf32>
      %sub3A_895 = arith.subi %get3A_862, %get3A_789 : vector<16xi32>
      %convert_element_type3A_896 = arith.sitofp %sub3A_895 : vector<16xi32> to vector<16xf32>
      %add3A_897 = arith.addf %convert_element_type3A_896, %get3A_29 : vector<16xf32>
      %abs3A_898 = math.absf %add3A_897 : vector<16xf32>
      %add3A_899 = arith.addf %add3A_894, %abs3A_898 : vector<16xf32>
      %sub3A_900 = arith.subi %get3A_865, %get3A_792 : vector<16xi32>
      %convert_element_type3A_901 = arith.sitofp %sub3A_900 : vector<16xi32> to vector<16xf32>
      %add3A_902 = arith.addf %convert_element_type3A_901, %get3A_33 : vector<16xf32>
      %abs3A_903 = math.absf %add3A_902 : vector<16xf32>
      %add3A_904 = arith.addf %add3A_899, %abs3A_903 : vector<16xf32>
      %reduce_sum3A_905 = arith.constant true
      %reduce_sum3A_906 = vector.broadcast %reduce_sum3A_905 : i1 to vector<16xi1>
      %reduce_sum3A_907 = tpu.scan <sum>, %add3A_904 masked %reduce_sum3A_906 : vector<16xf32>, vector<16xi1> -> vector<16xf32>
      %reduce_sum3A_908 = vector.extract %reduce_sum3A_907[15] : f32 from vector<16xf32>
      %broadcast_in_dim3A_909 = vector.broadcast %reduce_sum3A_908 : f32 to vector<16xf32>
      %select_n3A_910 = arith.select %eq3A_62, %broadcast_in_dim3A_909, %select_n3A_837 : vector<16xi1>, vector<16xf32>
      %add3A_911 = arith.constant 10 : i32
      %add3A_912 = arith.addi %mul3A_184, %add3A_911 : i32
      %add3A_913 = arith.constant 1 : i32
      %add3A_914 = arith.addi %add3A_912, %add3A_913 : i32
      %get3A_915 = arith.index_cast %add3A_914 : i32 to index
      %get3A_916 = arith.constant 0 : index
      %get3A_917 = tpu.vector_load %arg8[%get3A_915, %get3A_916] {strides = array<i32>} : memref<136x128xi32, #tpu.memory_space<vmem>>, vector<16xi32>,
      %get3A_918 = arith.index_cast %add3A_914 : i32 to index
      %get3A_919 = arith.constant 16 : index
      %get3A_920 = tpu.vector_load %arg8[%get3A_918, %get3A_919] {strides = array<i32>} : memref<136x128xi32, #tpu.memory_space<vmem>>, vector<16xi32>,
      %get3A_921 = arith.index_cast %add3A_914 : i32 to index
      %get3A_922 = arith.constant 32 : index
      %get3A_923 = tpu.vector_load %arg8[%get3A_921, %get3A_922] {strides = array<i32>} : memref<136x128xi32, #tpu.memory_space<vmem>>, vector<16xi32>,
      %get3A_924 = arith.index_cast %add3A_914 : i32 to index
      %get3A_925 = arith.constant 48 : index
      %get3A_926 = tpu.vector_load %arg8[%get3A_924, %get3A_925] {strides = array<i32>} : memref<136x128xi32, #tpu.memory_space<vmem>>, vector<16xi32>,
      %get3A_927 = arith.index_cast %add3A_914 : i32 to index
      %get3A_928 = arith.constant 64 : index
      %get3A_929 = tpu.vector_load %arg8[%get3A_927, %get3A_928] {strides = array<i32>} : memref<136x128xi32, #tpu.memory_space<vmem>>, vector<16xi32>,
      %get3A_930 = arith.index_cast %add3A_914 : i32 to index
      %get3A_931 = arith.constant 80 : index
      %get3A_932 = tpu.vector_load %arg8[%get3A_930, %get3A_931] {strides = array<i32>} : memref<136x128xi32, #tpu.memory_space<vmem>>, vector<16xi32>,
      %get3A_933 = arith.index_cast %add3A_914 : i32 to index
      %get3A_934 = arith.constant 96 : index
      %get3A_935 = tpu.vector_load %arg8[%get3A_933, %get3A_934] {strides = array<i32>} : memref<136x128xi32, #tpu.memory_space<vmem>>, vector<16xi32>,
      %get3A_936 = arith.index_cast %add3A_914 : i32 to index
      %get3A_937 = arith.constant 112 : index
      %get3A_938 = tpu.vector_load %arg8[%get3A_936, %get3A_937] {strides = array<i32>} : memref<136x128xi32, #tpu.memory_space<vmem>>, vector<16xi32>,
      %sub3A_939 = arith.subi %get3A_917, %get3A_844 : vector<16xi32>
      %convert_element_type3A_940 = arith.sitofp %sub3A_939 : vector<16xi32> to vector<16xf32>
      %add3A_941 = arith.addf %convert_element_type3A_940, %get3A_5 : vector<16xf32>
      %abs3A_942 = math.absf %add3A_941 : vector<16xf32>
      %sub3A_943 = arith.subi %get3A_920, %get3A_847 : vector<16xi32>
      %convert_element_type3A_944 = arith.sitofp %sub3A_943 : vector<16xi32> to vector<16xf32>
      %add3A_945 = arith.addf %convert_element_type3A_944, %get3A_9 : vector<16xf32>
      %abs3A_946 = math.absf %add3A_945 : vector<16xf32>
      %add3A_947 = arith.addf %abs3A_942, %abs3A_946 : vector<16xf32>
      %sub3A_948 = arith.subi %get3A_923, %get3A_850 : vector<16xi32>
      %convert_element_type3A_949 = arith.sitofp %sub3A_948 : vector<16xi32> to vector<16xf32>
      %add3A_950 = arith.addf %convert_element_type3A_949, %get3A_13 : vector<16xf32>
      %abs3A_951 = math.absf %add3A_950 : vector<16xf32>
      %add3A_952 = arith.addf %add3A_947, %abs3A_951 : vector<16xf32>
      %sub3A_953 = arith.subi %get3A_926, %get3A_853 : vector<16xi32>
      %convert_element_type3A_954 = arith.sitofp %sub3A_953 : vector<16xi32> to vector<16xf32>
      %add3A_955 = arith.addf %convert_element_type3A_954, %get3A_17 : vector<16xf32>
      %abs3A_956 = math.absf %add3A_955 : vector<16xf32>
      %add3A_957 = arith.addf %add3A_952, %abs3A_956 : vector<16xf32>
      %sub3A_958 = arith.subi %get3A_929, %get3A_856 : vector<16xi32>
      %convert_element_type3A_959 = arith.sitofp %sub3A_958 : vector<16xi32> to vector<16xf32>
      %add3A_960 = arith.addf %convert_element_type3A_959, %get3A_21 : vector<16xf32>
      %abs3A_961 = math.absf %add3A_960 : vector<16xf32>
      %add3A_962 = arith.addf %add3A_957, %abs3A_961 : vector<16xf32>
      %sub3A_963 = arith.subi %get3A_932, %get3A_859 : vector<16xi32>
      %convert_element_type3A_964 = arith.sitofp %sub3A_963 : vector<16xi32> to vector<16xf32>
      %add3A_965 = arith.addf %convert_element_type3A_964, %get3A_25 : vector<16xf32>
      %abs3A_966 = math.absf %add3A_965 : vector<16xf32>
      %add3A_967 = arith.addf %add3A_962, %abs3A_966 : vector<16xf32>
      %sub3A_968 = arith.subi %get3A_935, %get3A_862 : vector<16xi32>
      %convert_element_type3A_969 = arith.sitofp %sub3A_968 : vector<16xi32> to vector<16xf32>
      %add3A_970 = arith.addf %convert_element_type3A_969, %get3A_29 : vector<16xf32>
      %abs3A_971 = math.absf %add3A_970 : vector<16xf32>
      %add3A_972 = arith.addf %add3A_967, %abs3A_971 : vector<16xf32>
      %sub3A_973 = arith.subi %get3A_938, %get3A_865 : vector<16xi32>
      %convert_element_type3A_974 = arith.sitofp %sub3A_973 : vector<16xi32> to vector<16xf32>
      %add3A_975 = arith.addf %convert_element_type3A_974, %get3A_33 : vector<16xf32>
      %abs3A_976 = math.absf %add3A_975 : vector<16xf32>
      %add3A_977 = arith.addf %add3A_972, %abs3A_976 : vector<16xf32>
      %reduce_sum3A_978 = arith.constant true
      %reduce_sum3A_979 = vector.broadcast %reduce_sum3A_978 : i1 to vector<16xi1>
      %reduce_sum3A_980 = tpu.scan <sum>, %add3A_977 masked %reduce_sum3A_979 : vector<16xf32>, vector<16xi1> -> vector<16xf32>
      %reduce_sum3A_981 = vector.extract %reduce_sum3A_980[15] : f32 from vector<16xf32>
      %broadcast_in_dim3A_982 = vector.broadcast %reduce_sum3A_981 : f32 to vector<16xf32>
      %select_n3A_983 = arith.select %eq3A_65, %broadcast_in_dim3A_982, %select_n3A_910 : vector<16xi1>, vector<16xf32>
      %add3A_984 = arith.constant 11 : i32
      %add3A_985 = arith.addi %mul3A_184, %add3A_984 : i32
      %add3A_986 = arith.constant 1 : i32
      %add3A_987 = arith.addi %add3A_985, %add3A_986 : i32
      %get3A_988 = arith.index_cast %add3A_987 : i32 to index
      %get3A_989 = arith.constant 0 : index
      %get3A_990 = tpu.vector_load %arg8[%get3A_988, %get3A_989] {strides = array<i32>} : memref<136x128xi32, #tpu.memory_space<vmem>>, vector<16xi32>,
      %get3A_991 = arith.index_cast %add3A_987 : i32 to index
      %get3A_992 = arith.constant 16 : index
      %get3A_993 = tpu.vector_load %arg8[%get3A_991, %get3A_992] {strides = array<i32>} : memref<136x128xi32, #tpu.memory_space<vmem>>, vector<16xi32>,
      %get3A_994 = arith.index_cast %add3A_987 : i32 to index
      %get3A_995 = arith.constant 32 : index
      %get3A_996 = tpu.vector_load %arg8[%get3A_994, %get3A_995] {strides = array<i32>} : memref<136x128xi32, #tpu.memory_space<vmem>>, vector<16xi32>,
      %get3A_997 = arith.index_cast %add3A_987 : i32 to index
      %get3A_998 = arith.constant 48 : index
      %get3A_999 = tpu.vector_load %arg8[%get3A_997, %get3A_998] {strides = array<i32>} : memref<136x128xi32, #tpu.memory_space<vmem>>, vector<16xi32>,
      %get3A_1000 = arith.index_cast %add3A_987 : i32 to index
      %get3A_1001 = arith.constant 64 : index
      %get3A_1002 = tpu.vector_load %arg8[%get3A_1000, %get3A_1001] {strides = array<i32>} : memref<136x128xi32, #tpu.memory_space<vmem>>, vector<16xi32>,
      %get3A_1003 = arith.index_cast %add3A_987 : i32 to index
      %get3A_1004 = arith.constant 80 : index
      %get3A_1005 = tpu.vector_load %arg8[%get3A_1003, %get3A_1004] {strides = array<i32>} : memref<136x128xi32, #tpu.memory_space<vmem>>, vector<16xi32>,
      %get3A_1006 = arith.index_cast %add3A_987 : i32 to index
      %get3A_1007 = arith.constant 96 : index
      %get3A_1008 = tpu.vector_load %arg8[%get3A_1006, %get3A_1007] {strides = array<i32>} : memref<136x128xi32, #tpu.memory_space<vmem>>, vector<16xi32>,
      %get3A_1009 = arith.index_cast %add3A_987 : i32 to index
      %get3A_1010 = arith.constant 112 : index
      %get3A_1011 = tpu.vector_load %arg8[%get3A_1009, %get3A_1010] {strides = array<i32>} : memref<136x128xi32, #tpu.memory_space<vmem>>, vector<16xi32>,
      %sub3A_1012 = arith.subi %get3A_990, %get3A_917 : vector<16xi32>
      %convert_element_type3A_1013 = arith.sitofp %sub3A_1012 : vector<16xi32> to vector<16xf32>
      %add3A_1014 = arith.addf %convert_element_type3A_1013, %get3A_5 : vector<16xf32>
      %abs3A_1015 = math.absf %add3A_1014 : vector<16xf32>
      %sub3A_1016 = arith.subi %get3A_993, %get3A_920 : vector<16xi32>
      %convert_element_type3A_1017 = arith.sitofp %sub3A_1016 : vector<16xi32> to vector<16xf32>
      %add3A_1018 = arith.addf %convert_element_type3A_1017, %get3A_9 : vector<16xf32>
      %abs3A_1019 = math.absf %add3A_1018 : vector<16xf32>
      %add3A_1020 = arith.addf %abs3A_1015, %abs3A_1019 : vector<16xf32>
      %sub3A_1021 = arith.subi %get3A_996, %get3A_923 : vector<16xi32>
      %convert_element_type3A_1022 = arith.sitofp %sub3A_1021 : vector<16xi32> to vector<16xf32>
      %add3A_1023 = arith.addf %convert_element_type3A_1022, %get3A_13 : vector<16xf32>
      %abs3A_1024 = math.absf %add3A_1023 : vector<16xf32>
      %add3A_1025 = arith.addf %add3A_1020, %abs3A_1024 : vector<16xf32>
      %sub3A_1026 = arith.subi %get3A_999, %get3A_926 : vector<16xi32>
      %convert_element_type3A_1027 = arith.sitofp %sub3A_1026 : vector<16xi32> to vector<16xf32>
      %add3A_1028 = arith.addf %convert_element_type3A_1027, %get3A_17 : vector<16xf32>
      %abs3A_1029 = math.absf %add3A_1028 : vector<16xf32>
      %add3A_1030 = arith.addf %add3A_1025, %abs3A_1029 : vector<16xf32>
      %sub3A_1031 = arith.subi %get3A_1002, %get3A_929 : vector<16xi32>
      %convert_element_type3A_1032 = arith.sitofp %sub3A_1031 : vector<16xi32> to vector<16xf32>
      %add3A_1033 = arith.addf %convert_element_type3A_1032, %get3A_21 : vector<16xf32>
      %abs3A_1034 = math.absf %add3A_1033 : vector<16xf32>
      %add3A_1035 = arith.addf %add3A_1030, %abs3A_1034 : vector<16xf32>
      %sub3A_1036 = arith.subi %get3A_1005, %get3A_932 : vector<16xi32>
      %convert_element_type3A_1037 = arith.sitofp %sub3A_1036 : vector<16xi32> to vector<16xf32>
      %add3A_1038 = arith.addf %convert_element_type3A_1037, %get3A_25 : vector<16xf32>
      %abs3A_1039 = math.absf %add3A_1038 : vector<16xf32>
      %add3A_1040 = arith.addf %add3A_1035, %abs3A_1039 : vector<16xf32>
      %sub3A_1041 = arith.subi %get3A_1008, %get3A_935 : vector<16xi32>
      %convert_element_type3A_1042 = arith.sitofp %sub3A_1041 : vector<16xi32> to vector<16xf32>
      %add3A_1043 = arith.addf %convert_element_type3A_1042, %get3A_29 : vector<16xf32>
      %abs3A_1044 = math.absf %add3A_1043 : vector<16xf32>
      %add3A_1045 = arith.addf %add3A_1040, %abs3A_1044 : vector<16xf32>
      %sub3A_1046 = arith.subi %get3A_1011, %get3A_938 : vector<16xi32>
      %convert_element_type3A_1047 = arith.sitofp %sub3A_1046 : vector<16xi32> to vector<16xf32>
      %add3A_1048 = arith.addf %convert_element_type3A_1047, %get3A_33 : vector<16xf32>
      %abs3A_1049 = math.absf %add3A_1048 : vector<16xf32>
      %add3A_1050 = arith.addf %add3A_1045, %abs3A_1049 : vector<16xf32>
      %reduce_sum3A_1051 = arith.constant true
      %reduce_sum3A_1052 = vector.broadcast %reduce_sum3A_1051 : i1 to vector<16xi1>
      %reduce_sum3A_1053 = tpu.scan <sum>, %add3A_1050 masked %reduce_sum3A_1052 : vector<16xf32>, vector<16xi1> -> vector<16xf32>
      %reduce_sum3A_1054 = vector.extract %reduce_sum3A_1053[15] : f32 from vector<16xf32>
      %broadcast_in_dim3A_1055 = vector.broadcast %reduce_sum3A_1054 : f32 to vector<16xf32>
      %select_n3A_1056 = arith.select %eq3A_68, %broadcast_in_dim3A_1055, %select_n3A_983 : vector<16xi1>, vector<16xf32>
      %add3A_1057 = arith.constant 12 : i32
      %add3A_1058 = arith.addi %mul3A_184, %add3A_1057 : i32
      %add3A_1059 = arith.constant 1 : i32
      %add3A_1060 = arith.addi %add3A_1058, %add3A_1059 : i32
      %get3A_1061 = arith.index_cast %add3A_1060 : i32 to index
      %get3A_1062 = arith.constant 0 : index
      %get3A_1063 = tpu.vector_load %arg8[%get3A_1061, %get3A_1062] {strides = array<i32>} : memref<136x128xi32, #tpu.memory_space<vmem>>, vector<16xi32>,
      %get3A_1064 = arith.index_cast %add3A_1060 : i32 to index
      %get3A_1065 = arith.constant 16 : index
      %get3A_1066 = tpu.vector_load %arg8[%get3A_1064, %get3A_1065] {strides = array<i32>} : memref<136x128xi32, #tpu.memory_space<vmem>>, vector<16xi32>,
      %get3A_1067 = arith.index_cast %add3A_1060 : i32 to index
      %get3A_1068 = arith.constant 32 : index
      %get3A_1069 = tpu.vector_load %arg8[%get3A_1067, %get3A_1068] {strides = array<i32>} : memref<136x128xi32, #tpu.memory_space<vmem>>, vector<16xi32>,
      %get3A_1070 = arith.index_cast %add3A_1060 : i32 to index
      %get3A_1071 = arith.constant 48 : index
      %get3A_1072 = tpu.vector_load %arg8[%get3A_1070, %get3A_1071] {strides = array<i32>} : memref<136x128xi32, #tpu.memory_space<vmem>>, vector<16xi32>,
      %get3A_1073 = arith.index_cast %add3A_1060 : i32 to index
      %get3A_1074 = arith.constant 64 : index
      %get3A_1075 = tpu.vector_load %arg8[%get3A_1073, %get3A_1074] {strides = array<i32>} : memref<136x128xi32, #tpu.memory_space<vmem>>, vector<16xi32>,
      %get3A_1076 = arith.index_cast %add3A_1060 : i32 to index
      %get3A_1077 = arith.constant 80 : index
      %get3A_1078 = tpu.vector_load %arg8[%get3A_1076, %get3A_1077] {strides = array<i32>} : memref<136x128xi32, #tpu.memory_space<vmem>>, vector<16xi32>,
      %get3A_1079 = arith.index_cast %add3A_1060 : i32 to index
      %get3A_1080 = arith.constant 96 : index
      %get3A_1081 = tpu.vector_load %arg8[%get3A_1079, %get3A_1080] {strides = array<i32>} : memref<136x128xi32, #tpu.memory_space<vmem>>, vector<16xi32>,
      %get3A_1082 = arith.index_cast %add3A_1060 : i32 to index
      %get3A_1083 = arith.constant 112 : index
      %get3A_1084 = tpu.vector_load %arg8[%get3A_1082, %get3A_1083] {strides = array<i32>} : memref<136x128xi32, #tpu.memory_space<vmem>>, vector<16xi32>,
      %sub3A_1085 = arith.subi %get3A_1063, %get3A_990 : vector<16xi32>
      %convert_element_type3A_1086 = arith.sitofp %sub3A_1085 : vector<16xi32> to vector<16xf32>
      %add3A_1087 = arith.addf %convert_element_type3A_1086, %get3A_5 : vector<16xf32>
      %abs3A_1088 = math.absf %add3A_1087 : vector<16xf32>
      %sub3A_1089 = arith.subi %get3A_1066, %get3A_993 : vector<16xi32>
      %convert_element_type3A_1090 = arith.sitofp %sub3A_1089 : vector<16xi32> to vector<16xf32>
      %add3A_1091 = arith.addf %convert_element_type3A_1090, %get3A_9 : vector<16xf32>
      %abs3A_1092 = math.absf %add3A_1091 : vector<16xf32>
      %add3A_1093 = arith.addf %abs3A_1088, %abs3A_1092 : vector<16xf32>
      %sub3A_1094 = arith.subi %get3A_1069, %get3A_996 : vector<16xi32>
      %convert_element_type3A_1095 = arith.sitofp %sub3A_1094 : vector<16xi32> to vector<16xf32>
      %add3A_1096 = arith.addf %convert_element_type3A_1095, %get3A_13 : vector<16xf32>
      %abs3A_1097 = math.absf %add3A_1096 : vector<16xf32>
      %add3A_1098 = arith.addf %add3A_1093, %abs3A_1097 : vector<16xf32>
      %sub3A_1099 = arith.subi %get3A_1072, %get3A_999 : vector<16xi32>
      %convert_element_type3A_1100 = arith.sitofp %sub3A_1099 : vector<16xi32> to vector<16xf32>
      %add3A_1101 = arith.addf %convert_element_type3A_1100, %get3A_17 : vector<16xf32>
      %abs3A_1102 = math.absf %add3A_1101 : vector<16xf32>
      %add3A_1103 = arith.addf %add3A_1098, %abs3A_1102 : vector<16xf32>
      %sub3A_1104 = arith.subi %get3A_1075, %get3A_1002 : vector<16xi32>
      %convert_element_type3A_1105 = arith.sitofp %sub3A_1104 : vector<16xi32> to vector<16xf32>
      %add3A_1106 = arith.addf %convert_element_type3A_1105, %get3A_21 : vector<16xf32>
      %abs3A_1107 = math.absf %add3A_1106 : vector<16xf32>
      %add3A_1108 = arith.addf %add3A_1103, %abs3A_1107 : vector<16xf32>
      %sub3A_1109 = arith.subi %get3A_1078, %get3A_1005 : vector<16xi32>
      %convert_element_type3A_1110 = arith.sitofp %sub3A_1109 : vector<16xi32> to vector<16xf32>
      %add3A_1111 = arith.addf %convert_element_type3A_1110, %get3A_25 : vector<16xf32>
      %abs3A_1112 = math.absf %add3A_1111 : vector<16xf32>
      %add3A_1113 = arith.addf %add3A_1108, %abs3A_1112 : vector<16xf32>
      %sub3A_1114 = arith.subi %get3A_1081, %get3A_1008 : vector<16xi32>
      %convert_element_type3A_1115 = arith.sitofp %sub3A_1114 : vector<16xi32> to vector<16xf32>
      %add3A_1116 = arith.addf %convert_element_type3A_1115, %get3A_29 : vector<16xf32>
      %abs3A_1117 = math.absf %add3A_1116 : vector<16xf32>
      %add3A_1118 = arith.addf %add3A_1113, %abs3A_1117 : vector<16xf32>
      %sub3A_1119 = arith.subi %get3A_1084, %get3A_1011 : vector<16xi32>
      %convert_element_type3A_1120 = arith.sitofp %sub3A_1119 : vector<16xi32> to vector<16xf32>
      %add3A_1121 = arith.addf %convert_element_type3A_1120, %get3A_33 : vector<16xf32>
      %abs3A_1122 = math.absf %add3A_1121 : vector<16xf32>
      %add3A_1123 = arith.addf %add3A_1118, %abs3A_1122 : vector<16xf32>
      %reduce_sum3A_1124 = arith.constant true
      %reduce_sum3A_1125 = vector.broadcast %reduce_sum3A_1124 : i1 to vector<16xi1>
      %reduce_sum3A_1126 = tpu.scan <sum>, %add3A_1123 masked %reduce_sum3A_1125 : vector<16xf32>, vector<16xi1> -> vector<16xf32>
      %reduce_sum3A_1127 = vector.extract %reduce_sum3A_1126[15] : f32 from vector<16xf32>
      %broadcast_in_dim3A_1128 = vector.broadcast %reduce_sum3A_1127 : f32 to vector<16xf32>
      %select_n3A_1129 = arith.select %eq3A_71, %broadcast_in_dim3A_1128, %select_n3A_1056 : vector<16xi1>, vector<16xf32>
      %add3A_1130 = arith.constant 13 : i32
      %add3A_1131 = arith.addi %mul3A_184, %add3A_1130 : i32
      %add3A_1132 = arith.constant 1 : i32
      %add3A_1133 = arith.addi %add3A_1131, %add3A_1132 : i32
      %get3A_1134 = arith.index_cast %add3A_1133 : i32 to index
      %get3A_1135 = arith.constant 0 : index
      %get3A_1136 = tpu.vector_load %arg8[%get3A_1134, %get3A_1135] {strides = array<i32>} : memref<136x128xi32, #tpu.memory_space<vmem>>, vector<16xi32>,
      %get3A_1137 = arith.index_cast %add3A_1133 : i32 to index
      %get3A_1138 = arith.constant 16 : index
      %get3A_1139 = tpu.vector_load %arg8[%get3A_1137, %get3A_1138] {strides = array<i32>} : memref<136x128xi32, #tpu.memory_space<vmem>>, vector<16xi32>,
      %get3A_1140 = arith.index_cast %add3A_1133 : i32 to index
      %get3A_1141 = arith.constant 32 : index
      %get3A_1142 = tpu.vector_load %arg8[%get3A_1140, %get3A_1141] {strides = array<i32>} : memref<136x128xi32, #tpu.memory_space<vmem>>, vector<16xi32>,
      %get3A_1143 = arith.index_cast %add3A_1133 : i32 to index
      %get3A_1144 = arith.constant 48 : index
      %get3A_1145 = tpu.vector_load %arg8[%get3A_1143, %get3A_1144] {strides = array<i32>} : memref<136x128xi32, #tpu.memory_space<vmem>>, vector<16xi32>,
      %get3A_1146 = arith.index_cast %add3A_1133 : i32 to index
      %get3A_1147 = arith.constant 64 : index
      %get3A_1148 = tpu.vector_load %arg8[%get3A_1146, %get3A_1147] {strides = array<i32>} : memref<136x128xi32, #tpu.memory_space<vmem>>, vector<16xi32>,
      %get3A_1149 = arith.index_cast %add3A_1133 : i32 to index
      %get3A_1150 = arith.constant 80 : index
      %get3A_1151 = tpu.vector_load %arg8[%get3A_1149, %get3A_1150] {strides = array<i32>} : memref<136x128xi32, #tpu.memory_space<vmem>>, vector<16xi32>,
      %get3A_1152 = arith.index_cast %add3A_1133 : i32 to index
      %get3A_1153 = arith.constant 96 : index
      %get3A_1154 = tpu.vector_load %arg8[%get3A_1152, %get3A_1153] {strides = array<i32>} : memref<136x128xi32, #tpu.memory_space<vmem>>, vector<16xi32>,
      %get3A_1155 = arith.index_cast %add3A_1133 : i32 to index
      %get3A_1156 = arith.constant 112 : index
      %get3A_1157 = tpu.vector_load %arg8[%get3A_1155, %get3A_1156] {strides = array<i32>} : memref<136x128xi32, #tpu.memory_space<vmem>>, vector<16xi32>,
      %sub3A_1158 = arith.subi %get3A_1136, %get3A_1063 : vector<16xi32>
      %convert_element_type3A_1159 = arith.sitofp %sub3A_1158 : vector<16xi32> to vector<16xf32>
      %add3A_1160 = arith.addf %convert_element_type3A_1159, %get3A_5 : vector<16xf32>
      %abs3A_1161 = math.absf %add3A_1160 : vector<16xf32>
      %sub3A_1162 = arith.subi %get3A_1139, %get3A_1066 : vector<16xi32>
      %convert_element_type3A_1163 = arith.sitofp %sub3A_1162 : vector<16xi32> to vector<16xf32>
      %add3A_1164 = arith.addf %convert_element_type3A_1163, %get3A_9 : vector<16xf32>
      %abs3A_1165 = math.absf %add3A_1164 : vector<16xf32>
      %add3A_1166 = arith.addf %abs3A_1161, %abs3A_1165 : vector<16xf32>
      %sub3A_1167 = arith.subi %get3A_1142, %get3A_1069 : vector<16xi32>
      %convert_element_type3A_1168 = arith.sitofp %sub3A_1167 : vector<16xi32> to vector<16xf32>
      %add3A_1169 = arith.addf %convert_element_type3A_1168, %get3A_13 : vector<16xf32>
      %abs3A_1170 = math.absf %add3A_1169 : vector<16xf32>
      %add3A_1171 = arith.addf %add3A_1166, %abs3A_1170 : vector<16xf32>
      %sub3A_1172 = arith.subi %get3A_1145, %get3A_1072 : vector<16xi32>
      %convert_element_type3A_1173 = arith.sitofp %sub3A_1172 : vector<16xi32> to vector<16xf32>
      %add3A_1174 = arith.addf %convert_element_type3A_1173, %get3A_17 : vector<16xf32>
      %abs3A_1175 = math.absf %add3A_1174 : vector<16xf32>
      %add3A_1176 = arith.addf %add3A_1171, %abs3A_1175 : vector<16xf32>
      %sub3A_1177 = arith.subi %get3A_1148, %get3A_1075 : vector<16xi32>
      %convert_element_type3A_1178 = arith.sitofp %sub3A_1177 : vector<16xi32> to vector<16xf32>
      %add3A_1179 = arith.addf %convert_element_type3A_1178, %get3A_21 : vector<16xf32>
      %abs3A_1180 = math.absf %add3A_1179 : vector<16xf32>
      %add3A_1181 = arith.addf %add3A_1176, %abs3A_1180 : vector<16xf32>
      %sub3A_1182 = arith.subi %get3A_1151, %get3A_1078 : vector<16xi32>
      %convert_element_type3A_1183 = arith.sitofp %sub3A_1182 : vector<16xi32> to vector<16xf32>
      %add3A_1184 = arith.addf %convert_element_type3A_1183, %get3A_25 : vector<16xf32>
      %abs3A_1185 = math.absf %add3A_1184 : vector<16xf32>
      %add3A_1186 = arith.addf %add3A_1181, %abs3A_1185 : vector<16xf32>
      %sub3A_1187 = arith.subi %get3A_1154, %get3A_1081 : vector<16xi32>
      %convert_element_type3A_1188 = arith.sitofp %sub3A_1187 : vector<16xi32> to vector<16xf32>
      %add3A_1189 = arith.addf %convert_element_type3A_1188, %get3A_29 : vector<16xf32>
      %abs3A_1190 = math.absf %add3A_1189 : vector<16xf32>
      %add3A_1191 = arith.addf %add3A_1186, %abs3A_1190 : vector<16xf32>
      %sub3A_1192 = arith.subi %get3A_1157, %get3A_1084 : vector<16xi32>
      %convert_element_type3A_1193 = arith.sitofp %sub3A_1192 : vector<16xi32> to vector<16xf32>
      %add3A_1194 = arith.addf %convert_element_type3A_1193, %get3A_33 : vector<16xf32>
      %abs3A_1195 = math.absf %add3A_1194 : vector<16xf32>
      %add3A_1196 = arith.addf %add3A_1191, %abs3A_1195 : vector<16xf32>
      %reduce_sum3A_1197 = arith.constant true
      %reduce_sum3A_1198 = vector.broadcast %reduce_sum3A_1197 : i1 to vector<16xi1>
      %reduce_sum3A_1199 = tpu.scan <sum>, %add3A_1196 masked %reduce_sum3A_1198 : vector<16xf32>, vector<16xi1> -> vector<16xf32>
      %reduce_sum3A_1200 = vector.extract %reduce_sum3A_1199[15] : f32 from vector<16xf32>
      %broadcast_in_dim3A_1201 = vector.broadcast %reduce_sum3A_1200 : f32 to vector<16xf32>
      %select_n3A_1202 = arith.select %eq3A_74, %broadcast_in_dim3A_1201, %select_n3A_1129 : vector<16xi1>, vector<16xf32>
      %add3A_1203 = arith.constant 14 : i32
      %add3A_1204 = arith.addi %mul3A_184, %add3A_1203 : i32
      %add3A_1205 = arith.constant 1 : i32
      %add3A_1206 = arith.addi %add3A_1204, %add3A_1205 : i32
      %get3A_1207 = arith.index_cast %add3A_1206 : i32 to index
      %get3A_1208 = arith.constant 0 : index
      %get3A_1209 = tpu.vector_load %arg8[%get3A_1207, %get3A_1208] {strides = array<i32>} : memref<136x128xi32, #tpu.memory_space<vmem>>, vector<16xi32>,
      %get3A_1210 = arith.index_cast %add3A_1206 : i32 to index
      %get3A_1211 = arith.constant 16 : index
      %get3A_1212 = tpu.vector_load %arg8[%get3A_1210, %get3A_1211] {strides = array<i32>} : memref<136x128xi32, #tpu.memory_space<vmem>>, vector<16xi32>,
      %get3A_1213 = arith.index_cast %add3A_1206 : i32 to index
      %get3A_1214 = arith.constant 32 : index
      %get3A_1215 = tpu.vector_load %arg8[%get3A_1213, %get3A_1214] {strides = array<i32>} : memref<136x128xi32, #tpu.memory_space<vmem>>, vector<16xi32>,
      %get3A_1216 = arith.index_cast %add3A_1206 : i32 to index
      %get3A_1217 = arith.constant 48 : index
      %get3A_1218 = tpu.vector_load %arg8[%get3A_1216, %get3A_1217] {strides = array<i32>} : memref<136x128xi32, #tpu.memory_space<vmem>>, vector<16xi32>,
      %get3A_1219 = arith.index_cast %add3A_1206 : i32 to index
      %get3A_1220 = arith.constant 64 : index
      %get3A_1221 = tpu.vector_load %arg8[%get3A_1219, %get3A_1220] {strides = array<i32>} : memref<136x128xi32, #tpu.memory_space<vmem>>, vector<16xi32>,
      %get3A_1222 = arith.index_cast %add3A_1206 : i32 to index
      %get3A_1223 = arith.constant 80 : index
      %get3A_1224 = tpu.vector_load %arg8[%get3A_1222, %get3A_1223] {strides = array<i32>} : memref<136x128xi32, #tpu.memory_space<vmem>>, vector<16xi32>,
      %get3A_1225 = arith.index_cast %add3A_1206 : i32 to index
      %get3A_1226 = arith.constant 96 : index
      %get3A_1227 = tpu.vector_load %arg8[%get3A_1225, %get3A_1226] {strides = array<i32>} : memref<136x128xi32, #tpu.memory_space<vmem>>, vector<16xi32>,
      %get3A_1228 = arith.index_cast %add3A_1206 : i32 to index
      %get3A_1229 = arith.constant 112 : index
      %get3A_1230 = tpu.vector_load %arg8[%get3A_1228, %get3A_1229] {strides = array<i32>} : memref<136x128xi32, #tpu.memory_space<vmem>>, vector<16xi32>,
      %sub3A_1231 = arith.subi %get3A_1209, %get3A_1136 : vector<16xi32>
      %convert_element_type3A_1232 = arith.sitofp %sub3A_1231 : vector<16xi32> to vector<16xf32>
      %add3A_1233 = arith.addf %convert_element_type3A_1232, %get3A_5 : vector<16xf32>
      %abs3A_1234 = math.absf %add3A_1233 : vector<16xf32>
      %sub3A_1235 = arith.subi %get3A_1212, %get3A_1139 : vector<16xi32>
      %convert_element_type3A_1236 = arith.sitofp %sub3A_1235 : vector<16xi32> to vector<16xf32>
      %add3A_1237 = arith.addf %convert_element_type3A_1236, %get3A_9 : vector<16xf32>
      %abs3A_1238 = math.absf %add3A_1237 : vector<16xf32>
      %add3A_1239 = arith.addf %abs3A_1234, %abs3A_1238 : vector<16xf32>
      %sub3A_1240 = arith.subi %get3A_1215, %get3A_1142 : vector<16xi32>
      %convert_element_type3A_1241 = arith.sitofp %sub3A_1240 : vector<16xi32> to vector<16xf32>
      %add3A_1242 = arith.addf %convert_element_type3A_1241, %get3A_13 : vector<16xf32>
      %abs3A_1243 = math.absf %add3A_1242 : vector<16xf32>
      %add3A_1244 = arith.addf %add3A_1239, %abs3A_1243 : vector<16xf32>
      %sub3A_1245 = arith.subi %get3A_1218, %get3A_1145 : vector<16xi32>
      %convert_element_type3A_1246 = arith.sitofp %sub3A_1245 : vector<16xi32> to vector<16xf32>
      %add3A_1247 = arith.addf %convert_element_type3A_1246, %get3A_17 : vector<16xf32>
      %abs3A_1248 = math.absf %add3A_1247 : vector<16xf32>
      %add3A_1249 = arith.addf %add3A_1244, %abs3A_1248 : vector<16xf32>
      %sub3A_1250 = arith.subi %get3A_1221, %get3A_1148 : vector<16xi32>
      %convert_element_type3A_1251 = arith.sitofp %sub3A_1250 : vector<16xi32> to vector<16xf32>
      %add3A_1252 = arith.addf %convert_element_type3A_1251, %get3A_21 : vector<16xf32>
      %abs3A_1253 = math.absf %add3A_1252 : vector<16xf32>
      %add3A_1254 = arith.addf %add3A_1249, %abs3A_1253 : vector<16xf32>
      %sub3A_1255 = arith.subi %get3A_1224, %get3A_1151 : vector<16xi32>
      %convert_element_type3A_1256 = arith.sitofp %sub3A_1255 : vector<16xi32> to vector<16xf32>
      %add3A_1257 = arith.addf %convert_element_type3A_1256, %get3A_25 : vector<16xf32>
      %abs3A_1258 = math.absf %add3A_1257 : vector<16xf32>
      %add3A_1259 = arith.addf %add3A_1254, %abs3A_1258 : vector<16xf32>
      %sub3A_1260 = arith.subi %get3A_1227, %get3A_1154 : vector<16xi32>
      %convert_element_type3A_1261 = arith.sitofp %sub3A_1260 : vector<16xi32> to vector<16xf32>
      %add3A_1262 = arith.addf %convert_element_type3A_1261, %get3A_29 : vector<16xf32>
      %abs3A_1263 = math.absf %add3A_1262 : vector<16xf32>
      %add3A_1264 = arith.addf %add3A_1259, %abs3A_1263 : vector<16xf32>
      %sub3A_1265 = arith.subi %get3A_1230, %get3A_1157 : vector<16xi32>
      %convert_element_type3A_1266 = arith.sitofp %sub3A_1265 : vector<16xi32> to vector<16xf32>
      %add3A_1267 = arith.addf %convert_element_type3A_1266, %get3A_33 : vector<16xf32>
      %abs3A_1268 = math.absf %add3A_1267 : vector<16xf32>
      %add3A_1269 = arith.addf %add3A_1264, %abs3A_1268 : vector<16xf32>
      %reduce_sum3A_1270 = arith.constant true
      %reduce_sum3A_1271 = vector.broadcast %reduce_sum3A_1270 : i1 to vector<16xi1>
      %reduce_sum3A_1272 = tpu.scan <sum>, %add3A_1269 masked %reduce_sum3A_1271 : vector<16xf32>, vector<16xi1> -> vector<16xf32>
      %reduce_sum3A_1273 = vector.extract %reduce_sum3A_1272[15] : f32 from vector<16xf32>
      %broadcast_in_dim3A_1274 = vector.broadcast %reduce_sum3A_1273 : f32 to vector<16xf32>
      %select_n3A_1275 = arith.select %eq3A_77, %broadcast_in_dim3A_1274, %select_n3A_1202 : vector<16xi1>, vector<16xf32>
      %add3A_1276 = arith.constant 15 : i32
      %add3A_1277 = arith.addi %mul3A_184, %add3A_1276 : i32
      %add3A_1278 = arith.constant 1 : i32
      %add3A_1279 = arith.addi %add3A_1277, %add3A_1278 : i32
      %get3A_1280 = arith.index_cast %add3A_1279 : i32 to index
      %get3A_1281 = arith.constant 0 : index
      %get3A_1282 = tpu.vector_load %arg8[%get3A_1280, %get3A_1281] {strides = array<i32>} : memref<136x128xi32, #tpu.memory_space<vmem>>, vector<16xi32>,
      %get3A_1283 = arith.index_cast %add3A_1279 : i32 to index
      %get3A_1284 = arith.constant 16 : index
      %get3A_1285 = tpu.vector_load %arg8[%get3A_1283, %get3A_1284] {strides = array<i32>} : memref<136x128xi32, #tpu.memory_space<vmem>>, vector<16xi32>,
      %get3A_1286 = arith.index_cast %add3A_1279 : i32 to index
      %get3A_1287 = arith.constant 32 : index
      %get3A_1288 = tpu.vector_load %arg8[%get3A_1286, %get3A_1287] {strides = array<i32>} : memref<136x128xi32, #tpu.memory_space<vmem>>, vector<16xi32>,
      %get3A_1289 = arith.index_cast %add3A_1279 : i32 to index
      %get3A_1290 = arith.constant 48 : index
      %get3A_1291 = tpu.vector_load %arg8[%get3A_1289, %get3A_1290] {strides = array<i32>} : memref<136x128xi32, #tpu.memory_space<vmem>>, vector<16xi32>,
      %get3A_1292 = arith.index_cast %add3A_1279 : i32 to index
      %get3A_1293 = arith.constant 64 : index
      %get3A_1294 = tpu.vector_load %arg8[%get3A_1292, %get3A_1293] {strides = array<i32>} : memref<136x128xi32, #tpu.memory_space<vmem>>, vector<16xi32>,
      %get3A_1295 = arith.index_cast %add3A_1279 : i32 to index
      %get3A_1296 = arith.constant 80 : index
      %get3A_1297 = tpu.vector_load %arg8[%get3A_1295, %get3A_1296] {strides = array<i32>} : memref<136x128xi32, #tpu.memory_space<vmem>>, vector<16xi32>,
      %get3A_1298 = arith.index_cast %add3A_1279 : i32 to index
      %get3A_1299 = arith.constant 96 : index
      %get3A_1300 = tpu.vector_load %arg8[%get3A_1298, %get3A_1299] {strides = array<i32>} : memref<136x128xi32, #tpu.memory_space<vmem>>, vector<16xi32>,
      %get3A_1301 = arith.index_cast %add3A_1279 : i32 to index
      %get3A_1302 = arith.constant 112 : index
      %get3A_1303 = tpu.vector_load %arg8[%get3A_1301, %get3A_1302] {strides = array<i32>} : memref<136x128xi32, #tpu.memory_space<vmem>>, vector<16xi32>,
      %sub3A_1304 = arith.subi %get3A_1282, %get3A_1209 : vector<16xi32>
      %convert_element_type3A_1305 = arith.sitofp %sub3A_1304 : vector<16xi32> to vector<16xf32>
      %add3A_1306 = arith.addf %convert_element_type3A_1305, %get3A_5 : vector<16xf32>
      %abs3A_1307 = math.absf %add3A_1306 : vector<16xf32>
      %sub3A_1308 = arith.subi %get3A_1285, %get3A_1212 : vector<16xi32>
      %convert_element_type3A_1309 = arith.sitofp %sub3A_1308 : vector<16xi32> to vector<16xf32>
      %add3A_1310 = arith.addf %convert_element_type3A_1309, %get3A_9 : vector<16xf32>
      %abs3A_1311 = math.absf %add3A_1310 : vector<16xf32>
      %add3A_1312 = arith.addf %abs3A_1307, %abs3A_1311 : vector<16xf32>
      %sub3A_1313 = arith.subi %get3A_1288, %get3A_1215 : vector<16xi32>
      %convert_element_type3A_1314 = arith.sitofp %sub3A_1313 : vector<16xi32> to vector<16xf32>
      %add3A_1315 = arith.addf %convert_element_type3A_1314, %get3A_13 : vector<16xf32>
      %abs3A_1316 = math.absf %add3A_1315 : vector<16xf32>
      %add3A_1317 = arith.addf %add3A_1312, %abs3A_1316 : vector<16xf32>
      %sub3A_1318 = arith.subi %get3A_1291, %get3A_1218 : vector<16xi32>
      %convert_element_type3A_1319 = arith.sitofp %sub3A_1318 : vector<16xi32> to vector<16xf32>
      %add3A_1320 = arith.addf %convert_element_type3A_1319, %get3A_17 : vector<16xf32>
      %abs3A_1321 = math.absf %add3A_1320 : vector<16xf32>
      %add3A_1322 = arith.addf %add3A_1317, %abs3A_1321 : vector<16xf32>
      %sub3A_1323 = arith.subi %get3A_1294, %get3A_1221 : vector<16xi32>
      %convert_element_type3A_1324 = arith.sitofp %sub3A_1323 : vector<16xi32> to vector<16xf32>
      %add3A_1325 = arith.addf %convert_element_type3A_1324, %get3A_21 : vector<16xf32>
      %abs3A_1326 = math.absf %add3A_1325 : vector<16xf32>
      %add3A_1327 = arith.addf %add3A_1322, %abs3A_1326 : vector<16xf32>
      %sub3A_1328 = arith.subi %get3A_1297, %get3A_1224 : vector<16xi32>
      %convert_element_type3A_1329 = arith.sitofp %sub3A_1328 : vector<16xi32> to vector<16xf32>
      %add3A_1330 = arith.addf %convert_element_type3A_1329, %get3A_25 : vector<16xf32>
      %abs3A_1331 = math.absf %add3A_1330 : vector<16xf32>
      %add3A_1332 = arith.addf %add3A_1327, %abs3A_1331 : vector<16xf32>
      %sub3A_1333 = arith.subi %get3A_1300, %get3A_1227 : vector<16xi32>
      %convert_element_type3A_1334 = arith.sitofp %sub3A_1333 : vector<16xi32> to vector<16xf32>
      %add3A_1335 = arith.addf %convert_element_type3A_1334, %get3A_29 : vector<16xf32>
      %abs3A_1336 = math.absf %add3A_1335 : vector<16xf32>
      %add3A_1337 = arith.addf %add3A_1332, %abs3A_1336 : vector<16xf32>
      %sub3A_1338 = arith.subi %get3A_1303, %get3A_1230 : vector<16xi32>
      %convert_element_type3A_1339 = arith.sitofp %sub3A_1338 : vector<16xi32> to vector<16xf32>
      %add3A_1340 = arith.addf %convert_element_type3A_1339, %get3A_33 : vector<16xf32>
      %abs3A_1341 = math.absf %add3A_1340 : vector<16xf32>
      %add3A_1342 = arith.addf %add3A_1337, %abs3A_1341 : vector<16xf32>
      %reduce_sum3A_1343 = arith.constant true
      %reduce_sum3A_1344 = vector.broadcast %reduce_sum3A_1343 : i1 to vector<16xi1>
      %reduce_sum3A_1345 = tpu.scan <sum>, %add3A_1342 masked %reduce_sum3A_1344 : vector<16xf32>, vector<16xi1> -> vector<16xf32>
      %reduce_sum3A_1346 = vector.extract %reduce_sum3A_1345[15] : f32 from vector<16xf32>
      %broadcast_in_dim3A_1347 = vector.broadcast %reduce_sum3A_1346 : f32 to vector<16xf32>
      %select_n3A_1348 = arith.select %eq3A_80, %broadcast_in_dim3A_1347, %select_n3A_1275 : vector<16xi1>, vector<16xf32>
      %add3A_1349 = arith.constant 0 : i32
      %add3A_1350 = arith.addi %add3A_1349, %mul3A_184 : i32
      %swap3A = arith.index_cast %add3A_1350 : i32 to index
      %swap3A_1351 = tpu.vector_load %arg11[%swap3A] {strides = array<i32>} : memref<128xf32, #tpu.memory_space<vmem>>, vector<16xf32>,
      tpu.vector_store %arg11[%swap3A], %select_n3A_1348 {strides = array<i32>} : memref<128xf32, #tpu.memory_space<vmem>>, vector<16xf32>,
      scf.yield %get3A_1282, %get3A_1285, %get3A_1288, %get3A_1291, %get3A_1294, %get3A_1297, %get3A_1300, %get3A_1303 : vector<16xi32>, vector<16xi32>, vector<16xi32>, vector<16xi32>, vector<16xi32>, vector<16xi32>, vector<16xi32>, vector<16xi32>
    }
    %scan3A_173 = arith.constant 8 : i32
    "tpu.region"() ({
      %run_scoped3A = tpu.sem_alloc : memref<!tpu.dma_semaphore, #tpu.memory_space<semaphore_mem>>
      %dma_start3A_174 = tpu.memref_slice %arg5[%mul3A_2] : memref<4096xf32, #tpu.memory_space<hbm>> -> memref<128xf32, #tpu.memory_space<hbm>>
      %dma_start3A_175 = tpu.memref_slice %arg5[%mul3A_2] : memref<4096xf32, #tpu.memory_space<hbm>> -> memref<128xf32, #tpu.memory_space<hbm>>
      tpu.enqueue_dma source(%arg10 : memref<128xf32, #tpu.memory_space<vmem>>) target(%dma_start3A_175 : memref<128xf32, #tpu.memory_space<hbm>>) target_semaphore(%run_scoped3A : memref<!tpu.dma_semaphore, #tpu.memory_space<semaphore_mem>>)
      %dma_wait3A_176 = tpu.memref_slice %arg5[%mul3A_2] : memref<4096xf32, #tpu.memory_space<hbm>> -> memref<128xf32, #tpu.memory_space<hbm>>
      %dma_wait3A_177 = tpu.memref_slice %arg5[%mul3A_2] : memref<4096xf32, #tpu.memory_space<hbm>> -> memref<128xf32, #tpu.memory_space<hbm>>
      tpu.wait_dma2 semaphore(%run_scoped3A : memref<!tpu.dma_semaphore, #tpu.memory_space<semaphore_mem>>) src(%arg10 : memref<128xf32, #tpu.memory_space<vmem>>) dst(%dma_wait3A_177 : memref<128xf32, #tpu.memory_space<hbm>>)
      tpu.yield
    }) : () -> ()
    "tpu.region"() ({
      %run_scoped3A = tpu.sem_alloc : memref<!tpu.dma_semaphore, #tpu.memory_space<semaphore_mem>>
      %dma_start3A_174 = tpu.memref_slice %arg6[%mul3A_2] : memref<4096xf32, #tpu.memory_space<hbm>> -> memref<128xf32, #tpu.memory_space<hbm>>
      %dma_start3A_175 = tpu.memref_slice %arg6[%mul3A_2] : memref<4096xf32, #tpu.memory_space<hbm>> -> memref<128xf32, #tpu.memory_space<hbm>>
      tpu.enqueue_dma source(%arg11 : memref<128xf32, #tpu.memory_space<vmem>>) target(%dma_start3A_175 : memref<128xf32, #tpu.memory_space<hbm>>) target_semaphore(%run_scoped3A : memref<!tpu.dma_semaphore, #tpu.memory_space<semaphore_mem>>)
      %dma_wait3A_176 = tpu.memref_slice %arg6[%mul3A_2] : memref<4096xf32, #tpu.memory_space<hbm>> -> memref<128xf32, #tpu.memory_space<hbm>>
      %dma_wait3A_177 = tpu.memref_slice %arg6[%mul3A_2] : memref<4096xf32, #tpu.memory_space<hbm>> -> memref<128xf32, #tpu.memory_space<hbm>>
      tpu.wait_dma2 semaphore(%run_scoped3A : memref<!tpu.dma_semaphore, #tpu.memory_space<semaphore_mem>>) src(%arg11 : memref<128xf32, #tpu.memory_space<vmem>>) dst(%dma_wait3A_177 : memref<128xf32, #tpu.memory_space<hbm>>)
      tpu.yield
    }) : () -> ()
    return
  }
}

module attributes {stable_mosaic.version = 14 : i64} {
  func.func @_transe_tc_body(%arg0: memref<16384x128xi32, #tpu.memory_space<hbm>>, %arg1: memref<16384x128xi32, #tpu.memory_space<hbm>>, %arg2: memref<1001x128xf32, #tpu.memory_space<hbm>>, %arg3: memref<12288xf32, #tpu.memory_space<hbm>>, %arg4: memref<12288xf32, #tpu.memory_space<hbm>>, %arg5: memref<1032x128xi32, #tpu.memory_space<vmem>>, %arg6: memref<1032x128xi32, #tpu.memory_space<vmem>>, %arg7: memref<1032x128xi32, #tpu.memory_space<vmem>>, %arg8: memref<1032x128xi32, #tpu.memory_space<vmem>>, %arg9: memref<1032x128xi32, #tpu.memory_space<vmem>>, %arg10: memref<1032x128xi32, #tpu.memory_space<vmem>>, %arg11: memref<1032x128xi32, #tpu.memory_space<vmem>>, %arg12: memref<1032x128xi32, #tpu.memory_space<vmem>>, %arg13: memref<1032x128xi32, #tpu.memory_space<vmem>>, %arg14: memref<1032x128xi32, #tpu.memory_space<vmem>>, %arg15: memref<8x128xf32, #tpu.memory_space<vmem>>, %arg16: memref<1x1024xf32, #tpu.memory_space<vmem>>, %arg17: memref<1x1024xf32, #tpu.memory_space<vmem>>, %arg18: memref<!tpu.dma_semaphore, #tpu.memory_space<semaphore_mem>>, %arg19: memref<!tpu.dma_semaphore, #tpu.memory_space<semaphore_mem>>, %arg20: memref<!tpu.dma_semaphore, #tpu.memory_space<semaphore_mem>>, %arg21: memref<!tpu.dma_semaphore, #tpu.memory_space<semaphore_mem>>, %arg22: memref<!tpu.dma_semaphore, #tpu.memory_space<semaphore_mem>>, %arg23: memref<!tpu.dma_semaphore, #tpu.memory_space<semaphore_mem>>, %arg24: memref<!tpu.dma_semaphore, #tpu.memory_space<semaphore_mem>>, %arg25: memref<!tpu.dma_semaphore, #tpu.memory_space<semaphore_mem>>, %arg26: memref<!tpu.dma_semaphore, #tpu.memory_space<semaphore_mem>>, %arg27: memref<!tpu.dma_semaphore, #tpu.memory_space<semaphore_mem>>, %arg28: memref<!tpu.dma_semaphore, #tpu.memory_space<semaphore_mem>>) attributes {dimension_semantics = [], scalar_prefetch = 0 : i64, scratch_operands = 24 : i64, tpu.core_type = #tpu.core_type<tc>} {
    %dma_start3A = arith.constant 0 : i32
    %dma_start3A_0 = arith.constant 0 : i32
    %dma_start3A_1 = tpu.memref_slice %arg2[%dma_start3A, %dma_start3A_0] : memref<1001x128xf32, #tpu.memory_space<hbm>> -> memref<8x128xf32, #tpu.memory_space<hbm>>
    tpu.enqueue_dma source(%dma_start3A_1 : memref<8x128xf32, #tpu.memory_space<hbm>>) target(%arg15 : memref<8x128xf32, #tpu.memory_space<vmem>>) target_semaphore(%arg28 : memref<!tpu.dma_semaphore, #tpu.memory_space<semaphore_mem>>)
    %dma_wait3A = arith.constant 0 : i32
    %dma_wait3A_2 = arith.constant 0 : i32
    %dma_wait3A_3 = tpu.memref_slice %arg2[%dma_wait3A, %dma_wait3A_2] : memref<1001x128xf32, #tpu.memory_space<hbm>> -> memref<8x128xf32, #tpu.memory_space<hbm>>
    tpu.wait_dma2 semaphore(%arg28 : memref<!tpu.dma_semaphore, #tpu.memory_space<semaphore_mem>>) src(%dma_wait3A_3 : memref<8x128xf32, #tpu.memory_space<hbm>>) dst(%arg15 : memref<8x128xf32, #tpu.memory_space<vmem>>)
    %get3A = arith.constant 0 : index
    %get3A_4 = arith.constant 0 : index
    %get3A_5 = vector.load %arg15[%get3A, %get3A_4] : memref<8x128xf32, #tpu.memory_space<vmem>>, vector<1x128xf32>
    %broadcast_in_dim3A = arith.constant 1.000000e+00 : f32
    %broadcast_in_dim3A_6 = vector.broadcast %broadcast_in_dim3A : f32 to vector<1x128xf32>
    %dma_start3A_7 = arith.constant 0 : i32
    %dma_start3A_8 = arith.constant 0 : i32
    %dma_start3A_9 = tpu.memref_slice %arg5[%dma_start3A_7, %dma_start3A_8] : memref<1032x128xi32, #tpu.memory_space<vmem>> -> memref<1032x128xi32, #tpu.memory_space<vmem>>
    %dma_start3A_10 = arith.constant 4096 : i32
    %dma_start3A_11 = arith.constant 0 : i32
    %dma_start3A_12 = tpu.memref_slice %arg0[%dma_start3A_10, %dma_start3A_11] : memref<16384x128xi32, #tpu.memory_space<hbm>> -> memref<1032x128xi32, #tpu.memory_space<hbm>>
    tpu.enqueue_dma source(%dma_start3A_12 : memref<1032x128xi32, #tpu.memory_space<hbm>>) target(%dma_start3A_9 : memref<1032x128xi32, #tpu.memory_space<vmem>>) target_semaphore(%arg18 : memref<!tpu.dma_semaphore, #tpu.memory_space<semaphore_mem>>)
    %dma_start3A_13 = arith.constant 0 : i32
    %dma_start3A_14 = arith.constant 0 : i32
    %dma_start3A_15 = tpu.memref_slice %arg6[%dma_start3A_13, %dma_start3A_14] : memref<1032x128xi32, #tpu.memory_space<vmem>> -> memref<1032x128xi32, #tpu.memory_space<vmem>>
    %dma_start3A_16 = arith.constant 5120 : i32
    %dma_start3A_17 = arith.constant 0 : i32
    %dma_start3A_18 = tpu.memref_slice %arg0[%dma_start3A_16, %dma_start3A_17] : memref<16384x128xi32, #tpu.memory_space<hbm>> -> memref<1032x128xi32, #tpu.memory_space<hbm>>
    tpu.enqueue_dma source(%dma_start3A_18 : memref<1032x128xi32, #tpu.memory_space<hbm>>) target(%dma_start3A_15 : memref<1032x128xi32, #tpu.memory_space<vmem>>) target_semaphore(%arg19 : memref<!tpu.dma_semaphore, #tpu.memory_space<semaphore_mem>>)
    %dma_start3A_19 = arith.constant 0 : i32
    %dma_start3A_20 = arith.constant 0 : i32
    %dma_start3A_21 = tpu.memref_slice %arg7[%dma_start3A_19, %dma_start3A_20] : memref<1032x128xi32, #tpu.memory_space<vmem>> -> memref<1032x128xi32, #tpu.memory_space<vmem>>
    %dma_start3A_22 = arith.constant 6144 : i32
    %dma_start3A_23 = arith.constant 0 : i32
    %dma_start3A_24 = tpu.memref_slice %arg0[%dma_start3A_22, %dma_start3A_23] : memref<16384x128xi32, #tpu.memory_space<hbm>> -> memref<1032x128xi32, #tpu.memory_space<hbm>>
    tpu.enqueue_dma source(%dma_start3A_24 : memref<1032x128xi32, #tpu.memory_space<hbm>>) target(%dma_start3A_21 : memref<1032x128xi32, #tpu.memory_space<vmem>>) target_semaphore(%arg20 : memref<!tpu.dma_semaphore, #tpu.memory_space<semaphore_mem>>)
    %dma_start3A_25 = arith.constant 0 : i32
    %dma_start3A_26 = arith.constant 0 : i32
    %dma_start3A_27 = tpu.memref_slice %arg8[%dma_start3A_25, %dma_start3A_26] : memref<1032x128xi32, #tpu.memory_space<vmem>> -> memref<1032x128xi32, #tpu.memory_space<vmem>>
    %dma_start3A_28 = arith.constant 7168 : i32
    %dma_start3A_29 = arith.constant 0 : i32
    %dma_start3A_30 = tpu.memref_slice %arg0[%dma_start3A_28, %dma_start3A_29] : memref<16384x128xi32, #tpu.memory_space<hbm>> -> memref<1032x128xi32, #tpu.memory_space<hbm>>
    tpu.enqueue_dma source(%dma_start3A_30 : memref<1032x128xi32, #tpu.memory_space<hbm>>) target(%dma_start3A_27 : memref<1032x128xi32, #tpu.memory_space<vmem>>) target_semaphore(%arg21 : memref<!tpu.dma_semaphore, #tpu.memory_space<semaphore_mem>>)
    %dma_start3A_31 = arith.constant 0 : i32
    %dma_start3A_32 = arith.constant 0 : i32
    %dma_start3A_33 = tpu.memref_slice %arg9[%dma_start3A_31, %dma_start3A_32] : memref<1032x128xi32, #tpu.memory_space<vmem>> -> memref<1032x128xi32, #tpu.memory_space<vmem>>
    %dma_start3A_34 = arith.constant 8192 : i32
    %dma_start3A_35 = arith.constant 0 : i32
    %dma_start3A_36 = tpu.memref_slice %arg0[%dma_start3A_34, %dma_start3A_35] : memref<16384x128xi32, #tpu.memory_space<hbm>> -> memref<1032x128xi32, #tpu.memory_space<hbm>>
    tpu.enqueue_dma source(%dma_start3A_36 : memref<1032x128xi32, #tpu.memory_space<hbm>>) target(%dma_start3A_33 : memref<1032x128xi32, #tpu.memory_space<vmem>>) target_semaphore(%arg22 : memref<!tpu.dma_semaphore, #tpu.memory_space<semaphore_mem>>)
    %dma_start3A_37 = arith.constant 0 : i32
    %dma_start3A_38 = arith.constant 0 : i32
    %dma_start3A_39 = tpu.memref_slice %arg10[%dma_start3A_37, %dma_start3A_38] : memref<1032x128xi32, #tpu.memory_space<vmem>> -> memref<1032x128xi32, #tpu.memory_space<vmem>>
    %dma_start3A_40 = arith.constant 9216 : i32
    %dma_start3A_41 = arith.constant 0 : i32
    %dma_start3A_42 = tpu.memref_slice %arg0[%dma_start3A_40, %dma_start3A_41] : memref<16384x128xi32, #tpu.memory_space<hbm>> -> memref<1032x128xi32, #tpu.memory_space<hbm>>
    tpu.enqueue_dma source(%dma_start3A_42 : memref<1032x128xi32, #tpu.memory_space<hbm>>) target(%dma_start3A_39 : memref<1032x128xi32, #tpu.memory_space<vmem>>) target_semaphore(%arg23 : memref<!tpu.dma_semaphore, #tpu.memory_space<semaphore_mem>>)
    %dma_start3A_43 = arith.constant 0 : i32
    %dma_start3A_44 = arith.constant 0 : i32
    %dma_start3A_45 = tpu.memref_slice %arg11[%dma_start3A_43, %dma_start3A_44] : memref<1032x128xi32, #tpu.memory_space<vmem>> -> memref<1032x128xi32, #tpu.memory_space<vmem>>
    %dma_start3A_46 = arith.constant 10240 : i32
    %dma_start3A_47 = arith.constant 0 : i32
    %dma_start3A_48 = tpu.memref_slice %arg0[%dma_start3A_46, %dma_start3A_47] : memref<16384x128xi32, #tpu.memory_space<hbm>> -> memref<1032x128xi32, #tpu.memory_space<hbm>>
    tpu.enqueue_dma source(%dma_start3A_48 : memref<1032x128xi32, #tpu.memory_space<hbm>>) target(%dma_start3A_45 : memref<1032x128xi32, #tpu.memory_space<vmem>>) target_semaphore(%arg24 : memref<!tpu.dma_semaphore, #tpu.memory_space<semaphore_mem>>)
    %dma_start3A_49 = arith.constant 0 : i32
    %dma_start3A_50 = arith.constant 0 : i32
    %dma_start3A_51 = tpu.memref_slice %arg12[%dma_start3A_49, %dma_start3A_50] : memref<1032x128xi32, #tpu.memory_space<vmem>> -> memref<1032x128xi32, #tpu.memory_space<vmem>>
    %dma_start3A_52 = arith.constant 11264 : i32
    %dma_start3A_53 = arith.constant 0 : i32
    %dma_start3A_54 = tpu.memref_slice %arg0[%dma_start3A_52, %dma_start3A_53] : memref<16384x128xi32, #tpu.memory_space<hbm>> -> memref<1032x128xi32, #tpu.memory_space<hbm>>
    tpu.enqueue_dma source(%dma_start3A_54 : memref<1032x128xi32, #tpu.memory_space<hbm>>) target(%dma_start3A_51 : memref<1032x128xi32, #tpu.memory_space<vmem>>) target_semaphore(%arg25 : memref<!tpu.dma_semaphore, #tpu.memory_space<semaphore_mem>>)
    %dma_start3A_55 = arith.constant 0 : i32
    %dma_start3A_56 = arith.constant 0 : i32
    %dma_start3A_57 = tpu.memref_slice %arg13[%dma_start3A_55, %dma_start3A_56] : memref<1032x128xi32, #tpu.memory_space<vmem>> -> memref<1032x128xi32, #tpu.memory_space<vmem>>
    %dma_start3A_58 = arith.constant 12288 : i32
    %dma_start3A_59 = arith.constant 0 : i32
    %dma_start3A_60 = tpu.memref_slice %arg0[%dma_start3A_58, %dma_start3A_59] : memref<16384x128xi32, #tpu.memory_space<hbm>> -> memref<1032x128xi32, #tpu.memory_space<hbm>>
    tpu.enqueue_dma source(%dma_start3A_60 : memref<1032x128xi32, #tpu.memory_space<hbm>>) target(%dma_start3A_57 : memref<1032x128xi32, #tpu.memory_space<vmem>>) target_semaphore(%arg26 : memref<!tpu.dma_semaphore, #tpu.memory_space<semaphore_mem>>)
    %dma_start3A_61 = arith.constant 0 : i32
    %dma_start3A_62 = arith.constant 0 : i32
    %dma_start3A_63 = tpu.memref_slice %arg14[%dma_start3A_61, %dma_start3A_62] : memref<1032x128xi32, #tpu.memory_space<vmem>> -> memref<1032x128xi32, #tpu.memory_space<vmem>>
    %dma_start3A_64 = arith.constant 13312 : i32
    %dma_start3A_65 = arith.constant 0 : i32
    %dma_start3A_66 = tpu.memref_slice %arg0[%dma_start3A_64, %dma_start3A_65] : memref<16384x128xi32, #tpu.memory_space<hbm>> -> memref<1032x128xi32, #tpu.memory_space<hbm>>
    tpu.enqueue_dma source(%dma_start3A_66 : memref<1032x128xi32, #tpu.memory_space<hbm>>) target(%dma_start3A_63 : memref<1032x128xi32, #tpu.memory_space<vmem>>) target_semaphore(%arg27 : memref<!tpu.dma_semaphore, #tpu.memory_space<semaphore_mem>>)
    %dma_wait3A_67 = arith.constant 0 : i32
    %dma_wait3A_68 = arith.constant 0 : i32
    %dma_wait3A_69 = tpu.memref_slice %arg5[%dma_wait3A_67, %dma_wait3A_68] : memref<1032x128xi32, #tpu.memory_space<vmem>> -> memref<1032x128xi32, #tpu.memory_space<vmem>>
    %dma_wait3A_70 = arith.constant 4096 : i32
    %dma_wait3A_71 = arith.constant 0 : i32
    %dma_wait3A_72 = tpu.memref_slice %arg0[%dma_wait3A_70, %dma_wait3A_71] : memref<16384x128xi32, #tpu.memory_space<hbm>> -> memref<1032x128xi32, #tpu.memory_space<hbm>>
    tpu.wait_dma2 semaphore(%arg18 : memref<!tpu.dma_semaphore, #tpu.memory_space<semaphore_mem>>) src(%dma_wait3A_72 : memref<1032x128xi32, #tpu.memory_space<hbm>>) dst(%dma_wait3A_69 : memref<1032x128xi32, #tpu.memory_space<vmem>>)
    %get3A_73 = arith.constant 0 : index
    %get3A_74 = arith.constant 0 : index
    %get3A_75 = vector.load %arg5[%get3A_73, %get3A_74] : memref<1032x128xi32, #tpu.memory_space<vmem>>, vector<1024x128xi32>
    %get3A_76 = arith.constant 1 : index
    %get3A_77 = arith.constant 0 : index
    %get3A_78 = vector.load %arg5[%get3A_76, %get3A_77] : memref<1032x128xi32, #tpu.memory_space<vmem>>, vector<1024x128xi32>
    %sub3A = arith.subi %get3A_75, %get3A_78 : vector<1024x128xi32>
    %convert_element_type3A = arith.sitofp %sub3A : vector<1024x128xi32> to vector<1024x128xf32>
    %add3A = vector.broadcast %get3A_5 : vector<1x128xf32> to vector<1024x128xf32>
    %add3A_79 = arith.addf %convert_element_type3A, %add3A : vector<1024x128xf32>
    %abs3A = math.absf %add3A_79 : vector<1024x128xf32>
    %dot_general3A = arith.constant dense<0.000000e+00> : vector<1x1024xf32>
    %dot_general3A_80 = tpu.matmul %broadcast_in_dim3A_6, %abs3A, %dot_general3A {dimension_numbers = #tpu.dot_dimension_numbers<[1], [1], [0], [0], [0, 0, 1, 0], [], []>, transpose_lhs_hint = false} : vector<1x128xf32>, vector<1024x128xf32>, vector<1x1024xf32> -> vector<1x1024xf32>
    %swap3A = arith.constant 0 : index
    %swap3A_81 = arith.constant 0 : index
    %swap3A_82 = vector.load %arg16[%swap3A, %swap3A_81] : memref<1x1024xf32, #tpu.memory_space<vmem>>, vector<1x1024xf32>
    tpu.vector_store %arg16[%swap3A, %swap3A_81], %dot_general3A_80 {strides = array<i32>} : memref<1x1024xf32, #tpu.memory_space<vmem>>, vector<1x1024xf32>,
    %dma_start3A_83 = arith.constant 0 : i32
    %dma_start3A_84 = arith.constant 0 : i32
    %dma_start3A_85 = tpu.memref_slice %arg3[%dma_start3A_84] : memref<12288xf32, #tpu.memory_space<hbm>> -> memref<1024xf32, #tpu.memory_space<hbm>>
    %dma_start3A_86 = arith.constant 0 : i32
    %dma_start3A_87 = tpu.memref_slice %arg16[%dma_start3A_83, %dma_start3A_86] : memref<1x1024xf32, #tpu.memory_space<vmem>> -> memref<1x1024xf32, #tpu.memory_space<vmem>>
    %dma_start3A_88 = tpu.memref_squeeze %dma_start3A_87 : memref<1x1024xf32, #tpu.memory_space<vmem>> -> memref<1024xf32, #tpu.memory_space<vmem>>
    tpu.enqueue_dma source(%dma_start3A_88 : memref<1024xf32, #tpu.memory_space<vmem>>) target(%dma_start3A_85 : memref<1024xf32, #tpu.memory_space<hbm>>) target_semaphore(%arg28 : memref<!tpu.dma_semaphore, #tpu.memory_space<semaphore_mem>>)
    %dma_start3A_89 = arith.constant 0 : i32
    %dma_start3A_90 = arith.constant 0 : i32
    %dma_start3A_91 = tpu.memref_slice %arg5[%dma_start3A_89, %dma_start3A_90] : memref<1032x128xi32, #tpu.memory_space<vmem>> -> memref<1032x128xi32, #tpu.memory_space<vmem>>
    %dma_start3A_92 = arith.constant 14336 : i32
    %dma_start3A_93 = arith.constant 0 : i32
    %dma_start3A_94 = tpu.memref_slice %arg0[%dma_start3A_92, %dma_start3A_93] : memref<16384x128xi32, #tpu.memory_space<hbm>> -> memref<1032x128xi32, #tpu.memory_space<hbm>>
    tpu.enqueue_dma source(%dma_start3A_94 : memref<1032x128xi32, #tpu.memory_space<hbm>>) target(%dma_start3A_91 : memref<1032x128xi32, #tpu.memory_space<vmem>>) target_semaphore(%arg18 : memref<!tpu.dma_semaphore, #tpu.memory_space<semaphore_mem>>)
    %dma_wait3A_95 = arith.constant 0 : i32
    %dma_wait3A_96 = arith.constant 0 : i32
    %dma_wait3A_97 = tpu.memref_slice %arg6[%dma_wait3A_95, %dma_wait3A_96] : memref<1032x128xi32, #tpu.memory_space<vmem>> -> memref<1032x128xi32, #tpu.memory_space<vmem>>
    %dma_wait3A_98 = arith.constant 5120 : i32
    %dma_wait3A_99 = arith.constant 0 : i32
    %dma_wait3A_100 = tpu.memref_slice %arg0[%dma_wait3A_98, %dma_wait3A_99] : memref<16384x128xi32, #tpu.memory_space<hbm>> -> memref<1032x128xi32, #tpu.memory_space<hbm>>
    tpu.wait_dma2 semaphore(%arg19 : memref<!tpu.dma_semaphore, #tpu.memory_space<semaphore_mem>>) src(%dma_wait3A_100 : memref<1032x128xi32, #tpu.memory_space<hbm>>) dst(%dma_wait3A_97 : memref<1032x128xi32, #tpu.memory_space<vmem>>)
    %get3A_101 = arith.constant 0 : index
    %get3A_102 = arith.constant 0 : index
    %get3A_103 = vector.load %arg6[%get3A_101, %get3A_102] : memref<1032x128xi32, #tpu.memory_space<vmem>>, vector<1024x128xi32>
    %get3A_104 = arith.constant 1 : index
    %get3A_105 = arith.constant 0 : index
    %get3A_106 = vector.load %arg6[%get3A_104, %get3A_105] : memref<1032x128xi32, #tpu.memory_space<vmem>>, vector<1024x128xi32>
    %sub3A_107 = arith.subi %get3A_103, %get3A_106 : vector<1024x128xi32>
    %convert_element_type3A_108 = arith.sitofp %sub3A_107 : vector<1024x128xi32> to vector<1024x128xf32>
    %add3A_109 = vector.broadcast %get3A_5 : vector<1x128xf32> to vector<1024x128xf32>
    %add3A_110 = arith.addf %convert_element_type3A_108, %add3A_109 : vector<1024x128xf32>
    %abs3A_111 = math.absf %add3A_110 : vector<1024x128xf32>
    %dot_general3A_112 = arith.constant dense<0.000000e+00> : vector<1x1024xf32>
    %dot_general3A_113 = tpu.matmul %broadcast_in_dim3A_6, %abs3A_111, %dot_general3A_112 {dimension_numbers = #tpu.dot_dimension_numbers<[1], [1], [0], [0], [0, 0, 1, 0], [], []>, transpose_lhs_hint = false} : vector<1x128xf32>, vector<1024x128xf32>, vector<1x1024xf32> -> vector<1x1024xf32>
    %swap3A_114 = arith.constant 0 : index
    %swap3A_115 = arith.constant 0 : index
    %swap3A_116 = vector.load %arg17[%swap3A_114, %swap3A_115] : memref<1x1024xf32, #tpu.memory_space<vmem>>, vector<1x1024xf32>
    tpu.vector_store %arg17[%swap3A_114, %swap3A_115], %dot_general3A_113 {strides = array<i32>} : memref<1x1024xf32, #tpu.memory_space<vmem>>, vector<1x1024xf32>,
    %dma_start3A_117 = arith.constant 0 : i32
    %dma_start3A_118 = arith.constant 1024 : i32
    %dma_start3A_119 = tpu.memref_slice %arg3[%dma_start3A_118] : memref<12288xf32, #tpu.memory_space<hbm>> -> memref<1024xf32, #tpu.memory_space<hbm>>
    %dma_start3A_120 = arith.constant 0 : i32
    %dma_start3A_121 = tpu.memref_slice %arg17[%dma_start3A_117, %dma_start3A_120] : memref<1x1024xf32, #tpu.memory_space<vmem>> -> memref<1x1024xf32, #tpu.memory_space<vmem>>
    %dma_start3A_122 = tpu.memref_squeeze %dma_start3A_121 : memref<1x1024xf32, #tpu.memory_space<vmem>> -> memref<1024xf32, #tpu.memory_space<vmem>>
    tpu.enqueue_dma source(%dma_start3A_122 : memref<1024xf32, #tpu.memory_space<vmem>>) target(%dma_start3A_119 : memref<1024xf32, #tpu.memory_space<hbm>>) target_semaphore(%arg28 : memref<!tpu.dma_semaphore, #tpu.memory_space<semaphore_mem>>)
    %dma_start3A_123 = arith.constant 0 : i32
    %dma_start3A_124 = arith.constant 0 : i32
    %dma_start3A_125 = tpu.memref_slice %arg6[%dma_start3A_123, %dma_start3A_124] : memref<1032x128xi32, #tpu.memory_space<vmem>> -> memref<1024x128xi32, #tpu.memory_space<vmem>>
    %dma_start3A_126 = arith.constant 15360 : i32
    %dma_start3A_127 = arith.constant 0 : i32
    %dma_start3A_128 = tpu.memref_slice %arg0[%dma_start3A_126, %dma_start3A_127] : memref<16384x128xi32, #tpu.memory_space<hbm>> -> memref<1024x128xi32, #tpu.memory_space<hbm>>
    tpu.enqueue_dma source(%dma_start3A_128 : memref<1024x128xi32, #tpu.memory_space<hbm>>) target(%dma_start3A_125 : memref<1024x128xi32, #tpu.memory_space<vmem>>) target_semaphore(%arg19 : memref<!tpu.dma_semaphore, #tpu.memory_space<semaphore_mem>>)
    %dma_wait3A_129 = arith.constant 0 : i32
    %dma_wait3A_130 = arith.constant 0 : i32
    %dma_wait3A_131 = tpu.memref_slice %arg7[%dma_wait3A_129, %dma_wait3A_130] : memref<1032x128xi32, #tpu.memory_space<vmem>> -> memref<1032x128xi32, #tpu.memory_space<vmem>>
    %dma_wait3A_132 = arith.constant 6144 : i32
    %dma_wait3A_133 = arith.constant 0 : i32
    %dma_wait3A_134 = tpu.memref_slice %arg0[%dma_wait3A_132, %dma_wait3A_133] : memref<16384x128xi32, #tpu.memory_space<hbm>> -> memref<1032x128xi32, #tpu.memory_space<hbm>>
    tpu.wait_dma2 semaphore(%arg20 : memref<!tpu.dma_semaphore, #tpu.memory_space<semaphore_mem>>) src(%dma_wait3A_134 : memref<1032x128xi32, #tpu.memory_space<hbm>>) dst(%dma_wait3A_131 : memref<1032x128xi32, #tpu.memory_space<vmem>>)
    %dma_wait3A_135 = arith.constant 0 : i32
    %dma_wait3A_136 = arith.constant 0 : i32
    %dma_wait3A_137 = tpu.memref_slice %arg3[%dma_wait3A_136] : memref<12288xf32, #tpu.memory_space<hbm>> -> memref<1024xf32, #tpu.memory_space<hbm>>
    %dma_wait3A_138 = arith.constant 0 : i32
    %dma_wait3A_139 = tpu.memref_slice %arg16[%dma_wait3A_135, %dma_wait3A_138] : memref<1x1024xf32, #tpu.memory_space<vmem>> -> memref<1x1024xf32, #tpu.memory_space<vmem>>
    %dma_wait3A_140 = tpu.memref_squeeze %dma_wait3A_139 : memref<1x1024xf32, #tpu.memory_space<vmem>> -> memref<1024xf32, #tpu.memory_space<vmem>>
    tpu.wait_dma2 semaphore(%arg28 : memref<!tpu.dma_semaphore, #tpu.memory_space<semaphore_mem>>) src(%dma_wait3A_140 : memref<1024xf32, #tpu.memory_space<vmem>>) dst(%dma_wait3A_137 : memref<1024xf32, #tpu.memory_space<hbm>>)
    %get3A_141 = arith.constant 0 : index
    %get3A_142 = arith.constant 0 : index
    %get3A_143 = vector.load %arg7[%get3A_141, %get3A_142] : memref<1032x128xi32, #tpu.memory_space<vmem>>, vector<1024x128xi32>
    %get3A_144 = arith.constant 1 : index
    %get3A_145 = arith.constant 0 : index
    %get3A_146 = vector.load %arg7[%get3A_144, %get3A_145] : memref<1032x128xi32, #tpu.memory_space<vmem>>, vector<1024x128xi32>
    %sub3A_147 = arith.subi %get3A_143, %get3A_146 : vector<1024x128xi32>
    %convert_element_type3A_148 = arith.sitofp %sub3A_147 : vector<1024x128xi32> to vector<1024x128xf32>
    %add3A_149 = vector.broadcast %get3A_5 : vector<1x128xf32> to vector<1024x128xf32>
    %add3A_150 = arith.addf %convert_element_type3A_148, %add3A_149 : vector<1024x128xf32>
    %abs3A_151 = math.absf %add3A_150 : vector<1024x128xf32>
    %dot_general3A_152 = arith.constant dense<0.000000e+00> : vector<1x1024xf32>
    %dot_general3A_153 = tpu.matmul %broadcast_in_dim3A_6, %abs3A_151, %dot_general3A_152 {dimension_numbers = #tpu.dot_dimension_numbers<[1], [1], [0], [0], [0, 0, 1, 0], [], []>, transpose_lhs_hint = false} : vector<1x128xf32>, vector<1024x128xf32>, vector<1x1024xf32> -> vector<1x1024xf32>
    %swap3A_154 = arith.constant 0 : index
    %swap3A_155 = arith.constant 0 : index
    %swap3A_156 = vector.load %arg16[%swap3A_154, %swap3A_155] : memref<1x1024xf32, #tpu.memory_space<vmem>>, vector<1x1024xf32>
    tpu.vector_store %arg16[%swap3A_154, %swap3A_155], %dot_general3A_153 {strides = array<i32>} : memref<1x1024xf32, #tpu.memory_space<vmem>>, vector<1x1024xf32>,
    %dma_start3A_157 = arith.constant 0 : i32
    %dma_start3A_158 = arith.constant 2048 : i32
    %dma_start3A_159 = tpu.memref_slice %arg3[%dma_start3A_158] : memref<12288xf32, #tpu.memory_space<hbm>> -> memref<1024xf32, #tpu.memory_space<hbm>>
    %dma_start3A_160 = arith.constant 0 : i32
    %dma_start3A_161 = tpu.memref_slice %arg16[%dma_start3A_157, %dma_start3A_160] : memref<1x1024xf32, #tpu.memory_space<vmem>> -> memref<1x1024xf32, #tpu.memory_space<vmem>>
    %dma_start3A_162 = tpu.memref_squeeze %dma_start3A_161 : memref<1x1024xf32, #tpu.memory_space<vmem>> -> memref<1024xf32, #tpu.memory_space<vmem>>
    tpu.enqueue_dma source(%dma_start3A_162 : memref<1024xf32, #tpu.memory_space<vmem>>) target(%dma_start3A_159 : memref<1024xf32, #tpu.memory_space<hbm>>) target_semaphore(%arg28 : memref<!tpu.dma_semaphore, #tpu.memory_space<semaphore_mem>>)
    %dma_start3A_163 = arith.constant 0 : i32
    %dma_start3A_164 = arith.constant 0 : i32
    %dma_start3A_165 = tpu.memref_slice %arg7[%dma_start3A_163, %dma_start3A_164] : memref<1032x128xi32, #tpu.memory_space<vmem>> -> memref<1032x128xi32, #tpu.memory_space<vmem>>
    %dma_start3A_166 = arith.constant 4096 : i32
    %dma_start3A_167 = arith.constant 0 : i32
    %dma_start3A_168 = tpu.memref_slice %arg1[%dma_start3A_166, %dma_start3A_167] : memref<16384x128xi32, #tpu.memory_space<hbm>> -> memref<1032x128xi32, #tpu.memory_space<hbm>>
    tpu.enqueue_dma source(%dma_start3A_168 : memref<1032x128xi32, #tpu.memory_space<hbm>>) target(%dma_start3A_165 : memref<1032x128xi32, #tpu.memory_space<vmem>>) target_semaphore(%arg20 : memref<!tpu.dma_semaphore, #tpu.memory_space<semaphore_mem>>)
    %dma_wait3A_169 = arith.constant 0 : i32
    %dma_wait3A_170 = arith.constant 0 : i32
    %dma_wait3A_171 = tpu.memref_slice %arg8[%dma_wait3A_169, %dma_wait3A_170] : memref<1032x128xi32, #tpu.memory_space<vmem>> -> memref<1032x128xi32, #tpu.memory_space<vmem>>
    %dma_wait3A_172 = arith.constant 7168 : i32
    %dma_wait3A_173 = arith.constant 0 : i32
    %dma_wait3A_174 = tpu.memref_slice %arg0[%dma_wait3A_172, %dma_wait3A_173] : memref<16384x128xi32, #tpu.memory_space<hbm>> -> memref<1032x128xi32, #tpu.memory_space<hbm>>
    tpu.wait_dma2 semaphore(%arg21 : memref<!tpu.dma_semaphore, #tpu.memory_space<semaphore_mem>>) src(%dma_wait3A_174 : memref<1032x128xi32, #tpu.memory_space<hbm>>) dst(%dma_wait3A_171 : memref<1032x128xi32, #tpu.memory_space<vmem>>)
    %dma_wait3A_175 = arith.constant 0 : i32
    %dma_wait3A_176 = arith.constant 1024 : i32
    %dma_wait3A_177 = tpu.memref_slice %arg3[%dma_wait3A_176] : memref<12288xf32, #tpu.memory_space<hbm>> -> memref<1024xf32, #tpu.memory_space<hbm>>
    %dma_wait3A_178 = arith.constant 0 : i32
    %dma_wait3A_179 = tpu.memref_slice %arg17[%dma_wait3A_175, %dma_wait3A_178] : memref<1x1024xf32, #tpu.memory_space<vmem>> -> memref<1x1024xf32, #tpu.memory_space<vmem>>
    %dma_wait3A_180 = tpu.memref_squeeze %dma_wait3A_179 : memref<1x1024xf32, #tpu.memory_space<vmem>> -> memref<1024xf32, #tpu.memory_space<vmem>>
    tpu.wait_dma2 semaphore(%arg28 : memref<!tpu.dma_semaphore, #tpu.memory_space<semaphore_mem>>) src(%dma_wait3A_180 : memref<1024xf32, #tpu.memory_space<vmem>>) dst(%dma_wait3A_177 : memref<1024xf32, #tpu.memory_space<hbm>>)
    %get3A_181 = arith.constant 0 : index
    %get3A_182 = arith.constant 0 : index
    %get3A_183 = vector.load %arg8[%get3A_181, %get3A_182] : memref<1032x128xi32, #tpu.memory_space<vmem>>, vector<1024x128xi32>
    %get3A_184 = arith.constant 1 : index
    %get3A_185 = arith.constant 0 : index
    %get3A_186 = vector.load %arg8[%get3A_184, %get3A_185] : memref<1032x128xi32, #tpu.memory_space<vmem>>, vector<1024x128xi32>
    %sub3A_187 = arith.subi %get3A_183, %get3A_186 : vector<1024x128xi32>
    %convert_element_type3A_188 = arith.sitofp %sub3A_187 : vector<1024x128xi32> to vector<1024x128xf32>
    %add3A_189 = vector.broadcast %get3A_5 : vector<1x128xf32> to vector<1024x128xf32>
    %add3A_190 = arith.addf %convert_element_type3A_188, %add3A_189 : vector<1024x128xf32>
    %abs3A_191 = math.absf %add3A_190 : vector<1024x128xf32>
    %dot_general3A_192 = arith.constant dense<0.000000e+00> : vector<1x1024xf32>
    %dot_general3A_193 = tpu.matmul %broadcast_in_dim3A_6, %abs3A_191, %dot_general3A_192 {dimension_numbers = #tpu.dot_dimension_numbers<[1], [1], [0], [0], [0, 0, 1, 0], [], []>, transpose_lhs_hint = false} : vector<1x128xf32>, vector<1024x128xf32>, vector<1x1024xf32> -> vector<1x1024xf32>
    %swap3A_194 = arith.constant 0 : index
    %swap3A_195 = arith.constant 0 : index
    %swap3A_196 = vector.load %arg17[%swap3A_194, %swap3A_195] : memref<1x1024xf32, #tpu.memory_space<vmem>>, vector<1x1024xf32>
    tpu.vector_store %arg17[%swap3A_194, %swap3A_195], %dot_general3A_193 {strides = array<i32>} : memref<1x1024xf32, #tpu.memory_space<vmem>>, vector<1x1024xf32>,
    %dma_start3A_197 = arith.constant 0 : i32
    %dma_start3A_198 = arith.constant 3072 : i32
    %dma_start3A_199 = tpu.memref_slice %arg3[%dma_start3A_198] : memref<12288xf32, #tpu.memory_space<hbm>> -> memref<1024xf32, #tpu.memory_space<hbm>>
    %dma_start3A_200 = arith.constant 0 : i32
    %dma_start3A_201 = tpu.memref_slice %arg17[%dma_start3A_197, %dma_start3A_200] : memref<1x1024xf32, #tpu.memory_space<vmem>> -> memref<1x1024xf32, #tpu.memory_space<vmem>>
    %dma_start3A_202 = tpu.memref_squeeze %dma_start3A_201 : memref<1x1024xf32, #tpu.memory_space<vmem>> -> memref<1024xf32, #tpu.memory_space<vmem>>
    tpu.enqueue_dma source(%dma_start3A_202 : memref<1024xf32, #tpu.memory_space<vmem>>) target(%dma_start3A_199 : memref<1024xf32, #tpu.memory_space<hbm>>) target_semaphore(%arg28 : memref<!tpu.dma_semaphore, #tpu.memory_space<semaphore_mem>>)
    %dma_start3A_203 = arith.constant 0 : i32
    %dma_start3A_204 = arith.constant 0 : i32
    %dma_start3A_205 = tpu.memref_slice %arg8[%dma_start3A_203, %dma_start3A_204] : memref<1032x128xi32, #tpu.memory_space<vmem>> -> memref<1032x128xi32, #tpu.memory_space<vmem>>
    %dma_start3A_206 = arith.constant 5120 : i32
    %dma_start3A_207 = arith.constant 0 : i32
    %dma_start3A_208 = tpu.memref_slice %arg1[%dma_start3A_206, %dma_start3A_207] : memref<16384x128xi32, #tpu.memory_space<hbm>> -> memref<1032x128xi32, #tpu.memory_space<hbm>>
    tpu.enqueue_dma source(%dma_start3A_208 : memref<1032x128xi32, #tpu.memory_space<hbm>>) target(%dma_start3A_205 : memref<1032x128xi32, #tpu.memory_space<vmem>>) target_semaphore(%arg21 : memref<!tpu.dma_semaphore, #tpu.memory_space<semaphore_mem>>)
    %dma_wait3A_209 = arith.constant 0 : i32
    %dma_wait3A_210 = arith.constant 0 : i32
    %dma_wait3A_211 = tpu.memref_slice %arg9[%dma_wait3A_209, %dma_wait3A_210] : memref<1032x128xi32, #tpu.memory_space<vmem>> -> memref<1032x128xi32, #tpu.memory_space<vmem>>
    %dma_wait3A_212 = arith.constant 8192 : i32
    %dma_wait3A_213 = arith.constant 0 : i32
    %dma_wait3A_214 = tpu.memref_slice %arg0[%dma_wait3A_212, %dma_wait3A_213] : memref<16384x128xi32, #tpu.memory_space<hbm>> -> memref<1032x128xi32, #tpu.memory_space<hbm>>
    tpu.wait_dma2 semaphore(%arg22 : memref<!tpu.dma_semaphore, #tpu.memory_space<semaphore_mem>>) src(%dma_wait3A_214 : memref<1032x128xi32, #tpu.memory_space<hbm>>) dst(%dma_wait3A_211 : memref<1032x128xi32, #tpu.memory_space<vmem>>)
    %dma_wait3A_215 = arith.constant 0 : i32
    %dma_wait3A_216 = arith.constant 2048 : i32
    %dma_wait3A_217 = tpu.memref_slice %arg3[%dma_wait3A_216] : memref<12288xf32, #tpu.memory_space<hbm>> -> memref<1024xf32, #tpu.memory_space<hbm>>
    %dma_wait3A_218 = arith.constant 0 : i32
    %dma_wait3A_219 = tpu.memref_slice %arg16[%dma_wait3A_215, %dma_wait3A_218] : memref<1x1024xf32, #tpu.memory_space<vmem>> -> memref<1x1024xf32, #tpu.memory_space<vmem>>
    %dma_wait3A_220 = tpu.memref_squeeze %dma_wait3A_219 : memref<1x1024xf32, #tpu.memory_space<vmem>> -> memref<1024xf32, #tpu.memory_space<vmem>>
    tpu.wait_dma2 semaphore(%arg28 : memref<!tpu.dma_semaphore, #tpu.memory_space<semaphore_mem>>) src(%dma_wait3A_220 : memref<1024xf32, #tpu.memory_space<vmem>>) dst(%dma_wait3A_217 : memref<1024xf32, #tpu.memory_space<hbm>>)
    %get3A_221 = arith.constant 0 : index
    %get3A_222 = arith.constant 0 : index
    %get3A_223 = vector.load %arg9[%get3A_221, %get3A_222] : memref<1032x128xi32, #tpu.memory_space<vmem>>, vector<1024x128xi32>
    %get3A_224 = arith.constant 1 : index
    %get3A_225 = arith.constant 0 : index
    %get3A_226 = vector.load %arg9[%get3A_224, %get3A_225] : memref<1032x128xi32, #tpu.memory_space<vmem>>, vector<1024x128xi32>
    %sub3A_227 = arith.subi %get3A_223, %get3A_226 : vector<1024x128xi32>
    %convert_element_type3A_228 = arith.sitofp %sub3A_227 : vector<1024x128xi32> to vector<1024x128xf32>
    %add3A_229 = vector.broadcast %get3A_5 : vector<1x128xf32> to vector<1024x128xf32>
    %add3A_230 = arith.addf %convert_element_type3A_228, %add3A_229 : vector<1024x128xf32>
    %abs3A_231 = math.absf %add3A_230 : vector<1024x128xf32>
    %dot_general3A_232 = arith.constant dense<0.000000e+00> : vector<1x1024xf32>
    %dot_general3A_233 = tpu.matmul %broadcast_in_dim3A_6, %abs3A_231, %dot_general3A_232 {dimension_numbers = #tpu.dot_dimension_numbers<[1], [1], [0], [0], [0, 0, 1, 0], [], []>, transpose_lhs_hint = false} : vector<1x128xf32>, vector<1024x128xf32>, vector<1x1024xf32> -> vector<1x1024xf32>
    %swap3A_234 = arith.constant 0 : index
    %swap3A_235 = arith.constant 0 : index
    %swap3A_236 = vector.load %arg16[%swap3A_234, %swap3A_235] : memref<1x1024xf32, #tpu.memory_space<vmem>>, vector<1x1024xf32>
    tpu.vector_store %arg16[%swap3A_234, %swap3A_235], %dot_general3A_233 {strides = array<i32>} : memref<1x1024xf32, #tpu.memory_space<vmem>>, vector<1x1024xf32>,
    %dma_start3A_237 = arith.constant 0 : i32
    %dma_start3A_238 = arith.constant 4096 : i32
    %dma_start3A_239 = tpu.memref_slice %arg3[%dma_start3A_238] : memref<12288xf32, #tpu.memory_space<hbm>> -> memref<1024xf32, #tpu.memory_space<hbm>>
    %dma_start3A_240 = arith.constant 0 : i32
    %dma_start3A_241 = tpu.memref_slice %arg16[%dma_start3A_237, %dma_start3A_240] : memref<1x1024xf32, #tpu.memory_space<vmem>> -> memref<1x1024xf32, #tpu.memory_space<vmem>>
    %dma_start3A_242 = tpu.memref_squeeze %dma_start3A_241 : memref<1x1024xf32, #tpu.memory_space<vmem>> -> memref<1024xf32, #tpu.memory_space<vmem>>
    tpu.enqueue_dma source(%dma_start3A_242 : memref<1024xf32, #tpu.memory_space<vmem>>) target(%dma_start3A_239 : memref<1024xf32, #tpu.memory_space<hbm>>) target_semaphore(%arg28 : memref<!tpu.dma_semaphore, #tpu.memory_space<semaphore_mem>>)
    %dma_start3A_243 = arith.constant 0 : i32
    %dma_start3A_244 = arith.constant 0 : i32
    %dma_start3A_245 = tpu.memref_slice %arg9[%dma_start3A_243, %dma_start3A_244] : memref<1032x128xi32, #tpu.memory_space<vmem>> -> memref<1032x128xi32, #tpu.memory_space<vmem>>
    %dma_start3A_246 = arith.constant 6144 : i32
    %dma_start3A_247 = arith.constant 0 : i32
    %dma_start3A_248 = tpu.memref_slice %arg1[%dma_start3A_246, %dma_start3A_247] : memref<16384x128xi32, #tpu.memory_space<hbm>> -> memref<1032x128xi32, #tpu.memory_space<hbm>>
    tpu.enqueue_dma source(%dma_start3A_248 : memref<1032x128xi32, #tpu.memory_space<hbm>>) target(%dma_start3A_245 : memref<1032x128xi32, #tpu.memory_space<vmem>>) target_semaphore(%arg22 : memref<!tpu.dma_semaphore, #tpu.memory_space<semaphore_mem>>)
    %dma_wait3A_249 = arith.constant 0 : i32
    %dma_wait3A_250 = arith.constant 0 : i32
    %dma_wait3A_251 = tpu.memref_slice %arg10[%dma_wait3A_249, %dma_wait3A_250] : memref<1032x128xi32, #tpu.memory_space<vmem>> -> memref<1032x128xi32, #tpu.memory_space<vmem>>
    %dma_wait3A_252 = arith.constant 9216 : i32
    %dma_wait3A_253 = arith.constant 0 : i32
    %dma_wait3A_254 = tpu.memref_slice %arg0[%dma_wait3A_252, %dma_wait3A_253] : memref<16384x128xi32, #tpu.memory_space<hbm>> -> memref<1032x128xi32, #tpu.memory_space<hbm>>
    tpu.wait_dma2 semaphore(%arg23 : memref<!tpu.dma_semaphore, #tpu.memory_space<semaphore_mem>>) src(%dma_wait3A_254 : memref<1032x128xi32, #tpu.memory_space<hbm>>) dst(%dma_wait3A_251 : memref<1032x128xi32, #tpu.memory_space<vmem>>)
    %dma_wait3A_255 = arith.constant 0 : i32
    %dma_wait3A_256 = arith.constant 3072 : i32
    %dma_wait3A_257 = tpu.memref_slice %arg3[%dma_wait3A_256] : memref<12288xf32, #tpu.memory_space<hbm>> -> memref<1024xf32, #tpu.memory_space<hbm>>
    %dma_wait3A_258 = arith.constant 0 : i32
    %dma_wait3A_259 = tpu.memref_slice %arg17[%dma_wait3A_255, %dma_wait3A_258] : memref<1x1024xf32, #tpu.memory_space<vmem>> -> memref<1x1024xf32, #tpu.memory_space<vmem>>
    %dma_wait3A_260 = tpu.memref_squeeze %dma_wait3A_259 : memref<1x1024xf32, #tpu.memory_space<vmem>> -> memref<1024xf32, #tpu.memory_space<vmem>>
    tpu.wait_dma2 semaphore(%arg28 : memref<!tpu.dma_semaphore, #tpu.memory_space<semaphore_mem>>) src(%dma_wait3A_260 : memref<1024xf32, #tpu.memory_space<vmem>>) dst(%dma_wait3A_257 : memref<1024xf32, #tpu.memory_space<hbm>>)
    %get3A_261 = arith.constant 0 : index
    %get3A_262 = arith.constant 0 : index
    %get3A_263 = vector.load %arg10[%get3A_261, %get3A_262] : memref<1032x128xi32, #tpu.memory_space<vmem>>, vector<1024x128xi32>
    %get3A_264 = arith.constant 1 : index
    %get3A_265 = arith.constant 0 : index
    %get3A_266 = vector.load %arg10[%get3A_264, %get3A_265] : memref<1032x128xi32, #tpu.memory_space<vmem>>, vector<1024x128xi32>
    %sub3A_267 = arith.subi %get3A_263, %get3A_266 : vector<1024x128xi32>
    %convert_element_type3A_268 = arith.sitofp %sub3A_267 : vector<1024x128xi32> to vector<1024x128xf32>
    %add3A_269 = vector.broadcast %get3A_5 : vector<1x128xf32> to vector<1024x128xf32>
    %add3A_270 = arith.addf %convert_element_type3A_268, %add3A_269 : vector<1024x128xf32>
    %abs3A_271 = math.absf %add3A_270 : vector<1024x128xf32>
    %dot_general3A_272 = arith.constant dense<0.000000e+00> : vector<1x1024xf32>
    %dot_general3A_273 = tpu.matmul %broadcast_in_dim3A_6, %abs3A_271, %dot_general3A_272 {dimension_numbers = #tpu.dot_dimension_numbers<[1], [1], [0], [0], [0, 0, 1, 0], [], []>, transpose_lhs_hint = false} : vector<1x128xf32>, vector<1024x128xf32>, vector<1x1024xf32> -> vector<1x1024xf32>
    %swap3A_274 = arith.constant 0 : index
    %swap3A_275 = arith.constant 0 : index
    %swap3A_276 = vector.load %arg17[%swap3A_274, %swap3A_275] : memref<1x1024xf32, #tpu.memory_space<vmem>>, vector<1x1024xf32>
    tpu.vector_store %arg17[%swap3A_274, %swap3A_275], %dot_general3A_273 {strides = array<i32>} : memref<1x1024xf32, #tpu.memory_space<vmem>>, vector<1x1024xf32>,
    %dma_start3A_277 = arith.constant 0 : i32
    %dma_start3A_278 = arith.constant 5120 : i32
    %dma_start3A_279 = tpu.memref_slice %arg3[%dma_start3A_278] : memref<12288xf32, #tpu.memory_space<hbm>> -> memref<1024xf32, #tpu.memory_space<hbm>>
    %dma_start3A_280 = arith.constant 0 : i32
    %dma_start3A_281 = tpu.memref_slice %arg17[%dma_start3A_277, %dma_start3A_280] : memref<1x1024xf32, #tpu.memory_space<vmem>> -> memref<1x1024xf32, #tpu.memory_space<vmem>>
    %dma_start3A_282 = tpu.memref_squeeze %dma_start3A_281 : memref<1x1024xf32, #tpu.memory_space<vmem>> -> memref<1024xf32, #tpu.memory_space<vmem>>
    tpu.enqueue_dma source(%dma_start3A_282 : memref<1024xf32, #tpu.memory_space<vmem>>) target(%dma_start3A_279 : memref<1024xf32, #tpu.memory_space<hbm>>) target_semaphore(%arg28 : memref<!tpu.dma_semaphore, #tpu.memory_space<semaphore_mem>>)
    %dma_start3A_283 = arith.constant 0 : i32
    %dma_start3A_284 = arith.constant 0 : i32
    %dma_start3A_285 = tpu.memref_slice %arg10[%dma_start3A_283, %dma_start3A_284] : memref<1032x128xi32, #tpu.memory_space<vmem>> -> memref<1032x128xi32, #tpu.memory_space<vmem>>
    %dma_start3A_286 = arith.constant 7168 : i32
    %dma_start3A_287 = arith.constant 0 : i32
    %dma_start3A_288 = tpu.memref_slice %arg1[%dma_start3A_286, %dma_start3A_287] : memref<16384x128xi32, #tpu.memory_space<hbm>> -> memref<1032x128xi32, #tpu.memory_space<hbm>>
    tpu.enqueue_dma source(%dma_start3A_288 : memref<1032x128xi32, #tpu.memory_space<hbm>>) target(%dma_start3A_285 : memref<1032x128xi32, #tpu.memory_space<vmem>>) target_semaphore(%arg23 : memref<!tpu.dma_semaphore, #tpu.memory_space<semaphore_mem>>)
    %dma_wait3A_289 = arith.constant 0 : i32
    %dma_wait3A_290 = arith.constant 0 : i32
    %dma_wait3A_291 = tpu.memref_slice %arg11[%dma_wait3A_289, %dma_wait3A_290] : memref<1032x128xi32, #tpu.memory_space<vmem>> -> memref<1032x128xi32, #tpu.memory_space<vmem>>
    %dma_wait3A_292 = arith.constant 10240 : i32
    %dma_wait3A_293 = arith.constant 0 : i32
    %dma_wait3A_294 = tpu.memref_slice %arg0[%dma_wait3A_292, %dma_wait3A_293] : memref<16384x128xi32, #tpu.memory_space<hbm>> -> memref<1032x128xi32, #tpu.memory_space<hbm>>
    tpu.wait_dma2 semaphore(%arg24 : memref<!tpu.dma_semaphore, #tpu.memory_space<semaphore_mem>>) src(%dma_wait3A_294 : memref<1032x128xi32, #tpu.memory_space<hbm>>) dst(%dma_wait3A_291 : memref<1032x128xi32, #tpu.memory_space<vmem>>)
    %dma_wait3A_295 = arith.constant 0 : i32
    %dma_wait3A_296 = arith.constant 4096 : i32
    %dma_wait3A_297 = tpu.memref_slice %arg3[%dma_wait3A_296] : memref<12288xf32, #tpu.memory_space<hbm>> -> memref<1024xf32, #tpu.memory_space<hbm>>
    %dma_wait3A_298 = arith.constant 0 : i32
    %dma_wait3A_299 = tpu.memref_slice %arg16[%dma_wait3A_295, %dma_wait3A_298] : memref<1x1024xf32, #tpu.memory_space<vmem>> -> memref<1x1024xf32, #tpu.memory_space<vmem>>
    %dma_wait3A_300 = tpu.memref_squeeze %dma_wait3A_299 : memref<1x1024xf32, #tpu.memory_space<vmem>> -> memref<1024xf32, #tpu.memory_space<vmem>>
    tpu.wait_dma2 semaphore(%arg28 : memref<!tpu.dma_semaphore, #tpu.memory_space<semaphore_mem>>) src(%dma_wait3A_300 : memref<1024xf32, #tpu.memory_space<vmem>>) dst(%dma_wait3A_297 : memref<1024xf32, #tpu.memory_space<hbm>>)
    %get3A_301 = arith.constant 0 : index
    %get3A_302 = arith.constant 0 : index
    %get3A_303 = vector.load %arg11[%get3A_301, %get3A_302] : memref<1032x128xi32, #tpu.memory_space<vmem>>, vector<1024x128xi32>
    %get3A_304 = arith.constant 1 : index
    %get3A_305 = arith.constant 0 : index
    %get3A_306 = vector.load %arg11[%get3A_304, %get3A_305] : memref<1032x128xi32, #tpu.memory_space<vmem>>, vector<1024x128xi32>
    %sub3A_307 = arith.subi %get3A_303, %get3A_306 : vector<1024x128xi32>
    %convert_element_type3A_308 = arith.sitofp %sub3A_307 : vector<1024x128xi32> to vector<1024x128xf32>
    %add3A_309 = vector.broadcast %get3A_5 : vector<1x128xf32> to vector<1024x128xf32>
    %add3A_310 = arith.addf %convert_element_type3A_308, %add3A_309 : vector<1024x128xf32>
    %abs3A_311 = math.absf %add3A_310 : vector<1024x128xf32>
    %dot_general3A_312 = arith.constant dense<0.000000e+00> : vector<1x1024xf32>
    %dot_general3A_313 = tpu.matmul %broadcast_in_dim3A_6, %abs3A_311, %dot_general3A_312 {dimension_numbers = #tpu.dot_dimension_numbers<[1], [1], [0], [0], [0, 0, 1, 0], [], []>, transpose_lhs_hint = false} : vector<1x128xf32>, vector<1024x128xf32>, vector<1x1024xf32> -> vector<1x1024xf32>
    %swap3A_314 = arith.constant 0 : index
    %swap3A_315 = arith.constant 0 : index
    %swap3A_316 = vector.load %arg16[%swap3A_314, %swap3A_315] : memref<1x1024xf32, #tpu.memory_space<vmem>>, vector<1x1024xf32>
    tpu.vector_store %arg16[%swap3A_314, %swap3A_315], %dot_general3A_313 {strides = array<i32>} : memref<1x1024xf32, #tpu.memory_space<vmem>>, vector<1x1024xf32>,
    %dma_start3A_317 = arith.constant 0 : i32
    %dma_start3A_318 = arith.constant 6144 : i32
    %dma_start3A_319 = tpu.memref_slice %arg3[%dma_start3A_318] : memref<12288xf32, #tpu.memory_space<hbm>> -> memref<1024xf32, #tpu.memory_space<hbm>>
    %dma_start3A_320 = arith.constant 0 : i32
    %dma_start3A_321 = tpu.memref_slice %arg16[%dma_start3A_317, %dma_start3A_320] : memref<1x1024xf32, #tpu.memory_space<vmem>> -> memref<1x1024xf32, #tpu.memory_space<vmem>>
    %dma_start3A_322 = tpu.memref_squeeze %dma_start3A_321 : memref<1x1024xf32, #tpu.memory_space<vmem>> -> memref<1024xf32, #tpu.memory_space<vmem>>
    tpu.enqueue_dma source(%dma_start3A_322 : memref<1024xf32, #tpu.memory_space<vmem>>) target(%dma_start3A_319 : memref<1024xf32, #tpu.memory_space<hbm>>) target_semaphore(%arg28 : memref<!tpu.dma_semaphore, #tpu.memory_space<semaphore_mem>>)
    %dma_start3A_323 = arith.constant 0 : i32
    %dma_start3A_324 = arith.constant 0 : i32
    %dma_start3A_325 = tpu.memref_slice %arg11[%dma_start3A_323, %dma_start3A_324] : memref<1032x128xi32, #tpu.memory_space<vmem>> -> memref<1032x128xi32, #tpu.memory_space<vmem>>
    %dma_start3A_326 = arith.constant 8192 : i32
    %dma_start3A_327 = arith.constant 0 : i32
    %dma_start3A_328 = tpu.memref_slice %arg1[%dma_start3A_326, %dma_start3A_327] : memref<16384x128xi32, #tpu.memory_space<hbm>> -> memref<1032x128xi32, #tpu.memory_space<hbm>>
    tpu.enqueue_dma source(%dma_start3A_328 : memref<1032x128xi32, #tpu.memory_space<hbm>>) target(%dma_start3A_325 : memref<1032x128xi32, #tpu.memory_space<vmem>>) target_semaphore(%arg24 : memref<!tpu.dma_semaphore, #tpu.memory_space<semaphore_mem>>)
    %dma_wait3A_329 = arith.constant 0 : i32
    %dma_wait3A_330 = arith.constant 0 : i32
    %dma_wait3A_331 = tpu.memref_slice %arg12[%dma_wait3A_329, %dma_wait3A_330] : memref<1032x128xi32, #tpu.memory_space<vmem>> -> memref<1032x128xi32, #tpu.memory_space<vmem>>
    %dma_wait3A_332 = arith.constant 11264 : i32
    %dma_wait3A_333 = arith.constant 0 : i32
    %dma_wait3A_334 = tpu.memref_slice %arg0[%dma_wait3A_332, %dma_wait3A_333] : memref<16384x128xi32, #tpu.memory_space<hbm>> -> memref<1032x128xi32, #tpu.memory_space<hbm>>
    tpu.wait_dma2 semaphore(%arg25 : memref<!tpu.dma_semaphore, #tpu.memory_space<semaphore_mem>>) src(%dma_wait3A_334 : memref<1032x128xi32, #tpu.memory_space<hbm>>) dst(%dma_wait3A_331 : memref<1032x128xi32, #tpu.memory_space<vmem>>)
    %dma_wait3A_335 = arith.constant 0 : i32
    %dma_wait3A_336 = arith.constant 5120 : i32
    %dma_wait3A_337 = tpu.memref_slice %arg3[%dma_wait3A_336] : memref<12288xf32, #tpu.memory_space<hbm>> -> memref<1024xf32, #tpu.memory_space<hbm>>
    %dma_wait3A_338 = arith.constant 0 : i32
    %dma_wait3A_339 = tpu.memref_slice %arg17[%dma_wait3A_335, %dma_wait3A_338] : memref<1x1024xf32, #tpu.memory_space<vmem>> -> memref<1x1024xf32, #tpu.memory_space<vmem>>
    %dma_wait3A_340 = tpu.memref_squeeze %dma_wait3A_339 : memref<1x1024xf32, #tpu.memory_space<vmem>> -> memref<1024xf32, #tpu.memory_space<vmem>>
    tpu.wait_dma2 semaphore(%arg28 : memref<!tpu.dma_semaphore, #tpu.memory_space<semaphore_mem>>) src(%dma_wait3A_340 : memref<1024xf32, #tpu.memory_space<vmem>>) dst(%dma_wait3A_337 : memref<1024xf32, #tpu.memory_space<hbm>>)
    %get3A_341 = arith.constant 0 : index
    %get3A_342 = arith.constant 0 : index
    %get3A_343 = vector.load %arg12[%get3A_341, %get3A_342] : memref<1032x128xi32, #tpu.memory_space<vmem>>, vector<1024x128xi32>
    %get3A_344 = arith.constant 1 : index
    %get3A_345 = arith.constant 0 : index
    %get3A_346 = vector.load %arg12[%get3A_344, %get3A_345] : memref<1032x128xi32, #tpu.memory_space<vmem>>, vector<1024x128xi32>
    %sub3A_347 = arith.subi %get3A_343, %get3A_346 : vector<1024x128xi32>
    %convert_element_type3A_348 = arith.sitofp %sub3A_347 : vector<1024x128xi32> to vector<1024x128xf32>
    %add3A_349 = vector.broadcast %get3A_5 : vector<1x128xf32> to vector<1024x128xf32>
    %add3A_350 = arith.addf %convert_element_type3A_348, %add3A_349 : vector<1024x128xf32>
    %abs3A_351 = math.absf %add3A_350 : vector<1024x128xf32>
    %dot_general3A_352 = arith.constant dense<0.000000e+00> : vector<1x1024xf32>
    %dot_general3A_353 = tpu.matmul %broadcast_in_dim3A_6, %abs3A_351, %dot_general3A_352 {dimension_numbers = #tpu.dot_dimension_numbers<[1], [1], [0], [0], [0, 0, 1, 0], [], []>, transpose_lhs_hint = false} : vector<1x128xf32>, vector<1024x128xf32>, vector<1x1024xf32> -> vector<1x1024xf32>
    %swap3A_354 = arith.constant 0 : index
    %swap3A_355 = arith.constant 0 : index
    %swap3A_356 = vector.load %arg17[%swap3A_354, %swap3A_355] : memref<1x1024xf32, #tpu.memory_space<vmem>>, vector<1x1024xf32>
    tpu.vector_store %arg17[%swap3A_354, %swap3A_355], %dot_general3A_353 {strides = array<i32>} : memref<1x1024xf32, #tpu.memory_space<vmem>>, vector<1x1024xf32>,
    %dma_start3A_357 = arith.constant 0 : i32
    %dma_start3A_358 = arith.constant 7168 : i32
    %dma_start3A_359 = tpu.memref_slice %arg3[%dma_start3A_358] : memref<12288xf32, #tpu.memory_space<hbm>> -> memref<1024xf32, #tpu.memory_space<hbm>>
    %dma_start3A_360 = arith.constant 0 : i32
    %dma_start3A_361 = tpu.memref_slice %arg17[%dma_start3A_357, %dma_start3A_360] : memref<1x1024xf32, #tpu.memory_space<vmem>> -> memref<1x1024xf32, #tpu.memory_space<vmem>>
    %dma_start3A_362 = tpu.memref_squeeze %dma_start3A_361 : memref<1x1024xf32, #tpu.memory_space<vmem>> -> memref<1024xf32, #tpu.memory_space<vmem>>
    tpu.enqueue_dma source(%dma_start3A_362 : memref<1024xf32, #tpu.memory_space<vmem>>) target(%dma_start3A_359 : memref<1024xf32, #tpu.memory_space<hbm>>) target_semaphore(%arg28 : memref<!tpu.dma_semaphore, #tpu.memory_space<semaphore_mem>>)
    %dma_start3A_363 = arith.constant 0 : i32
    %dma_start3A_364 = arith.constant 0 : i32
    %dma_start3A_365 = tpu.memref_slice %arg12[%dma_start3A_363, %dma_start3A_364] : memref<1032x128xi32, #tpu.memory_space<vmem>> -> memref<1032x128xi32, #tpu.memory_space<vmem>>
    %dma_start3A_366 = arith.constant 9216 : i32
    %dma_start3A_367 = arith.constant 0 : i32
    %dma_start3A_368 = tpu.memref_slice %arg1[%dma_start3A_366, %dma_start3A_367] : memref<16384x128xi32, #tpu.memory_space<hbm>> -> memref<1032x128xi32, #tpu.memory_space<hbm>>
    tpu.enqueue_dma source(%dma_start3A_368 : memref<1032x128xi32, #tpu.memory_space<hbm>>) target(%dma_start3A_365 : memref<1032x128xi32, #tpu.memory_space<vmem>>) target_semaphore(%arg25 : memref<!tpu.dma_semaphore, #tpu.memory_space<semaphore_mem>>)
    %dma_wait3A_369 = arith.constant 0 : i32
    %dma_wait3A_370 = arith.constant 0 : i32
    %dma_wait3A_371 = tpu.memref_slice %arg13[%dma_wait3A_369, %dma_wait3A_370] : memref<1032x128xi32, #tpu.memory_space<vmem>> -> memref<1032x128xi32, #tpu.memory_space<vmem>>
    %dma_wait3A_372 = arith.constant 12288 : i32
    %dma_wait3A_373 = arith.constant 0 : i32
    %dma_wait3A_374 = tpu.memref_slice %arg0[%dma_wait3A_372, %dma_wait3A_373] : memref<16384x128xi32, #tpu.memory_space<hbm>> -> memref<1032x128xi32, #tpu.memory_space<hbm>>
    tpu.wait_dma2 semaphore(%arg26 : memref<!tpu.dma_semaphore, #tpu.memory_space<semaphore_mem>>) src(%dma_wait3A_374 : memref<1032x128xi32, #tpu.memory_space<hbm>>) dst(%dma_wait3A_371 : memref<1032x128xi32, #tpu.memory_space<vmem>>)
    %dma_wait3A_375 = arith.constant 0 : i32
    %dma_wait3A_376 = arith.constant 6144 : i32
    %dma_wait3A_377 = tpu.memref_slice %arg3[%dma_wait3A_376] : memref<12288xf32, #tpu.memory_space<hbm>> -> memref<1024xf32, #tpu.memory_space<hbm>>
    %dma_wait3A_378 = arith.constant 0 : i32
    %dma_wait3A_379 = tpu.memref_slice %arg16[%dma_wait3A_375, %dma_wait3A_378] : memref<1x1024xf32, #tpu.memory_space<vmem>> -> memref<1x1024xf32, #tpu.memory_space<vmem>>
    %dma_wait3A_380 = tpu.memref_squeeze %dma_wait3A_379 : memref<1x1024xf32, #tpu.memory_space<vmem>> -> memref<1024xf32, #tpu.memory_space<vmem>>
    tpu.wait_dma2 semaphore(%arg28 : memref<!tpu.dma_semaphore, #tpu.memory_space<semaphore_mem>>) src(%dma_wait3A_380 : memref<1024xf32, #tpu.memory_space<vmem>>) dst(%dma_wait3A_377 : memref<1024xf32, #tpu.memory_space<hbm>>)
    %get3A_381 = arith.constant 0 : index
    %get3A_382 = arith.constant 0 : index
    %get3A_383 = vector.load %arg13[%get3A_381, %get3A_382] : memref<1032x128xi32, #tpu.memory_space<vmem>>, vector<1024x128xi32>
    %get3A_384 = arith.constant 1 : index
    %get3A_385 = arith.constant 0 : index
    %get3A_386 = vector.load %arg13[%get3A_384, %get3A_385] : memref<1032x128xi32, #tpu.memory_space<vmem>>, vector<1024x128xi32>
    %sub3A_387 = arith.subi %get3A_383, %get3A_386 : vector<1024x128xi32>
    %convert_element_type3A_388 = arith.sitofp %sub3A_387 : vector<1024x128xi32> to vector<1024x128xf32>
    %add3A_389 = vector.broadcast %get3A_5 : vector<1x128xf32> to vector<1024x128xf32>
    %add3A_390 = arith.addf %convert_element_type3A_388, %add3A_389 : vector<1024x128xf32>
    %abs3A_391 = math.absf %add3A_390 : vector<1024x128xf32>
    %dot_general3A_392 = arith.constant dense<0.000000e+00> : vector<1x1024xf32>
    %dot_general3A_393 = tpu.matmul %broadcast_in_dim3A_6, %abs3A_391, %dot_general3A_392 {dimension_numbers = #tpu.dot_dimension_numbers<[1], [1], [0], [0], [0, 0, 1, 0], [], []>, transpose_lhs_hint = false} : vector<1x128xf32>, vector<1024x128xf32>, vector<1x1024xf32> -> vector<1x1024xf32>
    %swap3A_394 = arith.constant 0 : index
    %swap3A_395 = arith.constant 0 : index
    %swap3A_396 = vector.load %arg16[%swap3A_394, %swap3A_395] : memref<1x1024xf32, #tpu.memory_space<vmem>>, vector<1x1024xf32>
    tpu.vector_store %arg16[%swap3A_394, %swap3A_395], %dot_general3A_393 {strides = array<i32>} : memref<1x1024xf32, #tpu.memory_space<vmem>>, vector<1x1024xf32>,
    %dma_start3A_397 = arith.constant 0 : i32
    %dma_start3A_398 = arith.constant 8192 : i32
    %dma_start3A_399 = tpu.memref_slice %arg3[%dma_start3A_398] : memref<12288xf32, #tpu.memory_space<hbm>> -> memref<1024xf32, #tpu.memory_space<hbm>>
    %dma_start3A_400 = arith.constant 0 : i32
    %dma_start3A_401 = tpu.memref_slice %arg16[%dma_start3A_397, %dma_start3A_400] : memref<1x1024xf32, #tpu.memory_space<vmem>> -> memref<1x1024xf32, #tpu.memory_space<vmem>>
    %dma_start3A_402 = tpu.memref_squeeze %dma_start3A_401 : memref<1x1024xf32, #tpu.memory_space<vmem>> -> memref<1024xf32, #tpu.memory_space<vmem>>
    tpu.enqueue_dma source(%dma_start3A_402 : memref<1024xf32, #tpu.memory_space<vmem>>) target(%dma_start3A_399 : memref<1024xf32, #tpu.memory_space<hbm>>) target_semaphore(%arg28 : memref<!tpu.dma_semaphore, #tpu.memory_space<semaphore_mem>>)
    %dma_start3A_403 = arith.constant 0 : i32
    %dma_start3A_404 = arith.constant 0 : i32
    %dma_start3A_405 = tpu.memref_slice %arg13[%dma_start3A_403, %dma_start3A_404] : memref<1032x128xi32, #tpu.memory_space<vmem>> -> memref<1032x128xi32, #tpu.memory_space<vmem>>
    %dma_start3A_406 = arith.constant 10240 : i32
    %dma_start3A_407 = arith.constant 0 : i32
    %dma_start3A_408 = tpu.memref_slice %arg1[%dma_start3A_406, %dma_start3A_407] : memref<16384x128xi32, #tpu.memory_space<hbm>> -> memref<1032x128xi32, #tpu.memory_space<hbm>>
    tpu.enqueue_dma source(%dma_start3A_408 : memref<1032x128xi32, #tpu.memory_space<hbm>>) target(%dma_start3A_405 : memref<1032x128xi32, #tpu.memory_space<vmem>>) target_semaphore(%arg26 : memref<!tpu.dma_semaphore, #tpu.memory_space<semaphore_mem>>)
    %dma_wait3A_409 = arith.constant 0 : i32
    %dma_wait3A_410 = arith.constant 0 : i32
    %dma_wait3A_411 = tpu.memref_slice %arg14[%dma_wait3A_409, %dma_wait3A_410] : memref<1032x128xi32, #tpu.memory_space<vmem>> -> memref<1032x128xi32, #tpu.memory_space<vmem>>
    %dma_wait3A_412 = arith.constant 13312 : i32
    %dma_wait3A_413 = arith.constant 0 : i32
    %dma_wait3A_414 = tpu.memref_slice %arg0[%dma_wait3A_412, %dma_wait3A_413] : memref<16384x128xi32, #tpu.memory_space<hbm>> -> memref<1032x128xi32, #tpu.memory_space<hbm>>
    tpu.wait_dma2 semaphore(%arg27 : memref<!tpu.dma_semaphore, #tpu.memory_space<semaphore_mem>>) src(%dma_wait3A_414 : memref<1032x128xi32, #tpu.memory_space<hbm>>) dst(%dma_wait3A_411 : memref<1032x128xi32, #tpu.memory_space<vmem>>)
    %dma_wait3A_415 = arith.constant 0 : i32
    %dma_wait3A_416 = arith.constant 7168 : i32
    %dma_wait3A_417 = tpu.memref_slice %arg3[%dma_wait3A_416] : memref<12288xf32, #tpu.memory_space<hbm>> -> memref<1024xf32, #tpu.memory_space<hbm>>
    %dma_wait3A_418 = arith.constant 0 : i32
    %dma_wait3A_419 = tpu.memref_slice %arg17[%dma_wait3A_415, %dma_wait3A_418] : memref<1x1024xf32, #tpu.memory_space<vmem>> -> memref<1x1024xf32, #tpu.memory_space<vmem>>
    %dma_wait3A_420 = tpu.memref_squeeze %dma_wait3A_419 : memref<1x1024xf32, #tpu.memory_space<vmem>> -> memref<1024xf32, #tpu.memory_space<vmem>>
    tpu.wait_dma2 semaphore(%arg28 : memref<!tpu.dma_semaphore, #tpu.memory_space<semaphore_mem>>) src(%dma_wait3A_420 : memref<1024xf32, #tpu.memory_space<vmem>>) dst(%dma_wait3A_417 : memref<1024xf32, #tpu.memory_space<hbm>>)
    %get3A_421 = arith.constant 0 : index
    %get3A_422 = arith.constant 0 : index
    %get3A_423 = vector.load %arg14[%get3A_421, %get3A_422] : memref<1032x128xi32, #tpu.memory_space<vmem>>, vector<1024x128xi32>
    %get3A_424 = arith.constant 1 : index
    %get3A_425 = arith.constant 0 : index
    %get3A_426 = vector.load %arg14[%get3A_424, %get3A_425] : memref<1032x128xi32, #tpu.memory_space<vmem>>, vector<1024x128xi32>
    %sub3A_427 = arith.subi %get3A_423, %get3A_426 : vector<1024x128xi32>
    %convert_element_type3A_428 = arith.sitofp %sub3A_427 : vector<1024x128xi32> to vector<1024x128xf32>
    %add3A_429 = vector.broadcast %get3A_5 : vector<1x128xf32> to vector<1024x128xf32>
    %add3A_430 = arith.addf %convert_element_type3A_428, %add3A_429 : vector<1024x128xf32>
    %abs3A_431 = math.absf %add3A_430 : vector<1024x128xf32>
    %dot_general3A_432 = arith.constant dense<0.000000e+00> : vector<1x1024xf32>
    %dot_general3A_433 = tpu.matmul %broadcast_in_dim3A_6, %abs3A_431, %dot_general3A_432 {dimension_numbers = #tpu.dot_dimension_numbers<[1], [1], [0], [0], [0, 0, 1, 0], [], []>, transpose_lhs_hint = false} : vector<1x128xf32>, vector<1024x128xf32>, vector<1x1024xf32> -> vector<1x1024xf32>
    %swap3A_434 = arith.constant 0 : index
    %swap3A_435 = arith.constant 0 : index
    %swap3A_436 = vector.load %arg17[%swap3A_434, %swap3A_435] : memref<1x1024xf32, #tpu.memory_space<vmem>>, vector<1x1024xf32>
    tpu.vector_store %arg17[%swap3A_434, %swap3A_435], %dot_general3A_433 {strides = array<i32>} : memref<1x1024xf32, #tpu.memory_space<vmem>>, vector<1x1024xf32>,
    %dma_start3A_437 = arith.constant 0 : i32
    %dma_start3A_438 = arith.constant 9216 : i32
    %dma_start3A_439 = tpu.memref_slice %arg3[%dma_start3A_438] : memref<12288xf32, #tpu.memory_space<hbm>> -> memref<1024xf32, #tpu.memory_space<hbm>>
    %dma_start3A_440 = arith.constant 0 : i32
    %dma_start3A_441 = tpu.memref_slice %arg17[%dma_start3A_437, %dma_start3A_440] : memref<1x1024xf32, #tpu.memory_space<vmem>> -> memref<1x1024xf32, #tpu.memory_space<vmem>>
    %dma_start3A_442 = tpu.memref_squeeze %dma_start3A_441 : memref<1x1024xf32, #tpu.memory_space<vmem>> -> memref<1024xf32, #tpu.memory_space<vmem>>
    tpu.enqueue_dma source(%dma_start3A_442 : memref<1024xf32, #tpu.memory_space<vmem>>) target(%dma_start3A_439 : memref<1024xf32, #tpu.memory_space<hbm>>) target_semaphore(%arg28 : memref<!tpu.dma_semaphore, #tpu.memory_space<semaphore_mem>>)
    %dma_start3A_443 = arith.constant 0 : i32
    %dma_start3A_444 = arith.constant 0 : i32
    %dma_start3A_445 = tpu.memref_slice %arg14[%dma_start3A_443, %dma_start3A_444] : memref<1032x128xi32, #tpu.memory_space<vmem>> -> memref<1032x128xi32, #tpu.memory_space<vmem>>
    %dma_start3A_446 = arith.constant 11264 : i32
    %dma_start3A_447 = arith.constant 0 : i32
    %dma_start3A_448 = tpu.memref_slice %arg1[%dma_start3A_446, %dma_start3A_447] : memref<16384x128xi32, #tpu.memory_space<hbm>> -> memref<1032x128xi32, #tpu.memory_space<hbm>>
    tpu.enqueue_dma source(%dma_start3A_448 : memref<1032x128xi32, #tpu.memory_space<hbm>>) target(%dma_start3A_445 : memref<1032x128xi32, #tpu.memory_space<vmem>>) target_semaphore(%arg27 : memref<!tpu.dma_semaphore, #tpu.memory_space<semaphore_mem>>)
    %dma_wait3A_449 = arith.constant 0 : i32
    %dma_wait3A_450 = arith.constant 0 : i32
    %dma_wait3A_451 = tpu.memref_slice %arg5[%dma_wait3A_449, %dma_wait3A_450] : memref<1032x128xi32, #tpu.memory_space<vmem>> -> memref<1032x128xi32, #tpu.memory_space<vmem>>
    %dma_wait3A_452 = arith.constant 14336 : i32
    %dma_wait3A_453 = arith.constant 0 : i32
    %dma_wait3A_454 = tpu.memref_slice %arg0[%dma_wait3A_452, %dma_wait3A_453] : memref<16384x128xi32, #tpu.memory_space<hbm>> -> memref<1032x128xi32, #tpu.memory_space<hbm>>
    tpu.wait_dma2 semaphore(%arg18 : memref<!tpu.dma_semaphore, #tpu.memory_space<semaphore_mem>>) src(%dma_wait3A_454 : memref<1032x128xi32, #tpu.memory_space<hbm>>) dst(%dma_wait3A_451 : memref<1032x128xi32, #tpu.memory_space<vmem>>)
    %dma_wait3A_455 = arith.constant 0 : i32
    %dma_wait3A_456 = arith.constant 8192 : i32
    %dma_wait3A_457 = tpu.memref_slice %arg3[%dma_wait3A_456] : memref<12288xf32, #tpu.memory_space<hbm>> -> memref<1024xf32, #tpu.memory_space<hbm>>
    %dma_wait3A_458 = arith.constant 0 : i32
    %dma_wait3A_459 = tpu.memref_slice %arg16[%dma_wait3A_455, %dma_wait3A_458] : memref<1x1024xf32, #tpu.memory_space<vmem>> -> memref<1x1024xf32, #tpu.memory_space<vmem>>
    %dma_wait3A_460 = tpu.memref_squeeze %dma_wait3A_459 : memref<1x1024xf32, #tpu.memory_space<vmem>> -> memref<1024xf32, #tpu.memory_space<vmem>>
    tpu.wait_dma2 semaphore(%arg28 : memref<!tpu.dma_semaphore, #tpu.memory_space<semaphore_mem>>) src(%dma_wait3A_460 : memref<1024xf32, #tpu.memory_space<vmem>>) dst(%dma_wait3A_457 : memref<1024xf32, #tpu.memory_space<hbm>>)
    %get3A_461 = arith.constant 0 : index
    %get3A_462 = arith.constant 0 : index
    %get3A_463 = vector.load %arg5[%get3A_461, %get3A_462] : memref<1032x128xi32, #tpu.memory_space<vmem>>, vector<1024x128xi32>
    %get3A_464 = arith.constant 1 : index
    %get3A_465 = arith.constant 0 : index
    %get3A_466 = vector.load %arg5[%get3A_464, %get3A_465] : memref<1032x128xi32, #tpu.memory_space<vmem>>, vector<1024x128xi32>
    %sub3A_467 = arith.subi %get3A_463, %get3A_466 : vector<1024x128xi32>
    %convert_element_type3A_468 = arith.sitofp %sub3A_467 : vector<1024x128xi32> to vector<1024x128xf32>
    %add3A_469 = vector.broadcast %get3A_5 : vector<1x128xf32> to vector<1024x128xf32>
    %add3A_470 = arith.addf %convert_element_type3A_468, %add3A_469 : vector<1024x128xf32>
    %abs3A_471 = math.absf %add3A_470 : vector<1024x128xf32>
    %dot_general3A_472 = arith.constant dense<0.000000e+00> : vector<1x1024xf32>
    %dot_general3A_473 = tpu.matmul %broadcast_in_dim3A_6, %abs3A_471, %dot_general3A_472 {dimension_numbers = #tpu.dot_dimension_numbers<[1], [1], [0], [0], [0, 0, 1, 0], [], []>, transpose_lhs_hint = false} : vector<1x128xf32>, vector<1024x128xf32>, vector<1x1024xf32> -> vector<1x1024xf32>
    %swap3A_474 = arith.constant 0 : index
    %swap3A_475 = arith.constant 0 : index
    %swap3A_476 = vector.load %arg16[%swap3A_474, %swap3A_475] : memref<1x1024xf32, #tpu.memory_space<vmem>>, vector<1x1024xf32>
    tpu.vector_store %arg16[%swap3A_474, %swap3A_475], %dot_general3A_473 {strides = array<i32>} : memref<1x1024xf32, #tpu.memory_space<vmem>>, vector<1x1024xf32>,
    %dma_start3A_477 = arith.constant 0 : i32
    %dma_start3A_478 = arith.constant 10240 : i32
    %dma_start3A_479 = tpu.memref_slice %arg3[%dma_start3A_478] : memref<12288xf32, #tpu.memory_space<hbm>> -> memref<1024xf32, #tpu.memory_space<hbm>>
    %dma_start3A_480 = arith.constant 0 : i32
    %dma_start3A_481 = tpu.memref_slice %arg16[%dma_start3A_477, %dma_start3A_480] : memref<1x1024xf32, #tpu.memory_space<vmem>> -> memref<1x1024xf32, #tpu.memory_space<vmem>>
    %dma_start3A_482 = tpu.memref_squeeze %dma_start3A_481 : memref<1x1024xf32, #tpu.memory_space<vmem>> -> memref<1024xf32, #tpu.memory_space<vmem>>
    tpu.enqueue_dma source(%dma_start3A_482 : memref<1024xf32, #tpu.memory_space<vmem>>) target(%dma_start3A_479 : memref<1024xf32, #tpu.memory_space<hbm>>) target_semaphore(%arg28 : memref<!tpu.dma_semaphore, #tpu.memory_space<semaphore_mem>>)
    %dma_start3A_483 = arith.constant 0 : i32
    %dma_start3A_484 = arith.constant 0 : i32
    %dma_start3A_485 = tpu.memref_slice %arg5[%dma_start3A_483, %dma_start3A_484] : memref<1032x128xi32, #tpu.memory_space<vmem>> -> memref<1032x128xi32, #tpu.memory_space<vmem>>
    %dma_start3A_486 = arith.constant 12288 : i32
    %dma_start3A_487 = arith.constant 0 : i32
    %dma_start3A_488 = tpu.memref_slice %arg1[%dma_start3A_486, %dma_start3A_487] : memref<16384x128xi32, #tpu.memory_space<hbm>> -> memref<1032x128xi32, #tpu.memory_space<hbm>>
    tpu.enqueue_dma source(%dma_start3A_488 : memref<1032x128xi32, #tpu.memory_space<hbm>>) target(%dma_start3A_485 : memref<1032x128xi32, #tpu.memory_space<vmem>>) target_semaphore(%arg18 : memref<!tpu.dma_semaphore, #tpu.memory_space<semaphore_mem>>)
    %dma_wait3A_489 = arith.constant 0 : i32
    %dma_wait3A_490 = arith.constant 0 : i32
    %dma_wait3A_491 = tpu.memref_slice %arg6[%dma_wait3A_489, %dma_wait3A_490] : memref<1032x128xi32, #tpu.memory_space<vmem>> -> memref<1024x128xi32, #tpu.memory_space<vmem>>
    %dma_wait3A_492 = arith.constant 15360 : i32
    %dma_wait3A_493 = arith.constant 0 : i32
    %dma_wait3A_494 = tpu.memref_slice %arg0[%dma_wait3A_492, %dma_wait3A_493] : memref<16384x128xi32, #tpu.memory_space<hbm>> -> memref<1024x128xi32, #tpu.memory_space<hbm>>
    tpu.wait_dma2 semaphore(%arg19 : memref<!tpu.dma_semaphore, #tpu.memory_space<semaphore_mem>>) src(%dma_wait3A_494 : memref<1024x128xi32, #tpu.memory_space<hbm>>) dst(%dma_wait3A_491 : memref<1024x128xi32, #tpu.memory_space<vmem>>)
    %dma_wait3A_495 = arith.constant 0 : i32
    %dma_wait3A_496 = arith.constant 9216 : i32
    %dma_wait3A_497 = tpu.memref_slice %arg3[%dma_wait3A_496] : memref<12288xf32, #tpu.memory_space<hbm>> -> memref<1024xf32, #tpu.memory_space<hbm>>
    %dma_wait3A_498 = arith.constant 0 : i32
    %dma_wait3A_499 = tpu.memref_slice %arg17[%dma_wait3A_495, %dma_wait3A_498] : memref<1x1024xf32, #tpu.memory_space<vmem>> -> memref<1x1024xf32, #tpu.memory_space<vmem>>
    %dma_wait3A_500 = tpu.memref_squeeze %dma_wait3A_499 : memref<1x1024xf32, #tpu.memory_space<vmem>> -> memref<1024xf32, #tpu.memory_space<vmem>>
    tpu.wait_dma2 semaphore(%arg28 : memref<!tpu.dma_semaphore, #tpu.memory_space<semaphore_mem>>) src(%dma_wait3A_500 : memref<1024xf32, #tpu.memory_space<vmem>>) dst(%dma_wait3A_497 : memref<1024xf32, #tpu.memory_space<hbm>>)
    %get3A_501 = arith.constant 0 : index
    %get3A_502 = arith.constant 0 : index
    %get3A_503 = vector.load %arg6[%get3A_501, %get3A_502] : memref<1032x128xi32, #tpu.memory_space<vmem>>, vector<1024x128xi32>
    %get3A_504 = arith.constant 1 : index
    %get3A_505 = arith.constant 0 : index
    %get3A_506 = vector.load %arg6[%get3A_504, %get3A_505] : memref<1032x128xi32, #tpu.memory_space<vmem>>, vector<1024x128xi32>
    %sub3A_507 = arith.subi %get3A_503, %get3A_506 : vector<1024x128xi32>
    %convert_element_type3A_508 = arith.sitofp %sub3A_507 : vector<1024x128xi32> to vector<1024x128xf32>
    %add3A_509 = vector.broadcast %get3A_5 : vector<1x128xf32> to vector<1024x128xf32>
    %add3A_510 = arith.addf %convert_element_type3A_508, %add3A_509 : vector<1024x128xf32>
    %abs3A_511 = math.absf %add3A_510 : vector<1024x128xf32>
    %dot_general3A_512 = arith.constant dense<0.000000e+00> : vector<1x1024xf32>
    %dot_general3A_513 = tpu.matmul %broadcast_in_dim3A_6, %abs3A_511, %dot_general3A_512 {dimension_numbers = #tpu.dot_dimension_numbers<[1], [1], [0], [0], [0, 0, 1, 0], [], []>, transpose_lhs_hint = false} : vector<1x128xf32>, vector<1024x128xf32>, vector<1x1024xf32> -> vector<1x1024xf32>
    %swap3A_514 = arith.constant 0 : index
    %swap3A_515 = arith.constant 0 : index
    %swap3A_516 = vector.load %arg17[%swap3A_514, %swap3A_515] : memref<1x1024xf32, #tpu.memory_space<vmem>>, vector<1x1024xf32>
    tpu.vector_store %arg17[%swap3A_514, %swap3A_515], %dot_general3A_513 {strides = array<i32>} : memref<1x1024xf32, #tpu.memory_space<vmem>>, vector<1x1024xf32>,
    %dma_start3A_517 = arith.constant 0 : i32
    %dma_start3A_518 = arith.constant 11264 : i32
    %dma_start3A_519 = tpu.memref_slice %arg3[%dma_start3A_518] : memref<12288xf32, #tpu.memory_space<hbm>> -> memref<1024xf32, #tpu.memory_space<hbm>>
    %dma_start3A_520 = arith.constant 0 : i32
    %dma_start3A_521 = tpu.memref_slice %arg17[%dma_start3A_517, %dma_start3A_520] : memref<1x1024xf32, #tpu.memory_space<vmem>> -> memref<1x1024xf32, #tpu.memory_space<vmem>>
    %dma_start3A_522 = tpu.memref_squeeze %dma_start3A_521 : memref<1x1024xf32, #tpu.memory_space<vmem>> -> memref<1024xf32, #tpu.memory_space<vmem>>
    tpu.enqueue_dma source(%dma_start3A_522 : memref<1024xf32, #tpu.memory_space<vmem>>) target(%dma_start3A_519 : memref<1024xf32, #tpu.memory_space<hbm>>) target_semaphore(%arg28 : memref<!tpu.dma_semaphore, #tpu.memory_space<semaphore_mem>>)
    %dma_start3A_523 = arith.constant 0 : i32
    %dma_start3A_524 = arith.constant 0 : i32
    %dma_start3A_525 = tpu.memref_slice %arg6[%dma_start3A_523, %dma_start3A_524] : memref<1032x128xi32, #tpu.memory_space<vmem>> -> memref<1032x128xi32, #tpu.memory_space<vmem>>
    %dma_start3A_526 = arith.constant 13312 : i32
    %dma_start3A_527 = arith.constant 0 : i32
    %dma_start3A_528 = tpu.memref_slice %arg1[%dma_start3A_526, %dma_start3A_527] : memref<16384x128xi32, #tpu.memory_space<hbm>> -> memref<1032x128xi32, #tpu.memory_space<hbm>>
    tpu.enqueue_dma source(%dma_start3A_528 : memref<1032x128xi32, #tpu.memory_space<hbm>>) target(%dma_start3A_525 : memref<1032x128xi32, #tpu.memory_space<vmem>>) target_semaphore(%arg19 : memref<!tpu.dma_semaphore, #tpu.memory_space<semaphore_mem>>)
    %dma_wait3A_529 = arith.constant 0 : i32
    %dma_wait3A_530 = arith.constant 0 : i32
    %dma_wait3A_531 = tpu.memref_slice %arg7[%dma_wait3A_529, %dma_wait3A_530] : memref<1032x128xi32, #tpu.memory_space<vmem>> -> memref<1032x128xi32, #tpu.memory_space<vmem>>
    %dma_wait3A_532 = arith.constant 4096 : i32
    %dma_wait3A_533 = arith.constant 0 : i32
    %dma_wait3A_534 = tpu.memref_slice %arg1[%dma_wait3A_532, %dma_wait3A_533] : memref<16384x128xi32, #tpu.memory_space<hbm>> -> memref<1032x128xi32, #tpu.memory_space<hbm>>
    tpu.wait_dma2 semaphore(%arg20 : memref<!tpu.dma_semaphore, #tpu.memory_space<semaphore_mem>>) src(%dma_wait3A_534 : memref<1032x128xi32, #tpu.memory_space<hbm>>) dst(%dma_wait3A_531 : memref<1032x128xi32, #tpu.memory_space<vmem>>)
    %dma_wait3A_535 = arith.constant 0 : i32
    %dma_wait3A_536 = arith.constant 10240 : i32
    %dma_wait3A_537 = tpu.memref_slice %arg3[%dma_wait3A_536] : memref<12288xf32, #tpu.memory_space<hbm>> -> memref<1024xf32, #tpu.memory_space<hbm>>
    %dma_wait3A_538 = arith.constant 0 : i32
    %dma_wait3A_539 = tpu.memref_slice %arg16[%dma_wait3A_535, %dma_wait3A_538] : memref<1x1024xf32, #tpu.memory_space<vmem>> -> memref<1x1024xf32, #tpu.memory_space<vmem>>
    %dma_wait3A_540 = tpu.memref_squeeze %dma_wait3A_539 : memref<1x1024xf32, #tpu.memory_space<vmem>> -> memref<1024xf32, #tpu.memory_space<vmem>>
    tpu.wait_dma2 semaphore(%arg28 : memref<!tpu.dma_semaphore, #tpu.memory_space<semaphore_mem>>) src(%dma_wait3A_540 : memref<1024xf32, #tpu.memory_space<vmem>>) dst(%dma_wait3A_537 : memref<1024xf32, #tpu.memory_space<hbm>>)
    %get3A_541 = arith.constant 0 : index
    %get3A_542 = arith.constant 0 : index
    %get3A_543 = vector.load %arg7[%get3A_541, %get3A_542] : memref<1032x128xi32, #tpu.memory_space<vmem>>, vector<1024x128xi32>
    %get3A_544 = arith.constant 1 : index
    %get3A_545 = arith.constant 0 : index
    %get3A_546 = vector.load %arg7[%get3A_544, %get3A_545] : memref<1032x128xi32, #tpu.memory_space<vmem>>, vector<1024x128xi32>
    %sub3A_547 = arith.subi %get3A_546, %get3A_543 : vector<1024x128xi32>
    %convert_element_type3A_548 = arith.sitofp %sub3A_547 : vector<1024x128xi32> to vector<1024x128xf32>
    %add3A_549 = vector.broadcast %get3A_5 : vector<1x128xf32> to vector<1024x128xf32>
    %add3A_550 = arith.addf %convert_element_type3A_548, %add3A_549 : vector<1024x128xf32>
    %abs3A_551 = math.absf %add3A_550 : vector<1024x128xf32>
    %dot_general3A_552 = arith.constant dense<0.000000e+00> : vector<1x1024xf32>
    %dot_general3A_553 = tpu.matmul %broadcast_in_dim3A_6, %abs3A_551, %dot_general3A_552 {dimension_numbers = #tpu.dot_dimension_numbers<[1], [1], [0], [0], [0, 0, 1, 0], [], []>, transpose_lhs_hint = false} : vector<1x128xf32>, vector<1024x128xf32>, vector<1x1024xf32> -> vector<1x1024xf32>
    %swap3A_554 = arith.constant 0 : index
    %swap3A_555 = arith.constant 0 : index
    %swap3A_556 = vector.load %arg16[%swap3A_554, %swap3A_555] : memref<1x1024xf32, #tpu.memory_space<vmem>>, vector<1x1024xf32>
    tpu.vector_store %arg16[%swap3A_554, %swap3A_555], %dot_general3A_553 {strides = array<i32>} : memref<1x1024xf32, #tpu.memory_space<vmem>>, vector<1x1024xf32>,
    %dma_start3A_557 = arith.constant 0 : i32
    %dma_start3A_558 = arith.constant 0 : i32
    %dma_start3A_559 = tpu.memref_slice %arg4[%dma_start3A_558] : memref<12288xf32, #tpu.memory_space<hbm>> -> memref<1024xf32, #tpu.memory_space<hbm>>
    %dma_start3A_560 = arith.constant 0 : i32
    %dma_start3A_561 = tpu.memref_slice %arg16[%dma_start3A_557, %dma_start3A_560] : memref<1x1024xf32, #tpu.memory_space<vmem>> -> memref<1x1024xf32, #tpu.memory_space<vmem>>
    %dma_start3A_562 = tpu.memref_squeeze %dma_start3A_561 : memref<1x1024xf32, #tpu.memory_space<vmem>> -> memref<1024xf32, #tpu.memory_space<vmem>>
    tpu.enqueue_dma source(%dma_start3A_562 : memref<1024xf32, #tpu.memory_space<vmem>>) target(%dma_start3A_559 : memref<1024xf32, #tpu.memory_space<hbm>>) target_semaphore(%arg28 : memref<!tpu.dma_semaphore, #tpu.memory_space<semaphore_mem>>)
    %dma_start3A_563 = arith.constant 0 : i32
    %dma_start3A_564 = arith.constant 0 : i32
    %dma_start3A_565 = tpu.memref_slice %arg7[%dma_start3A_563, %dma_start3A_564] : memref<1032x128xi32, #tpu.memory_space<vmem>> -> memref<1032x128xi32, #tpu.memory_space<vmem>>
    %dma_start3A_566 = arith.constant 14336 : i32
    %dma_start3A_567 = arith.constant 0 : i32
    %dma_start3A_568 = tpu.memref_slice %arg1[%dma_start3A_566, %dma_start3A_567] : memref<16384x128xi32, #tpu.memory_space<hbm>> -> memref<1032x128xi32, #tpu.memory_space<hbm>>
    tpu.enqueue_dma source(%dma_start3A_568 : memref<1032x128xi32, #tpu.memory_space<hbm>>) target(%dma_start3A_565 : memref<1032x128xi32, #tpu.memory_space<vmem>>) target_semaphore(%arg20 : memref<!tpu.dma_semaphore, #tpu.memory_space<semaphore_mem>>)
    %dma_wait3A_569 = arith.constant 0 : i32
    %dma_wait3A_570 = arith.constant 0 : i32
    %dma_wait3A_571 = tpu.memref_slice %arg8[%dma_wait3A_569, %dma_wait3A_570] : memref<1032x128xi32, #tpu.memory_space<vmem>> -> memref<1032x128xi32, #tpu.memory_space<vmem>>
    %dma_wait3A_572 = arith.constant 5120 : i32
    %dma_wait3A_573 = arith.constant 0 : i32
    %dma_wait3A_574 = tpu.memref_slice %arg1[%dma_wait3A_572, %dma_wait3A_573] : memref<16384x128xi32, #tpu.memory_space<hbm>> -> memref<1032x128xi32, #tpu.memory_space<hbm>>
    tpu.wait_dma2 semaphore(%arg21 : memref<!tpu.dma_semaphore, #tpu.memory_space<semaphore_mem>>) src(%dma_wait3A_574 : memref<1032x128xi32, #tpu.memory_space<hbm>>) dst(%dma_wait3A_571 : memref<1032x128xi32, #tpu.memory_space<vmem>>)
    %dma_wait3A_575 = arith.constant 0 : i32
    %dma_wait3A_576 = arith.constant 11264 : i32
    %dma_wait3A_577 = tpu.memref_slice %arg3[%dma_wait3A_576] : memref<12288xf32, #tpu.memory_space<hbm>> -> memref<1024xf32, #tpu.memory_space<hbm>>
    %dma_wait3A_578 = arith.constant 0 : i32
    %dma_wait3A_579 = tpu.memref_slice %arg17[%dma_wait3A_575, %dma_wait3A_578] : memref<1x1024xf32, #tpu.memory_space<vmem>> -> memref<1x1024xf32, #tpu.memory_space<vmem>>
    %dma_wait3A_580 = tpu.memref_squeeze %dma_wait3A_579 : memref<1x1024xf32, #tpu.memory_space<vmem>> -> memref<1024xf32, #tpu.memory_space<vmem>>
    tpu.wait_dma2 semaphore(%arg28 : memref<!tpu.dma_semaphore, #tpu.memory_space<semaphore_mem>>) src(%dma_wait3A_580 : memref<1024xf32, #tpu.memory_space<vmem>>) dst(%dma_wait3A_577 : memref<1024xf32, #tpu.memory_space<hbm>>)
    %get3A_581 = arith.constant 0 : index
    %get3A_582 = arith.constant 0 : index
    %get3A_583 = vector.load %arg8[%get3A_581, %get3A_582] : memref<1032x128xi32, #tpu.memory_space<vmem>>, vector<1024x128xi32>
    %get3A_584 = arith.constant 1 : index
    %get3A_585 = arith.constant 0 : index
    %get3A_586 = vector.load %arg8[%get3A_584, %get3A_585] : memref<1032x128xi32, #tpu.memory_space<vmem>>, vector<1024x128xi32>
    %sub3A_587 = arith.subi %get3A_586, %get3A_583 : vector<1024x128xi32>
    %convert_element_type3A_588 = arith.sitofp %sub3A_587 : vector<1024x128xi32> to vector<1024x128xf32>
    %add3A_589 = vector.broadcast %get3A_5 : vector<1x128xf32> to vector<1024x128xf32>
    %add3A_590 = arith.addf %convert_element_type3A_588, %add3A_589 : vector<1024x128xf32>
    %abs3A_591 = math.absf %add3A_590 : vector<1024x128xf32>
    %dot_general3A_592 = arith.constant dense<0.000000e+00> : vector<1x1024xf32>
    %dot_general3A_593 = tpu.matmul %broadcast_in_dim3A_6, %abs3A_591, %dot_general3A_592 {dimension_numbers = #tpu.dot_dimension_numbers<[1], [1], [0], [0], [0, 0, 1, 0], [], []>, transpose_lhs_hint = false} : vector<1x128xf32>, vector<1024x128xf32>, vector<1x1024xf32> -> vector<1x1024xf32>
    %swap3A_594 = arith.constant 0 : index
    %swap3A_595 = arith.constant 0 : index
    %swap3A_596 = vector.load %arg17[%swap3A_594, %swap3A_595] : memref<1x1024xf32, #tpu.memory_space<vmem>>, vector<1x1024xf32>
    tpu.vector_store %arg17[%swap3A_594, %swap3A_595], %dot_general3A_593 {strides = array<i32>} : memref<1x1024xf32, #tpu.memory_space<vmem>>, vector<1x1024xf32>,
    %dma_start3A_597 = arith.constant 0 : i32
    %dma_start3A_598 = arith.constant 1024 : i32
    %dma_start3A_599 = tpu.memref_slice %arg4[%dma_start3A_598] : memref<12288xf32, #tpu.memory_space<hbm>> -> memref<1024xf32, #tpu.memory_space<hbm>>
    %dma_start3A_600 = arith.constant 0 : i32
    %dma_start3A_601 = tpu.memref_slice %arg17[%dma_start3A_597, %dma_start3A_600] : memref<1x1024xf32, #tpu.memory_space<vmem>> -> memref<1x1024xf32, #tpu.memory_space<vmem>>
    %dma_start3A_602 = tpu.memref_squeeze %dma_start3A_601 : memref<1x1024xf32, #tpu.memory_space<vmem>> -> memref<1024xf32, #tpu.memory_space<vmem>>
    tpu.enqueue_dma source(%dma_start3A_602 : memref<1024xf32, #tpu.memory_space<vmem>>) target(%dma_start3A_599 : memref<1024xf32, #tpu.memory_space<hbm>>) target_semaphore(%arg28 : memref<!tpu.dma_semaphore, #tpu.memory_space<semaphore_mem>>)
    %dma_start3A_603 = arith.constant 0 : i32
    %dma_start3A_604 = arith.constant 0 : i32
    %dma_start3A_605 = tpu.memref_slice %arg8[%dma_start3A_603, %dma_start3A_604] : memref<1032x128xi32, #tpu.memory_space<vmem>> -> memref<1024x128xi32, #tpu.memory_space<vmem>>
    %dma_start3A_606 = arith.constant 15360 : i32
    %dma_start3A_607 = arith.constant 0 : i32
    %dma_start3A_608 = tpu.memref_slice %arg1[%dma_start3A_606, %dma_start3A_607] : memref<16384x128xi32, #tpu.memory_space<hbm>> -> memref<1024x128xi32, #tpu.memory_space<hbm>>
    tpu.enqueue_dma source(%dma_start3A_608 : memref<1024x128xi32, #tpu.memory_space<hbm>>) target(%dma_start3A_605 : memref<1024x128xi32, #tpu.memory_space<vmem>>) target_semaphore(%arg21 : memref<!tpu.dma_semaphore, #tpu.memory_space<semaphore_mem>>)
    %dma_wait3A_609 = arith.constant 0 : i32
    %dma_wait3A_610 = arith.constant 0 : i32
    %dma_wait3A_611 = tpu.memref_slice %arg9[%dma_wait3A_609, %dma_wait3A_610] : memref<1032x128xi32, #tpu.memory_space<vmem>> -> memref<1032x128xi32, #tpu.memory_space<vmem>>
    %dma_wait3A_612 = arith.constant 6144 : i32
    %dma_wait3A_613 = arith.constant 0 : i32
    %dma_wait3A_614 = tpu.memref_slice %arg1[%dma_wait3A_612, %dma_wait3A_613] : memref<16384x128xi32, #tpu.memory_space<hbm>> -> memref<1032x128xi32, #tpu.memory_space<hbm>>
    tpu.wait_dma2 semaphore(%arg22 : memref<!tpu.dma_semaphore, #tpu.memory_space<semaphore_mem>>) src(%dma_wait3A_614 : memref<1032x128xi32, #tpu.memory_space<hbm>>) dst(%dma_wait3A_611 : memref<1032x128xi32, #tpu.memory_space<vmem>>)
    %dma_wait3A_615 = arith.constant 0 : i32
    %dma_wait3A_616 = arith.constant 0 : i32
    %dma_wait3A_617 = tpu.memref_slice %arg4[%dma_wait3A_616] : memref<12288xf32, #tpu.memory_space<hbm>> -> memref<1024xf32, #tpu.memory_space<hbm>>
    %dma_wait3A_618 = arith.constant 0 : i32
    %dma_wait3A_619 = tpu.memref_slice %arg16[%dma_wait3A_615, %dma_wait3A_618] : memref<1x1024xf32, #tpu.memory_space<vmem>> -> memref<1x1024xf32, #tpu.memory_space<vmem>>
    %dma_wait3A_620 = tpu.memref_squeeze %dma_wait3A_619 : memref<1x1024xf32, #tpu.memory_space<vmem>> -> memref<1024xf32, #tpu.memory_space<vmem>>
    tpu.wait_dma2 semaphore(%arg28 : memref<!tpu.dma_semaphore, #tpu.memory_space<semaphore_mem>>) src(%dma_wait3A_620 : memref<1024xf32, #tpu.memory_space<vmem>>) dst(%dma_wait3A_617 : memref<1024xf32, #tpu.memory_space<hbm>>)
    %get3A_621 = arith.constant 0 : index
    %get3A_622 = arith.constant 0 : index
    %get3A_623 = vector.load %arg9[%get3A_621, %get3A_622] : memref<1032x128xi32, #tpu.memory_space<vmem>>, vector<1024x128xi32>
    %get3A_624 = arith.constant 1 : index
    %get3A_625 = arith.constant 0 : index
    %get3A_626 = vector.load %arg9[%get3A_624, %get3A_625] : memref<1032x128xi32, #tpu.memory_space<vmem>>, vector<1024x128xi32>
    %sub3A_627 = arith.subi %get3A_626, %get3A_623 : vector<1024x128xi32>
    %convert_element_type3A_628 = arith.sitofp %sub3A_627 : vector<1024x128xi32> to vector<1024x128xf32>
    %add3A_629 = vector.broadcast %get3A_5 : vector<1x128xf32> to vector<1024x128xf32>
    %add3A_630 = arith.addf %convert_element_type3A_628, %add3A_629 : vector<1024x128xf32>
    %abs3A_631 = math.absf %add3A_630 : vector<1024x128xf32>
    %dot_general3A_632 = arith.constant dense<0.000000e+00> : vector<1x1024xf32>
    %dot_general3A_633 = tpu.matmul %broadcast_in_dim3A_6, %abs3A_631, %dot_general3A_632 {dimension_numbers = #tpu.dot_dimension_numbers<[1], [1], [0], [0], [0, 0, 1, 0], [], []>, transpose_lhs_hint = false} : vector<1x128xf32>, vector<1024x128xf32>, vector<1x1024xf32> -> vector<1x1024xf32>
    %swap3A_634 = arith.constant 0 : index
    %swap3A_635 = arith.constant 0 : index
    %swap3A_636 = vector.load %arg16[%swap3A_634, %swap3A_635] : memref<1x1024xf32, #tpu.memory_space<vmem>>, vector<1x1024xf32>
    tpu.vector_store %arg16[%swap3A_634, %swap3A_635], %dot_general3A_633 {strides = array<i32>} : memref<1x1024xf32, #tpu.memory_space<vmem>>, vector<1x1024xf32>,
    %dma_start3A_637 = arith.constant 0 : i32
    %dma_start3A_638 = arith.constant 2048 : i32
    %dma_start3A_639 = tpu.memref_slice %arg4[%dma_start3A_638] : memref<12288xf32, #tpu.memory_space<hbm>> -> memref<1024xf32, #tpu.memory_space<hbm>>
    %dma_start3A_640 = arith.constant 0 : i32
    %dma_start3A_641 = tpu.memref_slice %arg16[%dma_start3A_637, %dma_start3A_640] : memref<1x1024xf32, #tpu.memory_space<vmem>> -> memref<1x1024xf32, #tpu.memory_space<vmem>>
    %dma_start3A_642 = tpu.memref_squeeze %dma_start3A_641 : memref<1x1024xf32, #tpu.memory_space<vmem>> -> memref<1024xf32, #tpu.memory_space<vmem>>
    tpu.enqueue_dma source(%dma_start3A_642 : memref<1024xf32, #tpu.memory_space<vmem>>) target(%dma_start3A_639 : memref<1024xf32, #tpu.memory_space<hbm>>) target_semaphore(%arg28 : memref<!tpu.dma_semaphore, #tpu.memory_space<semaphore_mem>>)
    %dma_wait3A_643 = arith.constant 0 : i32
    %dma_wait3A_644 = arith.constant 0 : i32
    %dma_wait3A_645 = tpu.memref_slice %arg10[%dma_wait3A_643, %dma_wait3A_644] : memref<1032x128xi32, #tpu.memory_space<vmem>> -> memref<1032x128xi32, #tpu.memory_space<vmem>>
    %dma_wait3A_646 = arith.constant 7168 : i32
    %dma_wait3A_647 = arith.constant 0 : i32
    %dma_wait3A_648 = tpu.memref_slice %arg1[%dma_wait3A_646, %dma_wait3A_647] : memref<16384x128xi32, #tpu.memory_space<hbm>> -> memref<1032x128xi32, #tpu.memory_space<hbm>>
    tpu.wait_dma2 semaphore(%arg23 : memref<!tpu.dma_semaphore, #tpu.memory_space<semaphore_mem>>) src(%dma_wait3A_648 : memref<1032x128xi32, #tpu.memory_space<hbm>>) dst(%dma_wait3A_645 : memref<1032x128xi32, #tpu.memory_space<vmem>>)
    %dma_wait3A_649 = arith.constant 0 : i32
    %dma_wait3A_650 = arith.constant 1024 : i32
    %dma_wait3A_651 = tpu.memref_slice %arg4[%dma_wait3A_650] : memref<12288xf32, #tpu.memory_space<hbm>> -> memref<1024xf32, #tpu.memory_space<hbm>>
    %dma_wait3A_652 = arith.constant 0 : i32
    %dma_wait3A_653 = tpu.memref_slice %arg17[%dma_wait3A_649, %dma_wait3A_652] : memref<1x1024xf32, #tpu.memory_space<vmem>> -> memref<1x1024xf32, #tpu.memory_space<vmem>>
    %dma_wait3A_654 = tpu.memref_squeeze %dma_wait3A_653 : memref<1x1024xf32, #tpu.memory_space<vmem>> -> memref<1024xf32, #tpu.memory_space<vmem>>
    tpu.wait_dma2 semaphore(%arg28 : memref<!tpu.dma_semaphore, #tpu.memory_space<semaphore_mem>>) src(%dma_wait3A_654 : memref<1024xf32, #tpu.memory_space<vmem>>) dst(%dma_wait3A_651 : memref<1024xf32, #tpu.memory_space<hbm>>)
    %get3A_655 = arith.constant 0 : index
    %get3A_656 = arith.constant 0 : index
    %get3A_657 = vector.load %arg10[%get3A_655, %get3A_656] : memref<1032x128xi32, #tpu.memory_space<vmem>>, vector<1024x128xi32>
    %get3A_658 = arith.constant 1 : index
    %get3A_659 = arith.constant 0 : index
    %get3A_660 = vector.load %arg10[%get3A_658, %get3A_659] : memref<1032x128xi32, #tpu.memory_space<vmem>>, vector<1024x128xi32>
    %sub3A_661 = arith.subi %get3A_660, %get3A_657 : vector<1024x128xi32>
    %convert_element_type3A_662 = arith.sitofp %sub3A_661 : vector<1024x128xi32> to vector<1024x128xf32>
    %add3A_663 = vector.broadcast %get3A_5 : vector<1x128xf32> to vector<1024x128xf32>
    %add3A_664 = arith.addf %convert_element_type3A_662, %add3A_663 : vector<1024x128xf32>
    %abs3A_665 = math.absf %add3A_664 : vector<1024x128xf32>
    %dot_general3A_666 = arith.constant dense<0.000000e+00> : vector<1x1024xf32>
    %dot_general3A_667 = tpu.matmul %broadcast_in_dim3A_6, %abs3A_665, %dot_general3A_666 {dimension_numbers = #tpu.dot_dimension_numbers<[1], [1], [0], [0], [0, 0, 1, 0], [], []>, transpose_lhs_hint = false} : vector<1x128xf32>, vector<1024x128xf32>, vector<1x1024xf32> -> vector<1x1024xf32>
    %swap3A_668 = arith.constant 0 : index
    %swap3A_669 = arith.constant 0 : index
    %swap3A_670 = vector.load %arg17[%swap3A_668, %swap3A_669] : memref<1x1024xf32, #tpu.memory_space<vmem>>, vector<1x1024xf32>
    tpu.vector_store %arg17[%swap3A_668, %swap3A_669], %dot_general3A_667 {strides = array<i32>} : memref<1x1024xf32, #tpu.memory_space<vmem>>, vector<1x1024xf32>,
    %dma_start3A_671 = arith.constant 0 : i32
    %dma_start3A_672 = arith.constant 3072 : i32
    %dma_start3A_673 = tpu.memref_slice %arg4[%dma_start3A_672] : memref<12288xf32, #tpu.memory_space<hbm>> -> memref<1024xf32, #tpu.memory_space<hbm>>
    %dma_start3A_674 = arith.constant 0 : i32
    %dma_start3A_675 = tpu.memref_slice %arg17[%dma_start3A_671, %dma_start3A_674] : memref<1x1024xf32, #tpu.memory_space<vmem>> -> memref<1x1024xf32, #tpu.memory_space<vmem>>
    %dma_start3A_676 = tpu.memref_squeeze %dma_start3A_675 : memref<1x1024xf32, #tpu.memory_space<vmem>> -> memref<1024xf32, #tpu.memory_space<vmem>>
    tpu.enqueue_dma source(%dma_start3A_676 : memref<1024xf32, #tpu.memory_space<vmem>>) target(%dma_start3A_673 : memref<1024xf32, #tpu.memory_space<hbm>>) target_semaphore(%arg28 : memref<!tpu.dma_semaphore, #tpu.memory_space<semaphore_mem>>)
    %dma_wait3A_677 = arith.constant 0 : i32
    %dma_wait3A_678 = arith.constant 0 : i32
    %dma_wait3A_679 = tpu.memref_slice %arg11[%dma_wait3A_677, %dma_wait3A_678] : memref<1032x128xi32, #tpu.memory_space<vmem>> -> memref<1032x128xi32, #tpu.memory_space<vmem>>
    %dma_wait3A_680 = arith.constant 8192 : i32
    %dma_wait3A_681 = arith.constant 0 : i32
    %dma_wait3A_682 = tpu.memref_slice %arg1[%dma_wait3A_680, %dma_wait3A_681] : memref<16384x128xi32, #tpu.memory_space<hbm>> -> memref<1032x128xi32, #tpu.memory_space<hbm>>
    tpu.wait_dma2 semaphore(%arg24 : memref<!tpu.dma_semaphore, #tpu.memory_space<semaphore_mem>>) src(%dma_wait3A_682 : memref<1032x128xi32, #tpu.memory_space<hbm>>) dst(%dma_wait3A_679 : memref<1032x128xi32, #tpu.memory_space<vmem>>)
    %dma_wait3A_683 = arith.constant 0 : i32
    %dma_wait3A_684 = arith.constant 2048 : i32
    %dma_wait3A_685 = tpu.memref_slice %arg4[%dma_wait3A_684] : memref<12288xf32, #tpu.memory_space<hbm>> -> memref<1024xf32, #tpu.memory_space<hbm>>
    %dma_wait3A_686 = arith.constant 0 : i32
    %dma_wait3A_687 = tpu.memref_slice %arg16[%dma_wait3A_683, %dma_wait3A_686] : memref<1x1024xf32, #tpu.memory_space<vmem>> -> memref<1x1024xf32, #tpu.memory_space<vmem>>
    %dma_wait3A_688 = tpu.memref_squeeze %dma_wait3A_687 : memref<1x1024xf32, #tpu.memory_space<vmem>> -> memref<1024xf32, #tpu.memory_space<vmem>>
    tpu.wait_dma2 semaphore(%arg28 : memref<!tpu.dma_semaphore, #tpu.memory_space<semaphore_mem>>) src(%dma_wait3A_688 : memref<1024xf32, #tpu.memory_space<vmem>>) dst(%dma_wait3A_685 : memref<1024xf32, #tpu.memory_space<hbm>>)
    %get3A_689 = arith.constant 0 : index
    %get3A_690 = arith.constant 0 : index
    %get3A_691 = vector.load %arg11[%get3A_689, %get3A_690] : memref<1032x128xi32, #tpu.memory_space<vmem>>, vector<1024x128xi32>
    %get3A_692 = arith.constant 1 : index
    %get3A_693 = arith.constant 0 : index
    %get3A_694 = vector.load %arg11[%get3A_692, %get3A_693] : memref<1032x128xi32, #tpu.memory_space<vmem>>, vector<1024x128xi32>
    %sub3A_695 = arith.subi %get3A_694, %get3A_691 : vector<1024x128xi32>
    %convert_element_type3A_696 = arith.sitofp %sub3A_695 : vector<1024x128xi32> to vector<1024x128xf32>
    %add3A_697 = vector.broadcast %get3A_5 : vector<1x128xf32> to vector<1024x128xf32>
    %add3A_698 = arith.addf %convert_element_type3A_696, %add3A_697 : vector<1024x128xf32>
    %abs3A_699 = math.absf %add3A_698 : vector<1024x128xf32>
    %dot_general3A_700 = arith.constant dense<0.000000e+00> : vector<1x1024xf32>
    %dot_general3A_701 = tpu.matmul %broadcast_in_dim3A_6, %abs3A_699, %dot_general3A_700 {dimension_numbers = #tpu.dot_dimension_numbers<[1], [1], [0], [0], [0, 0, 1, 0], [], []>, transpose_lhs_hint = false} : vector<1x128xf32>, vector<1024x128xf32>, vector<1x1024xf32> -> vector<1x1024xf32>
    %swap3A_702 = arith.constant 0 : index
    %swap3A_703 = arith.constant 0 : index
    %swap3A_704 = vector.load %arg16[%swap3A_702, %swap3A_703] : memref<1x1024xf32, #tpu.memory_space<vmem>>, vector<1x1024xf32>
    tpu.vector_store %arg16[%swap3A_702, %swap3A_703], %dot_general3A_701 {strides = array<i32>} : memref<1x1024xf32, #tpu.memory_space<vmem>>, vector<1x1024xf32>,
    %dma_start3A_705 = arith.constant 0 : i32
    %dma_start3A_706 = arith.constant 4096 : i32
    %dma_start3A_707 = tpu.memref_slice %arg4[%dma_start3A_706] : memref<12288xf32, #tpu.memory_space<hbm>> -> memref<1024xf32, #tpu.memory_space<hbm>>
    %dma_start3A_708 = arith.constant 0 : i32
    %dma_start3A_709 = tpu.memref_slice %arg16[%dma_start3A_705, %dma_start3A_708] : memref<1x1024xf32, #tpu.memory_space<vmem>> -> memref<1x1024xf32, #tpu.memory_space<vmem>>
    %dma_start3A_710 = tpu.memref_squeeze %dma_start3A_709 : memref<1x1024xf32, #tpu.memory_space<vmem>> -> memref<1024xf32, #tpu.memory_space<vmem>>
    tpu.enqueue_dma source(%dma_start3A_710 : memref<1024xf32, #tpu.memory_space<vmem>>) target(%dma_start3A_707 : memref<1024xf32, #tpu.memory_space<hbm>>) target_semaphore(%arg28 : memref<!tpu.dma_semaphore, #tpu.memory_space<semaphore_mem>>)
    %dma_wait3A_711 = arith.constant 0 : i32
    %dma_wait3A_712 = arith.constant 0 : i32
    %dma_wait3A_713 = tpu.memref_slice %arg12[%dma_wait3A_711, %dma_wait3A_712] : memref<1032x128xi32, #tpu.memory_space<vmem>> -> memref<1032x128xi32, #tpu.memory_space<vmem>>
    %dma_wait3A_714 = arith.constant 9216 : i32
    %dma_wait3A_715 = arith.constant 0 : i32
    %dma_wait3A_716 = tpu.memref_slice %arg1[%dma_wait3A_714, %dma_wait3A_715] : memref<16384x128xi32, #tpu.memory_space<hbm>> -> memref<1032x128xi32, #tpu.memory_space<hbm>>
    tpu.wait_dma2 semaphore(%arg25 : memref<!tpu.dma_semaphore, #tpu.memory_space<semaphore_mem>>) src(%dma_wait3A_716 : memref<1032x128xi32, #tpu.memory_space<hbm>>) dst(%dma_wait3A_713 : memref<1032x128xi32, #tpu.memory_space<vmem>>)
    %dma_wait3A_717 = arith.constant 0 : i32
    %dma_wait3A_718 = arith.constant 3072 : i32
    %dma_wait3A_719 = tpu.memref_slice %arg4[%dma_wait3A_718] : memref<12288xf32, #tpu.memory_space<hbm>> -> memref<1024xf32, #tpu.memory_space<hbm>>
    %dma_wait3A_720 = arith.constant 0 : i32
    %dma_wait3A_721 = tpu.memref_slice %arg17[%dma_wait3A_717, %dma_wait3A_720] : memref<1x1024xf32, #tpu.memory_space<vmem>> -> memref<1x1024xf32, #tpu.memory_space<vmem>>
    %dma_wait3A_722 = tpu.memref_squeeze %dma_wait3A_721 : memref<1x1024xf32, #tpu.memory_space<vmem>> -> memref<1024xf32, #tpu.memory_space<vmem>>
    tpu.wait_dma2 semaphore(%arg28 : memref<!tpu.dma_semaphore, #tpu.memory_space<semaphore_mem>>) src(%dma_wait3A_722 : memref<1024xf32, #tpu.memory_space<vmem>>) dst(%dma_wait3A_719 : memref<1024xf32, #tpu.memory_space<hbm>>)
    %get3A_723 = arith.constant 0 : index
    %get3A_724 = arith.constant 0 : index
    %get3A_725 = vector.load %arg12[%get3A_723, %get3A_724] : memref<1032x128xi32, #tpu.memory_space<vmem>>, vector<1024x128xi32>
    %get3A_726 = arith.constant 1 : index
    %get3A_727 = arith.constant 0 : index
    %get3A_728 = vector.load %arg12[%get3A_726, %get3A_727] : memref<1032x128xi32, #tpu.memory_space<vmem>>, vector<1024x128xi32>
    %sub3A_729 = arith.subi %get3A_728, %get3A_725 : vector<1024x128xi32>
    %convert_element_type3A_730 = arith.sitofp %sub3A_729 : vector<1024x128xi32> to vector<1024x128xf32>
    %add3A_731 = vector.broadcast %get3A_5 : vector<1x128xf32> to vector<1024x128xf32>
    %add3A_732 = arith.addf %convert_element_type3A_730, %add3A_731 : vector<1024x128xf32>
    %abs3A_733 = math.absf %add3A_732 : vector<1024x128xf32>
    %dot_general3A_734 = arith.constant dense<0.000000e+00> : vector<1x1024xf32>
    %dot_general3A_735 = tpu.matmul %broadcast_in_dim3A_6, %abs3A_733, %dot_general3A_734 {dimension_numbers = #tpu.dot_dimension_numbers<[1], [1], [0], [0], [0, 0, 1, 0], [], []>, transpose_lhs_hint = false} : vector<1x128xf32>, vector<1024x128xf32>, vector<1x1024xf32> -> vector<1x1024xf32>
    %swap3A_736 = arith.constant 0 : index
    %swap3A_737 = arith.constant 0 : index
    %swap3A_738 = vector.load %arg17[%swap3A_736, %swap3A_737] : memref<1x1024xf32, #tpu.memory_space<vmem>>, vector<1x1024xf32>
    tpu.vector_store %arg17[%swap3A_736, %swap3A_737], %dot_general3A_735 {strides = array<i32>} : memref<1x1024xf32, #tpu.memory_space<vmem>>, vector<1x1024xf32>,
    %dma_start3A_739 = arith.constant 0 : i32
    %dma_start3A_740 = arith.constant 5120 : i32
    %dma_start3A_741 = tpu.memref_slice %arg4[%dma_start3A_740] : memref<12288xf32, #tpu.memory_space<hbm>> -> memref<1024xf32, #tpu.memory_space<hbm>>
    %dma_start3A_742 = arith.constant 0 : i32
    %dma_start3A_743 = tpu.memref_slice %arg17[%dma_start3A_739, %dma_start3A_742] : memref<1x1024xf32, #tpu.memory_space<vmem>> -> memref<1x1024xf32, #tpu.memory_space<vmem>>
    %dma_start3A_744 = tpu.memref_squeeze %dma_start3A_743 : memref<1x1024xf32, #tpu.memory_space<vmem>> -> memref<1024xf32, #tpu.memory_space<vmem>>
    tpu.enqueue_dma source(%dma_start3A_744 : memref<1024xf32, #tpu.memory_space<vmem>>) target(%dma_start3A_741 : memref<1024xf32, #tpu.memory_space<hbm>>) target_semaphore(%arg28 : memref<!tpu.dma_semaphore, #tpu.memory_space<semaphore_mem>>)
    %dma_wait3A_745 = arith.constant 0 : i32
    %dma_wait3A_746 = arith.constant 0 : i32
    %dma_wait3A_747 = tpu.memref_slice %arg13[%dma_wait3A_745, %dma_wait3A_746] : memref<1032x128xi32, #tpu.memory_space<vmem>> -> memref<1032x128xi32, #tpu.memory_space<vmem>>
    %dma_wait3A_748 = arith.constant 10240 : i32
    %dma_wait3A_749 = arith.constant 0 : i32
    %dma_wait3A_750 = tpu.memref_slice %arg1[%dma_wait3A_748, %dma_wait3A_749] : memref<16384x128xi32, #tpu.memory_space<hbm>> -> memref<1032x128xi32, #tpu.memory_space<hbm>>
    tpu.wait_dma2 semaphore(%arg26 : memref<!tpu.dma_semaphore, #tpu.memory_space<semaphore_mem>>) src(%dma_wait3A_750 : memref<1032x128xi32, #tpu.memory_space<hbm>>) dst(%dma_wait3A_747 : memref<1032x128xi32, #tpu.memory_space<vmem>>)
    %dma_wait3A_751 = arith.constant 0 : i32
    %dma_wait3A_752 = arith.constant 4096 : i32
    %dma_wait3A_753 = tpu.memref_slice %arg4[%dma_wait3A_752] : memref<12288xf32, #tpu.memory_space<hbm>> -> memref<1024xf32, #tpu.memory_space<hbm>>
    %dma_wait3A_754 = arith.constant 0 : i32
    %dma_wait3A_755 = tpu.memref_slice %arg16[%dma_wait3A_751, %dma_wait3A_754] : memref<1x1024xf32, #tpu.memory_space<vmem>> -> memref<1x1024xf32, #tpu.memory_space<vmem>>
    %dma_wait3A_756 = tpu.memref_squeeze %dma_wait3A_755 : memref<1x1024xf32, #tpu.memory_space<vmem>> -> memref<1024xf32, #tpu.memory_space<vmem>>
    tpu.wait_dma2 semaphore(%arg28 : memref<!tpu.dma_semaphore, #tpu.memory_space<semaphore_mem>>) src(%dma_wait3A_756 : memref<1024xf32, #tpu.memory_space<vmem>>) dst(%dma_wait3A_753 : memref<1024xf32, #tpu.memory_space<hbm>>)
    %get3A_757 = arith.constant 0 : index
    %get3A_758 = arith.constant 0 : index
    %get3A_759 = vector.load %arg13[%get3A_757, %get3A_758] : memref<1032x128xi32, #tpu.memory_space<vmem>>, vector<1024x128xi32>
    %get3A_760 = arith.constant 1 : index
    %get3A_761 = arith.constant 0 : index
    %get3A_762 = vector.load %arg13[%get3A_760, %get3A_761] : memref<1032x128xi32, #tpu.memory_space<vmem>>, vector<1024x128xi32>
    %sub3A_763 = arith.subi %get3A_762, %get3A_759 : vector<1024x128xi32>
    %convert_element_type3A_764 = arith.sitofp %sub3A_763 : vector<1024x128xi32> to vector<1024x128xf32>
    %add3A_765 = vector.broadcast %get3A_5 : vector<1x128xf32> to vector<1024x128xf32>
    %add3A_766 = arith.addf %convert_element_type3A_764, %add3A_765 : vector<1024x128xf32>
    %abs3A_767 = math.absf %add3A_766 : vector<1024x128xf32>
    %dot_general3A_768 = arith.constant dense<0.000000e+00> : vector<1x1024xf32>
    %dot_general3A_769 = tpu.matmul %broadcast_in_dim3A_6, %abs3A_767, %dot_general3A_768 {dimension_numbers = #tpu.dot_dimension_numbers<[1], [1], [0], [0], [0, 0, 1, 0], [], []>, transpose_lhs_hint = false} : vector<1x128xf32>, vector<1024x128xf32>, vector<1x1024xf32> -> vector<1x1024xf32>
    %swap3A_770 = arith.constant 0 : index
    %swap3A_771 = arith.constant 0 : index
    %swap3A_772 = vector.load %arg16[%swap3A_770, %swap3A_771] : memref<1x1024xf32, #tpu.memory_space<vmem>>, vector<1x1024xf32>
    tpu.vector_store %arg16[%swap3A_770, %swap3A_771], %dot_general3A_769 {strides = array<i32>} : memref<1x1024xf32, #tpu.memory_space<vmem>>, vector<1x1024xf32>,
    %dma_start3A_773 = arith.constant 0 : i32
    %dma_start3A_774 = arith.constant 6144 : i32
    %dma_start3A_775 = tpu.memref_slice %arg4[%dma_start3A_774] : memref<12288xf32, #tpu.memory_space<hbm>> -> memref<1024xf32, #tpu.memory_space<hbm>>
    %dma_start3A_776 = arith.constant 0 : i32
    %dma_start3A_777 = tpu.memref_slice %arg16[%dma_start3A_773, %dma_start3A_776] : memref<1x1024xf32, #tpu.memory_space<vmem>> -> memref<1x1024xf32, #tpu.memory_space<vmem>>
    %dma_start3A_778 = tpu.memref_squeeze %dma_start3A_777 : memref<1x1024xf32, #tpu.memory_space<vmem>> -> memref<1024xf32, #tpu.memory_space<vmem>>
    tpu.enqueue_dma source(%dma_start3A_778 : memref<1024xf32, #tpu.memory_space<vmem>>) target(%dma_start3A_775 : memref<1024xf32, #tpu.memory_space<hbm>>) target_semaphore(%arg28 : memref<!tpu.dma_semaphore, #tpu.memory_space<semaphore_mem>>)
    %dma_wait3A_779 = arith.constant 0 : i32
    %dma_wait3A_780 = arith.constant 0 : i32
    %dma_wait3A_781 = tpu.memref_slice %arg14[%dma_wait3A_779, %dma_wait3A_780] : memref<1032x128xi32, #tpu.memory_space<vmem>> -> memref<1032x128xi32, #tpu.memory_space<vmem>>
    %dma_wait3A_782 = arith.constant 11264 : i32
    %dma_wait3A_783 = arith.constant 0 : i32
    %dma_wait3A_784 = tpu.memref_slice %arg1[%dma_wait3A_782, %dma_wait3A_783] : memref<16384x128xi32, #tpu.memory_space<hbm>> -> memref<1032x128xi32, #tpu.memory_space<hbm>>
    tpu.wait_dma2 semaphore(%arg27 : memref<!tpu.dma_semaphore, #tpu.memory_space<semaphore_mem>>) src(%dma_wait3A_784 : memref<1032x128xi32, #tpu.memory_space<hbm>>) dst(%dma_wait3A_781 : memref<1032x128xi32, #tpu.memory_space<vmem>>)
    %dma_wait3A_785 = arith.constant 0 : i32
    %dma_wait3A_786 = arith.constant 5120 : i32
    %dma_wait3A_787 = tpu.memref_slice %arg4[%dma_wait3A_786] : memref<12288xf32, #tpu.memory_space<hbm>> -> memref<1024xf32, #tpu.memory_space<hbm>>
    %dma_wait3A_788 = arith.constant 0 : i32
    %dma_wait3A_789 = tpu.memref_slice %arg17[%dma_wait3A_785, %dma_wait3A_788] : memref<1x1024xf32, #tpu.memory_space<vmem>> -> memref<1x1024xf32, #tpu.memory_space<vmem>>
    %dma_wait3A_790 = tpu.memref_squeeze %dma_wait3A_789 : memref<1x1024xf32, #tpu.memory_space<vmem>> -> memref<1024xf32, #tpu.memory_space<vmem>>
    tpu.wait_dma2 semaphore(%arg28 : memref<!tpu.dma_semaphore, #tpu.memory_space<semaphore_mem>>) src(%dma_wait3A_790 : memref<1024xf32, #tpu.memory_space<vmem>>) dst(%dma_wait3A_787 : memref<1024xf32, #tpu.memory_space<hbm>>)
    %get3A_791 = arith.constant 0 : index
    %get3A_792 = arith.constant 0 : index
    %get3A_793 = vector.load %arg14[%get3A_791, %get3A_792] : memref<1032x128xi32, #tpu.memory_space<vmem>>, vector<1024x128xi32>
    %get3A_794 = arith.constant 1 : index
    %get3A_795 = arith.constant 0 : index
    %get3A_796 = vector.load %arg14[%get3A_794, %get3A_795] : memref<1032x128xi32, #tpu.memory_space<vmem>>, vector<1024x128xi32>
    %sub3A_797 = arith.subi %get3A_796, %get3A_793 : vector<1024x128xi32>
    %convert_element_type3A_798 = arith.sitofp %sub3A_797 : vector<1024x128xi32> to vector<1024x128xf32>
    %add3A_799 = vector.broadcast %get3A_5 : vector<1x128xf32> to vector<1024x128xf32>
    %add3A_800 = arith.addf %convert_element_type3A_798, %add3A_799 : vector<1024x128xf32>
    %abs3A_801 = math.absf %add3A_800 : vector<1024x128xf32>
    %dot_general3A_802 = arith.constant dense<0.000000e+00> : vector<1x1024xf32>
    %dot_general3A_803 = tpu.matmul %broadcast_in_dim3A_6, %abs3A_801, %dot_general3A_802 {dimension_numbers = #tpu.dot_dimension_numbers<[1], [1], [0], [0], [0, 0, 1, 0], [], []>, transpose_lhs_hint = false} : vector<1x128xf32>, vector<1024x128xf32>, vector<1x1024xf32> -> vector<1x1024xf32>
    %swap3A_804 = arith.constant 0 : index
    %swap3A_805 = arith.constant 0 : index
    %swap3A_806 = vector.load %arg17[%swap3A_804, %swap3A_805] : memref<1x1024xf32, #tpu.memory_space<vmem>>, vector<1x1024xf32>
    tpu.vector_store %arg17[%swap3A_804, %swap3A_805], %dot_general3A_803 {strides = array<i32>} : memref<1x1024xf32, #tpu.memory_space<vmem>>, vector<1x1024xf32>,
    %dma_start3A_807 = arith.constant 0 : i32
    %dma_start3A_808 = arith.constant 7168 : i32
    %dma_start3A_809 = tpu.memref_slice %arg4[%dma_start3A_808] : memref<12288xf32, #tpu.memory_space<hbm>> -> memref<1024xf32, #tpu.memory_space<hbm>>
    %dma_start3A_810 = arith.constant 0 : i32
    %dma_start3A_811 = tpu.memref_slice %arg17[%dma_start3A_807, %dma_start3A_810] : memref<1x1024xf32, #tpu.memory_space<vmem>> -> memref<1x1024xf32, #tpu.memory_space<vmem>>
    %dma_start3A_812 = tpu.memref_squeeze %dma_start3A_811 : memref<1x1024xf32, #tpu.memory_space<vmem>> -> memref<1024xf32, #tpu.memory_space<vmem>>
    tpu.enqueue_dma source(%dma_start3A_812 : memref<1024xf32, #tpu.memory_space<vmem>>) target(%dma_start3A_809 : memref<1024xf32, #tpu.memory_space<hbm>>) target_semaphore(%arg28 : memref<!tpu.dma_semaphore, #tpu.memory_space<semaphore_mem>>)
    %dma_wait3A_813 = arith.constant 0 : i32
    %dma_wait3A_814 = arith.constant 0 : i32
    %dma_wait3A_815 = tpu.memref_slice %arg5[%dma_wait3A_813, %dma_wait3A_814] : memref<1032x128xi32, #tpu.memory_space<vmem>> -> memref<1032x128xi32, #tpu.memory_space<vmem>>
    %dma_wait3A_816 = arith.constant 12288 : i32
    %dma_wait3A_817 = arith.constant 0 : i32
    %dma_wait3A_818 = tpu.memref_slice %arg1[%dma_wait3A_816, %dma_wait3A_817] : memref<16384x128xi32, #tpu.memory_space<hbm>> -> memref<1032x128xi32, #tpu.memory_space<hbm>>
    tpu.wait_dma2 semaphore(%arg18 : memref<!tpu.dma_semaphore, #tpu.memory_space<semaphore_mem>>) src(%dma_wait3A_818 : memref<1032x128xi32, #tpu.memory_space<hbm>>) dst(%dma_wait3A_815 : memref<1032x128xi32, #tpu.memory_space<vmem>>)
    %dma_wait3A_819 = arith.constant 0 : i32
    %dma_wait3A_820 = arith.constant 6144 : i32
    %dma_wait3A_821 = tpu.memref_slice %arg4[%dma_wait3A_820] : memref<12288xf32, #tpu.memory_space<hbm>> -> memref<1024xf32, #tpu.memory_space<hbm>>
    %dma_wait3A_822 = arith.constant 0 : i32
    %dma_wait3A_823 = tpu.memref_slice %arg16[%dma_wait3A_819, %dma_wait3A_822] : memref<1x1024xf32, #tpu.memory_space<vmem>> -> memref<1x1024xf32, #tpu.memory_space<vmem>>
    %dma_wait3A_824 = tpu.memref_squeeze %dma_wait3A_823 : memref<1x1024xf32, #tpu.memory_space<vmem>> -> memref<1024xf32, #tpu.memory_space<vmem>>
    tpu.wait_dma2 semaphore(%arg28 : memref<!tpu.dma_semaphore, #tpu.memory_space<semaphore_mem>>) src(%dma_wait3A_824 : memref<1024xf32, #tpu.memory_space<vmem>>) dst(%dma_wait3A_821 : memref<1024xf32, #tpu.memory_space<hbm>>)
    %get3A_825 = arith.constant 0 : index
    %get3A_826 = arith.constant 0 : index
    %get3A_827 = vector.load %arg5[%get3A_825, %get3A_826] : memref<1032x128xi32, #tpu.memory_space<vmem>>, vector<1024x128xi32>
    %get3A_828 = arith.constant 1 : index
    %get3A_829 = arith.constant 0 : index
    %get3A_830 = vector.load %arg5[%get3A_828, %get3A_829] : memref<1032x128xi32, #tpu.memory_space<vmem>>, vector<1024x128xi32>
    %sub3A_831 = arith.subi %get3A_830, %get3A_827 : vector<1024x128xi32>
    %convert_element_type3A_832 = arith.sitofp %sub3A_831 : vector<1024x128xi32> to vector<1024x128xf32>
    %add3A_833 = vector.broadcast %get3A_5 : vector<1x128xf32> to vector<1024x128xf32>
    %add3A_834 = arith.addf %convert_element_type3A_832, %add3A_833 : vector<1024x128xf32>
    %abs3A_835 = math.absf %add3A_834 : vector<1024x128xf32>
    %dot_general3A_836 = arith.constant dense<0.000000e+00> : vector<1x1024xf32>
    %dot_general3A_837 = tpu.matmul %broadcast_in_dim3A_6, %abs3A_835, %dot_general3A_836 {dimension_numbers = #tpu.dot_dimension_numbers<[1], [1], [0], [0], [0, 0, 1, 0], [], []>, transpose_lhs_hint = false} : vector<1x128xf32>, vector<1024x128xf32>, vector<1x1024xf32> -> vector<1x1024xf32>
    %swap3A_838 = arith.constant 0 : index
    %swap3A_839 = arith.constant 0 : index
    %swap3A_840 = vector.load %arg16[%swap3A_838, %swap3A_839] : memref<1x1024xf32, #tpu.memory_space<vmem>>, vector<1x1024xf32>
    tpu.vector_store %arg16[%swap3A_838, %swap3A_839], %dot_general3A_837 {strides = array<i32>} : memref<1x1024xf32, #tpu.memory_space<vmem>>, vector<1x1024xf32>,
    %dma_start3A_841 = arith.constant 0 : i32
    %dma_start3A_842 = arith.constant 8192 : i32
    %dma_start3A_843 = tpu.memref_slice %arg4[%dma_start3A_842] : memref<12288xf32, #tpu.memory_space<hbm>> -> memref<1024xf32, #tpu.memory_space<hbm>>
    %dma_start3A_844 = arith.constant 0 : i32
    %dma_start3A_845 = tpu.memref_slice %arg16[%dma_start3A_841, %dma_start3A_844] : memref<1x1024xf32, #tpu.memory_space<vmem>> -> memref<1x1024xf32, #tpu.memory_space<vmem>>
    %dma_start3A_846 = tpu.memref_squeeze %dma_start3A_845 : memref<1x1024xf32, #tpu.memory_space<vmem>> -> memref<1024xf32, #tpu.memory_space<vmem>>
    tpu.enqueue_dma source(%dma_start3A_846 : memref<1024xf32, #tpu.memory_space<vmem>>) target(%dma_start3A_843 : memref<1024xf32, #tpu.memory_space<hbm>>) target_semaphore(%arg28 : memref<!tpu.dma_semaphore, #tpu.memory_space<semaphore_mem>>)
    %dma_wait3A_847 = arith.constant 0 : i32
    %dma_wait3A_848 = arith.constant 0 : i32
    %dma_wait3A_849 = tpu.memref_slice %arg6[%dma_wait3A_847, %dma_wait3A_848] : memref<1032x128xi32, #tpu.memory_space<vmem>> -> memref<1032x128xi32, #tpu.memory_space<vmem>>
    %dma_wait3A_850 = arith.constant 13312 : i32
    %dma_wait3A_851 = arith.constant 0 : i32
    %dma_wait3A_852 = tpu.memref_slice %arg1[%dma_wait3A_850, %dma_wait3A_851] : memref<16384x128xi32, #tpu.memory_space<hbm>> -> memref<1032x128xi32, #tpu.memory_space<hbm>>
    tpu.wait_dma2 semaphore(%arg19 : memref<!tpu.dma_semaphore, #tpu.memory_space<semaphore_mem>>) src(%dma_wait3A_852 : memref<1032x128xi32, #tpu.memory_space<hbm>>) dst(%dma_wait3A_849 : memref<1032x128xi32, #tpu.memory_space<vmem>>)
    %dma_wait3A_853 = arith.constant 0 : i32
    %dma_wait3A_854 = arith.constant 7168 : i32
    %dma_wait3A_855 = tpu.memref_slice %arg4[%dma_wait3A_854] : memref<12288xf32, #tpu.memory_space<hbm>> -> memref<1024xf32, #tpu.memory_space<hbm>>
    %dma_wait3A_856 = arith.constant 0 : i32
    %dma_wait3A_857 = tpu.memref_slice %arg17[%dma_wait3A_853, %dma_wait3A_856] : memref<1x1024xf32, #tpu.memory_space<vmem>> -> memref<1x1024xf32, #tpu.memory_space<vmem>>
    %dma_wait3A_858 = tpu.memref_squeeze %dma_wait3A_857 : memref<1x1024xf32, #tpu.memory_space<vmem>> -> memref<1024xf32, #tpu.memory_space<vmem>>
    tpu.wait_dma2 semaphore(%arg28 : memref<!tpu.dma_semaphore, #tpu.memory_space<semaphore_mem>>) src(%dma_wait3A_858 : memref<1024xf32, #tpu.memory_space<vmem>>) dst(%dma_wait3A_855 : memref<1024xf32, #tpu.memory_space<hbm>>)
    %get3A_859 = arith.constant 0 : index
    %get3A_860 = arith.constant 0 : index
    %get3A_861 = vector.load %arg6[%get3A_859, %get3A_860] : memref<1032x128xi32, #tpu.memory_space<vmem>>, vector<1024x128xi32>
    %get3A_862 = arith.constant 1 : index
    %get3A_863 = arith.constant 0 : index
    %get3A_864 = vector.load %arg6[%get3A_862, %get3A_863] : memref<1032x128xi32, #tpu.memory_space<vmem>>, vector<1024x128xi32>
    %sub3A_865 = arith.subi %get3A_864, %get3A_861 : vector<1024x128xi32>
    %convert_element_type3A_866 = arith.sitofp %sub3A_865 : vector<1024x128xi32> to vector<1024x128xf32>
    %add3A_867 = vector.broadcast %get3A_5 : vector<1x128xf32> to vector<1024x128xf32>
    %add3A_868 = arith.addf %convert_element_type3A_866, %add3A_867 : vector<1024x128xf32>
    %abs3A_869 = math.absf %add3A_868 : vector<1024x128xf32>
    %dot_general3A_870 = arith.constant dense<0.000000e+00> : vector<1x1024xf32>
    %dot_general3A_871 = tpu.matmul %broadcast_in_dim3A_6, %abs3A_869, %dot_general3A_870 {dimension_numbers = #tpu.dot_dimension_numbers<[1], [1], [0], [0], [0, 0, 1, 0], [], []>, transpose_lhs_hint = false} : vector<1x128xf32>, vector<1024x128xf32>, vector<1x1024xf32> -> vector<1x1024xf32>
    %swap3A_872 = arith.constant 0 : index
    %swap3A_873 = arith.constant 0 : index
    %swap3A_874 = vector.load %arg17[%swap3A_872, %swap3A_873] : memref<1x1024xf32, #tpu.memory_space<vmem>>, vector<1x1024xf32>
    tpu.vector_store %arg17[%swap3A_872, %swap3A_873], %dot_general3A_871 {strides = array<i32>} : memref<1x1024xf32, #tpu.memory_space<vmem>>, vector<1x1024xf32>,
    %dma_start3A_875 = arith.constant 0 : i32
    %dma_start3A_876 = arith.constant 9216 : i32
    %dma_start3A_877 = tpu.memref_slice %arg4[%dma_start3A_876] : memref<12288xf32, #tpu.memory_space<hbm>> -> memref<1024xf32, #tpu.memory_space<hbm>>
    %dma_start3A_878 = arith.constant 0 : i32
    %dma_start3A_879 = tpu.memref_slice %arg17[%dma_start3A_875, %dma_start3A_878] : memref<1x1024xf32, #tpu.memory_space<vmem>> -> memref<1x1024xf32, #tpu.memory_space<vmem>>
    %dma_start3A_880 = tpu.memref_squeeze %dma_start3A_879 : memref<1x1024xf32, #tpu.memory_space<vmem>> -> memref<1024xf32, #tpu.memory_space<vmem>>
    tpu.enqueue_dma source(%dma_start3A_880 : memref<1024xf32, #tpu.memory_space<vmem>>) target(%dma_start3A_877 : memref<1024xf32, #tpu.memory_space<hbm>>) target_semaphore(%arg28 : memref<!tpu.dma_semaphore, #tpu.memory_space<semaphore_mem>>)
    %dma_wait3A_881 = arith.constant 0 : i32
    %dma_wait3A_882 = arith.constant 0 : i32
    %dma_wait3A_883 = tpu.memref_slice %arg7[%dma_wait3A_881, %dma_wait3A_882] : memref<1032x128xi32, #tpu.memory_space<vmem>> -> memref<1032x128xi32, #tpu.memory_space<vmem>>
    %dma_wait3A_884 = arith.constant 14336 : i32
    %dma_wait3A_885 = arith.constant 0 : i32
    %dma_wait3A_886 = tpu.memref_slice %arg1[%dma_wait3A_884, %dma_wait3A_885] : memref<16384x128xi32, #tpu.memory_space<hbm>> -> memref<1032x128xi32, #tpu.memory_space<hbm>>
    tpu.wait_dma2 semaphore(%arg20 : memref<!tpu.dma_semaphore, #tpu.memory_space<semaphore_mem>>) src(%dma_wait3A_886 : memref<1032x128xi32, #tpu.memory_space<hbm>>) dst(%dma_wait3A_883 : memref<1032x128xi32, #tpu.memory_space<vmem>>)
    %dma_wait3A_887 = arith.constant 0 : i32
    %dma_wait3A_888 = arith.constant 8192 : i32
    %dma_wait3A_889 = tpu.memref_slice %arg4[%dma_wait3A_888] : memref<12288xf32, #tpu.memory_space<hbm>> -> memref<1024xf32, #tpu.memory_space<hbm>>
    %dma_wait3A_890 = arith.constant 0 : i32
    %dma_wait3A_891 = tpu.memref_slice %arg16[%dma_wait3A_887, %dma_wait3A_890] : memref<1x1024xf32, #tpu.memory_space<vmem>> -> memref<1x1024xf32, #tpu.memory_space<vmem>>
    %dma_wait3A_892 = tpu.memref_squeeze %dma_wait3A_891 : memref<1x1024xf32, #tpu.memory_space<vmem>> -> memref<1024xf32, #tpu.memory_space<vmem>>
    tpu.wait_dma2 semaphore(%arg28 : memref<!tpu.dma_semaphore, #tpu.memory_space<semaphore_mem>>) src(%dma_wait3A_892 : memref<1024xf32, #tpu.memory_space<vmem>>) dst(%dma_wait3A_889 : memref<1024xf32, #tpu.memory_space<hbm>>)
    %get3A_893 = arith.constant 0 : index
    %get3A_894 = arith.constant 0 : index
    %get3A_895 = vector.load %arg7[%get3A_893, %get3A_894] : memref<1032x128xi32, #tpu.memory_space<vmem>>, vector<1024x128xi32>
    %get3A_896 = arith.constant 1 : index
    %get3A_897 = arith.constant 0 : index
    %get3A_898 = vector.load %arg7[%get3A_896, %get3A_897] : memref<1032x128xi32, #tpu.memory_space<vmem>>, vector<1024x128xi32>
    %sub3A_899 = arith.subi %get3A_898, %get3A_895 : vector<1024x128xi32>
    %convert_element_type3A_900 = arith.sitofp %sub3A_899 : vector<1024x128xi32> to vector<1024x128xf32>
    %add3A_901 = vector.broadcast %get3A_5 : vector<1x128xf32> to vector<1024x128xf32>
    %add3A_902 = arith.addf %convert_element_type3A_900, %add3A_901 : vector<1024x128xf32>
    %abs3A_903 = math.absf %add3A_902 : vector<1024x128xf32>
    %dot_general3A_904 = arith.constant dense<0.000000e+00> : vector<1x1024xf32>
    %dot_general3A_905 = tpu.matmul %broadcast_in_dim3A_6, %abs3A_903, %dot_general3A_904 {dimension_numbers = #tpu.dot_dimension_numbers<[1], [1], [0], [0], [0, 0, 1, 0], [], []>, transpose_lhs_hint = false} : vector<1x128xf32>, vector<1024x128xf32>, vector<1x1024xf32> -> vector<1x1024xf32>
    %swap3A_906 = arith.constant 0 : index
    %swap3A_907 = arith.constant 0 : index
    %swap3A_908 = vector.load %arg16[%swap3A_906, %swap3A_907] : memref<1x1024xf32, #tpu.memory_space<vmem>>, vector<1x1024xf32>
    tpu.vector_store %arg16[%swap3A_906, %swap3A_907], %dot_general3A_905 {strides = array<i32>} : memref<1x1024xf32, #tpu.memory_space<vmem>>, vector<1x1024xf32>,
    %dma_start3A_909 = arith.constant 0 : i32
    %dma_start3A_910 = arith.constant 10240 : i32
    %dma_start3A_911 = tpu.memref_slice %arg4[%dma_start3A_910] : memref<12288xf32, #tpu.memory_space<hbm>> -> memref<1024xf32, #tpu.memory_space<hbm>>
    %dma_start3A_912 = arith.constant 0 : i32
    %dma_start3A_913 = tpu.memref_slice %arg16[%dma_start3A_909, %dma_start3A_912] : memref<1x1024xf32, #tpu.memory_space<vmem>> -> memref<1x1024xf32, #tpu.memory_space<vmem>>
    %dma_start3A_914 = tpu.memref_squeeze %dma_start3A_913 : memref<1x1024xf32, #tpu.memory_space<vmem>> -> memref<1024xf32, #tpu.memory_space<vmem>>
    tpu.enqueue_dma source(%dma_start3A_914 : memref<1024xf32, #tpu.memory_space<vmem>>) target(%dma_start3A_911 : memref<1024xf32, #tpu.memory_space<hbm>>) target_semaphore(%arg28 : memref<!tpu.dma_semaphore, #tpu.memory_space<semaphore_mem>>)
    %dma_wait3A_915 = arith.constant 0 : i32
    %dma_wait3A_916 = arith.constant 0 : i32
    %dma_wait3A_917 = tpu.memref_slice %arg8[%dma_wait3A_915, %dma_wait3A_916] : memref<1032x128xi32, #tpu.memory_space<vmem>> -> memref<1024x128xi32, #tpu.memory_space<vmem>>
    %dma_wait3A_918 = arith.constant 15360 : i32
    %dma_wait3A_919 = arith.constant 0 : i32
    %dma_wait3A_920 = tpu.memref_slice %arg1[%dma_wait3A_918, %dma_wait3A_919] : memref<16384x128xi32, #tpu.memory_space<hbm>> -> memref<1024x128xi32, #tpu.memory_space<hbm>>
    tpu.wait_dma2 semaphore(%arg21 : memref<!tpu.dma_semaphore, #tpu.memory_space<semaphore_mem>>) src(%dma_wait3A_920 : memref<1024x128xi32, #tpu.memory_space<hbm>>) dst(%dma_wait3A_917 : memref<1024x128xi32, #tpu.memory_space<vmem>>)
    %dma_wait3A_921 = arith.constant 0 : i32
    %dma_wait3A_922 = arith.constant 9216 : i32
    %dma_wait3A_923 = tpu.memref_slice %arg4[%dma_wait3A_922] : memref<12288xf32, #tpu.memory_space<hbm>> -> memref<1024xf32, #tpu.memory_space<hbm>>
    %dma_wait3A_924 = arith.constant 0 : i32
    %dma_wait3A_925 = tpu.memref_slice %arg17[%dma_wait3A_921, %dma_wait3A_924] : memref<1x1024xf32, #tpu.memory_space<vmem>> -> memref<1x1024xf32, #tpu.memory_space<vmem>>
    %dma_wait3A_926 = tpu.memref_squeeze %dma_wait3A_925 : memref<1x1024xf32, #tpu.memory_space<vmem>> -> memref<1024xf32, #tpu.memory_space<vmem>>
    tpu.wait_dma2 semaphore(%arg28 : memref<!tpu.dma_semaphore, #tpu.memory_space<semaphore_mem>>) src(%dma_wait3A_926 : memref<1024xf32, #tpu.memory_space<vmem>>) dst(%dma_wait3A_923 : memref<1024xf32, #tpu.memory_space<hbm>>)
    %get3A_927 = arith.constant 0 : index
    %get3A_928 = arith.constant 0 : index
    %get3A_929 = vector.load %arg8[%get3A_927, %get3A_928] : memref<1032x128xi32, #tpu.memory_space<vmem>>, vector<1024x128xi32>
    %get3A_930 = arith.constant 1 : index
    %get3A_931 = arith.constant 0 : index
    %get3A_932 = vector.load %arg8[%get3A_930, %get3A_931] : memref<1032x128xi32, #tpu.memory_space<vmem>>, vector<1024x128xi32>
    %sub3A_933 = arith.subi %get3A_932, %get3A_929 : vector<1024x128xi32>
    %convert_element_type3A_934 = arith.sitofp %sub3A_933 : vector<1024x128xi32> to vector<1024x128xf32>
    %add3A_935 = vector.broadcast %get3A_5 : vector<1x128xf32> to vector<1024x128xf32>
    %add3A_936 = arith.addf %convert_element_type3A_934, %add3A_935 : vector<1024x128xf32>
    %abs3A_937 = math.absf %add3A_936 : vector<1024x128xf32>
    %dot_general3A_938 = arith.constant dense<0.000000e+00> : vector<1x1024xf32>
    %dot_general3A_939 = tpu.matmul %broadcast_in_dim3A_6, %abs3A_937, %dot_general3A_938 {dimension_numbers = #tpu.dot_dimension_numbers<[1], [1], [0], [0], [0, 0, 1, 0], [], []>, transpose_lhs_hint = false} : vector<1x128xf32>, vector<1024x128xf32>, vector<1x1024xf32> -> vector<1x1024xf32>
    %swap3A_940 = arith.constant 0 : index
    %swap3A_941 = arith.constant 0 : index
    %swap3A_942 = vector.load %arg17[%swap3A_940, %swap3A_941] : memref<1x1024xf32, #tpu.memory_space<vmem>>, vector<1x1024xf32>
    tpu.vector_store %arg17[%swap3A_940, %swap3A_941], %dot_general3A_939 {strides = array<i32>} : memref<1x1024xf32, #tpu.memory_space<vmem>>, vector<1x1024xf32>,
    %dma_start3A_943 = arith.constant 0 : i32
    %dma_start3A_944 = arith.constant 11264 : i32
    %dma_start3A_945 = tpu.memref_slice %arg4[%dma_start3A_944] : memref<12288xf32, #tpu.memory_space<hbm>> -> memref<1024xf32, #tpu.memory_space<hbm>>
    %dma_start3A_946 = arith.constant 0 : i32
    %dma_start3A_947 = tpu.memref_slice %arg17[%dma_start3A_943, %dma_start3A_946] : memref<1x1024xf32, #tpu.memory_space<vmem>> -> memref<1x1024xf32, #tpu.memory_space<vmem>>
    %dma_start3A_948 = tpu.memref_squeeze %dma_start3A_947 : memref<1x1024xf32, #tpu.memory_space<vmem>> -> memref<1024xf32, #tpu.memory_space<vmem>>
    tpu.enqueue_dma source(%dma_start3A_948 : memref<1024xf32, #tpu.memory_space<vmem>>) target(%dma_start3A_945 : memref<1024xf32, #tpu.memory_space<hbm>>) target_semaphore(%arg28 : memref<!tpu.dma_semaphore, #tpu.memory_space<semaphore_mem>>)
    %dma_wait3A_949 = arith.constant 0 : i32
    %dma_wait3A_950 = arith.constant 10240 : i32
    %dma_wait3A_951 = tpu.memref_slice %arg4[%dma_wait3A_950] : memref<12288xf32, #tpu.memory_space<hbm>> -> memref<1024xf32, #tpu.memory_space<hbm>>
    %dma_wait3A_952 = arith.constant 0 : i32
    %dma_wait3A_953 = tpu.memref_slice %arg16[%dma_wait3A_949, %dma_wait3A_952] : memref<1x1024xf32, #tpu.memory_space<vmem>> -> memref<1x1024xf32, #tpu.memory_space<vmem>>
    %dma_wait3A_954 = tpu.memref_squeeze %dma_wait3A_953 : memref<1x1024xf32, #tpu.memory_space<vmem>> -> memref<1024xf32, #tpu.memory_space<vmem>>
    tpu.wait_dma2 semaphore(%arg28 : memref<!tpu.dma_semaphore, #tpu.memory_space<semaphore_mem>>) src(%dma_wait3A_954 : memref<1024xf32, #tpu.memory_space<vmem>>) dst(%dma_wait3A_951 : memref<1024xf32, #tpu.memory_space<hbm>>)
    %dma_wait3A_955 = arith.constant 0 : i32
    %dma_wait3A_956 = arith.constant 11264 : i32
    %dma_wait3A_957 = tpu.memref_slice %arg4[%dma_wait3A_956] : memref<12288xf32, #tpu.memory_space<hbm>> -> memref<1024xf32, #tpu.memory_space<hbm>>
    %dma_wait3A_958 = arith.constant 0 : i32
    %dma_wait3A_959 = tpu.memref_slice %arg17[%dma_wait3A_955, %dma_wait3A_958] : memref<1x1024xf32, #tpu.memory_space<vmem>> -> memref<1x1024xf32, #tpu.memory_space<vmem>>
    %dma_wait3A_960 = tpu.memref_squeeze %dma_wait3A_959 : memref<1x1024xf32, #tpu.memory_space<vmem>> -> memref<1024xf32, #tpu.memory_space<vmem>>
    tpu.wait_dma2 semaphore(%arg28 : memref<!tpu.dma_semaphore, #tpu.memory_space<semaphore_mem>>) src(%dma_wait3A_960 : memref<1024xf32, #tpu.memory_space<vmem>>) dst(%dma_wait3A_957 : memref<1024xf32, #tpu.memory_space<hbm>>)
    return
  }
}

module attributes {stable_mosaic.version = 14 : i64} {
  func.func @_assemble_body(%arg0: memref<4096xf32, #tpu.memory_space<hbm>>, %arg1: memref<4096xf32, #tpu.memory_space<hbm>>, %arg2: memref<12288xf32, #tpu.memory_space<hbm>>, %arg3: memref<12288xf32, #tpu.memory_space<hbm>>, %arg4: memref<16383xf32, #tpu.memory_space<hbm>>, %arg5: memref<16383xf32, #tpu.memory_space<hbm>>, %arg6: memref<16383xf32, #tpu.memory_space<hbm>>, %arg7: memref<16384xf32, #tpu.memory_space<vmem>>, %arg8: memref<16384xf32, #tpu.memory_space<vmem>>, %arg9: memref<16383xf32, #tpu.memory_space<vmem>>, %arg10: memref<16383xf32, #tpu.memory_space<vmem>>, %arg11: memref<16383xf32, #tpu.memory_space<vmem>>, %arg12: memref<!tpu.dma_semaphore, #tpu.memory_space<semaphore_mem>>) attributes {dimension_semantics = [], scalar_prefetch = 0 : i64, scratch_operands = 6 : i64, tpu.core_type = #tpu.core_type<tc>} {
    %dma_start3A = arith.constant 0 : i32
    %dma_start3A_0 = tpu.memref_slice %arg7[%dma_start3A] : memref<16384xf32, #tpu.memory_space<vmem>> -> memref<4096xf32, #tpu.memory_space<vmem>>
    tpu.enqueue_dma source(%arg0 : memref<4096xf32, #tpu.memory_space<hbm>>) target(%dma_start3A_0 : memref<4096xf32, #tpu.memory_space<vmem>>) target_semaphore(%arg12 : memref<!tpu.dma_semaphore, #tpu.memory_space<semaphore_mem>>)
    %dma_start3A_1 = arith.constant 0 : i32
    %dma_start3A_2 = tpu.memref_slice %arg8[%dma_start3A_1] : memref<16384xf32, #tpu.memory_space<vmem>> -> memref<4096xf32, #tpu.memory_space<vmem>>
    tpu.enqueue_dma source(%arg1 : memref<4096xf32, #tpu.memory_space<hbm>>) target(%dma_start3A_2 : memref<4096xf32, #tpu.memory_space<vmem>>) target_semaphore(%arg12 : memref<!tpu.dma_semaphore, #tpu.memory_space<semaphore_mem>>)
    %dma_start3A_3 = arith.constant 4096 : i32
    %dma_start3A_4 = tpu.memref_slice %arg7[%dma_start3A_3] : memref<16384xf32, #tpu.memory_space<vmem>> -> memref<12288xf32, #tpu.memory_space<vmem>>
    tpu.enqueue_dma source(%arg2 : memref<12288xf32, #tpu.memory_space<hbm>>) target(%dma_start3A_4 : memref<12288xf32, #tpu.memory_space<vmem>>) target_semaphore(%arg12 : memref<!tpu.dma_semaphore, #tpu.memory_space<semaphore_mem>>)
    %dma_start3A_5 = arith.constant 4096 : i32
    %dma_start3A_6 = tpu.memref_slice %arg8[%dma_start3A_5] : memref<16384xf32, #tpu.memory_space<vmem>> -> memref<12288xf32, #tpu.memory_space<vmem>>
    tpu.enqueue_dma source(%arg3 : memref<12288xf32, #tpu.memory_space<hbm>>) target(%dma_start3A_6 : memref<12288xf32, #tpu.memory_space<vmem>>) target_semaphore(%arg12 : memref<!tpu.dma_semaphore, #tpu.memory_space<semaphore_mem>>)
    %dma_wait3A = arith.constant 0 : i32
    %dma_wait3A_7 = tpu.memref_slice %arg7[%dma_wait3A] : memref<16384xf32, #tpu.memory_space<vmem>> -> memref<4096xf32, #tpu.memory_space<vmem>>
    tpu.wait_dma2 semaphore(%arg12 : memref<!tpu.dma_semaphore, #tpu.memory_space<semaphore_mem>>) src(%arg0 : memref<4096xf32, #tpu.memory_space<hbm>>) dst(%dma_wait3A_7 : memref<4096xf32, #tpu.memory_space<vmem>>)
    %dma_wait3A_8 = arith.constant 0 : i32
    %dma_wait3A_9 = tpu.memref_slice %arg8[%dma_wait3A_8] : memref<16384xf32, #tpu.memory_space<vmem>> -> memref<4096xf32, #tpu.memory_space<vmem>>
    tpu.wait_dma2 semaphore(%arg12 : memref<!tpu.dma_semaphore, #tpu.memory_space<semaphore_mem>>) src(%arg1 : memref<4096xf32, #tpu.memory_space<hbm>>) dst(%dma_wait3A_9 : memref<4096xf32, #tpu.memory_space<vmem>>)
    %dma_wait3A_10 = arith.constant 4096 : i32
    %dma_wait3A_11 = tpu.memref_slice %arg7[%dma_wait3A_10] : memref<16384xf32, #tpu.memory_space<vmem>> -> memref<12288xf32, #tpu.memory_space<vmem>>
    tpu.wait_dma2 semaphore(%arg12 : memref<!tpu.dma_semaphore, #tpu.memory_space<semaphore_mem>>) src(%arg2 : memref<12288xf32, #tpu.memory_space<hbm>>) dst(%dma_wait3A_11 : memref<12288xf32, #tpu.memory_space<vmem>>)
    %dma_wait3A_12 = arith.constant 4096 : i32
    %dma_wait3A_13 = tpu.memref_slice %arg8[%dma_wait3A_12] : memref<16384xf32, #tpu.memory_space<vmem>> -> memref<12288xf32, #tpu.memory_space<vmem>>
    tpu.wait_dma2 semaphore(%arg12 : memref<!tpu.dma_semaphore, #tpu.memory_space<semaphore_mem>>) src(%arg3 : memref<12288xf32, #tpu.memory_space<hbm>>) dst(%dma_wait3A_13 : memref<12288xf32, #tpu.memory_space<vmem>>)
    %get3A = arith.constant 0 : index
    %get3A_14 = vector.load %arg7[%get3A] : memref<16384xf32, #tpu.memory_space<vmem>>, vector<16384xf32>
    %slice3A = vector.extract_strided_slice %get3A_14 {offsets = [0], sizes = [16383], strides = [1]} : vector<16384xf32> to vector<16383xf32>
    %get3A_15 = arith.constant 0 : index
    %get3A_16 = vector.load %arg8[%get3A_15] : memref<16384xf32, #tpu.memory_space<vmem>>, vector<16384xf32>
    %slice3A_17 = vector.extract_strided_slice %get3A_16 {offsets = [0], sizes = [16383], strides = [1]} : vector<16384xf32> to vector<16383xf32>
    %swap3A = arith.constant 0 : index
    %swap3A_18 = vector.load %arg9[%swap3A] : memref<16383xf32, #tpu.memory_space<vmem>>, vector<16383xf32>
    tpu.vector_store %arg9[%swap3A], %slice3A {strides = array<i32>} : memref<16383xf32, #tpu.memory_space<vmem>>, vector<16383xf32>,
    %swap3A_19 = arith.constant 0 : index
    %swap3A_20 = vector.load %arg10[%swap3A_19] : memref<16383xf32, #tpu.memory_space<vmem>>, vector<16383xf32>
    tpu.vector_store %arg10[%swap3A_19], %slice3A_17 {strides = array<i32>} : memref<16383xf32, #tpu.memory_space<vmem>>, vector<16383xf32>,
    %sub3A = arith.subf %slice3A, %slice3A_17 : vector<16383xf32>
    %add3A = arith.constant 1.000000e+00 : f32
    %add3A_21 = vector.broadcast %add3A : f32 to vector<16383xf32>
    %add3A_22 = arith.addf %sub3A, %add3A_21 : vector<16383xf32>
    %max3A = arith.constant 0.000000e+00 : f32
    %max3A_23 = vector.broadcast %max3A : f32 to vector<16383xf32>
    %max3A_24 = arith.maximumf %add3A_22, %max3A_23 : vector<16383xf32>
    %swap3A_25 = arith.constant 0 : index
    %swap3A_26 = vector.load %arg11[%swap3A_25] : memref<16383xf32, #tpu.memory_space<vmem>>, vector<16383xf32>
    tpu.vector_store %arg11[%swap3A_25], %max3A_24 {strides = array<i32>} : memref<16383xf32, #tpu.memory_space<vmem>>, vector<16383xf32>,
    tpu.enqueue_dma source(%arg11 : memref<16383xf32, #tpu.memory_space<vmem>>) target(%arg4 : memref<16383xf32, #tpu.memory_space<hbm>>) target_semaphore(%arg12 : memref<!tpu.dma_semaphore, #tpu.memory_space<semaphore_mem>>)
    tpu.enqueue_dma source(%arg9 : memref<16383xf32, #tpu.memory_space<vmem>>) target(%arg5 : memref<16383xf32, #tpu.memory_space<hbm>>) target_semaphore(%arg12 : memref<!tpu.dma_semaphore, #tpu.memory_space<semaphore_mem>>)
    tpu.enqueue_dma source(%arg10 : memref<16383xf32, #tpu.memory_space<vmem>>) target(%arg6 : memref<16383xf32, #tpu.memory_space<hbm>>) target_semaphore(%arg12 : memref<!tpu.dma_semaphore, #tpu.memory_space<semaphore_mem>>)
    tpu.wait_dma2 semaphore(%arg12 : memref<!tpu.dma_semaphore, #tpu.memory_space<semaphore_mem>>) src(%arg11 : memref<16383xf32, #tpu.memory_space<vmem>>) dst(%arg4 : memref<16383xf32, #tpu.memory_space<hbm>>)
    tpu.wait_dma2 semaphore(%arg12 : memref<!tpu.dma_semaphore, #tpu.memory_space<semaphore_mem>>) src(%arg9 : memref<16383xf32, #tpu.memory_space<vmem>>) dst(%arg5 : memref<16383xf32, #tpu.memory_space<hbm>>)
    tpu.wait_dma2 semaphore(%arg12 : memref<!tpu.dma_semaphore, #tpu.memory_space<semaphore_mem>>) src(%arg10 : memref<16383xf32, #tpu.memory_space<vmem>>) dst(%arg6 : memref<16383xf32, #tpu.memory_space<hbm>>)
    return
  }
}

</mosaic_0001>

<sc_bundles>
// kernel: kernel.5.cloned.1.call-start
scs
__scs_entry_jumppad:
0x0: {  	(pc) =	sbr.rel $0x88, $3  }
0x1: {  	(tag) =	ssettag $0x0;
	lr =	simm.s32 $0x1  }
0x2: {  	[smem:$0x3F9E] =	sst lr;
	_ =	strace $0xD0000000  }
0x3: {  	_ = 	snop  }
0x4: {  	_ = 	snop  }
0x5: {  	_ = 	snop  }
0x6: {  	_ = 	snop  }
0x7: {  	_ = 	snop  }
__scs_overlays_trampoline_lowered:
0x8: {  	[smem:$0x3FAD] =	sst s0  }
0x9: {  	[smem:$0x3FAE] =	sst s1  }
0xa: {  	[smem:$0x3FAF] =	sst s2  }
0xb: {  	[smem:$0x3FB0] =	sst s3  }
0xc: {  	[smem:$0x3FB1] =	sst s4  }
0xd: {  	[smem:$0x3FB2] =	sst s5  }
0xe: {  	[smem:$0x3FB3] =	sst s6  }
0xf: {  	[smem:$0x3FB4] =	sst s7  }
0x10: {  	[smem:$0x3FB5] =	sst s8  }
0x11: {  	[smem:$0x3FB6] =	sst s9;
	s0 =	simm.s32 @!p0 $0x0  }
0x12: {  	s1 =	sld [smem:$0x3F9C];
	s0 =	simm.s32 @p0 $0x1  }
0x13: {  	[smem:$0x3FB7] =	sst s0;
	s0 =	simm.s32 @!p1 $0x0  }
0x14: {  	s2 =	sld [smem:$0x3F9B];
	s0 =	simm.s32 @p1 $0x1  }
0x15: {  	[smem:$0x3FB8] =	sst s0;
	s0 =	simm.s32 @!p2 $0x0  }
0x16: {  	s3 =	sld [smem:$0x3FDB];
	s0 =	simm.s32 @p2 $0x1  }
0x17: {  	s4 =	simm.s32 $0x1BF5;
	[smem:$0x3FBA] =	sst s0  }
0x18: {  	s0 =	sld [smem:$0x3F9D];
	_ =	swait.ge [sflag:s4], $0x0  }
0x19: {  	s7 =	sld [smem:$0x3F9E]  }
0x1a: {  	s8 =	sadd.s32 $0xFFFFE003, lr  }
0x1b: {  	s9 =	sadd.s32 $0xFFFFFEF7, lr;
	s5 =	simm.s32 $0xFFFFFFFF;
	p2 =	slt.u32 s8, $0xFFFFF086  }
0x1c: {  	p1 =	slt.u32 s9, $0xF7A;
	s5 =	simm.s32 @!p2 $0x0  }
0x1d: {  	s5 =	simm.s32 @p1 $0x1;
	p0 =	seq.s32 s7, s2  }
0x1e: {  	s7 =	smul.u32 @!p0 $0xF7A, s2;
	p2 =	seq.s32 @!p0 s5, $0x0  }
0x1f: {  	s9 =	smul.u32 $0xF7A, s1;
	s8 =	simm.s32 @!p0 $0x1BF5;
	p2 =	por !p2, p0  }
0x20: {  	[sflag:s8] =	ssyncset.s32 @!p0 $0xFFFFF086;
	s6 =	sadd.s32 @!p0 s3, s7;
	s7 =	simm.s32 @!p0 $0x108  }
0x21: {  	s3 =	sadd.s32 s3, s9;
	s6 =	sadd.s32 @!p0 $0x88, s6;
	s7 =	simm.s32 @p2 $0x1082  }
0x22: {  	[simem:s7], [sflag:s8] =	dma.local @!p0 [hbm:s6], $0xF7A  }
0x23: {  	s9 =	sor.u32 $0xD0000000, s2;
	s6 =	simm.s32 $0x108;
	_ =	swait.ge @!p0 [sflag:s8], $0x0  }
0x24: {  	s3 =	sadd.s32 $0x88, s3;
	s6 =	simm.s32 @!p1 $0x1082;
	[sflag:s4] =	ssyncset.s32 $0xFFFFF086  }
0x25: {  	[simem:s6], [sflag:s4] =	dma.local [hbm:s3], $0xF7A  }
0x26: {  	[smem:$0x3F9E] =	sst s1;
	(tag) =	ssettag s2;
	_ =	strace s9  }
0x27: {  	s1 =	sld [smem:$0x3FAE]  }
0x28: {  	s2 =	sld [smem:$0x3FAF]  }
0x29: {  	s4 =	sld [smem:$0x3FB1]  }
0x2a: {  	p0 =	seq.s32 s5, $0x0;
	s5 =	sld [smem:$0x3FB2]  }
0x2b: {  	s6 =	sld [smem:$0x3FB3]  }
0x2c: {  	s7 =	sld [smem:$0x3FB4]  }
0x2d: {  	s3 =	simm.s32 $0x108;
	s8 =	sld [smem:$0x3FB5]  }
0x2e: {  	s3 =	simm.s32 @!p0 $0x1082;
	s9 =	sld [smem:$0x3FB6]  }
0x2f: {  	lr =	sadd.s32 s0, s3;
	s0 =	sld [smem:$0x3FAD]  }
0x30: {  	s3 =	sld [smem:$0x3FB0]  }
0x31: {  	[smem:$0x3FB9] =	sst s10  }
0x32: {  	s10 =	sld [smem:$0x3FB7];
	_ =	sdelay $0x3  }
0x33: {  	p0 =	seq.s32 s10, $0x1;
	s10 =	sld [smem:$0x3FB9];
	_ =	sdelay $0x3  }
0x34: {  	[smem:$0x3FB9] =	sst s10  }
0x35: {  	s10 =	sld [smem:$0x3FB8];
	_ =	sdelay $0x3  }
0x36: {  	p1 =	seq.s32 s10, $0x1;
	s10 =	sld [smem:$0x3FB9];
	_ =	sdelay $0x3  }
0x37: {  	[smem:$0x3FB9] =	sst s10  }
0x38: {  	s10 =	sld [smem:$0x3FBA]  }
0x39: {  	_ = 	snop;
	(pc) =	sbr.ind lr, $3  }
0x3a: {  	_ = 	snop  }
0x3b: {  	_ = 	snop  }
0x3c: {  	p2 =	seq.s32 s10, $0x1;
	s10 =	sld [smem:$0x3FB9]  }
0x3d: {  	_ =	shalt  }
0x3e: {  	_ =	shalt  }
0x3f: {  	_ =	shalt  }
0x40: {  	_ =	shalt  }
0x41: {  	_ =	shalt  }
0x42: {  	_ =	shalt  }
0x43: {  	_ =	shalt  }
0x44: {  	_ =	shalt  }
0x45: {  	_ =	shalt  }
0x46: {  	_ =	shalt  }
0x47: {  	_ =	shalt  }
0x48: {  	_ =	shalt  }
0x49: {  	_ =	shalt  }
0x4a: {  	_ =	shalt  }
0x4b: {  	_ =	shalt  }
0x4c: {  	_ =	shalt  }
0x4d: {  	_ =	shalt  }
0x4e: {  	_ =	shalt  }
0x4f: {  	_ =	shalt  }
0x50: {  	_ =	shalt  }
0x51: {  	_ =	shalt  }
0x52: {  	_ =	shalt  }
0x53: {  	_ =	shalt  }
0x54: {  	_ =	shalt  }
0x55: {  	_ =	shalt  }
0x56: {  	_ =	shalt  }
0x57: {  	_ =	shalt  }
0x58: {  	_ =	shalt  }
0x59: {  	_ =	shalt  }
0x5a: {  	_ =	shalt  }
0x5b: {  	_ =	shalt  }
0x5c: {  	_ =	shalt  }
0x5d: {  	_ =	shalt  }
0x5e: {  	_ =	shalt  }
0x5f: {  	_ =	shalt  }
0x60: {  	_ =	shalt  }
0x61: {  	_ =	shalt  }
0x62: {  	_ =	shalt  }
0x63: {  	_ =	shalt  }
0x64: {  	_ =	shalt  }
0x65: {  	_ =	shalt  }
0x66: {  	_ =	shalt  }
0x67: {  	_ =	shalt  }
0x68: {  	_ =	shalt  }
0x69: {  	_ =	shalt  }
0x6a: {  	_ =	shalt  }
0x6b: {  	_ =	shalt  }
0x6c: {  	_ =	shalt  }
0x6d: {  	_ =	shalt  }
0x6e: {  	_ =	shalt  }
0x6f: {  	_ =	shalt  }
0x70: {  	_ =	shalt  }
0x71: {  	_ =	shalt  }
0x72: {  	_ =	shalt  }
0x73: {  	_ =	shalt  }
0x74: {  	_ =	shalt  }
0x75: {  	_ =	shalt  }
0x76: {  	_ =	shalt  }
0x77: {  	_ =	shalt  }
0x78: {  	_ =	shalt  }
0x79: {  	_ =	shalt  }
0x7a: {  	_ =	shalt  }
0x7b: {  	_ =	shalt  }
0x7c: {  	_ =	shalt  }
0x7d: {  	_ =	shalt  }
0x7e: {  	_ =	shalt  }
0x7f: {  	_ =	shalt  }
0x80: {  	_ =	shalt  }
0x81: {  	_ =	shalt  }
0x82: {  	_ =	shalt  }
0x83: {  	_ =	shalt  }
0x84: {  	_ =	shalt  }
0x85: {  	_ =	shalt  }
0x86: {  	_ =	shalt  }
0x87: {  	_ =	shalt  }
.Lfunc_end0:
.L_simem_size_0:
called_computation_lowered:
.L_overlay_start_0:
0x88: {  	s2 =	sld [smem:$0x3FD9]  }
0x89: {  	s3 =	sld [smem:$0x3FFE];
	_ =	sdelay $0x1  }
0x8a: {  	s1 =	srdreg.scid  }
0x8b: {  	s0 =	sand.u32 $0x1, s1  }
0x8c: {  	s15 =	sshll.u32 s0, $0xA;
	s2 =	sadd.s32 s3, s2  }
0x8d: {  	s2 =	sadd.s32 s2, s15  }
0x8e: {  	[smem:$0x3FC5] =	sst s2  }
0x8f: {  	_ = 	snop  }
0x90: {  	s2 =	sld [smem:$0x3FD0]  }
0x91: {  	s16 =	sld [smem:$0x3FC9]  }
0x92: {  	s4 =	sld [smem:$0x3FC8]  }
0x93: {  	s6 =	simm.s32 $0xA;
	s7 =	simm.s32 $0x10;
	s5 =	sld [smem:$0x3FC7]  }
0x94: {  	[smem:s7], [sflag:s6] =	dma.local [hbm:s2], $0x1  }
0x95: {  	_ =	swait.eq [sflag:s6], $0x1  }
0x96: {  	[sflag:s6] =	ssyncset.done $0x0  }
0x97: {  	s17 =	sld [smem:$0x11];
	[sflag:s6] =	ssyncadd.s32 $0xFFFFFFFF  }
0x98: {  	s18 =	sld [smem:$0x12];
	(tm) =	ssettm $0x1  }
0x99: {  	s19 =	sld [smem:$0x3FFB];
	_ =	sdelay $0x3  }
0x9a: {  	_ =	strace s19  }
0x9b: {  	s7 =	sld [smem:$0x3FFC];
	_ =	sdelay $0x3  }
0x9c: {  	_ =	strace s7  }
0x9d: {  	s7 =	sld [smem:$0x3FFD];
	_ =	sdelay $0x3  }
0x9e: {  	_ =	strace s7  }
0x9f: {  	_ =	strace $0x8FFFFFFF  }
0xa0: {  	s20 =	sld [smem:$0x3FDB];
	_ =	sdelay $0x1  }
0xa1: {  	s8 =	simm.s32 $_scs_section_size  }
0xa2: {  	s9 =	simm.s32 $_size__tile_overlayer_lowered;
	s10 =	simm.s32 $_tile_overlayer_lowered  }
0xa3: {  	s23 =	simm.s32 $0x1BFF;
	s22 =	sshll.u32 s10, $0x1;
	s7 =	sadd.s32 s8, s20  }
0xa4: {  	s11 =	simm.s32 $0x0;
	s21 =	sshll.u32 s9, $0x1;
	s9 =	sadd.s32 s22, s7  }
0xa5: {  	[timem:s11], [sflag:s23] =	dma.local [hbm:s9], s21  }
0xa6: {  	_ =	swait.ge [sflag:s23], s21  }
0xa7: {  	s8 =	ssub.s32 $0x0, s21;
	[sflag:s23] =	ssyncset.done $0x0  }
0xa8: {  	[sflag:s23] =	ssyncadd.s32 s8;
	_ =	sdelay $0x1  }
0xa9: {  	s24 =	simm.s32 $0x1B8B  }
0xaa: {  	_ =	swait.ge [sflag:s24], $0x1  }
0xab: {  	[sflag:s24] =	ssyncset.done $0x0  }
0xac: {  	s25 =	simm.s32 $0x1B8E;
	[sflag:s24] =	ssyncadd.s32 $0xFFFFFFFF  }
0xad: {  	s26 =	simm.s32 $execute0_lowered;
	[smem:$0x3FD2] =	sst s25  }
0xae: {  	s8 =	sshll.u32 s26, $0x1;
	_ =	strace $0x80000046;
	[dreg:$0x1] =	wrdreg $0xFFFFFFFF  }
0xaf: {  	s28 =	simm.s32 $_size_execute0_lowered;
	s7 =	sadd.s32 s7, s8;
	[dreg:$0x0] =	wrdreg $0x0  }
0xb0: {  	s8 =	sshll.u32 s28, $0x1;
	[dreg:$0x2] =	wrdreg s7  }
0xb1: {  	[dreg:$0x3] =	wrdreg s8  }
0xb2: {  	[dreg:$0x4] =	wrdreg $0xC0  }
0xb3: {  	_ =	task [dreg:s11], $0x5FFFF  }
0xb4: {  	[dreg:$0x1] =	wrdreg $0xFFFFFFFF  }
0xb5: {  	[dreg:$0x0] =	wrdreg $0x60  }
0xb6: {  	[dreg:$0x2] =	wrdreg s16  }
0xb7: {  	[dreg:$0x3] =	wrdreg s4  }
0xb8: {  	[dreg:$0x4] =	wrdreg s5  }
0xb9: {  	[dreg:$0x5] =	wrdreg s18  }
0xba: {  	[dreg:$0x6] =	wrdreg s17  }
0xbb: {  	[dreg:$0x7] =	wrdreg $0x9  }
0xbc: {  	_ =	task.clear_ibuf [dreg:s11], $0x8FFFF;
	_ =	strace $0x90000046  }
0xbd: {  	s29 =	simm.s32 $0x9;
	_ =	strace $0x80000048  }
0xbe: {  	_ =	swait.ge [sflag:s29], $0x1  }
0xbf: {  	[sflag:s29] =	ssyncadd.s32 $0xFFFFFFFF  }
0xc0: {  	_ =	strace $0x90000048  }
0xc1: {  	_ =	sfence  }
0xc2: {  	s30 =	sld [smem:$0x0];
	_ =	sdelay $0x2  }
0xc3: {  	s31 =	sshll.u32 s1, $0xD;
	s1 =	sshrl.u32 s1, $0x2  }
0xc4: {  	s3 =	sand.u32 $0x4000, s31;
	s1 =	sadd.s32 s1, s30  }
0xc5: {  	s0 =	sor.u32 s3, s0;
	s1 =	sshll.u32 s1, $0x11  }
0xc6: {  	s0 =	sor.u32 s1, s0  }
0xc7: {  	s0 =	sadd.s32 $0x8F2B, s0  }
0xc8: {  	[sflag:s0] =	ssyncadd.remote.s32 $0x1  }
0xc9: {  	_ =	sfence.sel $0xFFFF  }
0xca: {  	[dreg:$0x0] =	wrdreg $0xFFFFFFFF;
	(pc) =	sbr.abs _section_cstart, $3  }
0xcb: {  	[dreg:$0x1] =	wrdreg $0xFFFFFFFF  }
0xcc: {  	_ =	task.clear_ibuf [dreg:s11], $0x2FFFF;
	_ =	strace $0x9FFFFFFF  }
0xcd: {  	(tm) =	ssettm $0x7FFFFFFF  }
tec
execute0_lowered:
.L_overlay_start_1:
0x0: {  	(tag) =	ssettag $0x1  }
0x1: {  	s4 =	rddreg [dreg:$0x0]  }
0x2: {  	s5 =	rddreg [dreg:$0x1]  }
0x3: {  	s1 =	rddreg [dreg:$0x2]  }
0x4: {  	s6 =	rddreg [dreg:$0x3]  }
0x5: {  	s7 =	rddreg [dreg:$0x4];
	s3 =	srdreg.scid  }
0x6: {  	s0 =	rddreg [dreg:$0x5];
	s2 =	stileid.u32;
	s12 =	simm.s32 $0x1  }
0x7: {  	s13 =	simm.s32 $0x2;
	s14 =	simm.s32 $0x8C00;
	s15 =	simm.s32 $0x8C80  }
0x8: {  	s16 =	simm.s32 $0x0;
	s8 =	sand.u32 $0x1, s3;
	s3 =	simm.s32 $0x0  }
0x9: {  	s10 =	sshll.u32 s2, $0x7;
	s9 =	sshll.u32 s8, $0xB;
	[smem:$0x7FF] =	sst s3  }
0xa: {  	vm0 =	vmmov $0x1;
	vm1 =	vmmov $0x3;
	vm2 =	vmmov $0x7;
	s8 =	ssub.s32 $0x2, s8;
	s9 =	sor.u32 s10, s9;
	_ =	strace $0x80000047  }
0xb: {  	vm3 =	vmmov $0xf;
	vm4 =	vmmov $0x1f;
	vm5 =	vmmov $0x3f;
	s31 =	sshrl.u32 s8, $0x1;
	s10 =	simm.s32 $0x3;
	s11 =	sshll.u32 s9, $0x4  }
0xc: {  	vm6 =	vmmov $0x7f;
	vm7 =	vmmov $0xff;
	vm8 =	vmmov $0x1ff;
	s8 =	ssub.s32 s8, s31;
	s9 =	sshrl.u32 s9, $0x3;
	s4 =	sadd.s32 s4, s11  }
0xd: {  	vm9 =	vmmov $0x3ff;
	vm10 =	vmmov $0x7ff;
	vm11 =	vmmov $0xfff;
	s5 =	sadd.s32 s5, s11;
	s6 =	sadd.s32 s6, s9;
	s7 =	sadd.s32 s7, s9  }
0xe: {  	vm12 =	vmmov $0x1fff;
	vm13 =	vmmov $0x3fff;
	vm14 =	vmmov $0x7fff;
	s8 =	smax.u32 s8, $0x1;
	s9 =	simm.s32 $0x8800;
	s11 =	simm.s32 $0x4400  }
.LBB2_1:
0xf: {  	[tilespmem:s9], [sflag:$0x3] =	stream.linear.gather [hbm4b:s1+s3], $0x400, $0x38;
	[tilespmem:$0x8D00] =	vst v63  }
0x10: {  	_ =	swait.ge [sflag:s10], $0x400  }
0x11: {  	[sflag:s10] =	ssyncset.done $0x0  }
0x12: {  	[sflag:s10] =	ssyncadd.s32 $0xFFFFFC00  }
0x13: {  	v0 =	vld [tilespmem:$0x8800]  }
0x14: {  	v1 =	vld [tilespmem:$0x8810]  }
0x15: {  	v2 =	vld [tilespmem:$0x8820]  }
0x16: {  	v3 =	vld [tilespmem:$0x8830]  }
0x17: {  	v4 =	vld [tilespmem:$0x8840]  }
0x18: {  	v5 =	vld [tilespmem:$0x8850]  }
0x19: {  	v6 =	vld [tilespmem:$0x8860]  }
0x1a: {  	v7 =	vld [tilespmem:$0x8870];
	[tilespmem:s3], [sflag:$0x1] =	stream.linear.gather [hbm4b:s4+s3], $0x4400, $0x38  }
0x1b: {  	_ = 	snop  }
0x1c: {  	[tilespmem:s11], [sflag:$0x2] =	stream.linear.gather [hbm4b:s5+s3], $0x4400, $0x38;
	[tilespmem:$0x8D00] =	vst v63  }
0x1d: {  	_ =	swait.ge [sflag:s12], $0x4400  }
0x1e: {  	[sflag:s12] =	ssyncset.done $0x0  }
0x1f: {  	[sflag:s12] =	ssyncadd.s32 $0xFFFFBC00  }
0x20: {  	v20 =	vld [tilespmem:$0x0]  }
0x21: {  	v21 =	vld [tilespmem:$0x10]  }
0x22: {  	v23 =	vld [tilespmem:$0x20]  }
0x23: {  	v22 =	vld [tilespmem:$0x30]  }
0x24: {  	v24 =	vld [tilespmem:$0x40]  }
0x25: {  	v10 =	vld [tilespmem:$0x50]  }
0x26: {  	v9 =	vld [tilespmem:$0x60]  }
0x27: {  	s17 =	simm.s32 $0x440;
	s18 =	simm.s32 $0x0;
	v8 =	vld [tilespmem:$0x70]  }
.LBB2_2:
0x28: {  	v11 =	vld [tilespmem:s17+$0xFFFFFC40]  }
0x29: {  	v12 =	vld [tilespmem:s17+$0xFFFFFC50]  }
0x2a: {  	v13 =	vld [tilespmem:s17+$0xFFFFFC60]  }
0x2b: {  	v14 =	vld [tilespmem:s17+$0xFFFFFC70]  }
0x2c: {  	v17 =	vld [tilespmem:s17+$0xFFFFFC80]  }
0x2d: {  	v19 =	vld [tilespmem:s17+$0xFFFFFC90]  }
0x2e: {  	v41 =	vld [tilespmem:s17+$0xFFFFFCD0]  }
0x2f: {  	v42 =	vld [tilespmem:s17+$0xFFFFFD10]  }
0x30: {  	v25 =	vld [tilespmem:s17+$0xFFFFFD20]  }
0x31: {  	v26 =	vld [tilespmem:s17+$0xFFFFFDA0]  }
0x32: {  	v28 =	vld [tilespmem:s17+$0xFFFFFE20];
	v15 =	vsub.s32 v20, v11;
	v16 =	vsub.s32 v21, v12;
	v18 =	vsub.s32 v23, v13  }
0x33: {  	v48 =	vld [tilespmem:s17+$0xFFFFFD60];
	v20 =	vsub.s32 v22, v14;
	v10 =	vsub.s32 v10, v19;
	v15 =	vcvt.s32.f32 v15  }
0x34: {  	v21 =	vld [tilespmem:s17+$0xFFFFFCA0];
	v12 =	vsub.s32 v12, v41;
	v16 =	vcvt.s32.f32 v16;
	v18 =	vcvt.s32.f32 v18  }
0x35: {  	v22 =	vld [tilespmem:s17+$0xFFFFFCC0];
	v45 =	vsub.s32 v19, v42;
	v20 =	vcvt.s32.f32 v20;
	v10 =	vcvt.s32.f32 v10  }
0x36: {  	v23 =	vld [tilespmem:s17+$0xFFFFFCE0];
	v12 =	vcvt.s32.f32 v12;
	v15 =	vadd.f32 v15, v0;
	v16 =	vadd.f32 v16, v1  }
0x37: {  	v19 =	vld [tilespmem:s17+$0xFFFFFD40];
	v58 =	vsub.s32 v26, v28;
	v18 =	vadd.f32 v18, v2;
	v20 =	vadd.f32 v20, v3  }
0x38: {  	v46 =	vcvt.s32.f32 v45;
	v10 =	vadd.f32 v10, v5;
	v12 =	vadd.f32 v12, v1  }
0x39: {  	v47 =	vld [tilespmem:s17+$0xFFFFFD50];
	v15 =	vand.u32 $0x7FFFFFFF, v15;
	v16 =	vand.u32 $0x7FFFFFFF, v16;
	v40 =	vand.u32 $0x7FFFFFFF, v18  }
0x3a: {  	v18 =	vsub.s32 v24, v17;
	v20 =	vand.u32 $0x7FFFFFFF, v20;
	v9 =	vsub.s32 v9, v21  }
0x3b: {  	v11 =	vsub.s32 v11, v22;
	v13 =	vsub.s32 v13, v23;
	v50 =	vsub.s32 v21, v25  }
0x3c: {  	v21 =	vsub.s32 v22, v19;
	v23 =	vsub.s32 v23, v48;
	v18 =	vcvt.s32.f32 v18  }
0x3d: {  	v15 =	vadd.f32 v16, v15;
	v9 =	vcvt.s32.f32 v9;
	v11 =	vcvt.s32.f32 v11  }
0x3e: {  	v13 =	vcvt.s32.f32 v13;
	v16 =	vsub.s32 v41, v47;
	v21 =	vcvt.s32.f32 v21  }
0x3f: {  	v24 =	vld [tilespmem:s17+$0xFFFFFD00];
	v23 =	vcvt.s32.f32 v23;
	v15 =	vadd.f32 v40, v15;
	v18 =	vadd.f32 v18, v4  }
0x40: {  	v16 =	vcvt.s32.f32 v16;
	v9 =	vadd.f32 v9, v6;
	v11 =	vadd.f32 v11, v0  }
0x41: {  	v10 =	vand.u32 $0x7FFFFFFF, v10;
	v13 =	vadd.f32 v13, v2;
	v21 =	vadd.f32 v21, v0  }
0x42: {  	v12 =	vand.u32 $0x7FFFFFFF, v12;
	v22 =	vld [tilespmem:s17+$0xFFFFFD80];
	v23 =	vadd.f32 v23, v2;
	v16 =	vadd.f32 v16, v1  }
0x43: {  	v15 =	vadd.f32 v20, v15;
	v18 =	vand.u32 $0x7FFFFFFF, v18;
	v9 =	vand.u32 $0x7FFFFFFF, v9  }
0x44: {  	v52 =	vld [tilespmem:s17+$0xFFFFFD90];
	v11 =	vand.u32 $0x7FFFFFFF, v11;
	v43 =	vand.u32 $0x7FFFFFFF, v13;
	v44 =	vsub.s32 v17, v24  }
0x45: {  	v20 =	vld [tilespmem:s17+$0xFFFFFCB0];
	v21 =	vand.u32 $0x7FFFFFFF, v21;
	v11 =	vadd.f32 v12, v11;
	v13 =	vcvt.s32.f32 v44  }
0x46: {  	v51 =	vld [tilespmem:s17+$0xFFFFFD70];
	v12 =	vcvt.s32.f32 v50;
	v16 =	vand.u32 $0x7FFFFFFF, v16;
	v15 =	vadd.f32 v18, v15  }
0x47: {  	v18 =	vld [tilespmem:s17+$0xFFFFFCF0];
	v16 =	vadd.f32 v16, v21;
	v21 =	vand.u32 $0x7FFFFFFF, v23;
	v23 =	vsub.s32 v24, v22  }
0x48: {  	v24 =	vld [tilespmem:s17+$0xFFFFFDC0];
	v11 =	vadd.f32 v43, v11;
	v13 =	vadd.f32 v13, v4;
	v23 =	vcvt.s32.f32 v23  }
0x49: {  	v54 =	vld [tilespmem:s17+$0xFFFFFE50];
	v10 =	vadd.f32 v10, v15;
	v15 =	vsub.s32 v42, v52;
	v16 =	vadd.f32 v21, v16  }
0x4a: {  	v21 =	vld [tilespmem:s17+$0xFFFFFDD0];
	v8 =	vsub.s32 v8, v20;
	v49 =	vand.u32 $0x7FFFFFFF, v13;
	v15 =	vcvt.s32.f32 v15  }
0x4b: {  	v23 =	vadd.f32 v23, v4;
	v8 =	vcvt.s32.f32 v8;
	v9 =	vadd.f32 v9, v10  }
0x4c: {  	v14 =	vsub.s32 v14, v18;
	v18 =	vsub.s32 v18, v51;
	v15 =	vadd.f32 v15, v5  }
0x4d: {  	v23 =	vand.u32 $0x7FFFFFFF, v23;
	v19 =	vsub.s32 v19, v24;
	v14 =	vcvt.s32.f32 v14  }
0x4e: {  	v27 =	vld [tilespmem:s17+$0xFFFFFDE0];
	v8 =	vadd.f32 v8, v7;
	v18 =	vcvt.s32.f32 v18;
	v19 =	vcvt.s32.f32 v19  }
0x4f: {  	v15 =	vand.u32 $0x7FFFFFFF, v15;
	v17 =	vsub.s32 v47, v21;
	v21 =	vsub.s32 v21, v54  }
0x50: {  	v41 =	vld [tilespmem:s17+$0x0];
	v14 =	vadd.f32 v14, v3;
	v8 =	vand.u32 $0x7FFFFFFF, v8;
	v18 =	vadd.f32 v18, v3  }
0x51: {  	v43 =	vld [tilespmem:s17+$0x80];
	v17 =	vcvt.s32.f32 v17;
	v19 =	vadd.f32 v19, v0;
	v21 =	vcvt.s32.f32 v21  }
0x52: {  	v8 =	vadd.f32 v8, v9;
	v10 =	vand.u32 $0x7FFFFFFF, v14;
	v18 =	vand.u32 $0x7FFFFFFF, v18  }
0x53: {  	v14 =	vsub.s32 v48, v27;
	v17 =	vadd.f32 v17, v1;
	v21 =	vadd.f32 v21, v1  }
0x54: {  	v9 =	vld [tilespmem:s17+$0xFFFFFD30];
	v19 =	vand.u32 $0x7FFFFFFF, v19;
	v10 =	vadd.f32 v10, v11;
	v11 =	vadd.f32 v46, v5  }
0x55: {  	v16 =	vadd.f32 v18, v16;
	v18 =	vsub.s32 v25, v26;
	v14 =	vcvt.s32.f32 v14  }
0x56: {  	v25 =	vld [tilespmem:s17+$0xFFFFFE00];
	v46 =	vsub.s32 v41, v43;
	v18 =	vcvt.s32.f32 v18;
	v17 =	vand.u32 $0x7FFFFFFF, v17  }
0x57: {  	v21 =	vand.u32 $0x7FFFFFFF, v21;
	v10 =	vadd.f32 v49, v10;
	v16 =	vadd.f32 v23, v16  }
0x58: {  	v11 =	vand.u32 $0x7FFFFFFF, v11;
	v23 =	vld [tilespmem:s17+$0xFFFFFDF0];
	v14 =	vadd.f32 v14, v2;
	v17 =	vadd.f32 v17, v19  }
0x59: {  	v59 =	vld [tilespmem:s17+$0xFFFFFE70];
	v20 =	vsub.s32 v20, v9;
	v18 =	vadd.f32 v18, v6;
	v10 =	vadd.f32 v11, v10  }
0x5a: {  	v11 =	vadd.f32 v12, v6;
	v20 =	vcvt.s32.f32 v20;
	v15 =	vadd.f32 v15, v16  }
0x5b: {  	v14 =	vand.u32 $0x7FFFFFFF, v14;
	v53 =	vand.u32 $0x7FFFFFFF, v18;
	v18 =	vld [tilespmem:s17+$0xFFFFFE10];
	v19 =	vsub.s32 v22, v25  }
0x5c: {  	v22 =	vld [tilespmem:s17+$0xFFFFFE40];
	v14 =	vadd.f32 v14, v17;
	v11 =	vand.u32 $0x7FFFFFFF, v11;
	v20 =	vadd.f32 v20, v7  }
0x5d: {  	v61 =	vld [tilespmem:s17+$0xFFFFFE90];
	v19 =	vcvt.s32.f32 v19;
	v15 =	vadd.f32 v53, v15;
	v13 =	vsub.s32 v51, v23  }
0x5e: {  	v10 =	vadd.f32 v11, v10;
	v11 =	vld [tilespmem:s17+$0xFFFFFDB0];
	v23 =	vsub.s32 v23, v59;
	v13 =	vcvt.s32.f32 v13  }
0x5f: {  	v56 =	vld [tilespmem:s17+$0xFFFFFE30];
	v20 =	vand.u32 $0x7FFFFFFF, v20;
	v55 =	vadd.f32 v19, v4;
	v23 =	vcvt.s32.f32 v23  }
0x60: {  	v19 =	vld [tilespmem:s17+$0xFFFFFE60];
	v10 =	vadd.f32 v20, v10;
	v13 =	vadd.f32 v13, v3;
	v12 =	vsub.s32 v52, v18  }
0x61: {  	v29 =	vld [tilespmem:s17+$0xFFFFFEE0];
	v57 =	vand.u32 $0x7FFFFFFF, v55;
	v20 =	vsub.s32 v24, v22;
	v23 =	vadd.f32 v23, v3  }
0x62: {  	v62 =	vld [tilespmem:s17+$0xFFFFFEB0];
	v18 =	vsub.s32 v18, v61;
	v12 =	vcvt.s32.f32 v12;
	v20 =	vcvt.s32.f32 v20  }
0x63: {  	v18 =	vcvt.s32.f32 v18;
	v9 =	vsub.s32 v9, v11;
	v13 =	vand.u32 $0x7FFFFFFF, v13  }
0x64: {  	v11 =	vsub.s32 v11, v56;
	v23 =	vand.u32 $0x7FFFFFFF, v23;
	v9 =	vcvt.s32.f32 v9  }
0x65: {  	v24 =	vld [tilespmem:s17+$0xFFFFFE80];
	v13 =	vadd.f32 v13, v14;
	v12 =	vadd.f32 v12, v5;
	v26 =	vsub.s32 v27, v19  }
0x66: {  	v20 =	vadd.f32 v20, v0;
	v11 =	vcvt.s32.f32 v11;
	v18 =	vadd.f32 v18, v5  }
0x67: {  	v19 =	vsub.s32 v19, v29;
	v14 =	vsub.s32 v56, v62;
	v26 =	vcvt.s32.f32 v26  }
0x68: {  	v19 =	vcvt.s32.f32 v19;
	v14 =	vcvt.s32.f32 v14;
	v9 =	vadd.f32 v9, v7  }
0x69: {  	v13 =	vadd.f32 v57, v13;
	v20 =	vand.u32 $0x7FFFFFFF, v20;
	v26 =	vadd.f32 v26, v2  }
0x6a: {  	v27 =	vld [tilespmem:s17+$0xFFFFFEA0];
	v12 =	vand.u32 $0x7FFFFFFF, v12;
	v25 =	vsub.s32 v25, v24;
	v20 =	vadd.f32 v21, v20  }
0x6b: {  	v11 =	vadd.f32 v11, v7;
	v18 =	vand.u32 $0x7FFFFFFF, v18;
	v21 =	vand.u32 $0x7FFFFFFF, v26;
	v26 =	vld [tilespmem:s17+$0xFFFFFEC0]  }
0x6c: {  	v25 =	vcvt.s32.f32 v25;
	v19 =	vadd.f32 v19, v2;
	v20 =	vadd.f32 v21, v20;
	v21 =	vld [tilespmem:s17+$0xFFFFFED0]  }
0x6d: {  	v14 =	vadd.f32 v14, v7;
	v9 =	vand.u32 $0x7FFFFFFF, v9;
	v12 =	vadd.f32 v12, v13  }
0x6e: {  	v63 =	vld [tilespmem:s17+$0xFFFFFF00];
	v9 =	vadd.f32 v9, v15;
	v15 =	vcvt.s32.f32 v58;
	v25 =	vadd.f32 v25, v4  }
0x6f: {  	v33 =	vld [tilespmem:s17+$0xFFFFFF30];
	v11 =	vand.u32 $0x7FFFFFFF, v11;
	v19 =	vand.u32 $0x7FFFFFFF, v19;
	v14 =	vand.u32 $0x7FFFFFFF, v14  }
0x70: {  	v30 =	vld [tilespmem:s17+$0xFFFFFF20];
	v60 =	vadd.f32 v15, v6;
	v25 =	vand.u32 $0x7FFFFFFF, v25;
	v20 =	vadd.f32 v23, v20  }
0x71: {  	v51 =	vld [tilespmem:s17+$0x140];
	v23 =	vsub.s32 v28, v27;
	v22 =	vsub.s32 v22, v26;
	v17 =	vsub.s32 v54, v21  }
0x72: {  	v57 =	vld [tilespmem:s17+$0x1C0];
	v13 =	vand.u32 $0x7FFFFFFF, v60;
	v22 =	vcvt.s32.f32 v22;
	v17 =	vcvt.s32.f32 v17  }
0x73: {  	v23 =	vcvt.s32.f32 v23;
	v12 =	vadd.f32 v13, v12;
	v20 =	vadd.f32 v25, v20;
	v25 =	vld [tilespmem:s17+$0xFFFFFEF0]  }
0x74: {  	v13 =	vsub.s32 v62, v33;
	v22 =	vadd.f32 v22, v0;
	v17 =	vadd.f32 v17, v1  }
0x75: {  	v35 =	vsub.s32 v27, v30;
	v23 =	vadd.f32 v23, v6;
	v13 =	vcvt.s32.f32 v13  }
0x76: {  	v40 =	vld [tilespmem:s17+$0xFFFFFFB0];
	v18 =	vadd.f32 v18, v20;
	v22 =	vand.u32 $0x7FFFFFFF, v22;
	v17 =	vand.u32 $0x7FFFFFFF, v17  }
0x77: {  	v20 =	vand.u32 $0x7FFFFFFF, v23;
	v23 =	vld [tilespmem:s17+$0xFFFFFF10];
	v17 =	vadd.f32 v17, v22;
	v22 =	vsub.s32 v24, v63  }
0x78: {  	v28 =	vsub.s32 v51, v57;
	v16 =	vsub.s32 v59, v25;
	v24 =	vld [tilespmem:s17+$0xFFFFFF40];
	v22 =	vcvt.s32.f32 v22  }
0x79: {  	v13 =	vadd.f32 v13, v7;
	v16 =	vcvt.s32.f32 v16;
	v17 =	vadd.f32 v19, v17;
	v19 =	vld [tilespmem:s17+$0xFFFFFF50]  }
0x7a: {  	v28 =	vcvt.s32.f32 v28;
	v18 =	vadd.f32 v20, v18;
	v20 =	vadd.f32 v22, v4;
	v22 =	vld [tilespmem:s17+$0xFFFFFF60]  }
0x7b: {  	v12 =	vadd.f32 v11, v12;
	v13 =	vand.u32 $0x7FFFFFFF, v13;
	v16 =	vadd.f32 v16, v3  }
0x7c: {  	v37 =	vld [tilespmem:s17+$0xFFFFFF90];
	v11 =	vadd.f32 v14, v18;
	v14 =	vsub.s32 v33, v40;
	v15 =	vsub.s32 v61, v23  }
0x7d: {  	v18 =	vld [tilespmem:s17+$0xFFFFFF70];
	v14 =	vcvt.s32.f32 v14;
	v15 =	vcvt.s32.f32 v15;
	v16 =	vand.u32 $0x7FFFFFFF, v16  }
0x7e: {  	v34 =	vand.u32 $0x7FFFFFFF, v20;
	v20 =	vsub.s32 v26, v24;
	v21 =	vsub.s32 v21, v19  }
0x7f: {  	v26 =	vld [tilespmem:s17+$0xFFFFFF80];
	v20 =	vcvt.s32.f32 v20;
	v21 =	vcvt.s32.f32 v21;
	v27 =	vsub.s32 v29, v22  }
0x80: {  	v14 =	vadd.f32 v14, v7;
	v16 =	vadd.f32 v16, v17;
	v27 =	vcvt.s32.f32 v27  }
0x81: {  	v23 =	vsub.s32 v23, v37;
	v20 =	vadd.f32 v20, v0;
	v21 =	vadd.f32 v21, v1  }
0x82: {  	v39 =	vld [tilespmem:s17+$0xFFFFFFC0];
	v15 =	vadd.f32 v15, v5;
	v25 =	vsub.s32 v25, v18;
	v27 =	vadd.f32 v27, v2  }
0x83: {  	v25 =	vcvt.s32.f32 v25;
	v20 =	vand.u32 $0x7FFFFFFF, v20;
	v21 =	vand.u32 $0x7FFFFFFF, v21  }
0x84: {  	v38 =	vld [tilespmem:s17+$0xFFFFFFA0];
	v20 =	vadd.f32 v21, v20;
	v21 =	vand.u32 $0x7FFFFFFF, v27;
	v27 =	vsub.s32 v63, v26  }
0x85: {  	v31 =	vld [tilespmem:s17+$0xFFFFFFE0];
	v17 =	vcvt.s32.f32 v35;
	v25 =	vadd.f32 v25, v3;
	v27 =	vcvt.s32.f32 v27  }
0x86: {  	v33 =	vand.u32 $0x7FFFFFFF, v14;
	v20 =	vadd.f32 v21, v20;
	v21 =	vcvt.s32.f32 v23;
	v23 =	vld [tilespmem:s17+$0xFFFFFFD0]  }
0x87: {  	v24 =	vsub.s32 v24, v39;
	v25 =	vand.u32 $0x7FFFFFFF, v25;
	v27 =	vadd.f32 v27, v4  }
0x88: {  	v16 =	vadd.f32 v34, v16;
	v15 =	vand.u32 $0x7FFFFFFF, v15;
	v20 =	vadd.f32 v25, v20  }
0x89: {  	v36 =	vadd.f32 v17, v6;
	v24 =	vcvt.s32.f32 v24;
	v27 =	vand.u32 $0x7FFFFFFF, v27  }
0x8a: {  	v15 =	vadd.f32 v15, v16;
	v25 =	vsub.s32 v30, v38;
	v20 =	vadd.f32 v27, v20;
	v27 =	vld [tilespmem:s17+$0xFFFFFFF0]  }
0x8b: {  	v22 =	vsub.s32 v22, v31;
	v25 =	vcvt.s32.f32 v25;
	v19 =	vsub.s32 v19, v23  }
0x8c: {  	v24 =	vadd.f32 v24, v0;
	v21 =	vadd.f32 v21, v5;
	v19 =	vcvt.s32.f32 v19  }
0x8d: {  	v16 =	vand.u32 $0x7FFFFFFF, v36;
	v22 =	vcvt.s32.f32 v22;
	v25 =	vadd.f32 v25, v6  }
0x8e: {  	v42 =	vld [tilespmem:s17+$0x30];
	v24 =	vand.u32 $0x7FFFFFFF, v24;
	v21 =	vand.u32 $0x7FFFFFFF, v21;
	v19 =	vadd.f32 v19, v1  }
0x8f: {  	v20 =	vadd.f32 v21, v20;
	v21 =	vand.u32 $0x7FFFFFFF, v25;
	v25 =	vld [tilespmem:s17+$0x10];
	v18 =	vsub.s32 v18, v27  }
0x90: {  	v22 =	vadd.f32 v22, v2;
	v19 =	vand.u32 $0x7FFFFFFF, v19;
	v18 =	vcvt.s32.f32 v18  }
0x91: {  	v32 =	vld [tilespmem:s17+$0x20];
	v15 =	vadd.f32 v16, v15;
	v19 =	vadd.f32 v19, v24;
	v24 =	vsub.s32 v26, v41  }
0x92: {  	v22 =	vand.u32 $0x7FFFFFFF, v22;
	v26 =	vld [tilespmem:s17+$0x40];
	v18 =	vadd.f32 v18, v3;
	v24 =	vcvt.s32.f32 v24  }
0x93: {  	v16 =	vsub.s32 v40, v42;
	v20 =	vadd.f32 v21, v20;
	v19 =	vadd.f32 v22, v19;
	v22 =	vld [tilespmem:s17+$0x50]  }
0x94: {  	v17 =	vsub.s32 v37, v25;
	v18 =	vand.u32 $0x7FFFFFFF, v18;
	v21 =	vadd.f32 v24, v4  }
0x95: {  	v16 =	vcvt.s32.f32 v16;
	v17 =	vcvt.s32.f32 v17;
	v24 =	vld [tilespmem:s17+$0x60];
	v18 =	vadd.f32 v18, v19  }
0x96: {  	v14 =	vadd.f32 v13, v15;
	v13 =	vadd.f32 v33, v20;
	v19 =	vand.u32 $0x7FFFFFFF, v21  }
0x97: {  	v20 =	vld [tilespmem:s17+$0x70];
	v17 =	vadd.f32 v17, v5;
	v18 =	vadd.f32 v19, v18;
	v19 =	vsub.s32 v38, v32  }
0x98: {  	v21 =	vsub.s32 v39, v26;
	v19 =	vcvt.s32.f32 v19;
	v23 =	vsub.s32 v23, v22  }
0x99: {  	v17 =	vand.u32 $0x7FFFFFFF, v17;
	v21 =	vcvt.s32.f32 v21;
	v23 =	vcvt.s32.f32 v23  }
0x9a: {  	v44 =	vsub.s32 v31, v24;
	v17 =	vadd.f32 v17, v18;
	v18 =	vadd.f32 v19, v6;
	v19 =	vld [tilespmem:s17+$0x90]  }
0x9b: {  	v47 =	vld [tilespmem:s17+$0xC0];
	v21 =	vadd.f32 v21, v0;
	v29 =	vcvt.s32.f32 v44;
	v23 =	vadd.f32 v23, v1  }
0x9c: {  	v49 =	vld [tilespmem:s17+$0xF0];
	v28 =	vadd.f32 v28, v0;
	v16 =	vadd.f32 v16, v7;
	v27 =	vsub.s32 v27, v20  }
0x9d: {  	v48 =	vld [tilespmem:s17+$0xE0];
	v21 =	vand.u32 $0x7FFFFFFF, v21;
	v29 =	vadd.f32 v29, v2;
	v23 =	vand.u32 $0x7FFFFFFF, v23  }
0x9e: {  	v45 =	vld [tilespmem:s17+$0xA0];
	v27 =	vcvt.s32.f32 v27;
	v18 =	vand.u32 $0x7FFFFFFF, v18;
	v21 =	vadd.f32 v23, v21  }
0x9f: {  	v17 =	vadd.f32 v18, v17;
	v18 =	vld [tilespmem:s17+$0xB0];
	v23 =	vand.u32 $0x7FFFFFFF, v29;
	v25 =	vsub.s32 v25, v19  }
0xa0: {  	v27 =	vadd.f32 v27, v3;
	v21 =	vadd.f32 v23, v21;
	v23 =	vcvt.s32.f32 v25;
	v25 =	vld [tilespmem:s17+$0xD0]  }
0xa1: {  	v20 =	vsub.s32 v20, v49;
	v26 =	vsub.s32 v26, v47;
	v29 =	vcvt.s32.f32 v46  }
0xa2: {  	v26 =	vcvt.s32.f32 v26;
	v24 =	vsub.s32 v24, v48;
	v27 =	vand.u32 $0x7FFFFFFF, v27  }
0xa3: {  	v29 =	vadd.f32 v29, v4;
	v21 =	vadd.f32 v27, v21;
	v27 =	vsub.s32 v32, v45  }
0xa4: {  	v26 =	vadd.f32 v26, v0;
	v23 =	vadd.f32 v23, v5;
	v27 =	vcvt.s32.f32 v27  }
0xa5: {  	v29 =	vand.u32 $0x7FFFFFFF, v29;
	v15 =	vsub.s32 v42, v18;
	v22 =	vsub.s32 v22, v25  }
0xa6: {  	v21 =	vadd.f32 v29, v21;
	v27 =	vadd.f32 v27, v6;
	v22 =	vcvt.s32.f32 v22  }
0xa7: {  	v50 =	vld [tilespmem:s17+$0x100];
	v24 =	vcvt.s32.f32 v24;
	v15 =	vcvt.s32.f32 v15;
	v23 =	vand.u32 $0x7FFFFFFF, v23  }
0xa8: {  	v21 =	vadd.f32 v23, v21;
	v23 =	vand.u32 $0x7FFFFFFF, v27;
	v27 =	vld [tilespmem:s17+$0x110];
	v22 =	vadd.f32 v22, v1  }
0xa9: {  	v20 =	vcvt.s32.f32 v20;
	v26 =	vand.u32 $0x7FFFFFFF, v26;
	v15 =	vadd.f32 v15, v7  }
0xaa: {  	v54 =	vld [tilespmem:s17+$0x130];
	v24 =	vadd.f32 v24, v2;
	v21 =	vadd.f32 v23, v21;
	v22 =	vand.u32 $0x7FFFFFFF, v22  }
0xab: {  	v34 =	vld [tilespmem:s17+$0x120];
	v20 =	vadd.f32 v20, v3;
	v15 =	vand.u32 $0x7FFFFFFF, v15;
	v22 =	vadd.f32 v22, v26  }
0xac: {  	v24 =	vand.u32 $0x7FFFFFFF, v24;
	v15 =	vadd.f32 v15, v21;
	v21 =	vld [tilespmem:s17+$0x170];
	v26 =	vsub.s32 v43, v50  }
0xad: {  	v26 =	vcvt.s32.f32 v26;
	v19 =	vsub.s32 v19, v27;
	v22 =	vadd.f32 v24, v22;
	v24 =	vld [tilespmem:s17+$0x150]  }
0xae: {  	v16 =	vand.u32 $0x7FFFFFFF, v16;
	v20 =	vand.u32 $0x7FFFFFFF, v20;
	v19 =	vcvt.s32.f32 v19  }
0xaf: {  	v16 =	vadd.f32 v16, v17;
	v18 =	vsub.s32 v18, v54;
	v23 =	vadd.f32 v26, v4;
	v26 =	vld [tilespmem:s17+$0x160]  }
0xb0: {  	v20 =	vadd.f32 v20, v22;
	v19 =	vadd.f32 v19, v5;
	v22 =	vsub.s32 v47, v51  }
0xb1: {  	v61 =	vld [tilespmem:s17+$0x1F0];
	v29 =	vsub.s32 v49, v21;
	v52 =	vand.u32 $0x7FFFFFFF, v23;
	v22 =	vcvt.s32.f32 v22  }
0xb2: {  	v17 =	vadd.f32 v52, v20;
	v20 =	vsub.s32 v45, v34;
	v23 =	vsub.s32 v25, v24  }
0xb3: {  	v19 =	vand.u32 $0x7FFFFFFF, v19;
	v20 =	vcvt.s32.f32 v20;
	v25 =	vld [tilespmem:s17+$0x180];
	v23 =	vcvt.s32.f32 v23  }
0xb4: {  	v22 =	vadd.f32 v22, v0;
	v53 =	vsub.s32 v48, v26;
	v17 =	vadd.f32 v19, v17  }
0xb5: {  	v19 =	vadd.f32 v20, v6;
	v20 =	vld [tilespmem:s17+$0x190];
	v30 =	vcvt.s32.f32 v53;
	v23 =	vadd.f32 v23, v1  }
0xb6: {  	v18 =	vcvt.s32.f32 v18;
	v21 =	vsub.s32 v21, v61;
	v29 =	vcvt.s32.f32 v29  }
0xb7: {  	v22 =	vand.u32 $0x7FFFFFFF, v22;
	v30 =	vadd.f32 v30, v2;
	v23 =	vand.u32 $0x7FFFFFFF, v23  }
0xb8: {  	v55 =	vld [tilespmem:s17+$0x1A0];
	v29 =	vadd.f32 v29, v3;
	v56 =	vsub.s32 v50, v25;
	v22 =	vadd.f32 v23, v22  }
0xb9: {  	v59 =	vld [tilespmem:s17+$0x1E0];
	v19 =	vand.u32 $0x7FFFFFFF, v19;
	v23 =	vand.u32 $0x7FFFFFFF, v30;
	v30 =	vcvt.s32.f32 v56  }
0xba: {  	v17 =	vadd.f32 v19, v17;
	v27 =	vsub.s32 v27, v20;
	v19 =	vadd.f32 v23, v22;
	v23 =	vld [tilespmem:s17+$0x1D0]  }
0xbb: {  	v22 =	vcvt.s32.f32 v27;
	v27 =	vand.u32 $0x7FFFFFFF, v29;
	v58 =	vadd.f32 v30, v4  }
0xbc: {  	v18 =	vadd.f32 v18, v7;
	v21 =	vcvt.s32.f32 v21;
	v19 =	vadd.f32 v27, v19  }
0xbd: {  	v60 =	vld [tilespmem:s17+$0x1B0];
	v22 =	vadd.f32 v22, v5;
	v27 =	vsub.s32 v34, v55;
	v29 =	vand.u32 $0x7FFFFFFF, v58  }
0xbe: {  	v62 =	vld [tilespmem:s17+$0x210];
	v26 =	vsub.s32 v26, v59;
	v27 =	vcvt.s32.f32 v27;
	v19 =	vadd.f32 v29, v19  }
0xbf: {  	v26 =	vcvt.s32.f32 v26;
	v22 =	vand.u32 $0x7FFFFFFF, v22;
	v24 =	vsub.s32 v24, v23  }
0xc0: {  	v27 =	vadd.f32 v27, v6;
	v19 =	vadd.f32 v22, v19;
	v22 =	vld [tilespmem:s17+$0x200];
	v24 =	vcvt.s32.f32 v24  }
0xc1: {  	v28 =	vand.u32 $0x7FFFFFFF, v28;
	v18 =	vand.u32 $0x7FFFFFFF, v18;
	v21 =	vadd.f32 v21, v3  }
0xc2: {  	v26 =	vadd.f32 v26, v2;
	v27 =	vand.u32 $0x7FFFFFFF, v27;
	v24 =	vadd.f32 v24, v1  }
0xc3: {  	v20 =	vsub.s32 v20, v62;
	v19 =	vadd.f32 v27, v19;
	v27 =	vsub.s32 v54, v60  }
0xc4: {  	v63 =	vld [tilespmem:s17+$0x240];
	v20 =	vcvt.s32.f32 v20;
	v27 =	vcvt.s32.f32 v27;
	v24 =	vand.u32 $0x7FFFFFFF, v24  }
0xc5: {  	v40 =	vld [tilespmem:s17+$0x280];
	v26 =	vand.u32 $0x7FFFFFFF, v26;
	v24 =	vadd.f32 v24, v28;
	v25 =	vsub.s32 v25, v22  }
0xc6: {  	v35 =	vld [tilespmem:s17+$0x220];
	v20 =	vadd.f32 v20, v5;
	v27 =	vadd.f32 v27, v7;
	v25 =	vcvt.s32.f32 v25  }
0xc7: {  	v21 =	vand.u32 $0x7FFFFFFF, v21;
	v18 =	vadd.f32 v18, v17;
	v24 =	vadd.f32 v26, v24;
	v26 =	vld [tilespmem:s17+$0x250]  }
0xc8: {  	v20 =	vand.u32 $0x7FFFFFFF, v20;
	v27 =	vand.u32 $0x7FFFFFFF, v27;
	v25 =	vadd.f32 v25, v4  }
0xc9: {  	v17 =	vadd.f32 v27, v19;
	v27 =	vsub.s32 v57, v63;
	v21 =	vadd.f32 v21, v24;
	v24 =	vld [tilespmem:s17+$0x260]  }
0xca: {  	v36 =	vld [tilespmem:s17+$0x230];
	v22 =	vsub.s32 v22, v40;
	v27 =	vcvt.s32.f32 v27;
	v19 =	vand.u32 $0x7FFFFFFF, v25  }
0xcb: {  	v22 =	vcvt.s32.f32 v22;
	v25 =	vld [tilespmem:s17+$0x270];
	v19 =	vadd.f32 v19, v21;
	v21 =	vsub.s32 v55, v35  }
0xcc: {  	v27 =	vadd.f32 v27, v0;
	v21 =	vcvt.s32.f32 v21;
	v23 =	vsub.s32 v23, v26  }
0xcd: {  	v43 =	vld [tilespmem:s17+$0x2D0];
	v22 =	vadd.f32 v22, v4;
	v23 =	vcvt.s32.f32 v23;
	v19 =	vadd.f32 v20, v19  }
0xce: {  	v27 =	vand.u32 $0x7FFFFFFF, v27;
	v20 =	vadd.f32 v21, v6;
	v30 =	vsub.s32 v59, v24  }
0xcf: {  	v41 =	vld [tilespmem:s17+$0x290];
	v21 =	vsub.s32 v60, v36;
	v23 =	vadd.f32 v23, v1;
	v30 =	vcvt.s32.f32 v30  }
0xd0: {  	v21 =	vcvt.s32.f32 v21;
	v29 =	vsub.s32 v61, v25;
	v20 =	vand.u32 $0x7FFFFFFF, v20  }
0xd1: {  	v42 =	vld [tilespmem:s17+$0x2A0];
	v29 =	vcvt.s32.f32 v29;
	v23 =	vand.u32 $0x7FFFFFFF, v23;
	v30 =	vadd.f32 v30, v2  }
0xd2: {  	v26 =	vsub.s32 v26, v43;
	v19 =	vadd.f32 v20, v19;
	v20 =	vadd.f32 v23, v27;
	v23 =	vld [tilespmem:s17+$0x2C0]  }
0xd3: {  	v21 =	vadd.f32 v21, v7;
	v29 =	vadd.f32 v29, v3;
	v27 =	vand.u32 $0x7FFFFFFF, v30  }
0xd4: {  	v44 =	vld [tilespmem:s17+$0x2E0];
	v26 =	vcvt.s32.f32 v26;
	v20 =	vadd.f32 v27, v20;
	v27 =	vsub.s32 v62, v41  }
0xd5: {  	v21 =	vand.u32 $0x7FFFFFFF, v21;
	v29 =	vand.u32 $0x7FFFFFFF, v29;
	v27 =	vcvt.s32.f32 v27  }
0xd6: {  	v45 =	vld [tilespmem:s17+$0x2F0];
	v19 =	vadd.f32 v21, v19;
	v21 =	vand.u32 $0x7FFFFFFF, v22;
	v20 =	vadd.f32 v29, v20  }
0xd7: {  	v22 =	vadd.f32 v27, v5;
	v27 =	vsub.s32 v35, v42;
	v28 =	vsub.s32 v63, v23  }
0xd8: {  	v46 =	vld [tilespmem:s17+$0x2B0];
	v27 =	vcvt.s32.f32 v27;
	v28 =	vcvt.s32.f32 v28  }
0xd9: {  	v24 =	vsub.s32 v24, v44;
	v20 =	vadd.f32 v21, v20;
	v21 =	vand.u32 $0x7FFFFFFF, v22;
	v22 =	vld [tilespmem:s17+$0x300]  }
0xda: {  	v24 =	vcvt.s32.f32 v24;
	v27 =	vadd.f32 v27, v6;
	v28 =	vadd.f32 v28, v0  }
0xdb: {  	v37 =	vld [tilespmem:s17+$0x310];
	v25 =	vsub.s32 v25, v45;
	v20 =	vadd.f32 v21, v20;
	v21 =	vadd.f32 v26, v1  }
0xdc: {  	v47 =	vld [tilespmem:s17+$0x320];
	v25 =	vcvt.s32.f32 v25;
	v24 =	vadd.f32 v24, v2  }
0xdd: {  	v49 =	vld [tilespmem:s17+$0x340];
	v26 =	vand.u32 $0x7FFFFFFF, v27;
	v27 =	vand.u32 $0x7FFFFFFF, v28;
	v21 =	vand.u32 $0x7FFFFFFF, v21  }
0xde: {  	v36 =	vsub.s32 v36, v46;
	v21 =	vadd.f32 v21, v27;
	v27 =	vsub.s32 v40, v22  }
0xdf: {  	v25 =	vadd.f32 v25, v3;
	v24 =	vand.u32 $0x7FFFFFFF, v24;
	v27 =	vcvt.s32.f32 v27  }
0xe0: {  	v48 =	vcvt.s32.f32 v36;
	v21 =	vadd.f32 v24, v21;
	v24 =	vsub.s32 v41, v37  }
0xe1: {  	v50 =	vld [tilespmem:s17+$0x350];
	v25 =	vand.u32 $0x7FFFFFFF, v25;
	v24 =	vcvt.s32.f32 v24;
	v27 =	vadd.f32 v27, v4  }
0xe2: {  	v23 =	vsub.s32 v23, v49;
	v21 =	vadd.f32 v25, v21;
	v25 =	vsub.s32 v42, v47  }
0xe3: {  	v51 =	vld [tilespmem:s17+$0x360];
	v24 =	vadd.f32 v24, v5;
	v25 =	vcvt.s32.f32 v25;
	v27 =	vand.u32 $0x7FFFFFFF, v27  }
0xe4: {  	v52 =	vld [tilespmem:s17+$0x330];
	v32 =	vadd.f32 v48, v7;
	v23 =	vcvt.s32.f32 v23;
	v21 =	vadd.f32 v27, v21  }
0xe5: {  	v20 =	vadd.f32 v26, v20;
	v24 =	vand.u32 $0x7FFFFFFF, v24;
	v25 =	vadd.f32 v25, v6;
	v27 =	vld [tilespmem:s17+$0x370]  }
0xe6: {  	v26 =	vand.u32 $0x7FFFFFFF, v32;
	v21 =	vadd.f32 v24, v21;
	v24 =	vsub.s32 v43, v50  }
0xe7: {  	v26 =	vadd.f32 v26, v20;
	v20 =	vand.u32 $0x7FFFFFFF, v25;
	v25 =	vld [tilespmem:s17+$0x380];
	v24 =	vcvt.s32.f32 v24  }
0xe8: {  	v39 =	vld [tilespmem:s17+$0x3A0];
	v53 =	vadd.f32 v20, v21;
	v20 =	vadd.f32 v23, v0;
	v21 =	vsub.s32 v44, v51  }
0xe9: {  	v54 =	vld [tilespmem:s17+$0x390];
	v23 =	vsub.s32 v46, v52;
	v24 =	vadd.f32 v24, v1;
	v21 =	vcvt.s32.f32 v21  }
0xea: {  	v23 =	vcvt.s32.f32 v23;
	v29 =	vsub.s32 v45, v27;
	v20 =	vand.u32 $0x7FFFFFFF, v20  }
0xeb: {  	v29 =	vcvt.s32.f32 v29;
	v24 =	vand.u32 $0x7FFFFFFF, v24;
	v21 =	vadd.f32 v21, v2  }
0xec: {  	v23 =	vadd.f32 v23, v7;
	v22 =	vsub.s32 v22, v25;
	v24 =	vadd.f32 v24, v20;
	v20 =	vld [tilespmem:s17+$0x3C0]  }
0xed: {  	v28 =	vsub.s32 v47, v39;
	v22 =	vcvt.s32.f32 v22;
	v55 =	vand.u32 $0x7FFFFFFF, v21;
	v21 =	vld [tilespmem:s17+$0x3D0]  }
0xee: {  	v29 =	vadd.f32 v29, v3;
	v38 =	vand.u32 $0x7FFFFFFF, v23;
	v23 =	vsub.s32 v37, v54  }
0xef: {  	v24 =	vadd.f32 v55, v24;
	v22 =	vadd.f32 v22, v4;
	v56 =	vcvt.s32.f32 v23;
	v23 =	vld [tilespmem:s17+$0x3E0]  }
0xf0: {  	(xrf2) =	vadd.scan.msk.f32 $0xffff, v8;
	v8 =	vcvt.s32.f32 v28;
	v29 =	vand.u32 $0x7FFFFFFF, v29  }
0xf1: {  	v24 =	vadd.f32 v29, v24;
	v57 =	vand.u32 $0x7FFFFFFF, v22;
	v22 =	vld [tilespmem:s17+$0x3F0];
	v33 =	vsub.s32 v49, v20  }
0xf2: {  	v8 =	vadd.f32 v8, v6;
	v33 =	vcvt.s32.f32 v33;
	v36 =	vsub.s32 v50, v21  }
0xf3: {  	v35 =	vadd.f32 v56, v5;
	v29 =	vadd.f32 v57, v24;
	v24 =	vld [tilespmem:s17+$0x400];
	v36 =	vcvt.s32.f32 v36  }
0xf4: {  	v8 =	vand.u32 $0x7FFFFFFF, v8;
	v59 =	vsub.s32 v51, v23;
	v58 =	vadd.f32 v33, v0  }
0xf5: {  	(xrf2) =	vadd.scan.msk.f32 $0xffff, v10;
	v61 =	vld [tilespmem:s17+$0x3B0];
	v35 =	vand.u32 $0x7FFFFFFF, v35;
	v33 =	vcvt.s32.f32 v59;
	v60 =	vadd.f32 v36, v1  }
0xf6: {  	v10 =	vld [tilespmem:s17+$0x410];
	(xrf2) =	vadd.scan.msk.f32 $0xffff, v9;
	v29 =	vadd.f32 v35, v29;
	v27 =	vsub.s32 v27, v22;
	v28 =	vand.u32 $0x7FFFFFFF, v58  }
0xf7: {  	(xrf2) =	vadd.scan.msk.f32 $0xffff, v12;
	v33 =	vadd.f32 v33, v2;
	v27 =	vcvt.s32.f32 v27;
	v34 =	vand.u32 $0x7FFFFFFF, v60  }
0xf8: {  	v9 =	vld [tilespmem:s17+$0x420];
	(xrf2) =	vadd.scan.msk.f32 $0xffff, v11;
	v11 =	vadd.f32 v8, v29;
	v25 =	vsub.s32 v25, v24;
	v28 =	vadd.f32 v34, v28  }
0xf9: {  	v8 =	vld [tilespmem:s17+$0x430];
	v62 =	vand.u32 $0x7FFFFFFF, v33;
	v27 =	vadd.f32 v27, v3;
	v25 =	vcvt.s32.f32 v25  }
0xfa: {  	(xrf2) =	vadd.scan.msk.f32 $0xffff, v14;
	v33 =	vsub.s32 v52, v61;
	v12 =	vadd.f32 v62, v28  }
0xfb: {  	(xrf2) =	vadd.scan.msk.f32 $0xffff, v13;
	v63 =	vand.u32 $0x7FFFFFFF, v27;
	v25 =	vadd.f32 v25, v4;
	v27 =	vsub.s32 v54, v10  }
0xfc: {  	(xrf2) =	vadd.scan.msk.f32 $0xffff, v16;
	v30 =	vadd.f32 v38, v53;
	v13 =	vcvt.s32.f32 v33;
	v34 =	vcvt.s32.f32 v27  }
0xfd: {  	(xrf2) =	vadd.scan.msk.f32 $0xffff, v15;
	v12 =	vadd.f32 v63, v12;
	v36 =	vand.u32 $0x7FFFFFFF, v25;
	v25 =	vsub.s32 v39, v9  }
0xfe: {  	v37, _, _ =	vpop (xrf2);
	(xrf2) =	vadd.scan.msk.f32 $0xffff, v18;
	v18 =	vsub.s32 v61, v8;
	v14 =	vadd.f32 v34, v5;
	v38 =	vcvt.s32.f32 v25  }
0xff: {  	v13 =	vadd.f32 v13, v7;
	v18 =	vcvt.s32.f32 v18;
	v12 =	vadd.f32 v36, v12  }
0x100: {  	(xrf2) =	vadd.scan.msk.f32 $0xffff, v17;
	v14 =	vand.u32 $0x7FFFFFFF, v14;
	v16 =	vadd.f32 v38, v6  }
0x101: {  	v39, _, _ =	vpop (xrf2);
	(xrf2) =	vadd.scan.msk.f32 $0xffff, v19;
	v13 =	vand.u32 $0x7FFFFFFF, v13;
	v12 =	vadd.f32 v14, v12  }
0x102: {  	v40, _, _ =	vpop (xrf2);
	(xrf2) =	vadd.scan.msk.f32 $0xffff, v26;
	v11 =	vadd.f32 v13, v11;
	v42 =	vadd.f32 v18, v7;
	v41 =	vand.u32 $0x7FFFFFFF, v16  }
0x103: {  	v15 =	vbroadcast v37, $0xF;
	v17 =	vbroadcast v39, $0xF;
	v18, _, _ =	vpop (xrf2);
	(xrf2) =	vadd.scan.msk.f32 $0xffff, v30;
	v12 =	vadd.f32 v41, v12  }
0x104: {  	v14 =	vbroadcast v40, $0xF;
	v45, _, _ =	vpop (xrf2);
	(xrf2) =	vadd.scan.msk.f32 $0xffff, v11;
	v11 =	vand.u32 $0x7FFFFFFF, v42  }
0x105: {  	v43 =	vsel vm0, v15, v17;
	v44 =	vbroadcast v18, $0xF;
	v11 =	vadd.f32 v11, v12  }
0x106: {  	v46, _, _ =	vpop (xrf2);
	v13 =	vsel vm1, v43, v14;
	v47 =	vbroadcast v45, $0xF  }
0x107: {  	v48, _, _ =	vpop (xrf2);
	v13 =	vsel vm2, v13, v44;
	v49 =	vbroadcast v46, $0xF  }
0x108: {  	v13 =	vsel vm3, v13, v47;
	v12 =	vbroadcast v48, $0xF;
	v50, _, _ =	vpop (xrf2);
	(xrf2) =	vadd.scan.msk.f32 $0xffff, v11  }
0x109: {  	v13 =	vsel vm4, v13, v49;
	v14 =	vbroadcast v50, $0xF;
	v11, _, _ =	vpop (xrf2)  }
0x10a: {  	v12 =	vsel vm5, v13, v12;
	v51, _, _ =	vpop (xrf2);
	v11 =	vbroadcast v11, $0xF  }
0x10b: {  	v12 =	vsel vm6, v12, v14;
	v52, _, _ =	vpop (xrf2);
	v53 =	vbroadcast v51, $0xF  }
0x10c: {  	v54, _, _ =	vpop (xrf2);
	v11 =	vsel vm7, v12, v11;
	v55 =	vbroadcast v52, $0xF  }
0x10d: {  	v56, _, _ =	vpop (xrf2);
	v11 =	vsel vm8, v11, v53;
	v57 =	vbroadcast v54, $0xF  }
0x10e: {  	v58, _, _ =	vpop (xrf2);
	v11 =	vsel vm9, v11, v55;
	v59 =	vbroadcast v56, $0xF  }
0x10f: {  	p0 =	sne.s32 s18, $0x1C0;
	v60, _, _ =	vpop (xrf2);
	v11 =	vsel vm10, v11, v57;
	v61 =	vbroadcast v58, $0xF  }
.Ltmp0:
0x110: {  	v11 =	vsel vm11, v11, v59;
	v62 =	vbroadcast v60, $0xF;
	(pc) =	sbr.rel @p0 .LBB2_2-.Ltmp0, $4  }
0x111: {  	v11 =	vsel vm12, v11, v61  }
0x112: {  	v63, _, _ =	vpop (xrf2);
	v11 =	vsel vm13, v11, v62  }
0x113: {  	s19 =	sshra.s32 s18, $0x2;
	v11 =	vsel vm14, v11, v63  }
0x114: {  	s18 =	sadd.s32 $0x40, s18;
	s17 =	sadd.s32 $0x800, s17;
	[tilespmem:s19+$0x8C00] =	vst v11  }
0x115: {  	_ =	swait.ge [sflag:s13], $0x4400  }
0x116: {  	[sflag:s13] =	ssyncset.done $0x0  }
0x117: {  	[sflag:s13] =	ssyncadd.s32 $0xFFFFBC00  }
0x118: {  	v20 =	vld [tilespmem:$0x4400]  }
0x119: {  	v21 =	vld [tilespmem:$0x4410]  }
0x11a: {  	v23 =	vld [tilespmem:$0x4420]  }
0x11b: {  	v22 =	vld [tilespmem:$0x4430]  }
0x11c: {  	v24 =	vld [tilespmem:$0x4440]  }
0x11d: {  	v10 =	vld [tilespmem:$0x4450]  }
0x11e: {  	v9 =	vld [tilespmem:$0x4460]  }
0x11f: {  	s17 =	simm.s32 $0x0;
	s18 =	simm.s32 $0x4840;
	v8 =	vld [tilespmem:$0x4470]  }
.LBB2_4:
0x120: {  	v11 =	vld [tilespmem:s18+$0xFFFFFC40]  }
0x121: {  	v12 =	vld [tilespmem:s18+$0xFFFFFC50]  }
0x122: {  	v13 =	vld [tilespmem:s18+$0xFFFFFC60]  }
0x123: {  	v14 =	vld [tilespmem:s18+$0xFFFFFC70]  }
0x124: {  	v17 =	vld [tilespmem:s18+$0xFFFFFC80]  }
0x125: {  	v19 =	vld [tilespmem:s18+$0xFFFFFC90]  }
0x126: {  	v41 =	vld [tilespmem:s18+$0xFFFFFCD0]  }
0x127: {  	v42 =	vld [tilespmem:s18+$0xFFFFFD10]  }
0x128: {  	v25 =	vld [tilespmem:s18+$0xFFFFFD20]  }
0x129: {  	v26 =	vld [tilespmem:s18+$0xFFFFFDA0]  }
0x12a: {  	v28 =	vld [tilespmem:s18+$0xFFFFFE20];
	v15 =	vsub.s32 v11, v20;
	v16 =	vsub.s32 v12, v21;
	v18 =	vsub.s32 v13, v23  }
0x12b: {  	v48 =	vld [tilespmem:s18+$0xFFFFFD60];
	v20 =	vsub.s32 v14, v22;
	v10 =	vsub.s32 v19, v10;
	v15 =	vcvt.s32.f32 v15  }
0x12c: {  	v21 =	vld [tilespmem:s18+$0xFFFFFCA0];
	v12 =	vsub.s32 v41, v12;
	v16 =	vcvt.s32.f32 v16;
	v18 =	vcvt.s32.f32 v18  }
0x12d: {  	v22 =	vld [tilespmem:s18+$0xFFFFFCC0];
	v45 =	vsub.s32 v42, v19;
	v20 =	vcvt.s32.f32 v20;
	v10 =	vcvt.s32.f32 v10  }
0x12e: {  	v23 =	vld [tilespmem:s18+$0xFFFFFCE0];
	v12 =	vcvt.s32.f32 v12;
	v15 =	vadd.f32 v15, v0;
	v16 =	vadd.f32 v16, v1  }
0x12f: {  	v19 =	vld [tilespmem:s18+$0xFFFFFD40];
	v58 =	vsub.s32 v28, v26;
	v18 =	vadd.f32 v18, v2;
	v20 =	vadd.f32 v20, v3  }
0x130: {  	v46 =	vcvt.s32.f32 v45;
	v10 =	vadd.f32 v10, v5;
	v12 =	vadd.f32 v12, v1  }
0x131: {  	v47 =	vld [tilespmem:s18+$0xFFFFFD50];
	v15 =	vand.u32 $0x7FFFFFFF, v15;
	v16 =	vand.u32 $0x7FFFFFFF, v16;
	v40 =	vand.u32 $0x7FFFFFFF, v18  }
0x132: {  	v18 =	vsub.s32 v17, v24;
	v20 =	vand.u32 $0x7FFFFFFF, v20;
	v9 =	vsub.s32 v21, v9  }
0x133: {  	v11 =	vsub.s32 v22, v11;
	v13 =	vsub.s32 v23, v13;
	v50 =	vsub.s32 v25, v21  }
0x134: {  	v21 =	vsub.s32 v19, v22;
	v23 =	vsub.s32 v48, v23;
	v18 =	vcvt.s32.f32 v18  }
0x135: {  	v15 =	vadd.f32 v16, v15;
	v9 =	vcvt.s32.f32 v9;
	v11 =	vcvt.s32.f32 v11  }
0x136: {  	v13 =	vcvt.s32.f32 v13;
	v16 =	vsub.s32 v47, v41;
	v21 =	vcvt.s32.f32 v21  }
0x137: {  	v24 =	vld [tilespmem:s18+$0xFFFFFD00];
	v23 =	vcvt.s32.f32 v23;
	v15 =	vadd.f32 v40, v15;
	v18 =	vadd.f32 v18, v4  }
0x138: {  	v16 =	vcvt.s32.f32 v16;
	v9 =	vadd.f32 v9, v6;
	v11 =	vadd.f32 v11, v0  }
0x139: {  	v10 =	vand.u32 $0x7FFFFFFF, v10;
	v13 =	vadd.f32 v13, v2;
	v21 =	vadd.f32 v21, v0  }
0x13a: {  	v12 =	vand.u32 $0x7FFFFFFF, v12;
	v22 =	vld [tilespmem:s18+$0xFFFFFD80];
	v23 =	vadd.f32 v23, v2;
	v16 =	vadd.f32 v16, v1  }
0x13b: {  	v15 =	vadd.f32 v20, v15;
	v18 =	vand.u32 $0x7FFFFFFF, v18;
	v9 =	vand.u32 $0x7FFFFFFF, v9  }
0x13c: {  	v52 =	vld [tilespmem:s18+$0xFFFFFD90];
	v11 =	vand.u32 $0x7FFFFFFF, v11;
	v43 =	vand.u32 $0x7FFFFFFF, v13;
	v44 =	vsub.s32 v24, v17  }
0x13d: {  	v20 =	vld [tilespmem:s18+$0xFFFFFCB0];
	v21 =	vand.u32 $0x7FFFFFFF, v21;
	v11 =	vadd.f32 v12, v11;
	v13 =	vcvt.s32.f32 v44  }
0x13e: {  	v51 =	vld [tilespmem:s18+$0xFFFFFD70];
	v12 =	vcvt.s32.f32 v50;
	v16 =	vand.u32 $0x7FFFFFFF, v16;
	v15 =	vadd.f32 v18, v15  }
0x13f: {  	v18 =	vld [tilespmem:s18+$0xFFFFFCF0];
	v16 =	vadd.f32 v16, v21;
	v21 =	vand.u32 $0x7FFFFFFF, v23;
	v23 =	vsub.s32 v22, v24  }
0x140: {  	v24 =	vld [tilespmem:s18+$0xFFFFFDC0];
	v11 =	vadd.f32 v43, v11;
	v13 =	vadd.f32 v13, v4;
	v23 =	vcvt.s32.f32 v23  }
0x141: {  	v54 =	vld [tilespmem:s18+$0xFFFFFE50];
	v10 =	vadd.f32 v10, v15;
	v15 =	vsub.s32 v52, v42;
	v16 =	vadd.f32 v21, v16  }
0x142: {  	v21 =	vld [tilespmem:s18+$0xFFFFFDD0];
	v8 =	vsub.s32 v20, v8;
	v49 =	vand.u32 $0x7FFFFFFF, v13;
	v15 =	vcvt.s32.f32 v15  }
0x143: {  	v23 =	vadd.f32 v23, v4;
	v8 =	vcvt.s32.f32 v8;
	v9 =	vadd.f32 v9, v10  }
0x144: {  	v14 =	vsub.s32 v18, v14;
	v18 =	vsub.s32 v51, v18;
	v15 =	vadd.f32 v15, v5  }
0x145: {  	v23 =	vand.u32 $0x7FFFFFFF, v23;
	v19 =	vsub.s32 v24, v19;
	v14 =	vcvt.s32.f32 v14  }
0x146: {  	v27 =	vld [tilespmem:s18+$0xFFFFFDE0];
	v8 =	vadd.f32 v8, v7;
	v18 =	vcvt.s32.f32 v18;
	v19 =	vcvt.s32.f32 v19  }
0x147: {  	v15 =	vand.u32 $0x7FFFFFFF, v15;
	v17 =	vsub.s32 v21, v47;
	v21 =	vsub.s32 v54, v21  }
0x148: {  	v41 =	vld [tilespmem:s18+$0x0];
	v14 =	vadd.f32 v14, v3;
	v8 =	vand.u32 $0x7FFFFFFF, v8;
	v18 =	vadd.f32 v18, v3  }
0x149: {  	v43 =	vld [tilespmem:s18+$0x80];
	v17 =	vcvt.s32.f32 v17;
	v19 =	vadd.f32 v19, v0;
	v21 =	vcvt.s32.f32 v21  }
0x14a: {  	v8 =	vadd.f32 v8, v9;
	v10 =	vand.u32 $0x7FFFFFFF, v14;
	v18 =	vand.u32 $0x7FFFFFFF, v18  }
0x14b: {  	v14 =	vsub.s32 v27, v48;
	v17 =	vadd.f32 v17, v1;
	v21 =	vadd.f32 v21, v1  }
0x14c: {  	v9 =	vld [tilespmem:s18+$0xFFFFFD30];
	v19 =	vand.u32 $0x7FFFFFFF, v19;
	v10 =	vadd.f32 v10, v11;
	v11 =	vadd.f32 v46, v5  }
0x14d: {  	v16 =	vadd.f32 v18, v16;
	v18 =	vsub.s32 v26, v25;
	v14 =	vcvt.s32.f32 v14  }
0x14e: {  	v25 =	vld [tilespmem:s18+$0xFFFFFE00];
	v46 =	vsub.s32 v43, v41;
	v18 =	vcvt.s32.f32 v18;
	v17 =	vand.u32 $0x7FFFFFFF, v17  }
0x14f: {  	v21 =	vand.u32 $0x7FFFFFFF, v21;
	v10 =	vadd.f32 v49, v10;
	v16 =	vadd.f32 v23, v16  }
0x150: {  	v11 =	vand.u32 $0x7FFFFFFF, v11;
	v23 =	vld [tilespmem:s18+$0xFFFFFDF0];
	v14 =	vadd.f32 v14, v2;
	v17 =	vadd.f32 v17, v19  }
0x151: {  	v59 =	vld [tilespmem:s18+$0xFFFFFE70];
	v20 =	vsub.s32 v9, v20;
	v18 =	vadd.f32 v18, v6;
	v10 =	vadd.f32 v11, v10  }
0x152: {  	v11 =	vadd.f32 v12, v6;
	v20 =	vcvt.s32.f32 v20;
	v15 =	vadd.f32 v15, v16  }
0x153: {  	v14 =	vand.u32 $0x7FFFFFFF, v14;
	v53 =	vand.u32 $0x7FFFFFFF, v18;
	v18 =	vld [tilespmem:s18+$0xFFFFFE10];
	v19 =	vsub.s32 v25, v22  }
0x154: {  	v22 =	vld [tilespmem:s18+$0xFFFFFE40];
	v14 =	vadd.f32 v14, v17;
	v11 =	vand.u32 $0x7FFFFFFF, v11;
	v20 =	vadd.f32 v20, v7  }
0x155: {  	v61 =	vld [tilespmem:s18+$0xFFFFFE90];
	v19 =	vcvt.s32.f32 v19;
	v15 =	vadd.f32 v53, v15;
	v13 =	vsub.s32 v23, v51  }
0x156: {  	v10 =	vadd.f32 v11, v10;
	v11 =	vld [tilespmem:s18+$0xFFFFFDB0];
	v23 =	vsub.s32 v59, v23;
	v13 =	vcvt.s32.f32 v13  }
0x157: {  	v56 =	vld [tilespmem:s18+$0xFFFFFE30];
	v20 =	vand.u32 $0x7FFFFFFF, v20;
	v55 =	vadd.f32 v19, v4;
	v23 =	vcvt.s32.f32 v23  }
0x158: {  	v19 =	vld [tilespmem:s18+$0xFFFFFE60];
	v10 =	vadd.f32 v20, v10;
	v13 =	vadd.f32 v13, v3;
	v12 =	vsub.s32 v18, v52  }
0x159: {  	v29 =	vld [tilespmem:s18+$0xFFFFFEE0];
	v57 =	vand.u32 $0x7FFFFFFF, v55;
	v20 =	vsub.s32 v22, v24;
	v23 =	vadd.f32 v23, v3  }
0x15a: {  	v62 =	vld [tilespmem:s18+$0xFFFFFEB0];
	v18 =	vsub.s32 v61, v18;
	v12 =	vcvt.s32.f32 v12;
	v20 =	vcvt.s32.f32 v20  }
0x15b: {  	v18 =	vcvt.s32.f32 v18;
	v9 =	vsub.s32 v11, v9;
	v13 =	vand.u32 $0x7FFFFFFF, v13  }
0x15c: {  	v11 =	vsub.s32 v56, v11;
	v23 =	vand.u32 $0x7FFFFFFF, v23;
	v9 =	vcvt.s32.f32 v9  }
0x15d: {  	v24 =	vld [tilespmem:s18+$0xFFFFFE80];
	v13 =	vadd.f32 v13, v14;
	v12 =	vadd.f32 v12, v5;
	v26 =	vsub.s32 v19, v27  }
0x15e: {  	v20 =	vadd.f32 v20, v0;
	v11 =	vcvt.s32.f32 v11;
	v18 =	vadd.f32 v18, v5  }
0x15f: {  	v19 =	vsub.s32 v29, v19;
	v14 =	vsub.s32 v62, v56;
	v26 =	vcvt.s32.f32 v26  }
0x160: {  	v19 =	vcvt.s32.f32 v19;
	v14 =	vcvt.s32.f32 v14;
	v9 =	vadd.f32 v9, v7  }
0x161: {  	v13 =	vadd.f32 v57, v13;
	v20 =	vand.u32 $0x7FFFFFFF, v20;
	v26 =	vadd.f32 v26, v2  }
0x162: {  	v27 =	vld [tilespmem:s18+$0xFFFFFEA0];
	v12 =	vand.u32 $0x7FFFFFFF, v12;
	v25 =	vsub.s32 v24, v25;
	v20 =	vadd.f32 v21, v20  }
0x163: {  	v11 =	vadd.f32 v11, v7;
	v18 =	vand.u32 $0x7FFFFFFF, v18;
	v21 =	vand.u32 $0x7FFFFFFF, v26;
	v26 =	vld [tilespmem:s18+$0xFFFFFEC0]  }
0x164: {  	v25 =	vcvt.s32.f32 v25;
	v19 =	vadd.f32 v19, v2;
	v20 =	vadd.f32 v21, v20;
	v21 =	vld [tilespmem:s18+$0xFFFFFED0]  }
0x165: {  	v14 =	vadd.f32 v14, v7;
	v9 =	vand.u32 $0x7FFFFFFF, v9;
	v12 =	vadd.f32 v12, v13  }
0x166: {  	v63 =	vld [tilespmem:s18+$0xFFFFFF00];
	v9 =	vadd.f32 v9, v15;
	v15 =	vcvt.s32.f32 v58;
	v25 =	vadd.f32 v25, v4  }
0x167: {  	v33 =	vld [tilespmem:s18+$0xFFFFFF30];
	v11 =	vand.u32 $0x7FFFFFFF, v11;
	v19 =	vand.u32 $0x7FFFFFFF, v19;
	v14 =	vand.u32 $0x7FFFFFFF, v14  }
0x168: {  	v30 =	vld [tilespmem:s18+$0xFFFFFF20];
	v60 =	vadd.f32 v15, v6;
	v25 =	vand.u32 $0x7FFFFFFF, v25;
	v20 =	vadd.f32 v23, v20  }
0x169: {  	v51 =	vld [tilespmem:s18+$0x140];
	v23 =	vsub.s32 v27, v28;
	v22 =	vsub.s32 v26, v22;
	v17 =	vsub.s32 v21, v54  }
0x16a: {  	v57 =	vld [tilespmem:s18+$0x1C0];
	v13 =	vand.u32 $0x7FFFFFFF, v60;
	v22 =	vcvt.s32.f32 v22;
	v17 =	vcvt.s32.f32 v17  }
0x16b: {  	v23 =	vcvt.s32.f32 v23;
	v12 =	vadd.f32 v13, v12;
	v20 =	vadd.f32 v25, v20;
	v25 =	vld [tilespmem:s18+$0xFFFFFEF0]  }
0x16c: {  	v13 =	vsub.s32 v33, v62;
	v22 =	vadd.f32 v22, v0;
	v17 =	vadd.f32 v17, v1  }
0x16d: {  	v35 =	vsub.s32 v30, v27;
	v23 =	vadd.f32 v23, v6;
	v13 =	vcvt.s32.f32 v13  }
0x16e: {  	v40 =	vld [tilespmem:s18+$0xFFFFFFB0];
	v18 =	vadd.f32 v18, v20;
	v22 =	vand.u32 $0x7FFFFFFF, v22;
	v17 =	vand.u32 $0x7FFFFFFF, v17  }
0x16f: {  	v20 =	vand.u32 $0x7FFFFFFF, v23;
	v23 =	vld [tilespmem:s18+$0xFFFFFF10];
	v17 =	vadd.f32 v17, v22;
	v22 =	vsub.s32 v63, v24  }
0x170: {  	v28 =	vsub.s32 v57, v51;
	v16 =	vsub.s32 v25, v59;
	v24 =	vld [tilespmem:s18+$0xFFFFFF40];
	v22 =	vcvt.s32.f32 v22  }
0x171: {  	v13 =	vadd.f32 v13, v7;
	v16 =	vcvt.s32.f32 v16;
	v17 =	vadd.f32 v19, v17;
	v19 =	vld [tilespmem:s18+$0xFFFFFF50]  }
0x172: {  	v28 =	vcvt.s32.f32 v28;
	v18 =	vadd.f32 v20, v18;
	v20 =	vadd.f32 v22, v4;
	v22 =	vld [tilespmem:s18+$0xFFFFFF60]  }
0x173: {  	v12 =	vadd.f32 v11, v12;
	v13 =	vand.u32 $0x7FFFFFFF, v13;
	v16 =	vadd.f32 v16, v3  }
0x174: {  	v37 =	vld [tilespmem:s18+$0xFFFFFF90];
	v11 =	vadd.f32 v14, v18;
	v14 =	vsub.s32 v40, v33;
	v15 =	vsub.s32 v23, v61  }
0x175: {  	v18 =	vld [tilespmem:s18+$0xFFFFFF70];
	v14 =	vcvt.s32.f32 v14;
	v15 =	vcvt.s32.f32 v15;
	v16 =	vand.u32 $0x7FFFFFFF, v16  }
0x176: {  	v34 =	vand.u32 $0x7FFFFFFF, v20;
	v20 =	vsub.s32 v24, v26;
	v21 =	vsub.s32 v19, v21  }
0x177: {  	v26 =	vld [tilespmem:s18+$0xFFFFFF80];
	v20 =	vcvt.s32.f32 v20;
	v21 =	vcvt.s32.f32 v21;
	v27 =	vsub.s32 v22, v29  }
0x178: {  	v14 =	vadd.f32 v14, v7;
	v16 =	vadd.f32 v16, v17;
	v27 =	vcvt.s32.f32 v27  }
0x179: {  	v23 =	vsub.s32 v37, v23;
	v20 =	vadd.f32 v20, v0;
	v21 =	vadd.f32 v21, v1  }
0x17a: {  	v39 =	vld [tilespmem:s18+$0xFFFFFFC0];
	v15 =	vadd.f32 v15, v5;
	v25 =	vsub.s32 v18, v25;
	v27 =	vadd.f32 v27, v2  }
0x17b: {  	v25 =	vcvt.s32.f32 v25;
	v20 =	vand.u32 $0x7FFFFFFF, v20;
	v21 =	vand.u32 $0x7FFFFFFF, v21  }
0x17c: {  	v38 =	vld [tilespmem:s18+$0xFFFFFFA0];
	v20 =	vadd.f32 v21, v20;
	v21 =	vand.u32 $0x7FFFFFFF, v27;
	v27 =	vsub.s32 v26, v63  }
0x17d: {  	v31 =	vld [tilespmem:s18+$0xFFFFFFE0];
	v17 =	vcvt.s32.f32 v35;
	v25 =	vadd.f32 v25, v3;
	v27 =	vcvt.s32.f32 v27  }
0x17e: {  	v33 =	vand.u32 $0x7FFFFFFF, v14;
	v20 =	vadd.f32 v21, v20;
	v21 =	vcvt.s32.f32 v23;
	v23 =	vld [tilespmem:s18+$0xFFFFFFD0]  }
0x17f: {  	v24 =	vsub.s32 v39, v24;
	v25 =	vand.u32 $0x7FFFFFFF, v25;
	v27 =	vadd.f32 v27, v4  }
0x180: {  	v16 =	vadd.f32 v34, v16;
	v15 =	vand.u32 $0x7FFFFFFF, v15;
	v20 =	vadd.f32 v25, v20  }
0x181: {  	v36 =	vadd.f32 v17, v6;
	v24 =	vcvt.s32.f32 v24;
	v27 =	vand.u32 $0x7FFFFFFF, v27  }
0x182: {  	v15 =	vadd.f32 v15, v16;
	v25 =	vsub.s32 v38, v30;
	v20 =	vadd.f32 v27, v20;
	v27 =	vld [tilespmem:s18+$0xFFFFFFF0]  }
0x183: {  	v22 =	vsub.s32 v31, v22;
	v25 =	vcvt.s32.f32 v25;
	v19 =	vsub.s32 v23, v19  }
0x184: {  	v24 =	vadd.f32 v24, v0;
	v21 =	vadd.f32 v21, v5;
	v19 =	vcvt.s32.f32 v19  }
0x185: {  	v16 =	vand.u32 $0x7FFFFFFF, v36;
	v22 =	vcvt.s32.f32 v22;
	v25 =	vadd.f32 v25, v6  }
0x186: {  	v42 =	vld [tilespmem:s18+$0x30];
	v24 =	vand.u32 $0x7FFFFFFF, v24;
	v21 =	vand.u32 $0x7FFFFFFF, v21;
	v19 =	vadd.f32 v19, v1  }
0x187: {  	v20 =	vadd.f32 v21, v20;
	v21 =	vand.u32 $0x7FFFFFFF, v25;
	v25 =	vld [tilespmem:s18+$0x10];
	v18 =	vsub.s32 v27, v18  }
0x188: {  	v22 =	vadd.f32 v22, v2;
	v19 =	vand.u32 $0x7FFFFFFF, v19;
	v18 =	vcvt.s32.f32 v18  }
0x189: {  	v32 =	vld [tilespmem:s18+$0x20];
	v15 =	vadd.f32 v16, v15;
	v19 =	vadd.f32 v19, v24;
	v24 =	vsub.s32 v41, v26  }
0x18a: {  	v22 =	vand.u32 $0x7FFFFFFF, v22;
	v26 =	vld [tilespmem:s18+$0x40];
	v18 =	vadd.f32 v18, v3;
	v24 =	vcvt.s32.f32 v24  }
0x18b: {  	v16 =	vsub.s32 v42, v40;
	v20 =	vadd.f32 v21, v20;
	v19 =	vadd.f32 v22, v19;
	v22 =	vld [tilespmem:s18+$0x50]  }
0x18c: {  	v17 =	vsub.s32 v25, v37;
	v18 =	vand.u32 $0x7FFFFFFF, v18;
	v21 =	vadd.f32 v24, v4  }
0x18d: {  	v16 =	vcvt.s32.f32 v16;
	v17 =	vcvt.s32.f32 v17;
	v24 =	vld [tilespmem:s18+$0x60];
	v18 =	vadd.f32 v18, v19  }
0x18e: {  	v14 =	vadd.f32 v13, v15;
	v13 =	vadd.f32 v33, v20;
	v19 =	vand.u32 $0x7FFFFFFF, v21  }
0x18f: {  	v20 =	vld [tilespmem:s18+$0x70];
	v17 =	vadd.f32 v17, v5;
	v18 =	vadd.f32 v19, v18;
	v19 =	vsub.s32 v32, v38  }
0x190: {  	v21 =	vsub.s32 v26, v39;
	v19 =	vcvt.s32.f32 v19;
	v23 =	vsub.s32 v22, v23  }
0x191: {  	v17 =	vand.u32 $0x7FFFFFFF, v17;
	v21 =	vcvt.s32.f32 v21;
	v23 =	vcvt.s32.f32 v23  }
0x192: {  	v44 =	vsub.s32 v24, v31;
	v17 =	vadd.f32 v17, v18;
	v18 =	vadd.f32 v19, v6;
	v19 =	vld [tilespmem:s18+$0x90]  }
0x193: {  	v47 =	vld [tilespmem:s18+$0xC0];
	v21 =	vadd.f32 v21, v0;
	v29 =	vcvt.s32.f32 v44;
	v23 =	vadd.f32 v23, v1  }
0x194: {  	v49 =	vld [tilespmem:s18+$0xF0];
	v28 =	vadd.f32 v28, v0;
	v16 =	vadd.f32 v16, v7;
	v27 =	vsub.s32 v20, v27  }
0x195: {  	v48 =	vld [tilespmem:s18+$0xE0];
	v21 =	vand.u32 $0x7FFFFFFF, v21;
	v29 =	vadd.f32 v29, v2;
	v23 =	vand.u32 $0x7FFFFFFF, v23  }
0x196: {  	v45 =	vld [tilespmem:s18+$0xA0];
	v27 =	vcvt.s32.f32 v27;
	v18 =	vand.u32 $0x7FFFFFFF, v18;
	v21 =	vadd.f32 v23, v21  }
0x197: {  	v17 =	vadd.f32 v18, v17;
	v18 =	vld [tilespmem:s18+$0xB0];
	v23 =	vand.u32 $0x7FFFFFFF, v29;
	v25 =	vsub.s32 v19, v25  }
0x198: {  	v27 =	vadd.f32 v27, v3;
	v21 =	vadd.f32 v23, v21;
	v23 =	vcvt.s32.f32 v25;
	v25 =	vld [tilespmem:s18+$0xD0]  }
0x199: {  	v20 =	vsub.s32 v49, v20;
	v26 =	vsub.s32 v47, v26;
	v29 =	vcvt.s32.f32 v46  }
0x19a: {  	v26 =	vcvt.s32.f32 v26;
	v24 =	vsub.s32 v48, v24;
	v27 =	vand.u32 $0x7FFFFFFF, v27  }
0x19b: {  	v29 =	vadd.f32 v29, v4;
	v21 =	vadd.f32 v27, v21;
	v27 =	vsub.s32 v45, v32  }
0x19c: {  	v26 =	vadd.f32 v26, v0;
	v23 =	vadd.f32 v23, v5;
	v27 =	vcvt.s32.f32 v27  }
0x19d: {  	v29 =	vand.u32 $0x7FFFFFFF, v29;
	v15 =	vsub.s32 v18, v42;
	v22 =	vsub.s32 v25, v22  }
0x19e: {  	v21 =	vadd.f32 v29, v21;
	v27 =	vadd.f32 v27, v6;
	v22 =	vcvt.s32.f32 v22  }
0x19f: {  	v50 =	vld [tilespmem:s18+$0x100];
	v24 =	vcvt.s32.f32 v24;
	v15 =	vcvt.s32.f32 v15;
	v23 =	vand.u32 $0x7FFFFFFF, v23  }
0x1a0: {  	v21 =	vadd.f32 v23, v21;
	v23 =	vand.u32 $0x7FFFFFFF, v27;
	v27 =	vld [tilespmem:s18+$0x110];
	v22 =	vadd.f32 v22, v1  }
0x1a1: {  	v20 =	vcvt.s32.f32 v20;
	v26 =	vand.u32 $0x7FFFFFFF, v26;
	v15 =	vadd.f32 v15, v7  }
0x1a2: {  	v54 =	vld [tilespmem:s18+$0x130];
	v24 =	vadd.f32 v24, v2;
	v21 =	vadd.f32 v23, v21;
	v22 =	vand.u32 $0x7FFFFFFF, v22  }
0x1a3: {  	v34 =	vld [tilespmem:s18+$0x120];
	v20 =	vadd.f32 v20, v3;
	v15 =	vand.u32 $0x7FFFFFFF, v15;
	v22 =	vadd.f32 v22, v26  }
0x1a4: {  	v24 =	vand.u32 $0x7FFFFFFF, v24;
	v15 =	vadd.f32 v15, v21;
	v21 =	vld [tilespmem:s18+$0x170];
	v26 =	vsub.s32 v50, v43  }
0x1a5: {  	v26 =	vcvt.s32.f32 v26;
	v19 =	vsub.s32 v27, v19;
	v22 =	vadd.f32 v24, v22;
	v24 =	vld [tilespmem:s18+$0x150]  }
0x1a6: {  	v16 =	vand.u32 $0x7FFFFFFF, v16;
	v20 =	vand.u32 $0x7FFFFFFF, v20;
	v19 =	vcvt.s32.f32 v19  }
0x1a7: {  	v16 =	vadd.f32 v16, v17;
	v18 =	vsub.s32 v54, v18;
	v23 =	vadd.f32 v26, v4;
	v26 =	vld [tilespmem:s18+$0x160]  }
0x1a8: {  	v20 =	vadd.f32 v20, v22;
	v19 =	vadd.f32 v19, v5;
	v22 =	vsub.s32 v51, v47  }
0x1a9: {  	v61 =	vld [tilespmem:s18+$0x1F0];
	v29 =	vsub.s32 v21, v49;
	v52 =	vand.u32 $0x7FFFFFFF, v23;
	v22 =	vcvt.s32.f32 v22  }
0x1aa: {  	v17 =	vadd.f32 v52, v20;
	v20 =	vsub.s32 v34, v45;
	v23 =	vsub.s32 v24, v25  }
0x1ab: {  	v19 =	vand.u32 $0x7FFFFFFF, v19;
	v20 =	vcvt.s32.f32 v20;
	v25 =	vld [tilespmem:s18+$0x180];
	v23 =	vcvt.s32.f32 v23  }
0x1ac: {  	v22 =	vadd.f32 v22, v0;
	v53 =	vsub.s32 v26, v48;
	v17 =	vadd.f32 v19, v17  }
0x1ad: {  	v19 =	vadd.f32 v20, v6;
	v20 =	vld [tilespmem:s18+$0x190];
	v30 =	vcvt.s32.f32 v53;
	v23 =	vadd.f32 v23, v1  }
0x1ae: {  	v18 =	vcvt.s32.f32 v18;
	v21 =	vsub.s32 v61, v21;
	v29 =	vcvt.s32.f32 v29  }
0x1af: {  	v22 =	vand.u32 $0x7FFFFFFF, v22;
	v30 =	vadd.f32 v30, v2;
	v23 =	vand.u32 $0x7FFFFFFF, v23  }
0x1b0: {  	v55 =	vld [tilespmem:s18+$0x1A0];
	v29 =	vadd.f32 v29, v3;
	v56 =	vsub.s32 v25, v50;
	v22 =	vadd.f32 v23, v22  }
0x1b1: {  	v59 =	vld [tilespmem:s18+$0x1E0];
	v19 =	vand.u32 $0x7FFFFFFF, v19;
	v23 =	vand.u32 $0x7FFFFFFF, v30;
	v30 =	vcvt.s32.f32 v56  }
0x1b2: {  	v17 =	vadd.f32 v19, v17;
	v27 =	vsub.s32 v20, v27;
	v19 =	vadd.f32 v23, v22;
	v23 =	vld [tilespmem:s18+$0x1D0]  }
0x1b3: {  	v22 =	vcvt.s32.f32 v27;
	v27 =	vand.u32 $0x7FFFFFFF, v29;
	v58 =	vadd.f32 v30, v4  }
0x1b4: {  	v18 =	vadd.f32 v18, v7;
	v21 =	vcvt.s32.f32 v21;
	v19 =	vadd.f32 v27, v19  }
0x1b5: {  	v60 =	vld [tilespmem:s18+$0x1B0];
	v22 =	vadd.f32 v22, v5;
	v27 =	vsub.s32 v55, v34;
	v29 =	vand.u32 $0x7FFFFFFF, v58  }
0x1b6: {  	v62 =	vld [tilespmem:s18+$0x210];
	v26 =	vsub.s32 v59, v26;
	v27 =	vcvt.s32.f32 v27;
	v19 =	vadd.f32 v29, v19  }
0x1b7: {  	v26 =	vcvt.s32.f32 v26;
	v22 =	vand.u32 $0x7FFFFFFF, v22;
	v24 =	vsub.s32 v23, v24  }
0x1b8: {  	v27 =	vadd.f32 v27, v6;
	v19 =	vadd.f32 v22, v19;
	v22 =	vld [tilespmem:s18+$0x200];
	v24 =	vcvt.s32.f32 v24  }
0x1b9: {  	v28 =	vand.u32 $0x7FFFFFFF, v28;
	v18 =	vand.u32 $0x7FFFFFFF, v18;
	v21 =	vadd.f32 v21, v3  }
0x1ba: {  	v26 =	vadd.f32 v26, v2;
	v27 =	vand.u32 $0x7FFFFFFF, v27;
	v24 =	vadd.f32 v24, v1  }
0x1bb: {  	v20 =	vsub.s32 v62, v20;
	v19 =	vadd.f32 v27, v19;
	v27 =	vsub.s32 v60, v54  }
0x1bc: {  	v63 =	vld [tilespmem:s18+$0x240];
	v20 =	vcvt.s32.f32 v20;
	v27 =	vcvt.s32.f32 v27;
	v24 =	vand.u32 $0x7FFFFFFF, v24  }
0x1bd: {  	v40 =	vld [tilespmem:s18+$0x280];
	v26 =	vand.u32 $0x7FFFFFFF, v26;
	v24 =	vadd.f32 v24, v28;
	v25 =	vsub.s32 v22, v25  }
0x1be: {  	v35 =	vld [tilespmem:s18+$0x220];
	v20 =	vadd.f32 v20, v5;
	v27 =	vadd.f32 v27, v7;
	v25 =	vcvt.s32.f32 v25  }
0x1bf: {  	v21 =	vand.u32 $0x7FFFFFFF, v21;
	v18 =	vadd.f32 v18, v17;
	v24 =	vadd.f32 v26, v24;
	v26 =	vld [tilespmem:s18+$0x250]  }
0x1c0: {  	v20 =	vand.u32 $0x7FFFFFFF, v20;
	v27 =	vand.u32 $0x7FFFFFFF, v27;
	v25 =	vadd.f32 v25, v4  }
0x1c1: {  	v17 =	vadd.f32 v27, v19;
	v27 =	vsub.s32 v63, v57;
	v21 =	vadd.f32 v21, v24;
	v24 =	vld [tilespmem:s18+$0x260]  }
0x1c2: {  	v36 =	vld [tilespmem:s18+$0x230];
	v22 =	vsub.s32 v40, v22;
	v27 =	vcvt.s32.f32 v27;
	v19 =	vand.u32 $0x7FFFFFFF, v25  }
0x1c3: {  	v22 =	vcvt.s32.f32 v22;
	v25 =	vld [tilespmem:s18+$0x270];
	v19 =	vadd.f32 v19, v21;
	v21 =	vsub.s32 v35, v55  }
0x1c4: {  	v27 =	vadd.f32 v27, v0;
	v21 =	vcvt.s32.f32 v21;
	v23 =	vsub.s32 v26, v23  }
0x1c5: {  	v43 =	vld [tilespmem:s18+$0x2D0];
	v22 =	vadd.f32 v22, v4;
	v23 =	vcvt.s32.f32 v23;
	v19 =	vadd.f32 v20, v19  }
0x1c6: {  	v27 =	vand.u32 $0x7FFFFFFF, v27;
	v20 =	vadd.f32 v21, v6;
	v30 =	vsub.s32 v24, v59  }
0x1c7: {  	v41 =	vld [tilespmem:s18+$0x290];
	v21 =	vsub.s32 v36, v60;
	v23 =	vadd.f32 v23, v1;
	v30 =	vcvt.s32.f32 v30  }
0x1c8: {  	v21 =	vcvt.s32.f32 v21;
	v29 =	vsub.s32 v25, v61;
	v20 =	vand.u32 $0x7FFFFFFF, v20  }
0x1c9: {  	v42 =	vld [tilespmem:s18+$0x2A0];
	v29 =	vcvt.s32.f32 v29;
	v23 =	vand.u32 $0x7FFFFFFF, v23;
	v30 =	vadd.f32 v30, v2  }
0x1ca: {  	v26 =	vsub.s32 v43, v26;
	v19 =	vadd.f32 v20, v19;
	v20 =	vadd.f32 v23, v27;
	v23 =	vld [tilespmem:s18+$0x2C0]  }
0x1cb: {  	v21 =	vadd.f32 v21, v7;
	v29 =	vadd.f32 v29, v3;
	v27 =	vand.u32 $0x7FFFFFFF, v30  }
0x1cc: {  	v44 =	vld [tilespmem:s18+$0x2E0];
	v26 =	vcvt.s32.f32 v26;
	v20 =	vadd.f32 v27, v20;
	v27 =	vsub.s32 v41, v62  }
0x1cd: {  	v21 =	vand.u32 $0x7FFFFFFF, v21;
	v29 =	vand.u32 $0x7FFFFFFF, v29;
	v27 =	vcvt.s32.f32 v27  }
0x1ce: {  	v45 =	vld [tilespmem:s18+$0x2F0];
	v19 =	vadd.f32 v21, v19;
	v21 =	vand.u32 $0x7FFFFFFF, v22;
	v20 =	vadd.f32 v29, v20  }
0x1cf: {  	v22 =	vadd.f32 v27, v5;
	v27 =	vsub.s32 v42, v35;
	v28 =	vsub.s32 v23, v63  }
0x1d0: {  	v46 =	vld [tilespmem:s18+$0x2B0];
	v27 =	vcvt.s32.f32 v27;
	v28 =	vcvt.s32.f32 v28  }
0x1d1: {  	v24 =	vsub.s32 v44, v24;
	v20 =	vadd.f32 v21, v20;
	v21 =	vand.u32 $0x7FFFFFFF, v22;
	v22 =	vld [tilespmem:s18+$0x300]  }
0x1d2: {  	v24 =	vcvt.s32.f32 v24;
	v27 =	vadd.f32 v27, v6;
	v28 =	vadd.f32 v28, v0  }
0x1d3: {  	v37 =	vld [tilespmem:s18+$0x310];
	v25 =	vsub.s32 v45, v25;
	v20 =	vadd.f32 v21, v20;
	v21 =	vadd.f32 v26, v1  }
0x1d4: {  	v47 =	vld [tilespmem:s18+$0x320];
	v25 =	vcvt.s32.f32 v25;
	v24 =	vadd.f32 v24, v2  }
0x1d5: {  	v49 =	vld [tilespmem:s18+$0x340];
	v26 =	vand.u32 $0x7FFFFFFF, v27;
	v27 =	vand.u32 $0x7FFFFFFF, v28;
	v21 =	vand.u32 $0x7FFFFFFF, v21  }
0x1d6: {  	v36 =	vsub.s32 v46, v36;
	v21 =	vadd.f32 v21, v27;
	v27 =	vsub.s32 v22, v40  }
0x1d7: {  	v25 =	vadd.f32 v25, v3;
	v24 =	vand.u32 $0x7FFFFFFF, v24;
	v27 =	vcvt.s32.f32 v27  }
0x1d8: {  	v48 =	vcvt.s32.f32 v36;
	v21 =	vadd.f32 v24, v21;
	v24 =	vsub.s32 v37, v41  }
0x1d9: {  	v50 =	vld [tilespmem:s18+$0x350];
	v25 =	vand.u32 $0x7FFFFFFF, v25;
	v24 =	vcvt.s32.f32 v24;
	v27 =	vadd.f32 v27, v4  }
0x1da: {  	v23 =	vsub.s32 v49, v23;
	v21 =	vadd.f32 v25, v21;
	v25 =	vsub.s32 v47, v42  }
0x1db: {  	v51 =	vld [tilespmem:s18+$0x360];
	v24 =	vadd.f32 v24, v5;
	v25 =	vcvt.s32.f32 v25;
	v27 =	vand.u32 $0x7FFFFFFF, v27  }
0x1dc: {  	v52 =	vld [tilespmem:s18+$0x330];
	v32 =	vadd.f32 v48, v7;
	v23 =	vcvt.s32.f32 v23;
	v21 =	vadd.f32 v27, v21  }
0x1dd: {  	v20 =	vadd.f32 v26, v20;
	v24 =	vand.u32 $0x7FFFFFFF, v24;
	v25 =	vadd.f32 v25, v6;
	v27 =	vld [tilespmem:s18+$0x370]  }
0x1de: {  	v26 =	vand.u32 $0x7FFFFFFF, v32;
	v21 =	vadd.f32 v24, v21;
	v24 =	vsub.s32 v50, v43  }
0x1df: {  	v26 =	vadd.f32 v26, v20;
	v20 =	vand.u32 $0x7FFFFFFF, v25;
	v25 =	vld [tilespmem:s18+$0x380];
	v24 =	vcvt.s32.f32 v24  }
0x1e0: {  	v39 =	vld [tilespmem:s18+$0x3A0];
	v53 =	vadd.f32 v20, v21;
	v20 =	vadd.f32 v23, v0;
	v21 =	vsub.s32 v51, v44  }
0x1e1: {  	v54 =	vld [tilespmem:s18+$0x390];
	v23 =	vsub.s32 v52, v46;
	v24 =	vadd.f32 v24, v1;
	v21 =	vcvt.s32.f32 v21  }
0x1e2: {  	v23 =	vcvt.s32.f32 v23;
	v29 =	vsub.s32 v27, v45;
	v20 =	vand.u32 $0x7FFFFFFF, v20  }
0x1e3: {  	v29 =	vcvt.s32.f32 v29;
	v24 =	vand.u32 $0x7FFFFFFF, v24;
	v21 =	vadd.f32 v21, v2  }
0x1e4: {  	v23 =	vadd.f32 v23, v7;
	v22 =	vsub.s32 v25, v22;
	v24 =	vadd.f32 v24, v20;
	v20 =	vld [tilespmem:s18+$0x3C0]  }
0x1e5: {  	v28 =	vsub.s32 v39, v47;
	v22 =	vcvt.s32.f32 v22;
	v55 =	vand.u32 $0x7FFFFFFF, v21;
	v21 =	vld [tilespmem:s18+$0x3D0]  }
0x1e6: {  	v29 =	vadd.f32 v29, v3;
	v38 =	vand.u32 $0x7FFFFFFF, v23;
	v23 =	vsub.s32 v54, v37  }
0x1e7: {  	v24 =	vadd.f32 v55, v24;
	v22 =	vadd.f32 v22, v4;
	v56 =	vcvt.s32.f32 v23;
	v23 =	vld [tilespmem:s18+$0x3E0]  }
0x1e8: {  	(xrf2) =	vadd.scan.msk.f32 $0xffff, v8;
	v8 =	vcvt.s32.f32 v28;
	v29 =	vand.u32 $0x7FFFFFFF, v29  }
0x1e9: {  	v24 =	vadd.f32 v29, v24;
	v57 =	vand.u32 $0x7FFFFFFF, v22;
	v22 =	vld [tilespmem:s18+$0x3F0];
	v33 =	vsub.s32 v20, v49  }
0x1ea: {  	v8 =	vadd.f32 v8, v6;
	v33 =	vcvt.s32.f32 v33;
	v36 =	vsub.s32 v21, v50  }
0x1eb: {  	v35 =	vadd.f32 v56, v5;
	v29 =	vadd.f32 v57, v24;
	v24 =	vld [tilespmem:s18+$0x400];
	v36 =	vcvt.s32.f32 v36  }
0x1ec: {  	v8 =	vand.u32 $0x7FFFFFFF, v8;
	v59 =	vsub.s32 v23, v51;
	v58 =	vadd.f32 v33, v0  }
0x1ed: {  	(xrf2) =	vadd.scan.msk.f32 $0xffff, v10;
	v61 =	vld [tilespmem:s18+$0x3B0];
	v35 =	vand.u32 $0x7FFFFFFF, v35;
	v33 =	vcvt.s32.f32 v59;
	v60 =	vadd.f32 v36, v1  }
0x1ee: {  	v10 =	vld [tilespmem:s18+$0x410];
	(xrf2) =	vadd.scan.msk.f32 $0xffff, v9;
	v29 =	vadd.f32 v35, v29;
	v27 =	vsub.s32 v22, v27;
	v28 =	vand.u32 $0x7FFFFFFF, v58  }
0x1ef: {  	(xrf2) =	vadd.scan.msk.f32 $0xffff, v12;
	v33 =	vadd.f32 v33, v2;
	v27 =	vcvt.s32.f32 v27;
	v34 =	vand.u32 $0x7FFFFFFF, v60  }
0x1f0: {  	v9 =	vld [tilespmem:s18+$0x420];
	(xrf2) =	vadd.scan.msk.f32 $0xffff, v11;
	v11 =	vadd.f32 v8, v29;
	v25 =	vsub.s32 v24, v25;
	v28 =	vadd.f32 v34, v28  }
0x1f1: {  	v8 =	vld [tilespmem:s18+$0x430];
	v62 =	vand.u32 $0x7FFFFFFF, v33;
	v27 =	vadd.f32 v27, v3;
	v25 =	vcvt.s32.f32 v25  }
0x1f2: {  	(xrf2) =	vadd.scan.msk.f32 $0xffff, v14;
	v33 =	vsub.s32 v61, v52;
	v12 =	vadd.f32 v62, v28  }
0x1f3: {  	(xrf2) =	vadd.scan.msk.f32 $0xffff, v13;
	v63 =	vand.u32 $0x7FFFFFFF, v27;
	v25 =	vadd.f32 v25, v4;
	v27 =	vsub.s32 v10, v54  }
0x1f4: {  	(xrf2) =	vadd.scan.msk.f32 $0xffff, v16;
	v30 =	vadd.f32 v38, v53;
	v13 =	vcvt.s32.f32 v33;
	v34 =	vcvt.s32.f32 v27  }
0x1f5: {  	(xrf2) =	vadd.scan.msk.f32 $0xffff, v15;
	v12 =	vadd.f32 v63, v12;
	v36 =	vand.u32 $0x7FFFFFFF, v25;
	v25 =	vsub.s32 v9, v39  }
0x1f6: {  	v37, _, _ =	vpop (xrf2);
	(xrf2) =	vadd.scan.msk.f32 $0xffff, v18;
	v18 =	vsub.s32 v8, v61;
	v14 =	vadd.f32 v34, v5;
	v38 =	vcvt.s32.f32 v25  }
0x1f7: {  	v13 =	vadd.f32 v13, v7;
	v18 =	vcvt.s32.f32 v18;
	v12 =	vadd.f32 v36, v12  }
0x1f8: {  	(xrf2) =	vadd.scan.msk.f32 $0xffff, v17;
	v14 =	vand.u32 $0x7FFFFFFF, v14;
	v16 =	vadd.f32 v38, v6  }
0x1f9: {  	v39, _, _ =	vpop (xrf2);
	(xrf2) =	vadd.scan.msk.f32 $0xffff, v19;
	v13 =	vand.u32 $0x7FFFFFFF, v13;
	v12 =	vadd.f32 v14, v12  }
0x1fa: {  	v40, _, _ =	vpop (xrf2);
	(xrf2) =	vadd.scan.msk.f32 $0xffff, v26;
	v11 =	vadd.f32 v13, v11;
	v42 =	vadd.f32 v18, v7;
	v41 =	vand.u32 $0x7FFFFFFF, v16  }
0x1fb: {  	v15 =	vbroadcast v37, $0xF;
	v17 =	vbroadcast v39, $0xF;
	v18, _, _ =	vpop (xrf2);
	(xrf2) =	vadd.scan.msk.f32 $0xffff, v30;
	v12 =	vadd.f32 v41, v12  }
0x1fc: {  	v14 =	vbroadcast v40, $0xF;
	v45, _, _ =	vpop (xrf2);
	(xrf2) =	vadd.scan.msk.f32 $0xffff, v11;
	v11 =	vand.u32 $0x7FFFFFFF, v42  }
0x1fd: {  	v43 =	vsel vm0, v15, v17;
	v44 =	vbroadcast v18, $0xF;
	v11 =	vadd.f32 v11, v12  }
0x1fe: {  	v46, _, _ =	vpop (xrf2);
	v13 =	vsel vm1, v43, v14;
	v47 =	vbroadcast v45, $0xF  }
0x1ff: {  	v48, _, _ =	vpop (xrf2);
	v13 =	vsel vm2, v13, v44;
	v49 =	vbroadcast v46, $0xF  }
0x200: {  	v13 =	vsel vm3, v13, v47;
	v12 =	vbroadcast v48, $0xF;
	v50, _, _ =	vpop (xrf2);
	(xrf2) =	vadd.scan.msk.f32 $0xffff, v11  }
0x201: {  	v13 =	vsel vm4, v13, v49;
	v14 =	vbroadcast v50, $0xF;
	v11, _, _ =	vpop (xrf2)  }
0x202: {  	v12 =	vsel vm5, v13, v12;
	v51, _, _ =	vpop (xrf2);
	v11 =	vbroadcast v11, $0xF  }
0x203: {  	v12 =	vsel vm6, v12, v14;
	v52, _, _ =	vpop (xrf2);
	v53 =	vbroadcast v51, $0xF  }
0x204: {  	v54, _, _ =	vpop (xrf2);
	v11 =	vsel vm7, v12, v11;
	v55 =	vbroadcast v52, $0xF  }
0x205: {  	v56, _, _ =	vpop (xrf2);
	v11 =	vsel vm8, v11, v53;
	v57 =	vbroadcast v54, $0xF  }
0x206: {  	v58, _, _ =	vpop (xrf2);
	v11 =	vsel vm9, v11, v55;
	v59 =	vbroadcast v56, $0xF  }
0x207: {  	p0 =	sne.s32 s17, $0x1C0;
	v60, _, _ =	vpop (xrf2);
	v11 =	vsel vm10, v11, v57;
	v61 =	vbroadcast v58, $0xF  }
.Ltmp1:
0x208: {  	v11 =	vsel vm11, v11, v59;
	v62 =	vbroadcast v60, $0xF;
	(pc) =	sbr.rel @p0 .LBB2_4-.Ltmp1, $4  }
0x209: {  	v11 =	vsel vm12, v11, v61  }
0x20a: {  	v63, _, _ =	vpop (xrf2);
	v11 =	vsel vm13, v11, v62  }
0x20b: {  	s19 =	sshra.s32 s17, $0x2;
	v11 =	vsel vm14, v11, v63  }
0x20c: {  	s17 =	sadd.s32 $0x40, s17;
	s18 =	sadd.s32 $0x800, s18;
	[tilespmem:s19+$0x8C80] =	vst v11  }
0x20d: {  	[hbm4b:s6+s3] =	stream.linear.scatter [tilespmem:s14], [sflag:$0x3], $0x80, $0x38;
	[tilespmem:$0x8D00] =	vst v63  }
0x20e: {  	s16 =	sadd.s32 $0x1, s16;
	_ =	swait.ge [sflag:s10], $0x80  }
0x20f: {  	p0 =	sne.s32 s16, s8;
	[sflag:s10] =	ssyncset.done $0x0  }
.Ltmp2:
0x210: {  	[sflag:s10] =	ssyncadd.s32 $0xFFFFFF80;
	(pc) =	sbr.rel @p0 .LBB2_1-.Ltmp2, $4  }
0x211: {  	[hbm4b:s7+s3] =	stream.linear.scatter [tilespmem:s15], [sflag:$0x3], $0x80, $0x38;
	[tilespmem:$0x8D00] =	vst v63  }
0x212: {  	_ =	swait.ge [sflag:s10], $0x80  }
0x213: {  	[sflag:s10] =	ssyncset.done $0x0  }
0x214: {  	[sflag:s10] =	ssyncadd.s32 $0xFFFFFF80  }
0x215: {  	_ =	sfence.sel $0x180000  }
0x216: {  	[bflag:$0x0] =	sbarrier.arrive $0xFFFF  }
0x217: {  	p0 =	sne.s32 s2, $0x0;
	_ =	strace $0x90000047  }
0x218: {  	s0 =	sadd.s32 @!p0 $0x100000, s0;
	[bflag:$0x2] =	sbarrier.arrive $0xFFFF  }
0x219: {  	[sflag:s0] =	ssyncadd.tile.s32 @!p0 $0x1;
	_ =	shalt  }
.Lfunc_end2:
_tile_overlayer_lowered:
.L_overlay_start_2:
0x21a: {  	(tag) =	ssettag $0x2  }
0x21b: {  	s0 =	rddreg [dreg:$0x0];
	s2 =	stileid.u32  }
0x21c: {  	s1 =	rddreg [dreg:$0x1];
	p0 =	sne.s32 s2, $0x0  }
0x21d: {  	s3 =	rddreg [dreg:$0x2];
	[bflag:$0x3] =	sbarrier.arrive $0xFFFF;
	s2 =	simm.s32 @!p0 $0x1C03  }
0x21e: {  	[timem:s3], [sflag:s2] =	dma.local @!p0 [hbm:s0], s1  }
0x21f: {  	s0 =	simm.s32 @!p0 $0x3  }
0x220: {  	_ =	swait.ge @!p0 [sflag:s0], s1  }
0x221: {  	s1 =	ssub.s32 @!p0 $0x0, s1;
	[sflag:s0] =	ssyncset.done @!p0 $0x0  }
0x222: {  	[sflag:s0] =	ssyncadd.s32 @!p0 s1  }
0x223: {  	[bflag:$0x3] =	sbarrier.arrive $0xFFFF  }
0x224: {  	_ =	shalt  }

</sc_bundles>
